<compile_context>
chip_gen: v7x
topology: tpu7x:2x2x1
jax: 0.10.2.dev20260603
libtpu: 0.0.44.dev20260713+nightly
codegen_flags: <defaults>
</compile_context>

<pallas_src>
import functools

import jax
import jax.numpy as jnp
import numpy as np
from jax import lax
from jax.experimental import pallas as pl
from jax.experimental.pallas import tpu as pltpu
from jax.experimental.pallas import tpu_sc as plsc

NC = 2
NS = 16
NW = NC * NS
CHUNK = 40
L = 16
D = 128
DROWS = 128
DLROWS = 80


def _qkv_body(x_ref, wq_ref, wk_ref, wv_ref, bq_ref, bk_ref, bv_ref,
              q_ref, k_ref, v_ref):
    x = x_ref[...]
    dn = (((1,), (1,)), ((), ()))
    q_ref[...] = lax.dot_general(x, wq_ref[...], dn,
                                 preferred_element_type=jnp.float32,
                                 precision=lax.Precision.HIGHEST) + bq_ref[...]
    k_ref[...] = lax.dot_general(x, wk_ref[...], dn,
                                 preferred_element_type=jnp.float32,
                                 precision=lax.Precision.HIGHEST) + bk_ref[...]
    v_ref[...] = lax.dot_general(x, wv_ref[...], dn,
                                 preferred_element_type=jnp.float32,
                                 precision=lax.Precision.HIGHEST) + bv_ref[...]


def _out_body(h0_ref, h1_ref, d0_ref, d1_ref, wo_ref, bo_ref, out_ref):
    h = h0_ref[...] + h1_ref[...]
    den = d0_ref[...] + d1_ref[...] + jnp.float32(1e-16)
    hn = h / den
    dn = (((1,), (1,)), ((), ()))
    out_ref[...] = lax.dot_general(hn, wo_ref[...], dn,
                                   preferred_element_type=jnp.float32,
                                   precision=lax.Precision.HIGHEST) + bo_ref[...]


def _lane_take(vec, idx):
    dnums = lax.GatherDimensionNumbers(
        offset_dims=(), collapsed_slice_dims=(0,), start_index_map=(0,))
    return lax.gather(vec, idx[:, None], dnums, (1,),
                      mode=lax.GatherScatterMode.PROMISE_IN_BOUNDS)



def _edge_sc_call(q, k, v, src, dst):
    n = q.shape[0]
    e = src.shape[0]
    epw = e // NW
    nchunk = epw // CHUNK
    npad = ((n + NS * 8 - 1) // (NS * 8)) * (NS * 8)
    nrows = npad + DROWS
    rows_per_tile = nrows // NS
    mesh = plsc.VectorSubcoreMesh(core_axis_name="c", subcore_axis_name="s",
                                  num_cores=NC, num_subcores=NS)

    body = functools.partial(_edge_sc_body_impl, npad, epw, nchunk,
                             rows_per_tile)

    fn = pl.kernel(
        body,
        out_type=jax.ShapeDtypeStruct((NC, nrows, D), jnp.float32),
        mesh=mesh,
        scratch_types=[
            pltpu.VMEM((2, CHUNK), jnp.int32),
            pltpu.VMEM((2, CHUNK + L), jnp.int32),
            pltpu.VMEM((2, CHUNK), jnp.int32),
            pltpu.VMEM((6 * CHUNK, D), jnp.float32),
            pltpu.VMEM((CHUNK, D), jnp.float32),
            pltpu.VMEM((DLROWS, D), jnp.float32),
            pltpu.VMEM((DLROWS,), jnp.int32),
            pltpu.VMEM_SHARED((nrows, D), jnp.float32),
            pltpu.SemaphoreType.DMA,
            pltpu.SemaphoreType.DMA,
        ],
    )
    return fn(q, k, v, src, dst), npad


def _edge_sc_body_impl(npad, epw, nchunk, rows_per_tile,
                       q_hbm, k_hbm, v_hbm, src_hbm, dst_hbm, hd_out,
                       sidx, didx, dscat, gbuf, wvbuf, dloc, dconst, hacc,
                       gsem, isem):
    c = lax.axis_index("c")
    s = lax.axis_index("s")
    wid = s * NC + c
    zero16 = jnp.zeros((L,), jnp.float32)
    lane = lax.broadcasted_iota(jnp.int32, (L,), 0)
    nz = 128
    inv = jnp.float32(1.0 / np.sqrt(D))
    ebase = wid * epw

    def dzero(i, carry):
        for j in range(D // L):
            dloc[i, pl.ds(j * L, L)] = zero16
        return carry
    lax.fori_loop(0, DLROWS, dzero, 0)
    for g in range(DLROWS // L):
        dconst[pl.ds(g * L, L)] = lane + (npad + g * L)

    def gzero(i, carry):
        for j in range(D // L):
            gbuf[i, pl.ds(j * L, L)] = zero16
        return carry
    lax.fori_loop(0, nz, gzero, 0)

    def zcopy(r, carry):
        base = s * rows_per_tile + r * nz
        pltpu.sync_copy(gbuf.at[pl.ds(0, nz), :],
                        hacc.at[pl.ds(base, nz), :])
        return carry
    lax.fori_loop(0, rows_per_tile // nz, zcopy, 0)
    plsc.subcore_barrier()

    def issue_idx(i, sync):
        off = ebase + i * CHUNK
        b = lax.rem(i, 2)
        if sync:
            pltpu.sync_copy(src_hbm.at[pl.ds(off, CHUNK)], sidx.at[b])
            pltpu.sync_copy(dst_hbm.at[pl.ds(off, CHUNK)],
                            didx.at[b, pl.ds(0, CHUNK)])
            pltpu.sync_copy(dst_hbm.at[pl.ds(off, CHUNK)], dscat.at[b])
        else:
            pltpu.async_copy(src_hbm.at[pl.ds(off, CHUNK)], sidx.at[b],
                             isem)
            pltpu.async_copy(dst_hbm.at[pl.ds(off, CHUNK)],
                             didx.at[b, pl.ds(0, CHUNK)], isem)
            pltpu.async_copy(dst_hbm.at[pl.ds(off, CHUNK)], dscat.at[b],
                             isem)

    def wait_idx(i):
        off = ebase + i * CHUNK
        b = lax.rem(i, 2)
        pltpu.make_async_copy(src_hbm.at[pl.ds(off, CHUNK)], sidx.at[b],
                              isem).wait()
        pltpu.make_async_copy(dst_hbm.at[pl.ds(off, CHUNK)],
                              didx.at[b, pl.ds(0, CHUNK)], isem).wait()
        pltpu.make_async_copy(dst_hbm.at[pl.ds(off, CHUNK)], dscat.at[b],
                              isem).wait()

    def issue_gathers(i):
        b = lax.rem(i, 2)
        gb = b * (3 * CHUNK)
        pltpu.async_copy(q_hbm.at[dscat.at[b]],
                         gbuf.at[pl.ds(gb, CHUNK), :], gsem)
        pltpu.async_copy(k_hbm.at[sidx.at[b]],
                         gbuf.at[pl.ds(gb + CHUNK, CHUNK), :], gsem)
        pltpu.async_copy(v_hbm.at[sidx.at[b]],
                         gbuf.at[pl.ds(gb + 2 * CHUNK, CHUNK), :], gsem)

    def wait_gathers(i):
        b = lax.rem(i, 2)
        gb = b * (3 * CHUNK)
        pltpu.make_async_copy(q_hbm.at[dscat.at[b]],
                              gbuf.at[pl.ds(gb, CHUNK), :], gsem).wait()
        pltpu.make_async_copy(k_hbm.at[sidx.at[b]],
                              gbuf.at[pl.ds(gb + CHUNK, CHUNK), :],
                              gsem).wait()
        pltpu.make_async_copy(v_hbm.at[sidx.at[b]],
                              gbuf.at[pl.ds(gb + 2 * CHUNK, CHUNK), :],
                              gsem).wait()

    issue_idx(0, True)
    issue_gathers(0)
    issue_idx(1, False)

    def chunk_body(i, carry):
        b = lax.rem(i, 2)
        gb = b * (3 * CHUNK)

        @pl.when(i < nchunk - 1)
        def _():
            wait_idx(i + 1)
            issue_gathers(i + 1)
        wait_gathers(i)

        def edge_body(e4, inner):
            es = [8 * e4 + u for u in range(8)]
            dv = didx[b, pl.ds(8 * e4, L)]
            acc = [None] * 8
            for j in range(D // L):
                for u in range(8):
                    prod = (gbuf[gb + es[u], pl.ds(j * L, L)] *
                            gbuf[gb + CHUNK + es[u], pl.ds(j * L, L)])
                    acc[u] = prod if j == 0 else acc[u] + prod
            for sh in (8, 4, 2, 1):
                for u in range(8):
                    acc[u] = acc[u] + _lane_take(acc[u], lane ^ sh)
            w = [jnp.exp(acc[u] * inv) for u in range(8)]
            for j in range(D // L):
                for u in range(8):
                    wvbuf[es[u], pl.ds(j * L, L)] = (
                        gbuf[gb + 2 * CHUNK + es[u], pl.ds(j * L, L)] * w[u])
            for u in range(8):
                d = dv[u]
                row = d >> 7
                col = d & 127
                vsel = (col >> 4) * L
                onehot = jnp.where(lane == (col & (L - 1)),
                                   jnp.float32(1.0), jnp.float32(0.0))
                cur = dloc[row, pl.ds(vsel, L)]
                dloc[row, pl.ds(vsel, L)] = cur + w[u] * onehot
            return inner
        lax.fori_loop(0, CHUNK // 8, edge_body, 0)

        pltpu.sync_copy(wvbuf, hacc.at[dscat.at[b]], add=True)

        @pl.when(i < nchunk - 2)
        def _():
            issue_idx(i + 2, False)
        return carry
    lax.fori_loop(0, nchunk, chunk_body, 0)

    pltpu.sync_copy(dloc, hacc.at[dconst], add=True)
    plsc.subcore_barrier()

    def wcopy(r, carry):
        base = s * rows_per_tile + r * nz
        pltpu.sync_copy(hacc.at[pl.ds(base, nz), :],
                        gbuf.at[pl.ds(0, nz), :])
        pltpu.sync_copy(gbuf.at[pl.ds(0, nz), :],
                        hd_out.at[c, pl.ds(base, nz), :])
        return carry
    lax.fori_loop(0, rows_per_tile // nz, wcopy, 0)


def kernel(x, edge_index, Wq, bq, Wk, bk, Wv, bv, Wo, bo):
    n = x.shape[0]
    rblk = 2000
    grid = n // rblk

    wspec = pl.BlockSpec((D, D), lambda i: (0, 0))
    bspec = pl.BlockSpec((1, D), lambda i: (0, 0))
    rowspec = pl.BlockSpec((rblk, D), lambda i: (i, 0))

    q, k, v = pl.pallas_call(
        _qkv_body,
        grid=(grid,),
        in_specs=[rowspec, wspec, wspec, wspec, bspec, bspec, bspec],
        out_specs=[rowspec, rowspec, rowspec],
        out_shape=[jax.ShapeDtypeStruct((n, D), jnp.float32)] * 3,
    )(x, Wq, Wk, Wv, bq.reshape(1, D), bk.reshape(1, D), bv.reshape(1, D))

    src = edge_index[0]
    dst = edge_index[1]
    hd, npad = _edge_sc_call(q, k, v, src, dst)

    h0 = hd[0, :npad, :]
    h1 = hd[1, :npad, :]
    d0 = hd[0, npad:, :].reshape(DROWS * D)[:npad].reshape(npad, 1)
    d1 = hd[1, npad:, :].reshape(DROWS * D)[:npad].reshape(npad, 1)

    pblk = npad // 8
    prowspec = pl.BlockSpec((pblk, D), lambda i: (i, 0))
    pdspec = pl.BlockSpec((pblk, 1), lambda i: (i, 0))
    out = pl.pallas_call(
        _out_body,
        grid=(8,),
        in_specs=[prowspec, prowspec, pdspec, pdspec, wspec, bspec],
        out_specs=prowspec,
        out_shape=jax.ShapeDtypeStruct((npad, D), jnp.float32),
    )(h0, h1, d0, d1, Wo, bo.reshape(1, D))
    return out[:n]

# --- scband reference (transcript-rebuilt; emitter-appended) ---
"""Pipeline reference for scband-hyperbolic-gatlayer-65438121721894 (READ-ONLY COPY).

The authoritative reference and input builder live on the scoring server;
editing this copy changes nothing except your own understanding.
"""

import jax, jax.numpy as jnp
import numpy as np

N = 10000
E = 320000
IN = 128
OUT = 128
H = 1


def _xavier(key, fan_out, fan_in):
    a = float(np.sqrt(6.0 / (fan_in + fan_out)))
    return jax.random.uniform(key, (fan_out, fan_in), jnp.float32, minval=-a, maxval=a)


def setup_inputs(seed: int = 0) -> dict:
    key = jax.random.key(seed)
    ks = jax.random.split(key, 8)
    x = jax.random.normal(ks[0], (N, IN), jnp.float32)
    edge_index = jax.random.randint(ks[1], (2, E), 0, N, dtype=jnp.int32)
    Wq = _xavier(ks[2], OUT * H, IN)
    bq = jnp.zeros((OUT * H,), jnp.float32)
    Wk = _xavier(ks[3], OUT * H, IN)
    bk = jnp.zeros((OUT * H,), jnp.float32)
    Wv = _xavier(ks[4], OUT * H, IN)
    bv = jnp.zeros((OUT * H,), jnp.float32)
    Wo = _xavier(ks[5], OUT, OUT * H)
    bo = jnp.zeros((OUT,), jnp.float32)
    return {"x": x, "edge_index": edge_index, "Wq": Wq, "bq": bq, "Wk": Wk, "bk": bk, "Wv": Wv, "bv": bv, "Wo": Wo, "bo": bo}


def reference(x, edge_index, Wq, bq, Wk, bk, Wv, bv, Wo, bo):
    n = x.shape[0]
    q = x @ Wq.T + bq
    k = x @ Wk.T + bk
    v = x @ Wv.T + bv
    qh = q.reshape(n, H, OUT)
    kh = k.reshape(n, H, OUT)
    vh = v.reshape(n, H, OUT)
    src = edge_index[0]
    dst = edge_index[1]
    # per-edge attention scores: q[dst] . k[src] / sqrt(d)
    scores = jnp.sum(qh[dst] * kh[src], axis=-1) / jnp.sqrt(jnp.float32(OUT))  # [E, H]
    # segment softmax over incoming edges of each dst node
    m = jax.ops.segment_max(scores, dst, num_segments=n)  # [N, H]
    m = jnp.where(jnp.isfinite(m), m, 0.0)
    e = jnp.exp(scores - m[dst])
    denom = jax.ops.segment_sum(e, dst, num_segments=n)  # [N, H]
    alpha = e / (denom[dst] + 1e-16)  # [E, H]
    # weighted aggregation of values over edges
    h = jax.ops.segment_sum(alpha[..., None] * vh[src], dst, num_segments=n)  # [N, H, OUT]
    h = h.reshape(n, H * OUT)
    out = h @ Wo.T + bo
    return out

if __name__ == "__main__":
    import jax
    _d = setup_inputs()
    print(jax.jit(kernel)(*tuple(_d.values())))

</pallas_src>

<mosaic_0001>
#map = affine_map<(d0, d1) -> (0, 0)>
#map1 = affine_map<(d0, d1) -> (0)>
#map2 = affine_map<(d0, d1) -> (0, 0, 0)>
module attributes {stable_mosaic.version = 14 : i64} {
  func.func @_edge_sc_body_impl(%arg0: i32, %arg1: i32, %arg2: memref<10000x128xf32, #tpu.memory_space<hbm>>, %arg3: memref<10000x128xf32, #tpu.memory_space<hbm>>, %arg4: memref<10000x128xf32, #tpu.memory_space<hbm>>, %arg5: memref<320000xi32, #tpu.memory_space<hbm>>, %arg6: memref<320000xi32, #tpu.memory_space<hbm>>, %arg7: memref<2x10240x128xf32, #tpu.memory_space<hbm>>, %arg8: memref<2x40xi32, #tpu.memory_space<vmem>>, %arg9: memref<2x56xi32, #tpu.memory_space<vmem>>, %arg10: memref<2x40xi32, #tpu.memory_space<vmem>>, %arg11: memref<240x128xf32, #tpu.memory_space<vmem>>, %arg12: memref<40x128xf32, #tpu.memory_space<vmem>>, %arg13: memref<80x128xf32, #tpu.memory_space<vmem>>, %arg14: memref<80xi32, #tpu.memory_space<vmem>>, %arg15: memref<10240x128xf32, #tpu.memory_space<vmem_shared>>, %arg16: memref<!tpu.dma_semaphore, #tpu.memory_space<semaphore_mem>>, %arg17: memref<!tpu.dma_semaphore, #tpu.memory_space<semaphore_mem>>) attributes {dimension_semantics = [#tpu.dimension_semantics<core_parallel>, #tpu.dimension_semantics<subcore_parallel>], iteration_bounds = array<i64: 2, 16>, scalar_prefetch = 0 : i64, scratch_operands = 10 : i64, tpu.core_type = #tpu.core_type<sc_vector_subcore>, window_params = [{transform_indices = #map}, {transform_indices = #map}, {transform_indices = #map}, {transform_indices = #map1}, {transform_indices = #map1}, {transform_indices = #map2}]} {
    %mul3A = arith.constant 2 : i32
    %mul3A_0 = arith.muli %arg1, %mul3A : i32
    %add3A = arith.addi %mul3A_0, %arg0 : i32
    %broadcast_in_dim3A = arith.constant 0.000000e+00 : f32
    %broadcast_in_dim3A_1 = vector.broadcast %broadcast_in_dim3A : f32 to vector<16xf32>
    %iota3A = tpu.iota {dimensions = array<i32: 0>} : vector<16xi32>
    %mul3A_2 = arith.constant 10000 : i32
    %mul3A_3 = arith.muli %add3A, %mul3A_2 : i32
    %scan3A = arith.constant 0 : i32
    %scan3A_4 = arith.constant 0 : i32
    %scan3A_5 = arith.constant 80 : i32
    %scan3A_6 = arith.addi %scan3A_4, %scan3A_5 : i32
    %scan3A_7 = arith.constant 1 : i32
    scf.for %scan3A_134 = %scan3A_4 to %scan3A_6 step %scan3A_7  : i32 {
      %swap3A_135 = arith.index_cast %scan3A_134 : i32 to index
      %swap3A_136 = arith.constant 0 : index
      %swap3A_137 = tpu.vector_load %arg13[%swap3A_135, %swap3A_136] {strides = array<i32>} : memref<80x128xf32, #tpu.memory_space<vmem>>, vector<1x16xf32>,
      %swap3A_138 = vector.shape_cast %swap3A_137 : vector<1x16xf32> to vector<16xf32>
      %swap3A_139 = vector.shape_cast %broadcast_in_dim3A_1 : vector<16xf32> to vector<1x16xf32>
      tpu.vector_store %arg13[%swap3A_135, %swap3A_136], %swap3A_139 {strides = array<i32>} : memref<80x128xf32, #tpu.memory_space<vmem>>, vector<1x16xf32>,
      %swap3A_140 = arith.index_cast %scan3A_134 : i32 to index
      %swap3A_141 = arith.constant 16 : index
      %swap3A_142 = tpu.vector_load %arg13[%swap3A_140, %swap3A_141] {strides = array<i32>} : memref<80x128xf32, #tpu.memory_space<vmem>>, vector<1x16xf32>,
      %swap3A_143 = vector.shape_cast %swap3A_142 : vector<1x16xf32> to vector<16xf32>
      %swap3A_144 = vector.shape_cast %broadcast_in_dim3A_1 : vector<16xf32> to vector<1x16xf32>
      tpu.vector_store %arg13[%swap3A_140, %swap3A_141], %swap3A_144 {strides = array<i32>} : memref<80x128xf32, #tpu.memory_space<vmem>>, vector<1x16xf32>,
      %swap3A_145 = arith.index_cast %scan3A_134 : i32 to index
      %swap3A_146 = arith.constant 32 : index
      %swap3A_147 = tpu.vector_load %arg13[%swap3A_145, %swap3A_146] {strides = array<i32>} : memref<80x128xf32, #tpu.memory_space<vmem>>, vector<1x16xf32>,
      %swap3A_148 = vector.shape_cast %swap3A_147 : vector<1x16xf32> to vector<16xf32>
      %swap3A_149 = vector.shape_cast %broadcast_in_dim3A_1 : vector<16xf32> to vector<1x16xf32>
      tpu.vector_store %arg13[%swap3A_145, %swap3A_146], %swap3A_149 {strides = array<i32>} : memref<80x128xf32, #tpu.memory_space<vmem>>, vector<1x16xf32>,
      %swap3A_150 = arith.index_cast %scan3A_134 : i32 to index
      %swap3A_151 = arith.constant 48 : index
      %swap3A_152 = tpu.vector_load %arg13[%swap3A_150, %swap3A_151] {strides = array<i32>} : memref<80x128xf32, #tpu.memory_space<vmem>>, vector<1x16xf32>,
      %swap3A_153 = vector.shape_cast %swap3A_152 : vector<1x16xf32> to vector<16xf32>
      %swap3A_154 = vector.shape_cast %broadcast_in_dim3A_1 : vector<16xf32> to vector<1x16xf32>
      tpu.vector_store %arg13[%swap3A_150, %swap3A_151], %swap3A_154 {strides = array<i32>} : memref<80x128xf32, #tpu.memory_space<vmem>>, vector<1x16xf32>,
      %swap3A_155 = arith.index_cast %scan3A_134 : i32 to index
      %swap3A_156 = arith.constant 64 : index
      %swap3A_157 = tpu.vector_load %arg13[%swap3A_155, %swap3A_156] {strides = array<i32>} : memref<80x128xf32, #tpu.memory_space<vmem>>, vector<1x16xf32>,
      %swap3A_158 = vector.shape_cast %swap3A_157 : vector<1x16xf32> to vector<16xf32>
      %swap3A_159 = vector.shape_cast %broadcast_in_dim3A_1 : vector<16xf32> to vector<1x16xf32>
      tpu.vector_store %arg13[%swap3A_155, %swap3A_156], %swap3A_159 {strides = array<i32>} : memref<80x128xf32, #tpu.memory_space<vmem>>, vector<1x16xf32>,
      %swap3A_160 = arith.index_cast %scan3A_134 : i32 to index
      %swap3A_161 = arith.constant 80 : index
      %swap3A_162 = tpu.vector_load %arg13[%swap3A_160, %swap3A_161] {strides = array<i32>} : memref<80x128xf32, #tpu.memory_space<vmem>>, vector<1x16xf32>,
      %swap3A_163 = vector.shape_cast %swap3A_162 : vector<1x16xf32> to vector<16xf32>
      %swap3A_164 = vector.shape_cast %broadcast_in_dim3A_1 : vector<16xf32> to vector<1x16xf32>
      tpu.vector_store %arg13[%swap3A_160, %swap3A_161], %swap3A_164 {strides = array<i32>} : memref<80x128xf32, #tpu.memory_space<vmem>>, vector<1x16xf32>,
      %swap3A_165 = arith.index_cast %scan3A_134 : i32 to index
      %swap3A_166 = arith.constant 96 : index
      %swap3A_167 = tpu.vector_load %arg13[%swap3A_165, %swap3A_166] {strides = array<i32>} : memref<80x128xf32, #tpu.memory_space<vmem>>, vector<1x16xf32>,
      %swap3A_168 = vector.shape_cast %swap3A_167 : vector<1x16xf32> to vector<16xf32>
      %swap3A_169 = vector.shape_cast %broadcast_in_dim3A_1 : vector<16xf32> to vector<1x16xf32>
      tpu.vector_store %arg13[%swap3A_165, %swap3A_166], %swap3A_169 {strides = array<i32>} : memref<80x128xf32, #tpu.memory_space<vmem>>, vector<1x16xf32>,
      %swap3A_170 = arith.index_cast %scan3A_134 : i32 to index
      %swap3A_171 = arith.constant 112 : index
      %swap3A_172 = tpu.vector_load %arg13[%swap3A_170, %swap3A_171] {strides = array<i32>} : memref<80x128xf32, #tpu.memory_space<vmem>>, vector<1x16xf32>,
      %swap3A_173 = vector.shape_cast %swap3A_172 : vector<1x16xf32> to vector<16xf32>
      %swap3A_174 = vector.shape_cast %broadcast_in_dim3A_1 : vector<16xf32> to vector<1x16xf32>
      tpu.vector_store %arg13[%swap3A_170, %swap3A_171], %swap3A_174 {strides = array<i32>} : memref<80x128xf32, #tpu.memory_space<vmem>>, vector<1x16xf32>,
    }
    %scan3A_8 = arith.constant 80 : i32
    %add3A_9 = arith.constant 10112 : i32
    %add3A_10 = vector.broadcast %add3A_9 : i32 to vector<16xi32>
    %add3A_11 = arith.addi %iota3A, %add3A_10 : vector<16xi32>
    %swap3A = arith.constant 0 : index
    %swap3A_12 = tpu.vector_load %arg14[%swap3A] {strides = array<i32>} : memref<80xi32, #tpu.memory_space<vmem>>, vector<16xi32>,
    %swap3A_13 = vector.shape_cast %swap3A_12 : vector<16xi32> to vector<16xi32>
    %swap3A_14 = vector.shape_cast %add3A_11 : vector<16xi32> to vector<16xi32>
    tpu.vector_store %arg14[%swap3A], %swap3A_14 {strides = array<i32>} : memref<80xi32, #tpu.memory_space<vmem>>, vector<16xi32>,
    %add3A_15 = arith.constant 10128 : i32
    %add3A_16 = vector.broadcast %add3A_15 : i32 to vector<16xi32>
    %add3A_17 = arith.addi %iota3A, %add3A_16 : vector<16xi32>
    %swap3A_18 = arith.constant 16 : index
    %swap3A_19 = tpu.vector_load %arg14[%swap3A_18] {strides = array<i32>} : memref<80xi32, #tpu.memory_space<vmem>>, vector<16xi32>,
    %swap3A_20 = vector.shape_cast %swap3A_19 : vector<16xi32> to vector<16xi32>
    %swap3A_21 = vector.shape_cast %add3A_17 : vector<16xi32> to vector<16xi32>
    tpu.vector_store %arg14[%swap3A_18], %swap3A_21 {strides = array<i32>} : memref<80xi32, #tpu.memory_space<vmem>>, vector<16xi32>,
    %add3A_22 = arith.constant 10144 : i32
    %add3A_23 = vector.broadcast %add3A_22 : i32 to vector<16xi32>
    %add3A_24 = arith.addi %iota3A, %add3A_23 : vector<16xi32>
    %swap3A_25 = arith.constant 32 : index
    %swap3A_26 = tpu.vector_load %arg14[%swap3A_25] {strides = array<i32>} : memref<80xi32, #tpu.memory_space<vmem>>, vector<16xi32>,
    %swap3A_27 = vector.shape_cast %swap3A_26 : vector<16xi32> to vector<16xi32>
    %swap3A_28 = vector.shape_cast %add3A_24 : vector<16xi32> to vector<16xi32>
    tpu.vector_store %arg14[%swap3A_25], %swap3A_28 {strides = array<i32>} : memref<80xi32, #tpu.memory_space<vmem>>, vector<16xi32>,
    %add3A_29 = arith.constant 10160 : i32
    %add3A_30 = vector.broadcast %add3A_29 : i32 to vector<16xi32>
    %add3A_31 = arith.addi %iota3A, %add3A_30 : vector<16xi32>
    %swap3A_32 = arith.constant 48 : index
    %swap3A_33 = tpu.vector_load %arg14[%swap3A_32] {strides = array<i32>} : memref<80xi32, #tpu.memory_space<vmem>>, vector<16xi32>,
    %swap3A_34 = vector.shape_cast %swap3A_33 : vector<16xi32> to vector<16xi32>
    %swap3A_35 = vector.shape_cast %add3A_31 : vector<16xi32> to vector<16xi32>
    tpu.vector_store %arg14[%swap3A_32], %swap3A_35 {strides = array<i32>} : memref<80xi32, #tpu.memory_space<vmem>>, vector<16xi32>,
    %add3A_36 = arith.constant 10176 : i32
    %add3A_37 = vector.broadcast %add3A_36 : i32 to vector<16xi32>
    %add3A_38 = arith.addi %iota3A, %add3A_37 : vector<16xi32>
    %swap3A_39 = arith.constant 64 : index
    %swap3A_40 = tpu.vector_load %arg14[%swap3A_39] {strides = array<i32>} : memref<80xi32, #tpu.memory_space<vmem>>, vector<16xi32>,
    %swap3A_41 = vector.shape_cast %swap3A_40 : vector<16xi32> to vector<16xi32>
    %swap3A_42 = vector.shape_cast %add3A_38 : vector<16xi32> to vector<16xi32>
    tpu.vector_store %arg14[%swap3A_39], %swap3A_42 {strides = array<i32>} : memref<80xi32, #tpu.memory_space<vmem>>, vector<16xi32>,
    %scan3A_43 = arith.constant 0 : i32
    %scan3A_44 = arith.constant 0 : i32
    %scan3A_45 = arith.constant 128 : i32
    %scan3A_46 = arith.addi %scan3A_44, %scan3A_45 : i32
    %scan3A_47 = arith.constant 1 : i32
    scf.for %scan3A_134 = %scan3A_44 to %scan3A_46 step %scan3A_47  : i32 {
      %swap3A_135 = arith.index_cast %scan3A_134 : i32 to index
      %swap3A_136 = arith.constant 0 : index
      %swap3A_137 = tpu.vector_load %arg11[%swap3A_135, %swap3A_136] {strides = array<i32>} : memref<240x128xf32, #tpu.memory_space<vmem>>, vector<1x16xf32>,
      %swap3A_138 = vector.shape_cast %swap3A_137 : vector<1x16xf32> to vector<16xf32>
      %swap3A_139 = vector.shape_cast %broadcast_in_dim3A_1 : vector<16xf32> to vector<1x16xf32>
      tpu.vector_store %arg11[%swap3A_135, %swap3A_136], %swap3A_139 {strides = array<i32>} : memref<240x128xf32, #tpu.memory_space<vmem>>, vector<1x16xf32>,
      %swap3A_140 = arith.index_cast %scan3A_134 : i32 to index
      %swap3A_141 = arith.constant 16 : index
      %swap3A_142 = tpu.vector_load %arg11[%swap3A_140, %swap3A_141] {strides = array<i32>} : memref<240x128xf32, #tpu.memory_space<vmem>>, vector<1x16xf32>,
      %swap3A_143 = vector.shape_cast %swap3A_142 : vector<1x16xf32> to vector<16xf32>
      %swap3A_144 = vector.shape_cast %broadcast_in_dim3A_1 : vector<16xf32> to vector<1x16xf32>
      tpu.vector_store %arg11[%swap3A_140, %swap3A_141], %swap3A_144 {strides = array<i32>} : memref<240x128xf32, #tpu.memory_space<vmem>>, vector<1x16xf32>,
      %swap3A_145 = arith.index_cast %scan3A_134 : i32 to index
      %swap3A_146 = arith.constant 32 : index
      %swap3A_147 = tpu.vector_load %arg11[%swap3A_145, %swap3A_146] {strides = array<i32>} : memref<240x128xf32, #tpu.memory_space<vmem>>, vector<1x16xf32>,
      %swap3A_148 = vector.shape_cast %swap3A_147 : vector<1x16xf32> to vector<16xf32>
      %swap3A_149 = vector.shape_cast %broadcast_in_dim3A_1 : vector<16xf32> to vector<1x16xf32>
      tpu.vector_store %arg11[%swap3A_145, %swap3A_146], %swap3A_149 {strides = array<i32>} : memref<240x128xf32, #tpu.memory_space<vmem>>, vector<1x16xf32>,
      %swap3A_150 = arith.index_cast %scan3A_134 : i32 to index
      %swap3A_151 = arith.constant 48 : index
      %swap3A_152 = tpu.vector_load %arg11[%swap3A_150, %swap3A_151] {strides = array<i32>} : memref<240x128xf32, #tpu.memory_space<vmem>>, vector<1x16xf32>,
      %swap3A_153 = vector.shape_cast %swap3A_152 : vector<1x16xf32> to vector<16xf32>
      %swap3A_154 = vector.shape_cast %broadcast_in_dim3A_1 : vector<16xf32> to vector<1x16xf32>
      tpu.vector_store %arg11[%swap3A_150, %swap3A_151], %swap3A_154 {strides = array<i32>} : memref<240x128xf32, #tpu.memory_space<vmem>>, vector<1x16xf32>,
      %swap3A_155 = arith.index_cast %scan3A_134 : i32 to index
      %swap3A_156 = arith.constant 64 : index
      %swap3A_157 = tpu.vector_load %arg11[%swap3A_155, %swap3A_156] {strides = array<i32>} : memref<240x128xf32, #tpu.memory_space<vmem>>, vector<1x16xf32>,
      %swap3A_158 = vector.shape_cast %swap3A_157 : vector<1x16xf32> to vector<16xf32>
      %swap3A_159 = vector.shape_cast %broadcast_in_dim3A_1 : vector<16xf32> to vector<1x16xf32>
      tpu.vector_store %arg11[%swap3A_155, %swap3A_156], %swap3A_159 {strides = array<i32>} : memref<240x128xf32, #tpu.memory_space<vmem>>, vector<1x16xf32>,
      %swap3A_160 = arith.index_cast %scan3A_134 : i32 to index
      %swap3A_161 = arith.constant 80 : index
      %swap3A_162 = tpu.vector_load %arg11[%swap3A_160, %swap3A_161] {strides = array<i32>} : memref<240x128xf32, #tpu.memory_space<vmem>>, vector<1x16xf32>,
      %swap3A_163 = vector.shape_cast %swap3A_162 : vector<1x16xf32> to vector<16xf32>
      %swap3A_164 = vector.shape_cast %broadcast_in_dim3A_1 : vector<16xf32> to vector<1x16xf32>
      tpu.vector_store %arg11[%swap3A_160, %swap3A_161], %swap3A_164 {strides = array<i32>} : memref<240x128xf32, #tpu.memory_space<vmem>>, vector<1x16xf32>,
      %swap3A_165 = arith.index_cast %scan3A_134 : i32 to index
      %swap3A_166 = arith.constant 96 : index
      %swap3A_167 = tpu.vector_load %arg11[%swap3A_165, %swap3A_166] {strides = array<i32>} : memref<240x128xf32, #tpu.memory_space<vmem>>, vector<1x16xf32>,
      %swap3A_168 = vector.shape_cast %swap3A_167 : vector<1x16xf32> to vector<16xf32>
      %swap3A_169 = vector.shape_cast %broadcast_in_dim3A_1 : vector<16xf32> to vector<1x16xf32>
      tpu.vector_store %arg11[%swap3A_165, %swap3A_166], %swap3A_169 {strides = array<i32>} : memref<240x128xf32, #tpu.memory_space<vmem>>, vector<1x16xf32>,
      %swap3A_170 = arith.index_cast %scan3A_134 : i32 to index
      %swap3A_171 = arith.constant 112 : index
      %swap3A_172 = tpu.vector_load %arg11[%swap3A_170, %swap3A_171] {strides = array<i32>} : memref<240x128xf32, #tpu.memory_space<vmem>>, vector<1x16xf32>,
      %swap3A_173 = vector.shape_cast %swap3A_172 : vector<1x16xf32> to vector<16xf32>
      %swap3A_174 = vector.shape_cast %broadcast_in_dim3A_1 : vector<16xf32> to vector<1x16xf32>
      tpu.vector_store %arg11[%swap3A_170, %swap3A_171], %swap3A_174 {strides = array<i32>} : memref<240x128xf32, #tpu.memory_space<vmem>>, vector<1x16xf32>,
    }
    %scan3A_48 = arith.constant 128 : i32
    %scan3A_49 = arith.constant 0 : i32
    %scan3A_50 = arith.constant 0 : i32
    %scan3A_51 = arith.constant 5 : i32
    %scan3A_52 = arith.addi %scan3A_50, %scan3A_51 : i32
    %scan3A_53 = arith.constant 1 : i32
    scf.for %scan3A_134 = %scan3A_50 to %scan3A_52 step %scan3A_53  : i32 {
      %mul3A_135 = arith.constant 640 : i32
      %mul3A_136 = arith.muli %arg1, %mul3A_135 : i32
      %mul3A_137 = arith.constant 128 : i32
      %mul3A_138 = arith.muli %scan3A_134, %mul3A_137 : i32
      %add3A_139 = arith.addi %mul3A_136, %mul3A_138 : i32
      "tpu.region"() ({
        %run_scoped3A = tpu.sem_alloc : memref<!tpu.dma_semaphore, #tpu.memory_space<semaphore_mem>>
        %dma_start3A_140 = arith.constant 0 : i32
        %dma_start3A_141 = arith.constant 0 : i32
        %dma_start3A_142 = tpu.memref_slice %arg11[%dma_start3A_140, %dma_start3A_141] : memref<240x128xf32, #tpu.memory_space<vmem>> -> memref<128x128xf32, #tpu.memory_space<vmem>>
        %dma_start3A_143 = arith.constant 0 : i32
        %dma_start3A_144 = tpu.memref_slice %arg15[%add3A_139, %dma_start3A_143] : memref<10240x128xf32, #tpu.memory_space<vmem_shared>> -> memref<128x128xf32, #tpu.memory_space<vmem_shared>>
        %dma_start3A_145 = arith.constant 0 : i32
        %dma_start3A_146 = tpu.memref_slice %arg15[%add3A_139, %dma_start3A_145] : memref<10240x128xf32, #tpu.memory_space<vmem_shared>> -> memref<128x128xf32, #tpu.memory_space<vmem_shared>>
        %dma_start3A_147 = arith.constant 0 : i32
        %dma_start3A_148 = arith.constant 0 : i32
        %dma_start3A_149 = tpu.memref_slice %arg11[%dma_start3A_147, %dma_start3A_148] : memref<240x128xf32, #tpu.memory_space<vmem>> -> memref<128x128xf32, #tpu.memory_space<vmem>>
        tpu.enqueue_dma source(%dma_start3A_149 : memref<128x128xf32, #tpu.memory_space<vmem>>) target(%dma_start3A_146 : memref<128x128xf32, #tpu.memory_space<vmem_shared>>) target_semaphore(%run_scoped3A : memref<!tpu.dma_semaphore, #tpu.memory_space<semaphore_mem>>)
        %dma_wait3A = arith.constant 0 : i32
        %dma_wait3A_150 = arith.constant 0 : i32
        %dma_wait3A_151 = tpu.memref_slice %arg11[%dma_wait3A, %dma_wait3A_150] : memref<240x128xf32, #tpu.memory_space<vmem>> -> memref<128x128xf32, #tpu.memory_space<vmem>>
        %dma_wait3A_152 = arith.constant 0 : i32
        %dma_wait3A_153 = tpu.memref_slice %arg15[%add3A_139, %dma_wait3A_152] : memref<10240x128xf32, #tpu.memory_space<vmem_shared>> -> memref<128x128xf32, #tpu.memory_space<vmem_shared>>
        %dma_wait3A_154 = arith.constant 0 : i32
        %dma_wait3A_155 = tpu.memref_slice %arg15[%add3A_139, %dma_wait3A_154] : memref<10240x128xf32, #tpu.memory_space<vmem_shared>> -> memref<128x128xf32, #tpu.memory_space<vmem_shared>>
        %dma_wait3A_156 = arith.constant 0 : i32
        %dma_wait3A_157 = arith.constant 0 : i32
        %dma_wait3A_158 = tpu.memref_slice %arg11[%dma_wait3A_156, %dma_wait3A_157] : memref<240x128xf32, #tpu.memory_space<vmem>> -> memref<128x128xf32, #tpu.memory_space<vmem>>
        tpu.wait_dma2 semaphore(%run_scoped3A : memref<!tpu.dma_semaphore, #tpu.memory_space<semaphore_mem>>) src(%dma_wait3A_158 : memref<128x128xf32, #tpu.memory_space<vmem>>) dst(%dma_wait3A_155 : memref<128x128xf32, #tpu.memory_space<vmem_shared>>)
        tpu.yield
      }) : () -> ()
    }
    %scan3A_54 = arith.constant 5 : i32
    %barrier3A = arith.constant 0 : index
    tpu.barrier barrier_id(%barrier3A)
    %add3A_55 = arith.constant 0 : i32
    %add3A_56 = arith.addi %mul3A_3, %add3A_55 : i32
    %rem3A = arith.constant 0 : i32
    %rem3A_57 = arith.constant 2 : i32
    %rem3A_58 = arith.remsi %rem3A, %rem3A_57 : i32
    "tpu.region"() ({
      %run_scoped3A = tpu.sem_alloc : memref<!tpu.dma_semaphore, #tpu.memory_space<semaphore_mem>>
      %dma_start3A_134 = arith.constant 0 : i32
      %dma_start3A_135 = tpu.memref_slice %arg8[%rem3A_58, %dma_start3A_134] : memref<2x40xi32, #tpu.memory_space<vmem>> -> memref<1x40xi32, #tpu.memory_space<vmem>>
      %dma_start3A_136 = tpu.memref_squeeze %dma_start3A_135 : memref<1x40xi32, #tpu.memory_space<vmem>> -> memref<40xi32, #tpu.memory_space<vmem>>
      %dma_start3A_137 = tpu.memref_slice %arg5[%add3A_56] : memref<320000xi32, #tpu.memory_space<hbm>> -> memref<40xi32, #tpu.memory_space<hbm>>
      %dma_start3A_138 = arith.constant 0 : i32
      %dma_start3A_139 = tpu.memref_slice %arg8[%rem3A_58, %dma_start3A_138] : memref<2x40xi32, #tpu.memory_space<vmem>> -> memref<1x40xi32, #tpu.memory_space<vmem>>
      %dma_start3A_140 = tpu.memref_squeeze %dma_start3A_139 : memref<1x40xi32, #tpu.memory_space<vmem>> -> memref<40xi32, #tpu.memory_space<vmem>>
      %dma_start3A_141 = tpu.memref_slice %arg5[%add3A_56] : memref<320000xi32, #tpu.memory_space<hbm>> -> memref<40xi32, #tpu.memory_space<hbm>>
      tpu.enqueue_dma source(%dma_start3A_141 : memref<40xi32, #tpu.memory_space<hbm>>) target(%dma_start3A_140 : memref<40xi32, #tpu.memory_space<vmem>>) target_semaphore(%run_scoped3A : memref<!tpu.dma_semaphore, #tpu.memory_space<semaphore_mem>>)
      %dma_wait3A = arith.constant 0 : i32
      %dma_wait3A_142 = tpu.memref_slice %arg8[%rem3A_58, %dma_wait3A] : memref<2x40xi32, #tpu.memory_space<vmem>> -> memref<1x40xi32, #tpu.memory_space<vmem>>
      %dma_wait3A_143 = tpu.memref_squeeze %dma_wait3A_142 : memref<1x40xi32, #tpu.memory_space<vmem>> -> memref<40xi32, #tpu.memory_space<vmem>>
      %dma_wait3A_144 = tpu.memref_slice %arg5[%add3A_56] : memref<320000xi32, #tpu.memory_space<hbm>> -> memref<40xi32, #tpu.memory_space<hbm>>
      %dma_wait3A_145 = arith.constant 0 : i32
      %dma_wait3A_146 = tpu.memref_slice %arg8[%rem3A_58, %dma_wait3A_145] : memref<2x40xi32, #tpu.memory_space<vmem>> -> memref<1x40xi32, #tpu.memory_space<vmem>>
      %dma_wait3A_147 = tpu.memref_squeeze %dma_wait3A_146 : memref<1x40xi32, #tpu.memory_space<vmem>> -> memref<40xi32, #tpu.memory_space<vmem>>
      %dma_wait3A_148 = tpu.memref_slice %arg5[%add3A_56] : memref<320000xi32, #tpu.memory_space<hbm>> -> memref<40xi32, #tpu.memory_space<hbm>>
      tpu.wait_dma2 semaphore(%run_scoped3A : memref<!tpu.dma_semaphore, #tpu.memory_space<semaphore_mem>>) src(%dma_wait3A_148 : memref<40xi32, #tpu.memory_space<hbm>>) dst(%dma_wait3A_147 : memref<40xi32, #tpu.memory_space<vmem>>)
      tpu.yield
    }) : () -> ()
    "tpu.region"() ({
      %run_scoped3A = tpu.sem_alloc : memref<!tpu.dma_semaphore, #tpu.memory_space<semaphore_mem>>
      %dma_start3A_134 = arith.constant 0 : i32
      %dma_start3A_135 = tpu.memref_slice %arg9[%rem3A_58, %dma_start3A_134] : memref<2x56xi32, #tpu.memory_space<vmem>> -> memref<1x40xi32, #tpu.memory_space<vmem>>
      %dma_start3A_136 = tpu.memref_squeeze %dma_start3A_135 : memref<1x40xi32, #tpu.memory_space<vmem>> -> memref<40xi32, #tpu.memory_space<vmem>>
      %dma_start3A_137 = tpu.memref_slice %arg6[%add3A_56] : memref<320000xi32, #tpu.memory_space<hbm>> -> memref<40xi32, #tpu.memory_space<hbm>>
      %dma_start3A_138 = arith.constant 0 : i32
      %dma_start3A_139 = tpu.memref_slice %arg9[%rem3A_58, %dma_start3A_138] : memref<2x56xi32, #tpu.memory_space<vmem>> -> memref<1x40xi32, #tpu.memory_space<vmem>>
      %dma_start3A_140 = tpu.memref_squeeze %dma_start3A_139 : memref<1x40xi32, #tpu.memory_space<vmem>> -> memref<40xi32, #tpu.memory_space<vmem>>
      %dma_start3A_141 = tpu.memref_slice %arg6[%add3A_56] : memref<320000xi32, #tpu.memory_space<hbm>> -> memref<40xi32, #tpu.memory_space<hbm>>
      tpu.enqueue_dma source(%dma_start3A_141 : memref<40xi32, #tpu.memory_space<hbm>>) target(%dma_start3A_140 : memref<40xi32, #tpu.memory_space<vmem>>) target_semaphore(%run_scoped3A : memref<!tpu.dma_semaphore, #tpu.memory_space<semaphore_mem>>)
      %dma_wait3A = arith.constant 0 : i32
      %dma_wait3A_142 = tpu.memref_slice %arg9[%rem3A_58, %dma_wait3A] : memref<2x56xi32, #tpu.memory_space<vmem>> -> memref<1x40xi32, #tpu.memory_space<vmem>>
      %dma_wait3A_143 = tpu.memref_squeeze %dma_wait3A_142 : memref<1x40xi32, #tpu.memory_space<vmem>> -> memref<40xi32, #tpu.memory_space<vmem>>
      %dma_wait3A_144 = tpu.memref_slice %arg6[%add3A_56] : memref<320000xi32, #tpu.memory_space<hbm>> -> memref<40xi32, #tpu.memory_space<hbm>>
      %dma_wait3A_145 = arith.constant 0 : i32
      %dma_wait3A_146 = tpu.memref_slice %arg9[%rem3A_58, %dma_wait3A_145] : memref<2x56xi32, #tpu.memory_space<vmem>> -> memref<1x40xi32, #tpu.memory_space<vmem>>
      %dma_wait3A_147 = tpu.memref_squeeze %dma_wait3A_146 : memref<1x40xi32, #tpu.memory_space<vmem>> -> memref<40xi32, #tpu.memory_space<vmem>>
      %dma_wait3A_148 = tpu.memref_slice %arg6[%add3A_56] : memref<320000xi32, #tpu.memory_space<hbm>> -> memref<40xi32, #tpu.memory_space<hbm>>
      tpu.wait_dma2 semaphore(%run_scoped3A : memref<!tpu.dma_semaphore, #tpu.memory_space<semaphore_mem>>) src(%dma_wait3A_148 : memref<40xi32, #tpu.memory_space<hbm>>) dst(%dma_wait3A_147 : memref<40xi32, #tpu.memory_space<vmem>>)
      tpu.yield
    }) : () -> ()
    "tpu.region"() ({
      %run_scoped3A = tpu.sem_alloc : memref<!tpu.dma_semaphore, #tpu.memory_space<semaphore_mem>>
      %dma_start3A_134 = arith.constant 0 : i32
      %dma_start3A_135 = tpu.memref_slice %arg10[%rem3A_58, %dma_start3A_134] : memref<2x40xi32, #tpu.memory_space<vmem>> -> memref<1x40xi32, #tpu.memory_space<vmem>>
      %dma_start3A_136 = tpu.memref_squeeze %dma_start3A_135 : memref<1x40xi32, #tpu.memory_space<vmem>> -> memref<40xi32, #tpu.memory_space<vmem>>
      %dma_start3A_137 = tpu.memref_slice %arg6[%add3A_56] : memref<320000xi32, #tpu.memory_space<hbm>> -> memref<40xi32, #tpu.memory_space<hbm>>
      %dma_start3A_138 = arith.constant 0 : i32
      %dma_start3A_139 = tpu.memref_slice %arg10[%rem3A_58, %dma_start3A_138] : memref<2x40xi32, #tpu.memory_space<vmem>> -> memref<1x40xi32, #tpu.memory_space<vmem>>
      %dma_start3A_140 = tpu.memref_squeeze %dma_start3A_139 : memref<1x40xi32, #tpu.memory_space<vmem>> -> memref<40xi32, #tpu.memory_space<vmem>>
      %dma_start3A_141 = tpu.memref_slice %arg6[%add3A_56] : memref<320000xi32, #tpu.memory_space<hbm>> -> memref<40xi32, #tpu.memory_space<hbm>>
      tpu.enqueue_dma source(%dma_start3A_141 : memref<40xi32, #tpu.memory_space<hbm>>) target(%dma_start3A_140 : memref<40xi32, #tpu.memory_space<vmem>>) target_semaphore(%run_scoped3A : memref<!tpu.dma_semaphore, #tpu.memory_space<semaphore_mem>>)
      %dma_wait3A = arith.constant 0 : i32
      %dma_wait3A_142 = tpu.memref_slice %arg10[%rem3A_58, %dma_wait3A] : memref<2x40xi32, #tpu.memory_space<vmem>> -> memref<1x40xi32, #tpu.memory_space<vmem>>
      %dma_wait3A_143 = tpu.memref_squeeze %dma_wait3A_142 : memref<1x40xi32, #tpu.memory_space<vmem>> -> memref<40xi32, #tpu.memory_space<vmem>>
      %dma_wait3A_144 = tpu.memref_slice %arg6[%add3A_56] : memref<320000xi32, #tpu.memory_space<hbm>> -> memref<40xi32, #tpu.memory_space<hbm>>
      %dma_wait3A_145 = arith.constant 0 : i32
      %dma_wait3A_146 = tpu.memref_slice %arg10[%rem3A_58, %dma_wait3A_145] : memref<2x40xi32, #tpu.memory_space<vmem>> -> memref<1x40xi32, #tpu.memory_space<vmem>>
      %dma_wait3A_147 = tpu.memref_squeeze %dma_wait3A_146 : memref<1x40xi32, #tpu.memory_space<vmem>> -> memref<40xi32, #tpu.memory_space<vmem>>
      %dma_wait3A_148 = tpu.memref_slice %arg6[%add3A_56] : memref<320000xi32, #tpu.memory_space<hbm>> -> memref<40xi32, #tpu.memory_space<hbm>>
      tpu.wait_dma2 semaphore(%run_scoped3A : memref<!tpu.dma_semaphore, #tpu.memory_space<semaphore_mem>>) src(%dma_wait3A_148 : memref<40xi32, #tpu.memory_space<hbm>>) dst(%dma_wait3A_147 : memref<40xi32, #tpu.memory_space<vmem>>)
      tpu.yield
    }) : () -> ()
    %rem3A_59 = arith.constant 0 : i32
    %rem3A_60 = arith.constant 2 : i32
    %rem3A_61 = arith.remsi %rem3A_59, %rem3A_60 : i32
    %mul3A_62 = arith.constant 120 : i32
    %mul3A_63 = arith.muli %rem3A_61, %mul3A_62 : i32
    %dma_start3A = arith.constant 0 : i32
    %dma_start3A_64 = tpu.memref_slice %arg11[%mul3A_63, %dma_start3A] : memref<240x128xf32, #tpu.memory_space<vmem>> -> memref<40x128xf32, #tpu.memory_space<vmem>>
    %dma_start3A_65 = arith.constant 0 : i32
    %dma_start3A_66 = tpu.memref_slice %arg10[%rem3A_61, %dma_start3A_65] : memref<2x40xi32, #tpu.memory_space<vmem>> -> memref<1x40xi32, #tpu.memory_space<vmem>>
    %dma_start3A_67 = tpu.memref_squeeze %dma_start3A_66 : memref<1x40xi32, #tpu.memory_space<vmem>> -> memref<40xi32, #tpu.memory_space<vmem>>
    %dma_start3A_68 = arith.constant 0 : i32
    %dma_start3A_69 = arith.constant 0 : i32
    %dma_start3A_70 = tpu.memref_slice %arg2[%dma_start3A_68, %dma_start3A_69] : memref<10000x128xf32, #tpu.memory_space<hbm>> -> memref<10000x128xf32, #tpu.memory_space<hbm>>
    tpu.enqueue_indirect_dma source(%dma_start3A_70 : memref<10000x128xf32, #tpu.memory_space<hbm>>) target(%dma_start3A_64 : memref<40x128xf32, #tpu.memory_space<vmem>>) offsets(%dma_start3A_67 : memref<40xi32, #tpu.memory_space<vmem>>) semaphore(%arg16 : memref<!tpu.dma_semaphore, #tpu.memory_space<semaphore_mem>>)
    %add3A_71 = arith.constant 40 : i32
    %add3A_72 = arith.addi %mul3A_63, %add3A_71 : i32
    %dma_start3A_73 = arith.constant 0 : i32
    %dma_start3A_74 = tpu.memref_slice %arg11[%add3A_72, %dma_start3A_73] : memref<240x128xf32, #tpu.memory_space<vmem>> -> memref<40x128xf32, #tpu.memory_space<vmem>>
    %dma_start3A_75 = arith.constant 0 : i32
    %dma_start3A_76 = tpu.memref_slice %arg8[%rem3A_61, %dma_start3A_75] : memref<2x40xi32, #tpu.memory_space<vmem>> -> memref<1x40xi32, #tpu.memory_space<vmem>>
    %dma_start3A_77 = tpu.memref_squeeze %dma_start3A_76 : memref<1x40xi32, #tpu.memory_space<vmem>> -> memref<40xi32, #tpu.memory_space<vmem>>
    %dma_start3A_78 = arith.constant 0 : i32
    %dma_start3A_79 = arith.constant 0 : i32
    %dma_start3A_80 = tpu.memref_slice %arg3[%dma_start3A_78, %dma_start3A_79] : memref<10000x128xf32, #tpu.memory_space<hbm>> -> memref<10000x128xf32, #tpu.memory_space<hbm>>
    tpu.enqueue_indirect_dma source(%dma_start3A_80 : memref<10000x128xf32, #tpu.memory_space<hbm>>) target(%dma_start3A_74 : memref<40x128xf32, #tpu.memory_space<vmem>>) offsets(%dma_start3A_77 : memref<40xi32, #tpu.memory_space<vmem>>) semaphore(%arg16 : memref<!tpu.dma_semaphore, #tpu.memory_space<semaphore_mem>>)
    %add3A_81 = arith.constant 80 : i32
    %add3A_82 = arith.addi %mul3A_63, %add3A_81 : i32
    %dma_start3A_83 = arith.constant 0 : i32
    %dma_start3A_84 = tpu.memref_slice %arg11[%add3A_82, %dma_start3A_83] : memref<240x128xf32, #tpu.memory_space<vmem>> -> memref<40x128xf32, #tpu.memory_space<vmem>>
    %dma_start3A_85 = arith.constant 0 : i32
    %dma_start3A_86 = tpu.memref_slice %arg8[%rem3A_61, %dma_start3A_85] : memref<2x40xi32, #tpu.memory_space<vmem>> -> memref<1x40xi32, #tpu.memory_space<vmem>>
    %dma_start3A_87 = tpu.memref_squeeze %dma_start3A_86 : memref<1x40xi32, #tpu.memory_space<vmem>> -> memref<40xi32, #tpu.memory_space<vmem>>
    %dma_start3A_88 = arith.constant 0 : i32
    %dma_start3A_89 = arith.constant 0 : i32
    %dma_start3A_90 = tpu.memref_slice %arg4[%dma_start3A_88, %dma_start3A_89] : memref<10000x128xf32, #tpu.memory_space<hbm>> -> memref<10000x128xf32, #tpu.memory_space<hbm>>
    tpu.enqueue_indirect_dma source(%dma_start3A_90 : memref<10000x128xf32, #tpu.memory_space<hbm>>) target(%dma_start3A_84 : memref<40x128xf32, #tpu.memory_space<vmem>>) offsets(%dma_start3A_87 : memref<40xi32, #tpu.memory_space<vmem>>) semaphore(%arg16 : memref<!tpu.dma_semaphore, #tpu.memory_space<semaphore_mem>>)
    %add3A_91 = arith.constant 40 : i32
    %add3A_92 = arith.addi %mul3A_3, %add3A_91 : i32
    %rem3A_93 = arith.constant 1 : i32
    %rem3A_94 = arith.constant 2 : i32
    %rem3A_95 = arith.remsi %rem3A_93, %rem3A_94 : i32
    %dma_start3A_96 = arith.constant 0 : i32
    %dma_start3A_97 = tpu.memref_slice %arg8[%rem3A_95, %dma_start3A_96] : memref<2x40xi32, #tpu.memory_space<vmem>> -> memref<1x40xi32, #tpu.memory_space<vmem>>
    %dma_start3A_98 = tpu.memref_squeeze %dma_start3A_97 : memref<1x40xi32, #tpu.memory_space<vmem>> -> memref<40xi32, #tpu.memory_space<vmem>>
    %dma_start3A_99 = tpu.memref_slice %arg5[%add3A_92] : memref<320000xi32, #tpu.memory_space<hbm>> -> memref<40xi32, #tpu.memory_space<hbm>>
    %dma_start3A_100 = arith.constant 0 : i32
    %dma_start3A_101 = tpu.memref_slice %arg8[%rem3A_95, %dma_start3A_100] : memref<2x40xi32, #tpu.memory_space<vmem>> -> memref<1x40xi32, #tpu.memory_space<vmem>>
    %dma_start3A_102 = tpu.memref_squeeze %dma_start3A_101 : memref<1x40xi32, #tpu.memory_space<vmem>> -> memref<40xi32, #tpu.memory_space<vmem>>
    %dma_start3A_103 = tpu.memref_slice %arg5[%add3A_92] : memref<320000xi32, #tpu.memory_space<hbm>> -> memref<40xi32, #tpu.memory_space<hbm>>
    tpu.enqueue_dma source(%dma_start3A_103 : memref<40xi32, #tpu.memory_space<hbm>>) target(%dma_start3A_102 : memref<40xi32, #tpu.memory_space<vmem>>) target_semaphore(%arg17 : memref<!tpu.dma_semaphore, #tpu.memory_space<semaphore_mem>>)
    %dma_start3A_104 = arith.constant 0 : i32
    %dma_start3A_105 = tpu.memref_slice %arg9[%rem3A_95, %dma_start3A_104] : memref<2x56xi32, #tpu.memory_space<vmem>> -> memref<1x40xi32, #tpu.memory_space<vmem>>
    %dma_start3A_106 = tpu.memref_squeeze %dma_start3A_105 : memref<1x40xi32, #tpu.memory_space<vmem>> -> memref<40xi32, #tpu.memory_space<vmem>>
    %dma_start3A_107 = tpu.memref_slice %arg6[%add3A_92] : memref<320000xi32, #tpu.memory_space<hbm>> -> memref<40xi32, #tpu.memory_space<hbm>>
    %dma_start3A_108 = arith.constant 0 : i32
    %dma_start3A_109 = tpu.memref_slice %arg9[%rem3A_95, %dma_start3A_108] : memref<2x56xi32, #tpu.memory_space<vmem>> -> memref<1x40xi32, #tpu.memory_space<vmem>>
    %dma_start3A_110 = tpu.memref_squeeze %dma_start3A_109 : memref<1x40xi32, #tpu.memory_space<vmem>> -> memref<40xi32, #tpu.memory_space<vmem>>
    %dma_start3A_111 = tpu.memref_slice %arg6[%add3A_92] : memref<320000xi32, #tpu.memory_space<hbm>> -> memref<40xi32, #tpu.memory_space<hbm>>
    tpu.enqueue_dma source(%dma_start3A_111 : memref<40xi32, #tpu.memory_space<hbm>>) target(%dma_start3A_110 : memref<40xi32, #tpu.memory_space<vmem>>) target_semaphore(%arg17 : memref<!tpu.dma_semaphore, #tpu.memory_space<semaphore_mem>>)
    %dma_start3A_112 = arith.constant 0 : i32
    %dma_start3A_113 = tpu.memref_slice %arg10[%rem3A_95, %dma_start3A_112] : memref<2x40xi32, #tpu.memory_space<vmem>> -> memref<1x40xi32, #tpu.memory_space<vmem>>
    %dma_start3A_114 = tpu.memref_squeeze %dma_start3A_113 : memref<1x40xi32, #tpu.memory_space<vmem>> -> memref<40xi32, #tpu.memory_space<vmem>>
    %dma_start3A_115 = tpu.memref_slice %arg6[%add3A_92] : memref<320000xi32, #tpu.memory_space<hbm>> -> memref<40xi32, #tpu.memory_space<hbm>>
    %dma_start3A_116 = arith.constant 0 : i32
    %dma_start3A_117 = tpu.memref_slice %arg10[%rem3A_95, %dma_start3A_116] : memref<2x40xi32, #tpu.memory_space<vmem>> -> memref<1x40xi32, #tpu.memory_space<vmem>>
    %dma_start3A_118 = tpu.memref_squeeze %dma_start3A_117 : memref<1x40xi32, #tpu.memory_space<vmem>> -> memref<40xi32, #tpu.memory_space<vmem>>
    %dma_start3A_119 = tpu.memref_slice %arg6[%add3A_92] : memref<320000xi32, #tpu.memory_space<hbm>> -> memref<40xi32, #tpu.memory_space<hbm>>
    tpu.enqueue_dma source(%dma_start3A_119 : memref<40xi32, #tpu.memory_space<hbm>>) target(%dma_start3A_118 : memref<40xi32, #tpu.memory_space<vmem>>) target_semaphore(%arg17 : memref<!tpu.dma_semaphore, #tpu.memory_space<semaphore_mem>>)
    %scan3A_120 = arith.constant 0 : i32
    %scan3A_121 = arith.constant 0.0883883461 : f32
    %scan3A_122 = arith.constant 0 : i32
    %scan3A_123 = arith.constant 250 : i32
    %scan3A_124 = arith.addi %scan3A_122, %scan3A_123 : i32
    %scan3A_125 = arith.constant 1 : i32
    scf.for %scan3A_134 = %scan3A_122 to %scan3A_124 step %scan3A_125  : i32 {
      %rem3A_135 = arith.constant 2 : i32
      %rem3A_136 = arith.remsi %scan3A_134, %rem3A_135 : i32
      %mul3A_137 = arith.constant 120 : i32
      %mul3A_138 = arith.muli %rem3A_136, %mul3A_137 : i32
      %lt3A = arith.constant 249 : i32
      %lt3A_139 = arith.cmpi slt, %scan3A_134, %lt3A : i32
      %convert_element_type3A = arith.extui %lt3A_139 : i1 to i32
      %cond3A = arith.constant 0 : i32
      %cond3A_140 = arith.cmpi ne, %convert_element_type3A, %cond3A : i32
      scf.if %cond3A_140 {
        %add3A_183 = arith.constant 1 : i32
        %add3A_184 = arith.addi %scan3A_134, %add3A_183 : i32
        %mul3A_185 = arith.constant 40 : i32
        %mul3A_186 = arith.muli %add3A_184, %mul3A_185 : i32
        %add3A_187 = arith.addi %mul3A_3, %mul3A_186 : i32
        %rem3A_188 = arith.constant 2 : i32
        %rem3A_189 = arith.remsi %add3A_184, %rem3A_188 : i32
        %dma_wait3A_190 = arith.constant 0 : i32
        %dma_wait3A_191 = tpu.memref_slice %arg8[%rem3A_189, %dma_wait3A_190] : memref<2x40xi32, #tpu.memory_space<vmem>> -> memref<1x40xi32, #tpu.memory_space<vmem>>
        %dma_wait3A_192 = tpu.memref_squeeze %dma_wait3A_191 : memref<1x40xi32, #tpu.memory_space<vmem>> -> memref<40xi32, #tpu.memory_space<vmem>>
        %dma_wait3A_193 = tpu.memref_slice %arg5[%add3A_187] : memref<320000xi32, #tpu.memory_space<hbm>> -> memref<40xi32, #tpu.memory_space<hbm>>
        %dma_wait3A_194 = arith.constant 0 : i32
        %dma_wait3A_195 = tpu.memref_slice %arg8[%rem3A_189, %dma_wait3A_194] : memref<2x40xi32, #tpu.memory_space<vmem>> -> memref<1x40xi32, #tpu.memory_space<vmem>>
        %dma_wait3A_196 = tpu.memref_squeeze %dma_wait3A_195 : memref<1x40xi32, #tpu.memory_space<vmem>> -> memref<40xi32, #tpu.memory_space<vmem>>
        %dma_wait3A_197 = tpu.memref_slice %arg5[%add3A_187] : memref<320000xi32, #tpu.memory_space<hbm>> -> memref<40xi32, #tpu.memory_space<hbm>>
        tpu.wait_dma2 semaphore(%arg17 : memref<!tpu.dma_semaphore, #tpu.memory_space<semaphore_mem>>) src(%dma_wait3A_197 : memref<40xi32, #tpu.memory_space<hbm>>) dst(%dma_wait3A_196 : memref<40xi32, #tpu.memory_space<vmem>>)
        %dma_wait3A_198 = arith.constant 0 : i32
        %dma_wait3A_199 = tpu.memref_slice %arg9[%rem3A_189, %dma_wait3A_198] : memref<2x56xi32, #tpu.memory_space<vmem>> -> memref<1x40xi32, #tpu.memory_space<vmem>>
        %dma_wait3A_200 = tpu.memref_squeeze %dma_wait3A_199 : memref<1x40xi32, #tpu.memory_space<vmem>> -> memref<40xi32, #tpu.memory_space<vmem>>
        %dma_wait3A_201 = tpu.memref_slice %arg6[%add3A_187] : memref<320000xi32, #tpu.memory_space<hbm>> -> memref<40xi32, #tpu.memory_space<hbm>>
        %dma_wait3A_202 = arith.constant 0 : i32
        %dma_wait3A_203 = tpu.memref_slice %arg9[%rem3A_189, %dma_wait3A_202] : memref<2x56xi32, #tpu.memory_space<vmem>> -> memref<1x40xi32, #tpu.memory_space<vmem>>
        %dma_wait3A_204 = tpu.memref_squeeze %dma_wait3A_203 : memref<1x40xi32, #tpu.memory_space<vmem>> -> memref<40xi32, #tpu.memory_space<vmem>>
        %dma_wait3A_205 = tpu.memref_slice %arg6[%add3A_187] : memref<320000xi32, #tpu.memory_space<hbm>> -> memref<40xi32, #tpu.memory_space<hbm>>
        tpu.wait_dma2 semaphore(%arg17 : memref<!tpu.dma_semaphore, #tpu.memory_space<semaphore_mem>>) src(%dma_wait3A_205 : memref<40xi32, #tpu.memory_space<hbm>>) dst(%dma_wait3A_204 : memref<40xi32, #tpu.memory_space<vmem>>)
        %dma_wait3A_206 = arith.constant 0 : i32
        %dma_wait3A_207 = tpu.memref_slice %arg10[%rem3A_189, %dma_wait3A_206] : memref<2x40xi32, #tpu.memory_space<vmem>> -> memref<1x40xi32, #tpu.memory_space<vmem>>
        %dma_wait3A_208 = tpu.memref_squeeze %dma_wait3A_207 : memref<1x40xi32, #tpu.memory_space<vmem>> -> memref<40xi32, #tpu.memory_space<vmem>>
        %dma_wait3A_209 = tpu.memref_slice %arg6[%add3A_187] : memref<320000xi32, #tpu.memory_space<hbm>> -> memref<40xi32, #tpu.memory_space<hbm>>
        %dma_wait3A_210 = arith.constant 0 : i32
        %dma_wait3A_211 = tpu.memref_slice %arg10[%rem3A_189, %dma_wait3A_210] : memref<2x40xi32, #tpu.memory_space<vmem>> -> memref<1x40xi32, #tpu.memory_space<vmem>>
        %dma_wait3A_212 = tpu.memref_squeeze %dma_wait3A_211 : memref<1x40xi32, #tpu.memory_space<vmem>> -> memref<40xi32, #tpu.memory_space<vmem>>
        %dma_wait3A_213 = tpu.memref_slice %arg6[%add3A_187] : memref<320000xi32, #tpu.memory_space<hbm>> -> memref<40xi32, #tpu.memory_space<hbm>>
        tpu.wait_dma2 semaphore(%arg17 : memref<!tpu.dma_semaphore, #tpu.memory_space<semaphore_mem>>) src(%dma_wait3A_213 : memref<40xi32, #tpu.memory_space<hbm>>) dst(%dma_wait3A_212 : memref<40xi32, #tpu.memory_space<vmem>>)
        %add3A_214 = arith.constant 1 : i32
        %add3A_215 = arith.addi %scan3A_134, %add3A_214 : i32
        %rem3A_216 = arith.constant 2 : i32
        %rem3A_217 = arith.remsi %add3A_215, %rem3A_216 : i32
        %mul3A_218 = arith.constant 120 : i32
        %mul3A_219 = arith.muli %rem3A_217, %mul3A_218 : i32
        %dma_start3A_220 = arith.constant 0 : i32
        %dma_start3A_221 = tpu.memref_slice %arg11[%mul3A_219, %dma_start3A_220] : memref<240x128xf32, #tpu.memory_space<vmem>> -> memref<40x128xf32, #tpu.memory_space<vmem>>
        %dma_start3A_222 = arith.constant 0 : i32
        %dma_start3A_223 = tpu.memref_slice %arg10[%rem3A_217, %dma_start3A_222] : memref<2x40xi32, #tpu.memory_space<vmem>> -> memref<1x40xi32, #tpu.memory_space<vmem>>
        %dma_start3A_224 = tpu.memref_squeeze %dma_start3A_223 : memref<1x40xi32, #tpu.memory_space<vmem>> -> memref<40xi32, #tpu.memory_space<vmem>>
        %dma_start3A_225 = arith.constant 0 : i32
        %dma_start3A_226 = arith.constant 0 : i32
        %dma_start3A_227 = tpu.memref_slice %arg2[%dma_start3A_225, %dma_start3A_226] : memref<10000x128xf32, #tpu.memory_space<hbm>> -> memref<10000x128xf32, #tpu.memory_space<hbm>>
        tpu.enqueue_indirect_dma source(%dma_start3A_227 : memref<10000x128xf32, #tpu.memory_space<hbm>>) target(%dma_start3A_221 : memref<40x128xf32, #tpu.memory_space<vmem>>) offsets(%dma_start3A_224 : memref<40xi32, #tpu.memory_space<vmem>>) semaphore(%arg16 : memref<!tpu.dma_semaphore, #tpu.memory_space<semaphore_mem>>)
        %add3A_228 = arith.constant 40 : i32
        %add3A_229 = arith.addi %mul3A_219, %add3A_228 : i32
        %dma_start3A_230 = arith.constant 0 : i32
        %dma_start3A_231 = tpu.memref_slice %arg11[%add3A_229, %dma_start3A_230] : memref<240x128xf32, #tpu.memory_space<vmem>> -> memref<40x128xf32, #tpu.memory_space<vmem>>
        %dma_start3A_232 = arith.constant 0 : i32
        %dma_start3A_233 = tpu.memref_slice %arg8[%rem3A_217, %dma_start3A_232] : memref<2x40xi32, #tpu.memory_space<vmem>> -> memref<1x40xi32, #tpu.memory_space<vmem>>
        %dma_start3A_234 = tpu.memref_squeeze %dma_start3A_233 : memref<1x40xi32, #tpu.memory_space<vmem>> -> memref<40xi32, #tpu.memory_space<vmem>>
        %dma_start3A_235 = arith.constant 0 : i32
        %dma_start3A_236 = arith.constant 0 : i32
        %dma_start3A_237 = tpu.memref_slice %arg3[%dma_start3A_235, %dma_start3A_236] : memref<10000x128xf32, #tpu.memory_space<hbm>> -> memref<10000x128xf32, #tpu.memory_space<hbm>>
        tpu.enqueue_indirect_dma source(%dma_start3A_237 : memref<10000x128xf32, #tpu.memory_space<hbm>>) target(%dma_start3A_231 : memref<40x128xf32, #tpu.memory_space<vmem>>) offsets(%dma_start3A_234 : memref<40xi32, #tpu.memory_space<vmem>>) semaphore(%arg16 : memref<!tpu.dma_semaphore, #tpu.memory_space<semaphore_mem>>)
        %add3A_238 = arith.constant 80 : i32
        %add3A_239 = arith.addi %mul3A_219, %add3A_238 : i32
        %dma_start3A_240 = arith.constant 0 : i32
        %dma_start3A_241 = tpu.memref_slice %arg11[%add3A_239, %dma_start3A_240] : memref<240x128xf32, #tpu.memory_space<vmem>> -> memref<40x128xf32, #tpu.memory_space<vmem>>
        %dma_start3A_242 = arith.constant 0 : i32
        %dma_start3A_243 = tpu.memref_slice %arg8[%rem3A_217, %dma_start3A_242] : memref<2x40xi32, #tpu.memory_space<vmem>> -> memref<1x40xi32, #tpu.memory_space<vmem>>
        %dma_start3A_244 = tpu.memref_squeeze %dma_start3A_243 : memref<1x40xi32, #tpu.memory_space<vmem>> -> memref<40xi32, #tpu.memory_space<vmem>>
        %dma_start3A_245 = arith.constant 0 : i32
        %dma_start3A_246 = arith.constant 0 : i32
        %dma_start3A_247 = tpu.memref_slice %arg4[%dma_start3A_245, %dma_start3A_246] : memref<10000x128xf32, #tpu.memory_space<hbm>> -> memref<10000x128xf32, #tpu.memory_space<hbm>>
        tpu.enqueue_indirect_dma source(%dma_start3A_247 : memref<10000x128xf32, #tpu.memory_space<hbm>>) target(%dma_start3A_241 : memref<40x128xf32, #tpu.memory_space<vmem>>) offsets(%dma_start3A_244 : memref<40xi32, #tpu.memory_space<vmem>>) semaphore(%arg16 : memref<!tpu.dma_semaphore, #tpu.memory_space<semaphore_mem>>)
      } else {
      }
      %rem3A_141 = arith.constant 2 : i32
      %rem3A_142 = arith.remsi %scan3A_134, %rem3A_141 : i32
      %mul3A_143 = arith.constant 120 : i32
      %mul3A_144 = arith.muli %rem3A_142, %mul3A_143 : i32
      %dma_wait3A = arith.constant 0 : i32
      %dma_wait3A_145 = tpu.memref_slice %arg11[%mul3A_144, %dma_wait3A] : memref<240x128xf32, #tpu.memory_space<vmem>> -> memref<40x128xf32, #tpu.memory_space<vmem>>
      %dma_wait3A_146 = arith.constant 0 : i32
      %dma_wait3A_147 = tpu.memref_slice %arg10[%rem3A_142, %dma_wait3A_146] : memref<2x40xi32, #tpu.memory_space<vmem>> -> memref<1x40xi32, #tpu.memory_space<vmem>>
      %dma_wait3A_148 = tpu.memref_squeeze %dma_wait3A_147 : memref<1x40xi32, #tpu.memory_space<vmem>> -> memref<40xi32, #tpu.memory_space<vmem>>
      %dma_wait3A_149 = arith.constant 0 : i32
      %dma_wait3A_150 = arith.constant 0 : i32
      %dma_wait3A_151 = tpu.memref_slice %arg2[%dma_wait3A_149, %dma_wait3A_150] : memref<10000x128xf32, #tpu.memory_space<hbm>> -> memref<10000x128xf32, #tpu.memory_space<hbm>>
      tpu.wait_indirect_dma semaphore(%arg16 : memref<!tpu.dma_semaphore, #tpu.memory_space<semaphore_mem>>) src(%dma_wait3A_151 : memref<10000x128xf32, #tpu.memory_space<hbm>>) dst(%dma_wait3A_145 : memref<40x128xf32, #tpu.memory_space<vmem>>)
      %add3A_152 = arith.constant 40 : i32
      %add3A_153 = arith.addi %mul3A_144, %add3A_152 : i32
      %dma_wait3A_154 = arith.constant 0 : i32
      %dma_wait3A_155 = tpu.memref_slice %arg11[%add3A_153, %dma_wait3A_154] : memref<240x128xf32, #tpu.memory_space<vmem>> -> memref<40x128xf32, #tpu.memory_space<vmem>>
      %dma_wait3A_156 = arith.constant 0 : i32
      %dma_wait3A_157 = tpu.memref_slice %arg8[%rem3A_142, %dma_wait3A_156] : memref<2x40xi32, #tpu.memory_space<vmem>> -> memref<1x40xi32, #tpu.memory_space<vmem>>
      %dma_wait3A_158 = tpu.memref_squeeze %dma_wait3A_157 : memref<1x40xi32, #tpu.memory_space<vmem>> -> memref<40xi32, #tpu.memory_space<vmem>>
      %dma_wait3A_159 = arith.constant 0 : i32
      %dma_wait3A_160 = arith.constant 0 : i32
      %dma_wait3A_161 = tpu.memref_slice %arg3[%dma_wait3A_159, %dma_wait3A_160] : memref<10000x128xf32, #tpu.memory_space<hbm>> -> memref<10000x128xf32, #tpu.memory_space<hbm>>
      tpu.wait_indirect_dma semaphore(%arg16 : memref<!tpu.dma_semaphore, #tpu.memory_space<semaphore_mem>>) src(%dma_wait3A_161 : memref<10000x128xf32, #tpu.memory_space<hbm>>) dst(%dma_wait3A_155 : memref<40x128xf32, #tpu.memory_space<vmem>>)
      %add3A_162 = arith.constant 80 : i32
      %add3A_163 = arith.addi %mul3A_144, %add3A_162 : i32
      %dma_wait3A_164 = arith.constant 0 : i32
      %dma_wait3A_165 = tpu.memref_slice %arg11[%add3A_163, %dma_wait3A_164] : memref<240x128xf32, #tpu.memory_space<vmem>> -> memref<40x128xf32, #tpu.memory_space<vmem>>
      %dma_wait3A_166 = arith.constant 0 : i32
      %dma_wait3A_167 = tpu.memref_slice %arg8[%rem3A_142, %dma_wait3A_166] : memref<2x40xi32, #tpu.memory_space<vmem>> -> memref<1x40xi32, #tpu.memory_space<vmem>>
      %dma_wait3A_168 = tpu.memref_squeeze %dma_wait3A_167 : memref<1x40xi32, #tpu.memory_space<vmem>> -> memref<40xi32, #tpu.memory_space<vmem>>
      %dma_wait3A_169 = arith.constant 0 : i32
      %dma_wait3A_170 = arith.constant 0 : i32
      %dma_wait3A_171 = tpu.memref_slice %arg4[%dma_wait3A_169, %dma_wait3A_170] : memref<10000x128xf32, #tpu.memory_space<hbm>> -> memref<10000x128xf32, #tpu.memory_space<hbm>>
      tpu.wait_indirect_dma semaphore(%arg16 : memref<!tpu.dma_semaphore, #tpu.memory_space<semaphore_mem>>) src(%dma_wait3A_171 : memref<10000x128xf32, #tpu.memory_space<hbm>>) dst(%dma_wait3A_165 : memref<40x128xf32, #tpu.memory_space<vmem>>)
      %scan3A_172 = arith.constant 0 : i32
      %scan3A_173 = arith.constant 0 : i32
      %scan3A_174 = arith.constant 5 : i32
      %scan3A_175 = arith.addi %scan3A_173, %scan3A_174 : i32
      %scan3A_176 = arith.constant 1 : i32
      scf.for %scan3A_183 = %scan3A_173 to %scan3A_175 step %scan3A_176  : i32 {
        %mul3A_184 = arith.constant 8 : i32
        %mul3A_185 = arith.muli %mul3A_184, %scan3A_183 : i32
        %add3A_186 = arith.constant 0 : i32
        %add3A_187 = arith.addi %mul3A_185, %add3A_186 : i32
        %mul3A_188 = arith.constant 8 : i32
        %mul3A_189 = arith.muli %mul3A_188, %scan3A_183 : i32
        %add3A_190 = arith.constant 1 : i32
        %add3A_191 = arith.addi %mul3A_189, %add3A_190 : i32
        %mul3A_192 = arith.constant 8 : i32
        %mul3A_193 = arith.muli %mul3A_192, %scan3A_183 : i32
        %add3A_194 = arith.constant 2 : i32
        %add3A_195 = arith.addi %mul3A_193, %add3A_194 : i32
        %mul3A_196 = arith.constant 8 : i32
        %mul3A_197 = arith.muli %mul3A_196, %scan3A_183 : i32
        %add3A_198 = arith.constant 3 : i32
        %add3A_199 = arith.addi %mul3A_197, %add3A_198 : i32
        %mul3A_200 = arith.constant 8 : i32
        %mul3A_201 = arith.muli %mul3A_200, %scan3A_183 : i32
        %add3A_202 = arith.constant 4 : i32
        %add3A_203 = arith.addi %mul3A_201, %add3A_202 : i32
        %mul3A_204 = arith.constant 8 : i32
        %mul3A_205 = arith.muli %mul3A_204, %scan3A_183 : i32
        %add3A_206 = arith.constant 5 : i32
        %add3A_207 = arith.addi %mul3A_205, %add3A_206 : i32
        %mul3A_208 = arith.constant 8 : i32
        %mul3A_209 = arith.muli %mul3A_208, %scan3A_183 : i32
        %add3A_210 = arith.constant 6 : i32
        %add3A_211 = arith.addi %mul3A_209, %add3A_210 : i32
        %mul3A_212 = arith.constant 8 : i32
        %mul3A_213 = arith.muli %mul3A_212, %scan3A_183 : i32
        %add3A_214 = arith.constant 7 : i32
        %add3A_215 = arith.addi %mul3A_213, %add3A_214 : i32
        %mul3A_216 = arith.constant 8 : i32
        %mul3A_217 = arith.muli %mul3A_216, %scan3A_183 : i32
        %get3A = arith.index_cast %rem3A_136 : i32 to index
        %get3A_218 = arith.index_cast %mul3A_217 : i32 to index
        %get3A_219 = tpu.vector_load %arg9[%get3A, %get3A_218] {strides = array<i32>} : memref<2x56xi32, #tpu.memory_space<vmem>>, vector<1x16xi32>,
        %get3A_220 = vector.shape_cast %get3A_219 : vector<1x16xi32> to vector<16xi32>
        %add3A_221 = arith.addi %mul3A_138, %add3A_187 : i32
        %get3A_222 = arith.index_cast %add3A_221 : i32 to index
        %get3A_223 = arith.constant 0 : index
        %get3A_224 = tpu.vector_load %arg11[%get3A_222, %get3A_223] {strides = array<i32>} : memref<240x128xf32, #tpu.memory_space<vmem>>, vector<1x16xf32>,
        %get3A_225 = vector.shape_cast %get3A_224 : vector<1x16xf32> to vector<16xf32>
        %add3A_226 = arith.constant 40 : i32
        %add3A_227 = arith.addi %mul3A_138, %add3A_226 : i32
        %add3A_228 = arith.addi %add3A_227, %add3A_187 : i32
        %get3A_229 = arith.index_cast %add3A_228 : i32 to index
        %get3A_230 = arith.constant 0 : index
        %get3A_231 = tpu.vector_load %arg11[%get3A_229, %get3A_230] {strides = array<i32>} : memref<240x128xf32, #tpu.memory_space<vmem>>, vector<1x16xf32>,
        %get3A_232 = vector.shape_cast %get3A_231 : vector<1x16xf32> to vector<16xf32>
        %mul3A_233 = arith.mulf %get3A_225, %get3A_232 : vector<16xf32>
        %add3A_234 = arith.addi %mul3A_138, %add3A_191 : i32
        %get3A_235 = arith.index_cast %add3A_234 : i32 to index
        %get3A_236 = arith.constant 0 : index
        %get3A_237 = tpu.vector_load %arg11[%get3A_235, %get3A_236] {strides = array<i32>} : memref<240x128xf32, #tpu.memory_space<vmem>>, vector<1x16xf32>,
        %get3A_238 = vector.shape_cast %get3A_237 : vector<1x16xf32> to vector<16xf32>
        %add3A_239 = arith.constant 40 : i32
        %add3A_240 = arith.addi %mul3A_138, %add3A_239 : i32
        %add3A_241 = arith.addi %add3A_240, %add3A_191 : i32
        %get3A_242 = arith.index_cast %add3A_241 : i32 to index
        %get3A_243 = arith.constant 0 : index
        %get3A_244 = tpu.vector_load %arg11[%get3A_242, %get3A_243] {strides = array<i32>} : memref<240x128xf32, #tpu.memory_space<vmem>>, vector<1x16xf32>,
        %get3A_245 = vector.shape_cast %get3A_244 : vector<1x16xf32> to vector<16xf32>
        %mul3A_246 = arith.mulf %get3A_238, %get3A_245 : vector<16xf32>
        %add3A_247 = arith.addi %mul3A_138, %add3A_195 : i32
        %get3A_248 = arith.index_cast %add3A_247 : i32 to index
        %get3A_249 = arith.constant 0 : index
        %get3A_250 = tpu.vector_load %arg11[%get3A_248, %get3A_249] {strides = array<i32>} : memref<240x128xf32, #tpu.memory_space<vmem>>, vector<1x16xf32>,
        %get3A_251 = vector.shape_cast %get3A_250 : vector<1x16xf32> to vector<16xf32>
        %add3A_252 = arith.constant 40 : i32
        %add3A_253 = arith.addi %mul3A_138, %add3A_252 : i32
        %add3A_254 = arith.addi %add3A_253, %add3A_195 : i32
        %get3A_255 = arith.index_cast %add3A_254 : i32 to index
        %get3A_256 = arith.constant 0 : index
        %get3A_257 = tpu.vector_load %arg11[%get3A_255, %get3A_256] {strides = array<i32>} : memref<240x128xf32, #tpu.memory_space<vmem>>, vector<1x16xf32>,
        %get3A_258 = vector.shape_cast %get3A_257 : vector<1x16xf32> to vector<16xf32>
        %mul3A_259 = arith.mulf %get3A_251, %get3A_258 : vector<16xf32>
        %add3A_260 = arith.addi %mul3A_138, %add3A_199 : i32
        %get3A_261 = arith.index_cast %add3A_260 : i32 to index
        %get3A_262 = arith.constant 0 : index
        %get3A_263 = tpu.vector_load %arg11[%get3A_261, %get3A_262] {strides = array<i32>} : memref<240x128xf32, #tpu.memory_space<vmem>>, vector<1x16xf32>,
        %get3A_264 = vector.shape_cast %get3A_263 : vector<1x16xf32> to vector<16xf32>
        %add3A_265 = arith.constant 40 : i32
        %add3A_266 = arith.addi %mul3A_138, %add3A_265 : i32
        %add3A_267 = arith.addi %add3A_266, %add3A_199 : i32
        %get3A_268 = arith.index_cast %add3A_267 : i32 to index
        %get3A_269 = arith.constant 0 : index
        %get3A_270 = tpu.vector_load %arg11[%get3A_268, %get3A_269] {strides = array<i32>} : memref<240x128xf32, #tpu.memory_space<vmem>>, vector<1x16xf32>,
        %get3A_271 = vector.shape_cast %get3A_270 : vector<1x16xf32> to vector<16xf32>
        %mul3A_272 = arith.mulf %get3A_264, %get3A_271 : vector<16xf32>
        %add3A_273 = arith.addi %mul3A_138, %add3A_203 : i32
        %get3A_274 = arith.index_cast %add3A_273 : i32 to index
        %get3A_275 = arith.constant 0 : index
        %get3A_276 = tpu.vector_load %arg11[%get3A_274, %get3A_275] {strides = array<i32>} : memref<240x128xf32, #tpu.memory_space<vmem>>, vector<1x16xf32>,
        %get3A_277 = vector.shape_cast %get3A_276 : vector<1x16xf32> to vector<16xf32>
        %add3A_278 = arith.constant 40 : i32
        %add3A_279 = arith.addi %mul3A_138, %add3A_278 : i32
        %add3A_280 = arith.addi %add3A_279, %add3A_203 : i32
        %get3A_281 = arith.index_cast %add3A_280 : i32 to index
        %get3A_282 = arith.constant 0 : index
        %get3A_283 = tpu.vector_load %arg11[%get3A_281, %get3A_282] {strides = array<i32>} : memref<240x128xf32, #tpu.memory_space<vmem>>, vector<1x16xf32>,
        %get3A_284 = vector.shape_cast %get3A_283 : vector<1x16xf32> to vector<16xf32>
        %mul3A_285 = arith.mulf %get3A_277, %get3A_284 : vector<16xf32>
        %add3A_286 = arith.addi %mul3A_138, %add3A_207 : i32
        %get3A_287 = arith.index_cast %add3A_286 : i32 to index
        %get3A_288 = arith.constant 0 : index
        %get3A_289 = tpu.vector_load %arg11[%get3A_287, %get3A_288] {strides = array<i32>} : memref<240x128xf32, #tpu.memory_space<vmem>>, vector<1x16xf32>,
        %get3A_290 = vector.shape_cast %get3A_289 : vector<1x16xf32> to vector<16xf32>
        %add3A_291 = arith.constant 40 : i32
        %add3A_292 = arith.addi %mul3A_138, %add3A_291 : i32
        %add3A_293 = arith.addi %add3A_292, %add3A_207 : i32
        %get3A_294 = arith.index_cast %add3A_293 : i32 to index
        %get3A_295 = arith.constant 0 : index
        %get3A_296 = tpu.vector_load %arg11[%get3A_294, %get3A_295] {strides = array<i32>} : memref<240x128xf32, #tpu.memory_space<vmem>>, vector<1x16xf32>,
        %get3A_297 = vector.shape_cast %get3A_296 : vector<1x16xf32> to vector<16xf32>
        %mul3A_298 = arith.mulf %get3A_290, %get3A_297 : vector<16xf32>
        %add3A_299 = arith.addi %mul3A_138, %add3A_211 : i32
        %get3A_300 = arith.index_cast %add3A_299 : i32 to index
        %get3A_301 = arith.constant 0 : index
        %get3A_302 = tpu.vector_load %arg11[%get3A_300, %get3A_301] {strides = array<i32>} : memref<240x128xf32, #tpu.memory_space<vmem>>, vector<1x16xf32>,
        %get3A_303 = vector.shape_cast %get3A_302 : vector<1x16xf32> to vector<16xf32>
        %add3A_304 = arith.constant 40 : i32
        %add3A_305 = arith.addi %mul3A_138, %add3A_304 : i32
        %add3A_306 = arith.addi %add3A_305, %add3A_211 : i32
        %get3A_307 = arith.index_cast %add3A_306 : i32 to index
        %get3A_308 = arith.constant 0 : index
        %get3A_309 = tpu.vector_load %arg11[%get3A_307, %get3A_308] {strides = array<i32>} : memref<240x128xf32, #tpu.memory_space<vmem>>, vector<1x16xf32>,
        %get3A_310 = vector.shape_cast %get3A_309 : vector<1x16xf32> to vector<16xf32>
        %mul3A_311 = arith.mulf %get3A_303, %get3A_310 : vector<16xf32>
        %add3A_312 = arith.addi %mul3A_138, %add3A_215 : i32
        %get3A_313 = arith.index_cast %add3A_312 : i32 to index
        %get3A_314 = arith.constant 0 : index
        %get3A_315 = tpu.vector_load %arg11[%get3A_313, %get3A_314] {strides = array<i32>} : memref<240x128xf32, #tpu.memory_space<vmem>>, vector<1x16xf32>,
        %get3A_316 = vector.shape_cast %get3A_315 : vector<1x16xf32> to vector<16xf32>
        %add3A_317 = arith.constant 40 : i32
        %add3A_318 = arith.addi %mul3A_138, %add3A_317 : i32
        %add3A_319 = arith.addi %add3A_318, %add3A_215 : i32
        %get3A_320 = arith.index_cast %add3A_319 : i32 to index
        %get3A_321 = arith.constant 0 : index
        %get3A_322 = tpu.vector_load %arg11[%get3A_320, %get3A_321] {strides = array<i32>} : memref<240x128xf32, #tpu.memory_space<vmem>>, vector<1x16xf32>,
        %get3A_323 = vector.shape_cast %get3A_322 : vector<1x16xf32> to vector<16xf32>
        %mul3A_324 = arith.mulf %get3A_316, %get3A_323 : vector<16xf32>
        %add3A_325 = arith.addi %mul3A_138, %add3A_187 : i32
        %get3A_326 = arith.index_cast %add3A_325 : i32 to index
        %get3A_327 = arith.constant 16 : index
        %get3A_328 = tpu.vector_load %arg11[%get3A_326, %get3A_327] {strides = array<i32>} : memref<240x128xf32, #tpu.memory_space<vmem>>, vector<1x16xf32>,
        %get3A_329 = vector.shape_cast %get3A_328 : vector<1x16xf32> to vector<16xf32>
        %add3A_330 = arith.constant 40 : i32
        %add3A_331 = arith.addi %mul3A_138, %add3A_330 : i32
        %add3A_332 = arith.addi %add3A_331, %add3A_187 : i32
        %get3A_333 = arith.index_cast %add3A_332 : i32 to index
        %get3A_334 = arith.constant 16 : index
        %get3A_335 = tpu.vector_load %arg11[%get3A_333, %get3A_334] {strides = array<i32>} : memref<240x128xf32, #tpu.memory_space<vmem>>, vector<1x16xf32>,
        %get3A_336 = vector.shape_cast %get3A_335 : vector<1x16xf32> to vector<16xf32>
        %mul3A_337 = arith.mulf %get3A_329, %get3A_336 : vector<16xf32>
        %add3A_338 = arith.addf %mul3A_233, %mul3A_337 : vector<16xf32>
        %add3A_339 = arith.addi %mul3A_138, %add3A_191 : i32
        %get3A_340 = arith.index_cast %add3A_339 : i32 to index
        %get3A_341 = arith.constant 16 : index
        %get3A_342 = tpu.vector_load %arg11[%get3A_340, %get3A_341] {strides = array<i32>} : memref<240x128xf32, #tpu.memory_space<vmem>>, vector<1x16xf32>,
        %get3A_343 = vector.shape_cast %get3A_342 : vector<1x16xf32> to vector<16xf32>
        %add3A_344 = arith.constant 40 : i32
        %add3A_345 = arith.addi %mul3A_138, %add3A_344 : i32
        %add3A_346 = arith.addi %add3A_345, %add3A_191 : i32
        %get3A_347 = arith.index_cast %add3A_346 : i32 to index
        %get3A_348 = arith.constant 16 : index
        %get3A_349 = tpu.vector_load %arg11[%get3A_347, %get3A_348] {strides = array<i32>} : memref<240x128xf32, #tpu.memory_space<vmem>>, vector<1x16xf32>,
        %get3A_350 = vector.shape_cast %get3A_349 : vector<1x16xf32> to vector<16xf32>
        %mul3A_351 = arith.mulf %get3A_343, %get3A_350 : vector<16xf32>
        %add3A_352 = arith.addf %mul3A_246, %mul3A_351 : vector<16xf32>
        %add3A_353 = arith.addi %mul3A_138, %add3A_195 : i32
        %get3A_354 = arith.index_cast %add3A_353 : i32 to index
        %get3A_355 = arith.constant 16 : index
        %get3A_356 = tpu.vector_load %arg11[%get3A_354, %get3A_355] {strides = array<i32>} : memref<240x128xf32, #tpu.memory_space<vmem>>, vector<1x16xf32>,
        %get3A_357 = vector.shape_cast %get3A_356 : vector<1x16xf32> to vector<16xf32>
        %add3A_358 = arith.constant 40 : i32
        %add3A_359 = arith.addi %mul3A_138, %add3A_358 : i32
        %add3A_360 = arith.addi %add3A_359, %add3A_195 : i32
        %get3A_361 = arith.index_cast %add3A_360 : i32 to index
        %get3A_362 = arith.constant 16 : index
        %get3A_363 = tpu.vector_load %arg11[%get3A_361, %get3A_362] {strides = array<i32>} : memref<240x128xf32, #tpu.memory_space<vmem>>, vector<1x16xf32>,
        %get3A_364 = vector.shape_cast %get3A_363 : vector<1x16xf32> to vector<16xf32>
        %mul3A_365 = arith.mulf %get3A_357, %get3A_364 : vector<16xf32>
        %add3A_366 = arith.addf %mul3A_259, %mul3A_365 : vector<16xf32>
        %add3A_367 = arith.addi %mul3A_138, %add3A_199 : i32
        %get3A_368 = arith.index_cast %add3A_367 : i32 to index
        %get3A_369 = arith.constant 16 : index
        %get3A_370 = tpu.vector_load %arg11[%get3A_368, %get3A_369] {strides = array<i32>} : memref<240x128xf32, #tpu.memory_space<vmem>>, vector<1x16xf32>,
        %get3A_371 = vector.shape_cast %get3A_370 : vector<1x16xf32> to vector<16xf32>
        %add3A_372 = arith.constant 40 : i32
        %add3A_373 = arith.addi %mul3A_138, %add3A_372 : i32
        %add3A_374 = arith.addi %add3A_373, %add3A_199 : i32
        %get3A_375 = arith.index_cast %add3A_374 : i32 to index
        %get3A_376 = arith.constant 16 : index
        %get3A_377 = tpu.vector_load %arg11[%get3A_375, %get3A_376] {strides = array<i32>} : memref<240x128xf32, #tpu.memory_space<vmem>>, vector<1x16xf32>,
        %get3A_378 = vector.shape_cast %get3A_377 : vector<1x16xf32> to vector<16xf32>
        %mul3A_379 = arith.mulf %get3A_371, %get3A_378 : vector<16xf32>
        %add3A_380 = arith.addf %mul3A_272, %mul3A_379 : vector<16xf32>
        %add3A_381 = arith.addi %mul3A_138, %add3A_203 : i32
        %get3A_382 = arith.index_cast %add3A_381 : i32 to index
        %get3A_383 = arith.constant 16 : index
        %get3A_384 = tpu.vector_load %arg11[%get3A_382, %get3A_383] {strides = array<i32>} : memref<240x128xf32, #tpu.memory_space<vmem>>, vector<1x16xf32>,
        %get3A_385 = vector.shape_cast %get3A_384 : vector<1x16xf32> to vector<16xf32>
        %add3A_386 = arith.constant 40 : i32
        %add3A_387 = arith.addi %mul3A_138, %add3A_386 : i32
        %add3A_388 = arith.addi %add3A_387, %add3A_203 : i32
        %get3A_389 = arith.index_cast %add3A_388 : i32 to index
        %get3A_390 = arith.constant 16 : index
        %get3A_391 = tpu.vector_load %arg11[%get3A_389, %get3A_390] {strides = array<i32>} : memref<240x128xf32, #tpu.memory_space<vmem>>, vector<1x16xf32>,
        %get3A_392 = vector.shape_cast %get3A_391 : vector<1x16xf32> to vector<16xf32>
        %mul3A_393 = arith.mulf %get3A_385, %get3A_392 : vector<16xf32>
        %add3A_394 = arith.addf %mul3A_285, %mul3A_393 : vector<16xf32>
        %add3A_395 = arith.addi %mul3A_138, %add3A_207 : i32
        %get3A_396 = arith.index_cast %add3A_395 : i32 to index
        %get3A_397 = arith.constant 16 : index
        %get3A_398 = tpu.vector_load %arg11[%get3A_396, %get3A_397] {strides = array<i32>} : memref<240x128xf32, #tpu.memory_space<vmem>>, vector<1x16xf32>,
        %get3A_399 = vector.shape_cast %get3A_398 : vector<1x16xf32> to vector<16xf32>
        %add3A_400 = arith.constant 40 : i32
        %add3A_401 = arith.addi %mul3A_138, %add3A_400 : i32
        %add3A_402 = arith.addi %add3A_401, %add3A_207 : i32
        %get3A_403 = arith.index_cast %add3A_402 : i32 to index
        %get3A_404 = arith.constant 16 : index
        %get3A_405 = tpu.vector_load %arg11[%get3A_403, %get3A_404] {strides = array<i32>} : memref<240x128xf32, #tpu.memory_space<vmem>>, vector<1x16xf32>,
        %get3A_406 = vector.shape_cast %get3A_405 : vector<1x16xf32> to vector<16xf32>
        %mul3A_407 = arith.mulf %get3A_399, %get3A_406 : vector<16xf32>
        %add3A_408 = arith.addf %mul3A_298, %mul3A_407 : vector<16xf32>
        %add3A_409 = arith.addi %mul3A_138, %add3A_211 : i32
        %get3A_410 = arith.index_cast %add3A_409 : i32 to index
        %get3A_411 = arith.constant 16 : index
        %get3A_412 = tpu.vector_load %arg11[%get3A_410, %get3A_411] {strides = array<i32>} : memref<240x128xf32, #tpu.memory_space<vmem>>, vector<1x16xf32>,
        %get3A_413 = vector.shape_cast %get3A_412 : vector<1x16xf32> to vector<16xf32>
        %add3A_414 = arith.constant 40 : i32
        %add3A_415 = arith.addi %mul3A_138, %add3A_414 : i32
        %add3A_416 = arith.addi %add3A_415, %add3A_211 : i32
        %get3A_417 = arith.index_cast %add3A_416 : i32 to index
        %get3A_418 = arith.constant 16 : index
        %get3A_419 = tpu.vector_load %arg11[%get3A_417, %get3A_418] {strides = array<i32>} : memref<240x128xf32, #tpu.memory_space<vmem>>, vector<1x16xf32>,
        %get3A_420 = vector.shape_cast %get3A_419 : vector<1x16xf32> to vector<16xf32>
        %mul3A_421 = arith.mulf %get3A_413, %get3A_420 : vector<16xf32>
        %add3A_422 = arith.addf %mul3A_311, %mul3A_421 : vector<16xf32>
        %add3A_423 = arith.addi %mul3A_138, %add3A_215 : i32
        %get3A_424 = arith.index_cast %add3A_423 : i32 to index
        %get3A_425 = arith.constant 16 : index
        %get3A_426 = tpu.vector_load %arg11[%get3A_424, %get3A_425] {strides = array<i32>} : memref<240x128xf32, #tpu.memory_space<vmem>>, vector<1x16xf32>,
        %get3A_427 = vector.shape_cast %get3A_426 : vector<1x16xf32> to vector<16xf32>
        %add3A_428 = arith.constant 40 : i32
        %add3A_429 = arith.addi %mul3A_138, %add3A_428 : i32
        %add3A_430 = arith.addi %add3A_429, %add3A_215 : i32
        %get3A_431 = arith.index_cast %add3A_430 : i32 to index
        %get3A_432 = arith.constant 16 : index
        %get3A_433 = tpu.vector_load %arg11[%get3A_431, %get3A_432] {strides = array<i32>} : memref<240x128xf32, #tpu.memory_space<vmem>>, vector<1x16xf32>,
        %get3A_434 = vector.shape_cast %get3A_433 : vector<1x16xf32> to vector<16xf32>
        %mul3A_435 = arith.mulf %get3A_427, %get3A_434 : vector<16xf32>
        %add3A_436 = arith.addf %mul3A_324, %mul3A_435 : vector<16xf32>
        %add3A_437 = arith.addi %mul3A_138, %add3A_187 : i32
        %get3A_438 = arith.index_cast %add3A_437 : i32 to index
        %get3A_439 = arith.constant 32 : index
        %get3A_440 = tpu.vector_load %arg11[%get3A_438, %get3A_439] {strides = array<i32>} : memref<240x128xf32, #tpu.memory_space<vmem>>, vector<1x16xf32>,
        %get3A_441 = vector.shape_cast %get3A_440 : vector<1x16xf32> to vector<16xf32>
        %add3A_442 = arith.constant 40 : i32
        %add3A_443 = arith.addi %mul3A_138, %add3A_442 : i32
        %add3A_444 = arith.addi %add3A_443, %add3A_187 : i32
        %get3A_445 = arith.index_cast %add3A_444 : i32 to index
        %get3A_446 = arith.constant 32 : index
        %get3A_447 = tpu.vector_load %arg11[%get3A_445, %get3A_446] {strides = array<i32>} : memref<240x128xf32, #tpu.memory_space<vmem>>, vector<1x16xf32>,
        %get3A_448 = vector.shape_cast %get3A_447 : vector<1x16xf32> to vector<16xf32>
        %mul3A_449 = arith.mulf %get3A_441, %get3A_448 : vector<16xf32>
        %add3A_450 = arith.addf %add3A_338, %mul3A_449 : vector<16xf32>
        %add3A_451 = arith.addi %mul3A_138, %add3A_191 : i32
        %get3A_452 = arith.index_cast %add3A_451 : i32 to index
        %get3A_453 = arith.constant 32 : index
        %get3A_454 = tpu.vector_load %arg11[%get3A_452, %get3A_453] {strides = array<i32>} : memref<240x128xf32, #tpu.memory_space<vmem>>, vector<1x16xf32>,
        %get3A_455 = vector.shape_cast %get3A_454 : vector<1x16xf32> to vector<16xf32>
        %add3A_456 = arith.constant 40 : i32
        %add3A_457 = arith.addi %mul3A_138, %add3A_456 : i32
        %add3A_458 = arith.addi %add3A_457, %add3A_191 : i32
        %get3A_459 = arith.index_cast %add3A_458 : i32 to index
        %get3A_460 = arith.constant 32 : index
        %get3A_461 = tpu.vector_load %arg11[%get3A_459, %get3A_460] {strides = array<i32>} : memref<240x128xf32, #tpu.memory_space<vmem>>, vector<1x16xf32>,
        %get3A_462 = vector.shape_cast %get3A_461 : vector<1x16xf32> to vector<16xf32>
        %mul3A_463 = arith.mulf %get3A_455, %get3A_462 : vector<16xf32>
        %add3A_464 = arith.addf %add3A_352, %mul3A_463 : vector<16xf32>
        %add3A_465 = arith.addi %mul3A_138, %add3A_195 : i32
        %get3A_466 = arith.index_cast %add3A_465 : i32 to index
        %get3A_467 = arith.constant 32 : index
        %get3A_468 = tpu.vector_load %arg11[%get3A_466, %get3A_467] {strides = array<i32>} : memref<240x128xf32, #tpu.memory_space<vmem>>, vector<1x16xf32>,
        %get3A_469 = vector.shape_cast %get3A_468 : vector<1x16xf32> to vector<16xf32>
        %add3A_470 = arith.constant 40 : i32
        %add3A_471 = arith.addi %mul3A_138, %add3A_470 : i32
        %add3A_472 = arith.addi %add3A_471, %add3A_195 : i32
        %get3A_473 = arith.index_cast %add3A_472 : i32 to index
        %get3A_474 = arith.constant 32 : index
        %get3A_475 = tpu.vector_load %arg11[%get3A_473, %get3A_474] {strides = array<i32>} : memref<240x128xf32, #tpu.memory_space<vmem>>, vector<1x16xf32>,
        %get3A_476 = vector.shape_cast %get3A_475 : vector<1x16xf32> to vector<16xf32>
        %mul3A_477 = arith.mulf %get3A_469, %get3A_476 : vector<16xf32>
        %add3A_478 = arith.addf %add3A_366, %mul3A_477 : vector<16xf32>
        %add3A_479 = arith.addi %mul3A_138, %add3A_199 : i32
        %get3A_480 = arith.index_cast %add3A_479 : i32 to index
        %get3A_481 = arith.constant 32 : index
        %get3A_482 = tpu.vector_load %arg11[%get3A_480, %get3A_481] {strides = array<i32>} : memref<240x128xf32, #tpu.memory_space<vmem>>, vector<1x16xf32>,
        %get3A_483 = vector.shape_cast %get3A_482 : vector<1x16xf32> to vector<16xf32>
        %add3A_484 = arith.constant 40 : i32
        %add3A_485 = arith.addi %mul3A_138, %add3A_484 : i32
        %add3A_486 = arith.addi %add3A_485, %add3A_199 : i32
        %get3A_487 = arith.index_cast %add3A_486 : i32 to index
        %get3A_488 = arith.constant 32 : index
        %get3A_489 = tpu.vector_load %arg11[%get3A_487, %get3A_488] {strides = array<i32>} : memref<240x128xf32, #tpu.memory_space<vmem>>, vector<1x16xf32>,
        %get3A_490 = vector.shape_cast %get3A_489 : vector<1x16xf32> to vector<16xf32>
        %mul3A_491 = arith.mulf %get3A_483, %get3A_490 : vector<16xf32>
        %add3A_492 = arith.addf %add3A_380, %mul3A_491 : vector<16xf32>
        %add3A_493 = arith.addi %mul3A_138, %add3A_203 : i32
        %get3A_494 = arith.index_cast %add3A_493 : i32 to index
        %get3A_495 = arith.constant 32 : index
        %get3A_496 = tpu.vector_load %arg11[%get3A_494, %get3A_495] {strides = array<i32>} : memref<240x128xf32, #tpu.memory_space<vmem>>, vector<1x16xf32>,
        %get3A_497 = vector.shape_cast %get3A_496 : vector<1x16xf32> to vector<16xf32>
        %add3A_498 = arith.constant 40 : i32
        %add3A_499 = arith.addi %mul3A_138, %add3A_498 : i32
        %add3A_500 = arith.addi %add3A_499, %add3A_203 : i32
        %get3A_501 = arith.index_cast %add3A_500 : i32 to index
        %get3A_502 = arith.constant 32 : index
        %get3A_503 = tpu.vector_load %arg11[%get3A_501, %get3A_502] {strides = array<i32>} : memref<240x128xf32, #tpu.memory_space<vmem>>, vector<1x16xf32>,
        %get3A_504 = vector.shape_cast %get3A_503 : vector<1x16xf32> to vector<16xf32>
        %mul3A_505 = arith.mulf %get3A_497, %get3A_504 : vector<16xf32>
        %add3A_506 = arith.addf %add3A_394, %mul3A_505 : vector<16xf32>
        %add3A_507 = arith.addi %mul3A_138, %add3A_207 : i32
        %get3A_508 = arith.index_cast %add3A_507 : i32 to index
        %get3A_509 = arith.constant 32 : index
        %get3A_510 = tpu.vector_load %arg11[%get3A_508, %get3A_509] {strides = array<i32>} : memref<240x128xf32, #tpu.memory_space<vmem>>, vector<1x16xf32>,
        %get3A_511 = vector.shape_cast %get3A_510 : vector<1x16xf32> to vector<16xf32>
        %add3A_512 = arith.constant 40 : i32
        %add3A_513 = arith.addi %mul3A_138, %add3A_512 : i32
        %add3A_514 = arith.addi %add3A_513, %add3A_207 : i32
        %get3A_515 = arith.index_cast %add3A_514 : i32 to index
        %get3A_516 = arith.constant 32 : index
        %get3A_517 = tpu.vector_load %arg11[%get3A_515, %get3A_516] {strides = array<i32>} : memref<240x128xf32, #tpu.memory_space<vmem>>, vector<1x16xf32>,
        %get3A_518 = vector.shape_cast %get3A_517 : vector<1x16xf32> to vector<16xf32>
        %mul3A_519 = arith.mulf %get3A_511, %get3A_518 : vector<16xf32>
        %add3A_520 = arith.addf %add3A_408, %mul3A_519 : vector<16xf32>
        %add3A_521 = arith.addi %mul3A_138, %add3A_211 : i32
        %get3A_522 = arith.index_cast %add3A_521 : i32 to index
        %get3A_523 = arith.constant 32 : index
        %get3A_524 = tpu.vector_load %arg11[%get3A_522, %get3A_523] {strides = array<i32>} : memref<240x128xf32, #tpu.memory_space<vmem>>, vector<1x16xf32>,
        %get3A_525 = vector.shape_cast %get3A_524 : vector<1x16xf32> to vector<16xf32>
        %add3A_526 = arith.constant 40 : i32
        %add3A_527 = arith.addi %mul3A_138, %add3A_526 : i32
        %add3A_528 = arith.addi %add3A_527, %add3A_211 : i32
        %get3A_529 = arith.index_cast %add3A_528 : i32 to index
        %get3A_530 = arith.constant 32 : index
        %get3A_531 = tpu.vector_load %arg11[%get3A_529, %get3A_530] {strides = array<i32>} : memref<240x128xf32, #tpu.memory_space<vmem>>, vector<1x16xf32>,
        %get3A_532 = vector.shape_cast %get3A_531 : vector<1x16xf32> to vector<16xf32>
        %mul3A_533 = arith.mulf %get3A_525, %get3A_532 : vector<16xf32>
        %add3A_534 = arith.addf %add3A_422, %mul3A_533 : vector<16xf32>
        %add3A_535 = arith.addi %mul3A_138, %add3A_215 : i32
        %get3A_536 = arith.index_cast %add3A_535 : i32 to index
        %get3A_537 = arith.constant 32 : index
        %get3A_538 = tpu.vector_load %arg11[%get3A_536, %get3A_537] {strides = array<i32>} : memref<240x128xf32, #tpu.memory_space<vmem>>, vector<1x16xf32>,
        %get3A_539 = vector.shape_cast %get3A_538 : vector<1x16xf32> to vector<16xf32>
        %add3A_540 = arith.constant 40 : i32
        %add3A_541 = arith.addi %mul3A_138, %add3A_540 : i32
        %add3A_542 = arith.addi %add3A_541, %add3A_215 : i32
        %get3A_543 = arith.index_cast %add3A_542 : i32 to index
        %get3A_544 = arith.constant 32 : index
        %get3A_545 = tpu.vector_load %arg11[%get3A_543, %get3A_544] {strides = array<i32>} : memref<240x128xf32, #tpu.memory_space<vmem>>, vector<1x16xf32>,
        %get3A_546 = vector.shape_cast %get3A_545 : vector<1x16xf32> to vector<16xf32>
        %mul3A_547 = arith.mulf %get3A_539, %get3A_546 : vector<16xf32>
        %add3A_548 = arith.addf %add3A_436, %mul3A_547 : vector<16xf32>
        %add3A_549 = arith.addi %mul3A_138, %add3A_187 : i32
        %get3A_550 = arith.index_cast %add3A_549 : i32 to index
        %get3A_551 = arith.constant 48 : index
        %get3A_552 = tpu.vector_load %arg11[%get3A_550, %get3A_551] {strides = array<i32>} : memref<240x128xf32, #tpu.memory_space<vmem>>, vector<1x16xf32>,
        %get3A_553 = vector.shape_cast %get3A_552 : vector<1x16xf32> to vector<16xf32>
        %add3A_554 = arith.constant 40 : i32
        %add3A_555 = arith.addi %mul3A_138, %add3A_554 : i32
        %add3A_556 = arith.addi %add3A_555, %add3A_187 : i32
        %get3A_557 = arith.index_cast %add3A_556 : i32 to index
        %get3A_558 = arith.constant 48 : index
        %get3A_559 = tpu.vector_load %arg11[%get3A_557, %get3A_558] {strides = array<i32>} : memref<240x128xf32, #tpu.memory_space<vmem>>, vector<1x16xf32>,
        %get3A_560 = vector.shape_cast %get3A_559 : vector<1x16xf32> to vector<16xf32>
        %mul3A_561 = arith.mulf %get3A_553, %get3A_560 : vector<16xf32>
        %add3A_562 = arith.addf %add3A_450, %mul3A_561 : vector<16xf32>
        %add3A_563 = arith.addi %mul3A_138, %add3A_191 : i32
        %get3A_564 = arith.index_cast %add3A_563 : i32 to index
        %get3A_565 = arith.constant 48 : index
        %get3A_566 = tpu.vector_load %arg11[%get3A_564, %get3A_565] {strides = array<i32>} : memref<240x128xf32, #tpu.memory_space<vmem>>, vector<1x16xf32>,
        %get3A_567 = vector.shape_cast %get3A_566 : vector<1x16xf32> to vector<16xf32>
        %add3A_568 = arith.constant 40 : i32
        %add3A_569 = arith.addi %mul3A_138, %add3A_568 : i32
        %add3A_570 = arith.addi %add3A_569, %add3A_191 : i32
        %get3A_571 = arith.index_cast %add3A_570 : i32 to index
        %get3A_572 = arith.constant 48 : index
        %get3A_573 = tpu.vector_load %arg11[%get3A_571, %get3A_572] {strides = array<i32>} : memref<240x128xf32, #tpu.memory_space<vmem>>, vector<1x16xf32>,
        %get3A_574 = vector.shape_cast %get3A_573 : vector<1x16xf32> to vector<16xf32>
        %mul3A_575 = arith.mulf %get3A_567, %get3A_574 : vector<16xf32>
        %add3A_576 = arith.addf %add3A_464, %mul3A_575 : vector<16xf32>
        %add3A_577 = arith.addi %mul3A_138, %add3A_195 : i32
        %get3A_578 = arith.index_cast %add3A_577 : i32 to index
        %get3A_579 = arith.constant 48 : index
        %get3A_580 = tpu.vector_load %arg11[%get3A_578, %get3A_579] {strides = array<i32>} : memref<240x128xf32, #tpu.memory_space<vmem>>, vector<1x16xf32>,
        %get3A_581 = vector.shape_cast %get3A_580 : vector<1x16xf32> to vector<16xf32>
        %add3A_582 = arith.constant 40 : i32
        %add3A_583 = arith.addi %mul3A_138, %add3A_582 : i32
        %add3A_584 = arith.addi %add3A_583, %add3A_195 : i32
        %get3A_585 = arith.index_cast %add3A_584 : i32 to index
        %get3A_586 = arith.constant 48 : index
        %get3A_587 = tpu.vector_load %arg11[%get3A_585, %get3A_586] {strides = array<i32>} : memref<240x128xf32, #tpu.memory_space<vmem>>, vector<1x16xf32>,
        %get3A_588 = vector.shape_cast %get3A_587 : vector<1x16xf32> to vector<16xf32>
        %mul3A_589 = arith.mulf %get3A_581, %get3A_588 : vector<16xf32>
        %add3A_590 = arith.addf %add3A_478, %mul3A_589 : vector<16xf32>
        %add3A_591 = arith.addi %mul3A_138, %add3A_199 : i32
        %get3A_592 = arith.index_cast %add3A_591 : i32 to index
        %get3A_593 = arith.constant 48 : index
        %get3A_594 = tpu.vector_load %arg11[%get3A_592, %get3A_593] {strides = array<i32>} : memref<240x128xf32, #tpu.memory_space<vmem>>, vector<1x16xf32>,
        %get3A_595 = vector.shape_cast %get3A_594 : vector<1x16xf32> to vector<16xf32>
        %add3A_596 = arith.constant 40 : i32
        %add3A_597 = arith.addi %mul3A_138, %add3A_596 : i32
        %add3A_598 = arith.addi %add3A_597, %add3A_199 : i32
        %get3A_599 = arith.index_cast %add3A_598 : i32 to index
        %get3A_600 = arith.constant 48 : index
        %get3A_601 = tpu.vector_load %arg11[%get3A_599, %get3A_600] {strides = array<i32>} : memref<240x128xf32, #tpu.memory_space<vmem>>, vector<1x16xf32>,
        %get3A_602 = vector.shape_cast %get3A_601 : vector<1x16xf32> to vector<16xf32>
        %mul3A_603 = arith.mulf %get3A_595, %get3A_602 : vector<16xf32>
        %add3A_604 = arith.addf %add3A_492, %mul3A_603 : vector<16xf32>
        %add3A_605 = arith.addi %mul3A_138, %add3A_203 : i32
        %get3A_606 = arith.index_cast %add3A_605 : i32 to index
        %get3A_607 = arith.constant 48 : index
        %get3A_608 = tpu.vector_load %arg11[%get3A_606, %get3A_607] {strides = array<i32>} : memref<240x128xf32, #tpu.memory_space<vmem>>, vector<1x16xf32>,
        %get3A_609 = vector.shape_cast %get3A_608 : vector<1x16xf32> to vector<16xf32>
        %add3A_610 = arith.constant 40 : i32
        %add3A_611 = arith.addi %mul3A_138, %add3A_610 : i32
        %add3A_612 = arith.addi %add3A_611, %add3A_203 : i32
        %get3A_613 = arith.index_cast %add3A_612 : i32 to index
        %get3A_614 = arith.constant 48 : index
        %get3A_615 = tpu.vector_load %arg11[%get3A_613, %get3A_614] {strides = array<i32>} : memref<240x128xf32, #tpu.memory_space<vmem>>, vector<1x16xf32>,
        %get3A_616 = vector.shape_cast %get3A_615 : vector<1x16xf32> to vector<16xf32>
        %mul3A_617 = arith.mulf %get3A_609, %get3A_616 : vector<16xf32>
        %add3A_618 = arith.addf %add3A_506, %mul3A_617 : vector<16xf32>
        %add3A_619 = arith.addi %mul3A_138, %add3A_207 : i32
        %get3A_620 = arith.index_cast %add3A_619 : i32 to index
        %get3A_621 = arith.constant 48 : index
        %get3A_622 = tpu.vector_load %arg11[%get3A_620, %get3A_621] {strides = array<i32>} : memref<240x128xf32, #tpu.memory_space<vmem>>, vector<1x16xf32>,
        %get3A_623 = vector.shape_cast %get3A_622 : vector<1x16xf32> to vector<16xf32>
        %add3A_624 = arith.constant 40 : i32
        %add3A_625 = arith.addi %mul3A_138, %add3A_624 : i32
        %add3A_626 = arith.addi %add3A_625, %add3A_207 : i32
        %get3A_627 = arith.index_cast %add3A_626 : i32 to index
        %get3A_628 = arith.constant 48 : index
        %get3A_629 = tpu.vector_load %arg11[%get3A_627, %get3A_628] {strides = array<i32>} : memref<240x128xf32, #tpu.memory_space<vmem>>, vector<1x16xf32>,
        %get3A_630 = vector.shape_cast %get3A_629 : vector<1x16xf32> to vector<16xf32>
        %mul3A_631 = arith.mulf %get3A_623, %get3A_630 : vector<16xf32>
        %add3A_632 = arith.addf %add3A_520, %mul3A_631 : vector<16xf32>
        %add3A_633 = arith.addi %mul3A_138, %add3A_211 : i32
        %get3A_634 = arith.index_cast %add3A_633 : i32 to index
        %get3A_635 = arith.constant 48 : index
        %get3A_636 = tpu.vector_load %arg11[%get3A_634, %get3A_635] {strides = array<i32>} : memref<240x128xf32, #tpu.memory_space<vmem>>, vector<1x16xf32>,
        %get3A_637 = vector.shape_cast %get3A_636 : vector<1x16xf32> to vector<16xf32>
        %add3A_638 = arith.constant 40 : i32
        %add3A_639 = arith.addi %mul3A_138, %add3A_638 : i32
        %add3A_640 = arith.addi %add3A_639, %add3A_211 : i32
        %get3A_641 = arith.index_cast %add3A_640 : i32 to index
        %get3A_642 = arith.constant 48 : index
        %get3A_643 = tpu.vector_load %arg11[%get3A_641, %get3A_642] {strides = array<i32>} : memref<240x128xf32, #tpu.memory_space<vmem>>, vector<1x16xf32>,
        %get3A_644 = vector.shape_cast %get3A_643 : vector<1x16xf32> to vector<16xf32>
        %mul3A_645 = arith.mulf %get3A_637, %get3A_644 : vector<16xf32>
        %add3A_646 = arith.addf %add3A_534, %mul3A_645 : vector<16xf32>
        %add3A_647 = arith.addi %mul3A_138, %add3A_215 : i32
        %get3A_648 = arith.index_cast %add3A_647 : i32 to index
        %get3A_649 = arith.constant 48 : index
        %get3A_650 = tpu.vector_load %arg11[%get3A_648, %get3A_649] {strides = array<i32>} : memref<240x128xf32, #tpu.memory_space<vmem>>, vector<1x16xf32>,
        %get3A_651 = vector.shape_cast %get3A_650 : vector<1x16xf32> to vector<16xf32>
        %add3A_652 = arith.constant 40 : i32
        %add3A_653 = arith.addi %mul3A_138, %add3A_652 : i32
        %add3A_654 = arith.addi %add3A_653, %add3A_215 : i32
        %get3A_655 = arith.index_cast %add3A_654 : i32 to index
        %get3A_656 = arith.constant 48 : index
        %get3A_657 = tpu.vector_load %arg11[%get3A_655, %get3A_656] {strides = array<i32>} : memref<240x128xf32, #tpu.memory_space<vmem>>, vector<1x16xf32>,
        %get3A_658 = vector.shape_cast %get3A_657 : vector<1x16xf32> to vector<16xf32>
        %mul3A_659 = arith.mulf %get3A_651, %get3A_658 : vector<16xf32>
        %add3A_660 = arith.addf %add3A_548, %mul3A_659 : vector<16xf32>
        %add3A_661 = arith.addi %mul3A_138, %add3A_187 : i32
        %get3A_662 = arith.index_cast %add3A_661 : i32 to index
        %get3A_663 = arith.constant 64 : index
        %get3A_664 = tpu.vector_load %arg11[%get3A_662, %get3A_663] {strides = array<i32>} : memref<240x128xf32, #tpu.memory_space<vmem>>, vector<1x16xf32>,
        %get3A_665 = vector.shape_cast %get3A_664 : vector<1x16xf32> to vector<16xf32>
        %add3A_666 = arith.constant 40 : i32
        %add3A_667 = arith.addi %mul3A_138, %add3A_666 : i32
        %add3A_668 = arith.addi %add3A_667, %add3A_187 : i32
        %get3A_669 = arith.index_cast %add3A_668 : i32 to index
        %get3A_670 = arith.constant 64 : index
        %get3A_671 = tpu.vector_load %arg11[%get3A_669, %get3A_670] {strides = array<i32>} : memref<240x128xf32, #tpu.memory_space<vmem>>, vector<1x16xf32>,
        %get3A_672 = vector.shape_cast %get3A_671 : vector<1x16xf32> to vector<16xf32>
        %mul3A_673 = arith.mulf %get3A_665, %get3A_672 : vector<16xf32>
        %add3A_674 = arith.addf %add3A_562, %mul3A_673 : vector<16xf32>
        %add3A_675 = arith.addi %mul3A_138, %add3A_191 : i32
        %get3A_676 = arith.index_cast %add3A_675 : i32 to index
        %get3A_677 = arith.constant 64 : index
        %get3A_678 = tpu.vector_load %arg11[%get3A_676, %get3A_677] {strides = array<i32>} : memref<240x128xf32, #tpu.memory_space<vmem>>, vector<1x16xf32>,
        %get3A_679 = vector.shape_cast %get3A_678 : vector<1x16xf32> to vector<16xf32>
        %add3A_680 = arith.constant 40 : i32
        %add3A_681 = arith.addi %mul3A_138, %add3A_680 : i32
        %add3A_682 = arith.addi %add3A_681, %add3A_191 : i32
        %get3A_683 = arith.index_cast %add3A_682 : i32 to index
        %get3A_684 = arith.constant 64 : index
        %get3A_685 = tpu.vector_load %arg11[%get3A_683, %get3A_684] {strides = array<i32>} : memref<240x128xf32, #tpu.memory_space<vmem>>, vector<1x16xf32>,
        %get3A_686 = vector.shape_cast %get3A_685 : vector<1x16xf32> to vector<16xf32>
        %mul3A_687 = arith.mulf %get3A_679, %get3A_686 : vector<16xf32>
        %add3A_688 = arith.addf %add3A_576, %mul3A_687 : vector<16xf32>
        %add3A_689 = arith.addi %mul3A_138, %add3A_195 : i32
        %get3A_690 = arith.index_cast %add3A_689 : i32 to index
        %get3A_691 = arith.constant 64 : index
        %get3A_692 = tpu.vector_load %arg11[%get3A_690, %get3A_691] {strides = array<i32>} : memref<240x128xf32, #tpu.memory_space<vmem>>, vector<1x16xf32>,
        %get3A_693 = vector.shape_cast %get3A_692 : vector<1x16xf32> to vector<16xf32>
        %add3A_694 = arith.constant 40 : i32
        %add3A_695 = arith.addi %mul3A_138, %add3A_694 : i32
        %add3A_696 = arith.addi %add3A_695, %add3A_195 : i32
        %get3A_697 = arith.index_cast %add3A_696 : i32 to index
        %get3A_698 = arith.constant 64 : index
        %get3A_699 = tpu.vector_load %arg11[%get3A_697, %get3A_698] {strides = array<i32>} : memref<240x128xf32, #tpu.memory_space<vmem>>, vector<1x16xf32>,
        %get3A_700 = vector.shape_cast %get3A_699 : vector<1x16xf32> to vector<16xf32>
        %mul3A_701 = arith.mulf %get3A_693, %get3A_700 : vector<16xf32>
        %add3A_702 = arith.addf %add3A_590, %mul3A_701 : vector<16xf32>
        %add3A_703 = arith.addi %mul3A_138, %add3A_199 : i32
        %get3A_704 = arith.index_cast %add3A_703 : i32 to index
        %get3A_705 = arith.constant 64 : index
        %get3A_706 = tpu.vector_load %arg11[%get3A_704, %get3A_705] {strides = array<i32>} : memref<240x128xf32, #tpu.memory_space<vmem>>, vector<1x16xf32>,
        %get3A_707 = vector.shape_cast %get3A_706 : vector<1x16xf32> to vector<16xf32>
        %add3A_708 = arith.constant 40 : i32
        %add3A_709 = arith.addi %mul3A_138, %add3A_708 : i32
        %add3A_710 = arith.addi %add3A_709, %add3A_199 : i32
        %get3A_711 = arith.index_cast %add3A_710 : i32 to index
        %get3A_712 = arith.constant 64 : index
        %get3A_713 = tpu.vector_load %arg11[%get3A_711, %get3A_712] {strides = array<i32>} : memref<240x128xf32, #tpu.memory_space<vmem>>, vector<1x16xf32>,
        %get3A_714 = vector.shape_cast %get3A_713 : vector<1x16xf32> to vector<16xf32>
        %mul3A_715 = arith.mulf %get3A_707, %get3A_714 : vector<16xf32>
        %add3A_716 = arith.addf %add3A_604, %mul3A_715 : vector<16xf32>
        %add3A_717 = arith.addi %mul3A_138, %add3A_203 : i32
        %get3A_718 = arith.index_cast %add3A_717 : i32 to index
        %get3A_719 = arith.constant 64 : index
        %get3A_720 = tpu.vector_load %arg11[%get3A_718, %get3A_719] {strides = array<i32>} : memref<240x128xf32, #tpu.memory_space<vmem>>, vector<1x16xf32>,
        %get3A_721 = vector.shape_cast %get3A_720 : vector<1x16xf32> to vector<16xf32>
        %add3A_722 = arith.constant 40 : i32
        %add3A_723 = arith.addi %mul3A_138, %add3A_722 : i32
        %add3A_724 = arith.addi %add3A_723, %add3A_203 : i32
        %get3A_725 = arith.index_cast %add3A_724 : i32 to index
        %get3A_726 = arith.constant 64 : index
        %get3A_727 = tpu.vector_load %arg11[%get3A_725, %get3A_726] {strides = array<i32>} : memref<240x128xf32, #tpu.memory_space<vmem>>, vector<1x16xf32>,
        %get3A_728 = vector.shape_cast %get3A_727 : vector<1x16xf32> to vector<16xf32>
        %mul3A_729 = arith.mulf %get3A_721, %get3A_728 : vector<16xf32>
        %add3A_730 = arith.addf %add3A_618, %mul3A_729 : vector<16xf32>
        %add3A_731 = arith.addi %mul3A_138, %add3A_207 : i32
        %get3A_732 = arith.index_cast %add3A_731 : i32 to index
        %get3A_733 = arith.constant 64 : index
        %get3A_734 = tpu.vector_load %arg11[%get3A_732, %get3A_733] {strides = array<i32>} : memref<240x128xf32, #tpu.memory_space<vmem>>, vector<1x16xf32>,
        %get3A_735 = vector.shape_cast %get3A_734 : vector<1x16xf32> to vector<16xf32>
        %add3A_736 = arith.constant 40 : i32
        %add3A_737 = arith.addi %mul3A_138, %add3A_736 : i32
        %add3A_738 = arith.addi %add3A_737, %add3A_207 : i32
        %get3A_739 = arith.index_cast %add3A_738 : i32 to index
        %get3A_740 = arith.constant 64 : index
        %get3A_741 = tpu.vector_load %arg11[%get3A_739, %get3A_740] {strides = array<i32>} : memref<240x128xf32, #tpu.memory_space<vmem>>, vector<1x16xf32>,
        %get3A_742 = vector.shape_cast %get3A_741 : vector<1x16xf32> to vector<16xf32>
        %mul3A_743 = arith.mulf %get3A_735, %get3A_742 : vector<16xf32>
        %add3A_744 = arith.addf %add3A_632, %mul3A_743 : vector<16xf32>
        %add3A_745 = arith.addi %mul3A_138, %add3A_211 : i32
        %get3A_746 = arith.index_cast %add3A_745 : i32 to index
        %get3A_747 = arith.constant 64 : index
        %get3A_748 = tpu.vector_load %arg11[%get3A_746, %get3A_747] {strides = array<i32>} : memref<240x128xf32, #tpu.memory_space<vmem>>, vector<1x16xf32>,
        %get3A_749 = vector.shape_cast %get3A_748 : vector<1x16xf32> to vector<16xf32>
        %add3A_750 = arith.constant 40 : i32
        %add3A_751 = arith.addi %mul3A_138, %add3A_750 : i32
        %add3A_752 = arith.addi %add3A_751, %add3A_211 : i32
        %get3A_753 = arith.index_cast %add3A_752 : i32 to index
        %get3A_754 = arith.constant 64 : index
        %get3A_755 = tpu.vector_load %arg11[%get3A_753, %get3A_754] {strides = array<i32>} : memref<240x128xf32, #tpu.memory_space<vmem>>, vector<1x16xf32>,
        %get3A_756 = vector.shape_cast %get3A_755 : vector<1x16xf32> to vector<16xf32>
        %mul3A_757 = arith.mulf %get3A_749, %get3A_756 : vector<16xf32>
        %add3A_758 = arith.addf %add3A_646, %mul3A_757 : vector<16xf32>
        %add3A_759 = arith.addi %mul3A_138, %add3A_215 : i32
        %get3A_760 = arith.index_cast %add3A_759 : i32 to index
        %get3A_761 = arith.constant 64 : index
        %get3A_762 = tpu.vector_load %arg11[%get3A_760, %get3A_761] {strides = array<i32>} : memref<240x128xf32, #tpu.memory_space<vmem>>, vector<1x16xf32>,
        %get3A_763 = vector.shape_cast %get3A_762 : vector<1x16xf32> to vector<16xf32>
        %add3A_764 = arith.constant 40 : i32
        %add3A_765 = arith.addi %mul3A_138, %add3A_764 : i32
        %add3A_766 = arith.addi %add3A_765, %add3A_215 : i32
        %get3A_767 = arith.index_cast %add3A_766 : i32 to index
        %get3A_768 = arith.constant 64 : index
        %get3A_769 = tpu.vector_load %arg11[%get3A_767, %get3A_768] {strides = array<i32>} : memref<240x128xf32, #tpu.memory_space<vmem>>, vector<1x16xf32>,
        %get3A_770 = vector.shape_cast %get3A_769 : vector<1x16xf32> to vector<16xf32>
        %mul3A_771 = arith.mulf %get3A_763, %get3A_770 : vector<16xf32>
        %add3A_772 = arith.addf %add3A_660, %mul3A_771 : vector<16xf32>
        %add3A_773 = arith.addi %mul3A_138, %add3A_187 : i32
        %get3A_774 = arith.index_cast %add3A_773 : i32 to index
        %get3A_775 = arith.constant 80 : index
        %get3A_776 = tpu.vector_load %arg11[%get3A_774, %get3A_775] {strides = array<i32>} : memref<240x128xf32, #tpu.memory_space<vmem>>, vector<1x16xf32>,
        %get3A_777 = vector.shape_cast %get3A_776 : vector<1x16xf32> to vector<16xf32>
        %add3A_778 = arith.constant 40 : i32
        %add3A_779 = arith.addi %mul3A_138, %add3A_778 : i32
        %add3A_780 = arith.addi %add3A_779, %add3A_187 : i32
        %get3A_781 = arith.index_cast %add3A_780 : i32 to index
        %get3A_782 = arith.constant 80 : index
        %get3A_783 = tpu.vector_load %arg11[%get3A_781, %get3A_782] {strides = array<i32>} : memref<240x128xf32, #tpu.memory_space<vmem>>, vector<1x16xf32>,
        %get3A_784 = vector.shape_cast %get3A_783 : vector<1x16xf32> to vector<16xf32>
        %mul3A_785 = arith.mulf %get3A_777, %get3A_784 : vector<16xf32>
        %add3A_786 = arith.addf %add3A_674, %mul3A_785 : vector<16xf32>
        %add3A_787 = arith.addi %mul3A_138, %add3A_191 : i32
        %get3A_788 = arith.index_cast %add3A_787 : i32 to index
        %get3A_789 = arith.constant 80 : index
        %get3A_790 = tpu.vector_load %arg11[%get3A_788, %get3A_789] {strides = array<i32>} : memref<240x128xf32, #tpu.memory_space<vmem>>, vector<1x16xf32>,
        %get3A_791 = vector.shape_cast %get3A_790 : vector<1x16xf32> to vector<16xf32>
        %add3A_792 = arith.constant 40 : i32
        %add3A_793 = arith.addi %mul3A_138, %add3A_792 : i32
        %add3A_794 = arith.addi %add3A_793, %add3A_191 : i32
        %get3A_795 = arith.index_cast %add3A_794 : i32 to index
        %get3A_796 = arith.constant 80 : index
        %get3A_797 = tpu.vector_load %arg11[%get3A_795, %get3A_796] {strides = array<i32>} : memref<240x128xf32, #tpu.memory_space<vmem>>, vector<1x16xf32>,
        %get3A_798 = vector.shape_cast %get3A_797 : vector<1x16xf32> to vector<16xf32>
        %mul3A_799 = arith.mulf %get3A_791, %get3A_798 : vector<16xf32>
        %add3A_800 = arith.addf %add3A_688, %mul3A_799 : vector<16xf32>
        %add3A_801 = arith.addi %mul3A_138, %add3A_195 : i32
        %get3A_802 = arith.index_cast %add3A_801 : i32 to index
        %get3A_803 = arith.constant 80 : index
        %get3A_804 = tpu.vector_load %arg11[%get3A_802, %get3A_803] {strides = array<i32>} : memref<240x128xf32, #tpu.memory_space<vmem>>, vector<1x16xf32>,
        %get3A_805 = vector.shape_cast %get3A_804 : vector<1x16xf32> to vector<16xf32>
        %add3A_806 = arith.constant 40 : i32
        %add3A_807 = arith.addi %mul3A_138, %add3A_806 : i32
        %add3A_808 = arith.addi %add3A_807, %add3A_195 : i32
        %get3A_809 = arith.index_cast %add3A_808 : i32 to index
        %get3A_810 = arith.constant 80 : index
        %get3A_811 = tpu.vector_load %arg11[%get3A_809, %get3A_810] {strides = array<i32>} : memref<240x128xf32, #tpu.memory_space<vmem>>, vector<1x16xf32>,
        %get3A_812 = vector.shape_cast %get3A_811 : vector<1x16xf32> to vector<16xf32>
        %mul3A_813 = arith.mulf %get3A_805, %get3A_812 : vector<16xf32>
        %add3A_814 = arith.addf %add3A_702, %mul3A_813 : vector<16xf32>
        %add3A_815 = arith.addi %mul3A_138, %add3A_199 : i32
        %get3A_816 = arith.index_cast %add3A_815 : i32 to index
        %get3A_817 = arith.constant 80 : index
        %get3A_818 = tpu.vector_load %arg11[%get3A_816, %get3A_817] {strides = array<i32>} : memref<240x128xf32, #tpu.memory_space<vmem>>, vector<1x16xf32>,
        %get3A_819 = vector.shape_cast %get3A_818 : vector<1x16xf32> to vector<16xf32>
        %add3A_820 = arith.constant 40 : i32
        %add3A_821 = arith.addi %mul3A_138, %add3A_820 : i32
        %add3A_822 = arith.addi %add3A_821, %add3A_199 : i32
        %get3A_823 = arith.index_cast %add3A_822 : i32 to index
        %get3A_824 = arith.constant 80 : index
        %get3A_825 = tpu.vector_load %arg11[%get3A_823, %get3A_824] {strides = array<i32>} : memref<240x128xf32, #tpu.memory_space<vmem>>, vector<1x16xf32>,
        %get3A_826 = vector.shape_cast %get3A_825 : vector<1x16xf32> to vector<16xf32>
        %mul3A_827 = arith.mulf %get3A_819, %get3A_826 : vector<16xf32>
        %add3A_828 = arith.addf %add3A_716, %mul3A_827 : vector<16xf32>
        %add3A_829 = arith.addi %mul3A_138, %add3A_203 : i32
        %get3A_830 = arith.index_cast %add3A_829 : i32 to index
        %get3A_831 = arith.constant 80 : index
        %get3A_832 = tpu.vector_load %arg11[%get3A_830, %get3A_831] {strides = array<i32>} : memref<240x128xf32, #tpu.memory_space<vmem>>, vector<1x16xf32>,
        %get3A_833 = vector.shape_cast %get3A_832 : vector<1x16xf32> to vector<16xf32>
        %add3A_834 = arith.constant 40 : i32
        %add3A_835 = arith.addi %mul3A_138, %add3A_834 : i32
        %add3A_836 = arith.addi %add3A_835, %add3A_203 : i32
        %get3A_837 = arith.index_cast %add3A_836 : i32 to index
        %get3A_838 = arith.constant 80 : index
        %get3A_839 = tpu.vector_load %arg11[%get3A_837, %get3A_838] {strides = array<i32>} : memref<240x128xf32, #tpu.memory_space<vmem>>, vector<1x16xf32>,
        %get3A_840 = vector.shape_cast %get3A_839 : vector<1x16xf32> to vector<16xf32>
        %mul3A_841 = arith.mulf %get3A_833, %get3A_840 : vector<16xf32>
        %add3A_842 = arith.addf %add3A_730, %mul3A_841 : vector<16xf32>
        %add3A_843 = arith.addi %mul3A_138, %add3A_207 : i32
        %get3A_844 = arith.index_cast %add3A_843 : i32 to index
        %get3A_845 = arith.constant 80 : index
        %get3A_846 = tpu.vector_load %arg11[%get3A_844, %get3A_845] {strides = array<i32>} : memref<240x128xf32, #tpu.memory_space<vmem>>, vector<1x16xf32>,
        %get3A_847 = vector.shape_cast %get3A_846 : vector<1x16xf32> to vector<16xf32>
        %add3A_848 = arith.constant 40 : i32
        %add3A_849 = arith.addi %mul3A_138, %add3A_848 : i32
        %add3A_850 = arith.addi %add3A_849, %add3A_207 : i32
        %get3A_851 = arith.index_cast %add3A_850 : i32 to index
        %get3A_852 = arith.constant 80 : index
        %get3A_853 = tpu.vector_load %arg11[%get3A_851, %get3A_852] {strides = array<i32>} : memref<240x128xf32, #tpu.memory_space<vmem>>, vector<1x16xf32>,
        %get3A_854 = vector.shape_cast %get3A_853 : vector<1x16xf32> to vector<16xf32>
        %mul3A_855 = arith.mulf %get3A_847, %get3A_854 : vector<16xf32>
        %add3A_856 = arith.addf %add3A_744, %mul3A_855 : vector<16xf32>
        %add3A_857 = arith.addi %mul3A_138, %add3A_211 : i32
        %get3A_858 = arith.index_cast %add3A_857 : i32 to index
        %get3A_859 = arith.constant 80 : index
        %get3A_860 = tpu.vector_load %arg11[%get3A_858, %get3A_859] {strides = array<i32>} : memref<240x128xf32, #tpu.memory_space<vmem>>, vector<1x16xf32>,
        %get3A_861 = vector.shape_cast %get3A_860 : vector<1x16xf32> to vector<16xf32>
        %add3A_862 = arith.constant 40 : i32
        %add3A_863 = arith.addi %mul3A_138, %add3A_862 : i32
        %add3A_864 = arith.addi %add3A_863, %add3A_211 : i32
        %get3A_865 = arith.index_cast %add3A_864 : i32 to index
        %get3A_866 = arith.constant 80 : index
        %get3A_867 = tpu.vector_load %arg11[%get3A_865, %get3A_866] {strides = array<i32>} : memref<240x128xf32, #tpu.memory_space<vmem>>, vector<1x16xf32>,
        %get3A_868 = vector.shape_cast %get3A_867 : vector<1x16xf32> to vector<16xf32>
        %mul3A_869 = arith.mulf %get3A_861, %get3A_868 : vector<16xf32>
        %add3A_870 = arith.addf %add3A_758, %mul3A_869 : vector<16xf32>
        %add3A_871 = arith.addi %mul3A_138, %add3A_215 : i32
        %get3A_872 = arith.index_cast %add3A_871 : i32 to index
        %get3A_873 = arith.constant 80 : index
        %get3A_874 = tpu.vector_load %arg11[%get3A_872, %get3A_873] {strides = array<i32>} : memref<240x128xf32, #tpu.memory_space<vmem>>, vector<1x16xf32>,
        %get3A_875 = vector.shape_cast %get3A_874 : vector<1x16xf32> to vector<16xf32>
        %add3A_876 = arith.constant 40 : i32
        %add3A_877 = arith.addi %mul3A_138, %add3A_876 : i32
        %add3A_878 = arith.addi %add3A_877, %add3A_215 : i32
        %get3A_879 = arith.index_cast %add3A_878 : i32 to index
        %get3A_880 = arith.constant 80 : index
        %get3A_881 = tpu.vector_load %arg11[%get3A_879, %get3A_880] {strides = array<i32>} : memref<240x128xf32, #tpu.memory_space<vmem>>, vector<1x16xf32>,
        %get3A_882 = vector.shape_cast %get3A_881 : vector<1x16xf32> to vector<16xf32>
        %mul3A_883 = arith.mulf %get3A_875, %get3A_882 : vector<16xf32>
        %add3A_884 = arith.addf %add3A_772, %mul3A_883 : vector<16xf32>
        %add3A_885 = arith.addi %mul3A_138, %add3A_187 : i32
        %get3A_886 = arith.index_cast %add3A_885 : i32 to index
        %get3A_887 = arith.constant 96 : index
        %get3A_888 = tpu.vector_load %arg11[%get3A_886, %get3A_887] {strides = array<i32>} : memref<240x128xf32, #tpu.memory_space<vmem>>, vector<1x16xf32>,
        %get3A_889 = vector.shape_cast %get3A_888 : vector<1x16xf32> to vector<16xf32>
        %add3A_890 = arith.constant 40 : i32
        %add3A_891 = arith.addi %mul3A_138, %add3A_890 : i32
        %add3A_892 = arith.addi %add3A_891, %add3A_187 : i32
        %get3A_893 = arith.index_cast %add3A_892 : i32 to index
        %get3A_894 = arith.constant 96 : index
        %get3A_895 = tpu.vector_load %arg11[%get3A_893, %get3A_894] {strides = array<i32>} : memref<240x128xf32, #tpu.memory_space<vmem>>, vector<1x16xf32>,
        %get3A_896 = vector.shape_cast %get3A_895 : vector<1x16xf32> to vector<16xf32>
        %mul3A_897 = arith.mulf %get3A_889, %get3A_896 : vector<16xf32>
        %add3A_898 = arith.addf %add3A_786, %mul3A_897 : vector<16xf32>
        %add3A_899 = arith.addi %mul3A_138, %add3A_191 : i32
        %get3A_900 = arith.index_cast %add3A_899 : i32 to index
        %get3A_901 = arith.constant 96 : index
        %get3A_902 = tpu.vector_load %arg11[%get3A_900, %get3A_901] {strides = array<i32>} : memref<240x128xf32, #tpu.memory_space<vmem>>, vector<1x16xf32>,
        %get3A_903 = vector.shape_cast %get3A_902 : vector<1x16xf32> to vector<16xf32>
        %add3A_904 = arith.constant 40 : i32
        %add3A_905 = arith.addi %mul3A_138, %add3A_904 : i32
        %add3A_906 = arith.addi %add3A_905, %add3A_191 : i32
        %get3A_907 = arith.index_cast %add3A_906 : i32 to index
        %get3A_908 = arith.constant 96 : index
        %get3A_909 = tpu.vector_load %arg11[%get3A_907, %get3A_908] {strides = array<i32>} : memref<240x128xf32, #tpu.memory_space<vmem>>, vector<1x16xf32>,
        %get3A_910 = vector.shape_cast %get3A_909 : vector<1x16xf32> to vector<16xf32>
        %mul3A_911 = arith.mulf %get3A_903, %get3A_910 : vector<16xf32>
        %add3A_912 = arith.addf %add3A_800, %mul3A_911 : vector<16xf32>
        %add3A_913 = arith.addi %mul3A_138, %add3A_195 : i32
        %get3A_914 = arith.index_cast %add3A_913 : i32 to index
        %get3A_915 = arith.constant 96 : index
        %get3A_916 = tpu.vector_load %arg11[%get3A_914, %get3A_915] {strides = array<i32>} : memref<240x128xf32, #tpu.memory_space<vmem>>, vector<1x16xf32>,
        %get3A_917 = vector.shape_cast %get3A_916 : vector<1x16xf32> to vector<16xf32>
        %add3A_918 = arith.constant 40 : i32
        %add3A_919 = arith.addi %mul3A_138, %add3A_918 : i32
        %add3A_920 = arith.addi %add3A_919, %add3A_195 : i32
        %get3A_921 = arith.index_cast %add3A_920 : i32 to index
        %get3A_922 = arith.constant 96 : index
        %get3A_923 = tpu.vector_load %arg11[%get3A_921, %get3A_922] {strides = array<i32>} : memref<240x128xf32, #tpu.memory_space<vmem>>, vector<1x16xf32>,
        %get3A_924 = vector.shape_cast %get3A_923 : vector<1x16xf32> to vector<16xf32>
        %mul3A_925 = arith.mulf %get3A_917, %get3A_924 : vector<16xf32>
        %add3A_926 = arith.addf %add3A_814, %mul3A_925 : vector<16xf32>
        %add3A_927 = arith.addi %mul3A_138, %add3A_199 : i32
        %get3A_928 = arith.index_cast %add3A_927 : i32 to index
        %get3A_929 = arith.constant 96 : index
        %get3A_930 = tpu.vector_load %arg11[%get3A_928, %get3A_929] {strides = array<i32>} : memref<240x128xf32, #tpu.memory_space<vmem>>, vector<1x16xf32>,
        %get3A_931 = vector.shape_cast %get3A_930 : vector<1x16xf32> to vector<16xf32>
        %add3A_932 = arith.constant 40 : i32
        %add3A_933 = arith.addi %mul3A_138, %add3A_932 : i32
        %add3A_934 = arith.addi %add3A_933, %add3A_199 : i32
        %get3A_935 = arith.index_cast %add3A_934 : i32 to index
        %get3A_936 = arith.constant 96 : index
        %get3A_937 = tpu.vector_load %arg11[%get3A_935, %get3A_936] {strides = array<i32>} : memref<240x128xf32, #tpu.memory_space<vmem>>, vector<1x16xf32>,
        %get3A_938 = vector.shape_cast %get3A_937 : vector<1x16xf32> to vector<16xf32>
        %mul3A_939 = arith.mulf %get3A_931, %get3A_938 : vector<16xf32>
        %add3A_940 = arith.addf %add3A_828, %mul3A_939 : vector<16xf32>
        %add3A_941 = arith.addi %mul3A_138, %add3A_203 : i32
        %get3A_942 = arith.index_cast %add3A_941 : i32 to index
        %get3A_943 = arith.constant 96 : index
        %get3A_944 = tpu.vector_load %arg11[%get3A_942, %get3A_943] {strides = array<i32>} : memref<240x128xf32, #tpu.memory_space<vmem>>, vector<1x16xf32>,
        %get3A_945 = vector.shape_cast %get3A_944 : vector<1x16xf32> to vector<16xf32>
        %add3A_946 = arith.constant 40 : i32
        %add3A_947 = arith.addi %mul3A_138, %add3A_946 : i32
        %add3A_948 = arith.addi %add3A_947, %add3A_203 : i32
        %get3A_949 = arith.index_cast %add3A_948 : i32 to index
        %get3A_950 = arith.constant 96 : index
        %get3A_951 = tpu.vector_load %arg11[%get3A_949, %get3A_950] {strides = array<i32>} : memref<240x128xf32, #tpu.memory_space<vmem>>, vector<1x16xf32>,
        %get3A_952 = vector.shape_cast %get3A_951 : vector<1x16xf32> to vector<16xf32>
        %mul3A_953 = arith.mulf %get3A_945, %get3A_952 : vector<16xf32>
        %add3A_954 = arith.addf %add3A_842, %mul3A_953 : vector<16xf32>
        %add3A_955 = arith.addi %mul3A_138, %add3A_207 : i32
        %get3A_956 = arith.index_cast %add3A_955 : i32 to index
        %get3A_957 = arith.constant 96 : index
        %get3A_958 = tpu.vector_load %arg11[%get3A_956, %get3A_957] {strides = array<i32>} : memref<240x128xf32, #tpu.memory_space<vmem>>, vector<1x16xf32>,
        %get3A_959 = vector.shape_cast %get3A_958 : vector<1x16xf32> to vector<16xf32>
        %add3A_960 = arith.constant 40 : i32
        %add3A_961 = arith.addi %mul3A_138, %add3A_960 : i32
        %add3A_962 = arith.addi %add3A_961, %add3A_207 : i32
        %get3A_963 = arith.index_cast %add3A_962 : i32 to index
        %get3A_964 = arith.constant 96 : index
        %get3A_965 = tpu.vector_load %arg11[%get3A_963, %get3A_964] {strides = array<i32>} : memref<240x128xf32, #tpu.memory_space<vmem>>, vector<1x16xf32>,
        %get3A_966 = vector.shape_cast %get3A_965 : vector<1x16xf32> to vector<16xf32>
        %mul3A_967 = arith.mulf %get3A_959, %get3A_966 : vector<16xf32>
        %add3A_968 = arith.addf %add3A_856, %mul3A_967 : vector<16xf32>
        %add3A_969 = arith.addi %mul3A_138, %add3A_211 : i32
        %get3A_970 = arith.index_cast %add3A_969 : i32 to index
        %get3A_971 = arith.constant 96 : index
        %get3A_972 = tpu.vector_load %arg11[%get3A_970, %get3A_971] {strides = array<i32>} : memref<240x128xf32, #tpu.memory_space<vmem>>, vector<1x16xf32>,
        %get3A_973 = vector.shape_cast %get3A_972 : vector<1x16xf32> to vector<16xf32>
        %add3A_974 = arith.constant 40 : i32
        %add3A_975 = arith.addi %mul3A_138, %add3A_974 : i32
        %add3A_976 = arith.addi %add3A_975, %add3A_211 : i32
        %get3A_977 = arith.index_cast %add3A_976 : i32 to index
        %get3A_978 = arith.constant 96 : index
        %get3A_979 = tpu.vector_load %arg11[%get3A_977, %get3A_978] {strides = array<i32>} : memref<240x128xf32, #tpu.memory_space<vmem>>, vector<1x16xf32>,
        %get3A_980 = vector.shape_cast %get3A_979 : vector<1x16xf32> to vector<16xf32>
        %mul3A_981 = arith.mulf %get3A_973, %get3A_980 : vector<16xf32>
        %add3A_982 = arith.addf %add3A_870, %mul3A_981 : vector<16xf32>
        %add3A_983 = arith.addi %mul3A_138, %add3A_215 : i32
        %get3A_984 = arith.index_cast %add3A_983 : i32 to index
        %get3A_985 = arith.constant 96 : index
        %get3A_986 = tpu.vector_load %arg11[%get3A_984, %get3A_985] {strides = array<i32>} : memref<240x128xf32, #tpu.memory_space<vmem>>, vector<1x16xf32>,
        %get3A_987 = vector.shape_cast %get3A_986 : vector<1x16xf32> to vector<16xf32>
        %add3A_988 = arith.constant 40 : i32
        %add3A_989 = arith.addi %mul3A_138, %add3A_988 : i32
        %add3A_990 = arith.addi %add3A_989, %add3A_215 : i32
        %get3A_991 = arith.index_cast %add3A_990 : i32 to index
        %get3A_992 = arith.constant 96 : index
        %get3A_993 = tpu.vector_load %arg11[%get3A_991, %get3A_992] {strides = array<i32>} : memref<240x128xf32, #tpu.memory_space<vmem>>, vector<1x16xf32>,
        %get3A_994 = vector.shape_cast %get3A_993 : vector<1x16xf32> to vector<16xf32>
        %mul3A_995 = arith.mulf %get3A_987, %get3A_994 : vector<16xf32>
        %add3A_996 = arith.addf %add3A_884, %mul3A_995 : vector<16xf32>
        %add3A_997 = arith.addi %mul3A_138, %add3A_187 : i32
        %get3A_998 = arith.index_cast %add3A_997 : i32 to index
        %get3A_999 = arith.constant 112 : index
        %get3A_1000 = tpu.vector_load %arg11[%get3A_998, %get3A_999] {strides = array<i32>} : memref<240x128xf32, #tpu.memory_space<vmem>>, vector<1x16xf32>,
        %get3A_1001 = vector.shape_cast %get3A_1000 : vector<1x16xf32> to vector<16xf32>
        %add3A_1002 = arith.constant 40 : i32
        %add3A_1003 = arith.addi %mul3A_138, %add3A_1002 : i32
        %add3A_1004 = arith.addi %add3A_1003, %add3A_187 : i32
        %get3A_1005 = arith.index_cast %add3A_1004 : i32 to index
        %get3A_1006 = arith.constant 112 : index
        %get3A_1007 = tpu.vector_load %arg11[%get3A_1005, %get3A_1006] {strides = array<i32>} : memref<240x128xf32, #tpu.memory_space<vmem>>, vector<1x16xf32>,
        %get3A_1008 = vector.shape_cast %get3A_1007 : vector<1x16xf32> to vector<16xf32>
        %mul3A_1009 = arith.mulf %get3A_1001, %get3A_1008 : vector<16xf32>
        %add3A_1010 = arith.addf %add3A_898, %mul3A_1009 : vector<16xf32>
        %add3A_1011 = arith.addi %mul3A_138, %add3A_191 : i32
        %get3A_1012 = arith.index_cast %add3A_1011 : i32 to index
        %get3A_1013 = arith.constant 112 : index
        %get3A_1014 = tpu.vector_load %arg11[%get3A_1012, %get3A_1013] {strides = array<i32>} : memref<240x128xf32, #tpu.memory_space<vmem>>, vector<1x16xf32>,
        %get3A_1015 = vector.shape_cast %get3A_1014 : vector<1x16xf32> to vector<16xf32>
        %add3A_1016 = arith.constant 40 : i32
        %add3A_1017 = arith.addi %mul3A_138, %add3A_1016 : i32
        %add3A_1018 = arith.addi %add3A_1017, %add3A_191 : i32
        %get3A_1019 = arith.index_cast %add3A_1018 : i32 to index
        %get3A_1020 = arith.constant 112 : index
        %get3A_1021 = tpu.vector_load %arg11[%get3A_1019, %get3A_1020] {strides = array<i32>} : memref<240x128xf32, #tpu.memory_space<vmem>>, vector<1x16xf32>,
        %get3A_1022 = vector.shape_cast %get3A_1021 : vector<1x16xf32> to vector<16xf32>
        %mul3A_1023 = arith.mulf %get3A_1015, %get3A_1022 : vector<16xf32>
        %add3A_1024 = arith.addf %add3A_912, %mul3A_1023 : vector<16xf32>
        %add3A_1025 = arith.addi %mul3A_138, %add3A_195 : i32
        %get3A_1026 = arith.index_cast %add3A_1025 : i32 to index
        %get3A_1027 = arith.constant 112 : index
        %get3A_1028 = tpu.vector_load %arg11[%get3A_1026, %get3A_1027] {strides = array<i32>} : memref<240x128xf32, #tpu.memory_space<vmem>>, vector<1x16xf32>,
        %get3A_1029 = vector.shape_cast %get3A_1028 : vector<1x16xf32> to vector<16xf32>
        %add3A_1030 = arith.constant 40 : i32
        %add3A_1031 = arith.addi %mul3A_138, %add3A_1030 : i32
        %add3A_1032 = arith.addi %add3A_1031, %add3A_195 : i32
        %get3A_1033 = arith.index_cast %add3A_1032 : i32 to index
        %get3A_1034 = arith.constant 112 : index
        %get3A_1035 = tpu.vector_load %arg11[%get3A_1033, %get3A_1034] {strides = array<i32>} : memref<240x128xf32, #tpu.memory_space<vmem>>, vector<1x16xf32>,
        %get3A_1036 = vector.shape_cast %get3A_1035 : vector<1x16xf32> to vector<16xf32>
        %mul3A_1037 = arith.mulf %get3A_1029, %get3A_1036 : vector<16xf32>
        %add3A_1038 = arith.addf %add3A_926, %mul3A_1037 : vector<16xf32>
        %add3A_1039 = arith.addi %mul3A_138, %add3A_199 : i32
        %get3A_1040 = arith.index_cast %add3A_1039 : i32 to index
        %get3A_1041 = arith.constant 112 : index
        %get3A_1042 = tpu.vector_load %arg11[%get3A_1040, %get3A_1041] {strides = array<i32>} : memref<240x128xf32, #tpu.memory_space<vmem>>, vector<1x16xf32>,
        %get3A_1043 = vector.shape_cast %get3A_1042 : vector<1x16xf32> to vector<16xf32>
        %add3A_1044 = arith.constant 40 : i32
        %add3A_1045 = arith.addi %mul3A_138, %add3A_1044 : i32
        %add3A_1046 = arith.addi %add3A_1045, %add3A_199 : i32
        %get3A_1047 = arith.index_cast %add3A_1046 : i32 to index
        %get3A_1048 = arith.constant 112 : index
        %get3A_1049 = tpu.vector_load %arg11[%get3A_1047, %get3A_1048] {strides = array<i32>} : memref<240x128xf32, #tpu.memory_space<vmem>>, vector<1x16xf32>,
        %get3A_1050 = vector.shape_cast %get3A_1049 : vector<1x16xf32> to vector<16xf32>
        %mul3A_1051 = arith.mulf %get3A_1043, %get3A_1050 : vector<16xf32>
        %add3A_1052 = arith.addf %add3A_940, %mul3A_1051 : vector<16xf32>
        %add3A_1053 = arith.addi %mul3A_138, %add3A_203 : i32
        %get3A_1054 = arith.index_cast %add3A_1053 : i32 to index
        %get3A_1055 = arith.constant 112 : index
        %get3A_1056 = tpu.vector_load %arg11[%get3A_1054, %get3A_1055] {strides = array<i32>} : memref<240x128xf32, #tpu.memory_space<vmem>>, vector<1x16xf32>,
        %get3A_1057 = vector.shape_cast %get3A_1056 : vector<1x16xf32> to vector<16xf32>
        %add3A_1058 = arith.constant 40 : i32
        %add3A_1059 = arith.addi %mul3A_138, %add3A_1058 : i32
        %add3A_1060 = arith.addi %add3A_1059, %add3A_203 : i32
        %get3A_1061 = arith.index_cast %add3A_1060 : i32 to index
        %get3A_1062 = arith.constant 112 : index
        %get3A_1063 = tpu.vector_load %arg11[%get3A_1061, %get3A_1062] {strides = array<i32>} : memref<240x128xf32, #tpu.memory_space<vmem>>, vector<1x16xf32>,
        %get3A_1064 = vector.shape_cast %get3A_1063 : vector<1x16xf32> to vector<16xf32>
        %mul3A_1065 = arith.mulf %get3A_1057, %get3A_1064 : vector<16xf32>
        %add3A_1066 = arith.addf %add3A_954, %mul3A_1065 : vector<16xf32>
        %add3A_1067 = arith.addi %mul3A_138, %add3A_207 : i32
        %get3A_1068 = arith.index_cast %add3A_1067 : i32 to index
        %get3A_1069 = arith.constant 112 : index
        %get3A_1070 = tpu.vector_load %arg11[%get3A_1068, %get3A_1069] {strides = array<i32>} : memref<240x128xf32, #tpu.memory_space<vmem>>, vector<1x16xf32>,
        %get3A_1071 = vector.shape_cast %get3A_1070 : vector<1x16xf32> to vector<16xf32>
        %add3A_1072 = arith.constant 40 : i32
        %add3A_1073 = arith.addi %mul3A_138, %add3A_1072 : i32
        %add3A_1074 = arith.addi %add3A_1073, %add3A_207 : i32
        %get3A_1075 = arith.index_cast %add3A_1074 : i32 to index
        %get3A_1076 = arith.constant 112 : index
        %get3A_1077 = tpu.vector_load %arg11[%get3A_1075, %get3A_1076] {strides = array<i32>} : memref<240x128xf32, #tpu.memory_space<vmem>>, vector<1x16xf32>,
        %get3A_1078 = vector.shape_cast %get3A_1077 : vector<1x16xf32> to vector<16xf32>
        %mul3A_1079 = arith.mulf %get3A_1071, %get3A_1078 : vector<16xf32>
        %add3A_1080 = arith.addf %add3A_968, %mul3A_1079 : vector<16xf32>
        %add3A_1081 = arith.addi %mul3A_138, %add3A_211 : i32
        %get3A_1082 = arith.index_cast %add3A_1081 : i32 to index
        %get3A_1083 = arith.constant 112 : index
        %get3A_1084 = tpu.vector_load %arg11[%get3A_1082, %get3A_1083] {strides = array<i32>} : memref<240x128xf32, #tpu.memory_space<vmem>>, vector<1x16xf32>,
        %get3A_1085 = vector.shape_cast %get3A_1084 : vector<1x16xf32> to vector<16xf32>
        %add3A_1086 = arith.constant 40 : i32
        %add3A_1087 = arith.addi %mul3A_138, %add3A_1086 : i32
        %add3A_1088 = arith.addi %add3A_1087, %add3A_211 : i32
        %get3A_1089 = arith.index_cast %add3A_1088 : i32 to index
        %get3A_1090 = arith.constant 112 : index
        %get3A_1091 = tpu.vector_load %arg11[%get3A_1089, %get3A_1090] {strides = array<i32>} : memref<240x128xf32, #tpu.memory_space<vmem>>, vector<1x16xf32>,
        %get3A_1092 = vector.shape_cast %get3A_1091 : vector<1x16xf32> to vector<16xf32>
        %mul3A_1093 = arith.mulf %get3A_1085, %get3A_1092 : vector<16xf32>
        %add3A_1094 = arith.addf %add3A_982, %mul3A_1093 : vector<16xf32>
        %add3A_1095 = arith.addi %mul3A_138, %add3A_215 : i32
        %get3A_1096 = arith.index_cast %add3A_1095 : i32 to index
        %get3A_1097 = arith.constant 112 : index
        %get3A_1098 = tpu.vector_load %arg11[%get3A_1096, %get3A_1097] {strides = array<i32>} : memref<240x128xf32, #tpu.memory_space<vmem>>, vector<1x16xf32>,
        %get3A_1099 = vector.shape_cast %get3A_1098 : vector<1x16xf32> to vector<16xf32>
        %add3A_1100 = arith.constant 40 : i32
        %add3A_1101 = arith.addi %mul3A_138, %add3A_1100 : i32
        %add3A_1102 = arith.addi %add3A_1101, %add3A_215 : i32
        %get3A_1103 = arith.index_cast %add3A_1102 : i32 to index
        %get3A_1104 = arith.constant 112 : index
        %get3A_1105 = tpu.vector_load %arg11[%get3A_1103, %get3A_1104] {strides = array<i32>} : memref<240x128xf32, #tpu.memory_space<vmem>>, vector<1x16xf32>,
        %get3A_1106 = vector.shape_cast %get3A_1105 : vector<1x16xf32> to vector<16xf32>
        %mul3A_1107 = arith.mulf %get3A_1099, %get3A_1106 : vector<16xf32>
        %add3A_1108 = arith.addf %add3A_996, %mul3A_1107 : vector<16xf32>
        %xor3A = arith.constant 8 : i32
        %xor3A_1109 = vector.broadcast %xor3A : i32 to vector<16xi32>
        %xor3A_1110 = arith.xori %iota3A, %xor3A_1109 : vector<16xi32>
        %broadcast_in_dim3A_1111 = vector.shape_cast %xor3A_1110 : vector<16xi32> to vector<16x1xi32>
        %gather3A = vector.shape_cast %broadcast_in_dim3A_1111 : vector<16x1xi32> to vector<16xi32>
        %gather3A_1112 = tpu.dynamic_gather %add3A_1010[%gather3A] in [0] : vector<16xf32>, vector<16xi32> -> vector<16xf32>
        %add3A_1113 = arith.addf %add3A_1010, %gather3A_1112 : vector<16xf32>
        %xor3A_1114 = arith.constant 8 : i32
        %xor3A_1115 = vector.broadcast %xor3A_1114 : i32 to vector<16xi32>
        %xor3A_1116 = arith.xori %iota3A, %xor3A_1115 : vector<16xi32>
        %broadcast_in_dim3A_1117 = vector.shape_cast %xor3A_1116 : vector<16xi32> to vector<16x1xi32>
        %gather3A_1118 = vector.shape_cast %broadcast_in_dim3A_1117 : vector<16x1xi32> to vector<16xi32>
        %gather3A_1119 = tpu.dynamic_gather %add3A_1024[%gather3A_1118] in [0] : vector<16xf32>, vector<16xi32> -> vector<16xf32>
        %add3A_1120 = arith.addf %add3A_1024, %gather3A_1119 : vector<16xf32>
        %xor3A_1121 = arith.constant 8 : i32
        %xor3A_1122 = vector.broadcast %xor3A_1121 : i32 to vector<16xi32>
        %xor3A_1123 = arith.xori %iota3A, %xor3A_1122 : vector<16xi32>
        %broadcast_in_dim3A_1124 = vector.shape_cast %xor3A_1123 : vector<16xi32> to vector<16x1xi32>
        %gather3A_1125 = vector.shape_cast %broadcast_in_dim3A_1124 : vector<16x1xi32> to vector<16xi32>
        %gather3A_1126 = tpu.dynamic_gather %add3A_1038[%gather3A_1125] in [0] : vector<16xf32>, vector<16xi32> -> vector<16xf32>
        %add3A_1127 = arith.addf %add3A_1038, %gather3A_1126 : vector<16xf32>
        %xor3A_1128 = arith.constant 8 : i32
        %xor3A_1129 = vector.broadcast %xor3A_1128 : i32 to vector<16xi32>
        %xor3A_1130 = arith.xori %iota3A, %xor3A_1129 : vector<16xi32>
        %broadcast_in_dim3A_1131 = vector.shape_cast %xor3A_1130 : vector<16xi32> to vector<16x1xi32>
        %gather3A_1132 = vector.shape_cast %broadcast_in_dim3A_1131 : vector<16x1xi32> to vector<16xi32>
        %gather3A_1133 = tpu.dynamic_gather %add3A_1052[%gather3A_1132] in [0] : vector<16xf32>, vector<16xi32> -> vector<16xf32>
        %add3A_1134 = arith.addf %add3A_1052, %gather3A_1133 : vector<16xf32>
        %xor3A_1135 = arith.constant 8 : i32
        %xor3A_1136 = vector.broadcast %xor3A_1135 : i32 to vector<16xi32>
        %xor3A_1137 = arith.xori %iota3A, %xor3A_1136 : vector<16xi32>
        %broadcast_in_dim3A_1138 = vector.shape_cast %xor3A_1137 : vector<16xi32> to vector<16x1xi32>
        %gather3A_1139 = vector.shape_cast %broadcast_in_dim3A_1138 : vector<16x1xi32> to vector<16xi32>
        %gather3A_1140 = tpu.dynamic_gather %add3A_1066[%gather3A_1139] in [0] : vector<16xf32>, vector<16xi32> -> vector<16xf32>
        %add3A_1141 = arith.addf %add3A_1066, %gather3A_1140 : vector<16xf32>
        %xor3A_1142 = arith.constant 8 : i32
        %xor3A_1143 = vector.broadcast %xor3A_1142 : i32 to vector<16xi32>
        %xor3A_1144 = arith.xori %iota3A, %xor3A_1143 : vector<16xi32>
        %broadcast_in_dim3A_1145 = vector.shape_cast %xor3A_1144 : vector<16xi32> to vector<16x1xi32>
        %gather3A_1146 = vector.shape_cast %broadcast_in_dim3A_1145 : vector<16x1xi32> to vector<16xi32>
        %gather3A_1147 = tpu.dynamic_gather %add3A_1080[%gather3A_1146] in [0] : vector<16xf32>, vector<16xi32> -> vector<16xf32>
        %add3A_1148 = arith.addf %add3A_1080, %gather3A_1147 : vector<16xf32>
        %xor3A_1149 = arith.constant 8 : i32
        %xor3A_1150 = vector.broadcast %xor3A_1149 : i32 to vector<16xi32>
        %xor3A_1151 = arith.xori %iota3A, %xor3A_1150 : vector<16xi32>
        %broadcast_in_dim3A_1152 = vector.shape_cast %xor3A_1151 : vector<16xi32> to vector<16x1xi32>
        %gather3A_1153 = vector.shape_cast %broadcast_in_dim3A_1152 : vector<16x1xi32> to vector<16xi32>
        %gather3A_1154 = tpu.dynamic_gather %add3A_1094[%gather3A_1153] in [0] : vector<16xf32>, vector<16xi32> -> vector<16xf32>
        %add3A_1155 = arith.addf %add3A_1094, %gather3A_1154 : vector<16xf32>
        %xor3A_1156 = arith.constant 8 : i32
        %xor3A_1157 = vector.broadcast %xor3A_1156 : i32 to vector<16xi32>
        %xor3A_1158 = arith.xori %iota3A, %xor3A_1157 : vector<16xi32>
        %broadcast_in_dim3A_1159 = vector.shape_cast %xor3A_1158 : vector<16xi32> to vector<16x1xi32>
        %gather3A_1160 = vector.shape_cast %broadcast_in_dim3A_1159 : vector<16x1xi32> to vector<16xi32>
        %gather3A_1161 = tpu.dynamic_gather %add3A_1108[%gather3A_1160] in [0] : vector<16xf32>, vector<16xi32> -> vector<16xf32>
        %add3A_1162 = arith.addf %add3A_1108, %gather3A_1161 : vector<16xf32>
        %xor3A_1163 = arith.constant 4 : i32
        %xor3A_1164 = vector.broadcast %xor3A_1163 : i32 to vector<16xi32>
        %xor3A_1165 = arith.xori %iota3A, %xor3A_1164 : vector<16xi32>
        %broadcast_in_dim3A_1166 = vector.shape_cast %xor3A_1165 : vector<16xi32> to vector<16x1xi32>
        %gather3A_1167 = vector.shape_cast %broadcast_in_dim3A_1166 : vector<16x1xi32> to vector<16xi32>
        %gather3A_1168 = tpu.dynamic_gather %add3A_1113[%gather3A_1167] in [0] : vector<16xf32>, vector<16xi32> -> vector<16xf32>
        %add3A_1169 = arith.addf %add3A_1113, %gather3A_1168 : vector<16xf32>
        %xor3A_1170 = arith.constant 4 : i32
        %xor3A_1171 = vector.broadcast %xor3A_1170 : i32 to vector<16xi32>
        %xor3A_1172 = arith.xori %iota3A, %xor3A_1171 : vector<16xi32>
        %broadcast_in_dim3A_1173 = vector.shape_cast %xor3A_1172 : vector<16xi32> to vector<16x1xi32>
        %gather3A_1174 = vector.shape_cast %broadcast_in_dim3A_1173 : vector<16x1xi32> to vector<16xi32>
        %gather3A_1175 = tpu.dynamic_gather %add3A_1120[%gather3A_1174] in [0] : vector<16xf32>, vector<16xi32> -> vector<16xf32>
        %add3A_1176 = arith.addf %add3A_1120, %gather3A_1175 : vector<16xf32>
        %xor3A_1177 = arith.constant 4 : i32
        %xor3A_1178 = vector.broadcast %xor3A_1177 : i32 to vector<16xi32>
        %xor3A_1179 = arith.xori %iota3A, %xor3A_1178 : vector<16xi32>
        %broadcast_in_dim3A_1180 = vector.shape_cast %xor3A_1179 : vector<16xi32> to vector<16x1xi32>
        %gather3A_1181 = vector.shape_cast %broadcast_in_dim3A_1180 : vector<16x1xi32> to vector<16xi32>
        %gather3A_1182 = tpu.dynamic_gather %add3A_1127[%gather3A_1181] in [0] : vector<16xf32>, vector<16xi32> -> vector<16xf32>
        %add3A_1183 = arith.addf %add3A_1127, %gather3A_1182 : vector<16xf32>
        %xor3A_1184 = arith.constant 4 : i32
        %xor3A_1185 = vector.broadcast %xor3A_1184 : i32 to vector<16xi32>
        %xor3A_1186 = arith.xori %iota3A, %xor3A_1185 : vector<16xi32>
        %broadcast_in_dim3A_1187 = vector.shape_cast %xor3A_1186 : vector<16xi32> to vector<16x1xi32>
        %gather3A_1188 = vector.shape_cast %broadcast_in_dim3A_1187 : vector<16x1xi32> to vector<16xi32>
        %gather3A_1189 = tpu.dynamic_gather %add3A_1134[%gather3A_1188] in [0] : vector<16xf32>, vector<16xi32> -> vector<16xf32>
        %add3A_1190 = arith.addf %add3A_1134, %gather3A_1189 : vector<16xf32>
        %xor3A_1191 = arith.constant 4 : i32
        %xor3A_1192 = vector.broadcast %xor3A_1191 : i32 to vector<16xi32>
        %xor3A_1193 = arith.xori %iota3A, %xor3A_1192 : vector<16xi32>
        %broadcast_in_dim3A_1194 = vector.shape_cast %xor3A_1193 : vector<16xi32> to vector<16x1xi32>
        %gather3A_1195 = vector.shape_cast %broadcast_in_dim3A_1194 : vector<16x1xi32> to vector<16xi32>
        %gather3A_1196 = tpu.dynamic_gather %add3A_1141[%gather3A_1195] in [0] : vector<16xf32>, vector<16xi32> -> vector<16xf32>
        %add3A_1197 = arith.addf %add3A_1141, %gather3A_1196 : vector<16xf32>
        %xor3A_1198 = arith.constant 4 : i32
        %xor3A_1199 = vector.broadcast %xor3A_1198 : i32 to vector<16xi32>
        %xor3A_1200 = arith.xori %iota3A, %xor3A_1199 : vector<16xi32>
        %broadcast_in_dim3A_1201 = vector.shape_cast %xor3A_1200 : vector<16xi32> to vector<16x1xi32>
        %gather3A_1202 = vector.shape_cast %broadcast_in_dim3A_1201 : vector<16x1xi32> to vector<16xi32>
        %gather3A_1203 = tpu.dynamic_gather %add3A_1148[%gather3A_1202] in [0] : vector<16xf32>, vector<16xi32> -> vector<16xf32>
        %add3A_1204 = arith.addf %add3A_1148, %gather3A_1203 : vector<16xf32>
        %xor3A_1205 = arith.constant 4 : i32
        %xor3A_1206 = vector.broadcast %xor3A_1205 : i32 to vector<16xi32>
        %xor3A_1207 = arith.xori %iota3A, %xor3A_1206 : vector<16xi32>
        %broadcast_in_dim3A_1208 = vector.shape_cast %xor3A_1207 : vector<16xi32> to vector<16x1xi32>
        %gather3A_1209 = vector.shape_cast %broadcast_in_dim3A_1208 : vector<16x1xi32> to vector<16xi32>
        %gather3A_1210 = tpu.dynamic_gather %add3A_1155[%gather3A_1209] in [0] : vector<16xf32>, vector<16xi32> -> vector<16xf32>
        %add3A_1211 = arith.addf %add3A_1155, %gather3A_1210 : vector<16xf32>
        %xor3A_1212 = arith.constant 4 : i32
        %xor3A_1213 = vector.broadcast %xor3A_1212 : i32 to vector<16xi32>
        %xor3A_1214 = arith.xori %iota3A, %xor3A_1213 : vector<16xi32>
        %broadcast_in_dim3A_1215 = vector.shape_cast %xor3A_1214 : vector<16xi32> to vector<16x1xi32>
        %gather3A_1216 = vector.shape_cast %broadcast_in_dim3A_1215 : vector<16x1xi32> to vector<16xi32>
        %gather3A_1217 = tpu.dynamic_gather %add3A_1162[%gather3A_1216] in [0] : vector<16xf32>, vector<16xi32> -> vector<16xf32>
        %add3A_1218 = arith.addf %add3A_1162, %gather3A_1217 : vector<16xf32>
        %xor3A_1219 = arith.constant 2 : i32
        %xor3A_1220 = vector.broadcast %xor3A_1219 : i32 to vector<16xi32>
        %xor3A_1221 = arith.xori %iota3A, %xor3A_1220 : vector<16xi32>
        %broadcast_in_dim3A_1222 = vector.shape_cast %xor3A_1221 : vector<16xi32> to vector<16x1xi32>
        %gather3A_1223 = vector.shape_cast %broadcast_in_dim3A_1222 : vector<16x1xi32> to vector<16xi32>
        %gather3A_1224 = tpu.dynamic_gather %add3A_1169[%gather3A_1223] in [0] : vector<16xf32>, vector<16xi32> -> vector<16xf32>
        %add3A_1225 = arith.addf %add3A_1169, %gather3A_1224 : vector<16xf32>
        %xor3A_1226 = arith.constant 2 : i32
        %xor3A_1227 = vector.broadcast %xor3A_1226 : i32 to vector<16xi32>
        %xor3A_1228 = arith.xori %iota3A, %xor3A_1227 : vector<16xi32>
        %broadcast_in_dim3A_1229 = vector.shape_cast %xor3A_1228 : vector<16xi32> to vector<16x1xi32>
        %gather3A_1230 = vector.shape_cast %broadcast_in_dim3A_1229 : vector<16x1xi32> to vector<16xi32>
        %gather3A_1231 = tpu.dynamic_gather %add3A_1176[%gather3A_1230] in [0] : vector<16xf32>, vector<16xi32> -> vector<16xf32>
        %add3A_1232 = arith.addf %add3A_1176, %gather3A_1231 : vector<16xf32>
        %xor3A_1233 = arith.constant 2 : i32
        %xor3A_1234 = vector.broadcast %xor3A_1233 : i32 to vector<16xi32>
        %xor3A_1235 = arith.xori %iota3A, %xor3A_1234 : vector<16xi32>
        %broadcast_in_dim3A_1236 = vector.shape_cast %xor3A_1235 : vector<16xi32> to vector<16x1xi32>
        %gather3A_1237 = vector.shape_cast %broadcast_in_dim3A_1236 : vector<16x1xi32> to vector<16xi32>
        %gather3A_1238 = tpu.dynamic_gather %add3A_1183[%gather3A_1237] in [0] : vector<16xf32>, vector<16xi32> -> vector<16xf32>
        %add3A_1239 = arith.addf %add3A_1183, %gather3A_1238 : vector<16xf32>
        %xor3A_1240 = arith.constant 2 : i32
        %xor3A_1241 = vector.broadcast %xor3A_1240 : i32 to vector<16xi32>
        %xor3A_1242 = arith.xori %iota3A, %xor3A_1241 : vector<16xi32>
        %broadcast_in_dim3A_1243 = vector.shape_cast %xor3A_1242 : vector<16xi32> to vector<16x1xi32>
        %gather3A_1244 = vector.shape_cast %broadcast_in_dim3A_1243 : vector<16x1xi32> to vector<16xi32>
        %gather3A_1245 = tpu.dynamic_gather %add3A_1190[%gather3A_1244] in [0] : vector<16xf32>, vector<16xi32> -> vector<16xf32>
        %add3A_1246 = arith.addf %add3A_1190, %gather3A_1245 : vector<16xf32>
        %xor3A_1247 = arith.constant 2 : i32
        %xor3A_1248 = vector.broadcast %xor3A_1247 : i32 to vector<16xi32>
        %xor3A_1249 = arith.xori %iota3A, %xor3A_1248 : vector<16xi32>
        %broadcast_in_dim3A_1250 = vector.shape_cast %xor3A_1249 : vector<16xi32> to vector<16x1xi32>
        %gather3A_1251 = vector.shape_cast %broadcast_in_dim3A_1250 : vector<16x1xi32> to vector<16xi32>
        %gather3A_1252 = tpu.dynamic_gather %add3A_1197[%gather3A_1251] in [0] : vector<16xf32>, vector<16xi32> -> vector<16xf32>
        %add3A_1253 = arith.addf %add3A_1197, %gather3A_1252 : vector<16xf32>
        %xor3A_1254 = arith.constant 2 : i32
        %xor3A_1255 = vector.broadcast %xor3A_1254 : i32 to vector<16xi32>
        %xor3A_1256 = arith.xori %iota3A, %xor3A_1255 : vector<16xi32>
        %broadcast_in_dim3A_1257 = vector.shape_cast %xor3A_1256 : vector<16xi32> to vector<16x1xi32>
        %gather3A_1258 = vector.shape_cast %broadcast_in_dim3A_1257 : vector<16x1xi32> to vector<16xi32>
        %gather3A_1259 = tpu.dynamic_gather %add3A_1204[%gather3A_1258] in [0] : vector<16xf32>, vector<16xi32> -> vector<16xf32>
        %add3A_1260 = arith.addf %add3A_1204, %gather3A_1259 : vector<16xf32>
        %xor3A_1261 = arith.constant 2 : i32
        %xor3A_1262 = vector.broadcast %xor3A_1261 : i32 to vector<16xi32>
        %xor3A_1263 = arith.xori %iota3A, %xor3A_1262 : vector<16xi32>
        %broadcast_in_dim3A_1264 = vector.shape_cast %xor3A_1263 : vector<16xi32> to vector<16x1xi32>
        %gather3A_1265 = vector.shape_cast %broadcast_in_dim3A_1264 : vector<16x1xi32> to vector<16xi32>
        %gather3A_1266 = tpu.dynamic_gather %add3A_1211[%gather3A_1265] in [0] : vector<16xf32>, vector<16xi32> -> vector<16xf32>
        %add3A_1267 = arith.addf %add3A_1211, %gather3A_1266 : vector<16xf32>
        %xor3A_1268 = arith.constant 2 : i32
        %xor3A_1269 = vector.broadcast %xor3A_1268 : i32 to vector<16xi32>
        %xor3A_1270 = arith.xori %iota3A, %xor3A_1269 : vector<16xi32>
        %broadcast_in_dim3A_1271 = vector.shape_cast %xor3A_1270 : vector<16xi32> to vector<16x1xi32>
        %gather3A_1272 = vector.shape_cast %broadcast_in_dim3A_1271 : vector<16x1xi32> to vector<16xi32>
        %gather3A_1273 = tpu.dynamic_gather %add3A_1218[%gather3A_1272] in [0] : vector<16xf32>, vector<16xi32> -> vector<16xf32>
        %add3A_1274 = arith.addf %add3A_1218, %gather3A_1273 : vector<16xf32>
        %xor3A_1275 = arith.constant 1 : i32
        %xor3A_1276 = vector.broadcast %xor3A_1275 : i32 to vector<16xi32>
        %xor3A_1277 = arith.xori %iota3A, %xor3A_1276 : vector<16xi32>
        %broadcast_in_dim3A_1278 = vector.shape_cast %xor3A_1277 : vector<16xi32> to vector<16x1xi32>
        %gather3A_1279 = vector.shape_cast %broadcast_in_dim3A_1278 : vector<16x1xi32> to vector<16xi32>
        %gather3A_1280 = tpu.dynamic_gather %add3A_1225[%gather3A_1279] in [0] : vector<16xf32>, vector<16xi32> -> vector<16xf32>
        %add3A_1281 = arith.addf %add3A_1225, %gather3A_1280 : vector<16xf32>
        %xor3A_1282 = arith.constant 1 : i32
        %xor3A_1283 = vector.broadcast %xor3A_1282 : i32 to vector<16xi32>
        %xor3A_1284 = arith.xori %iota3A, %xor3A_1283 : vector<16xi32>
        %broadcast_in_dim3A_1285 = vector.shape_cast %xor3A_1284 : vector<16xi32> to vector<16x1xi32>
        %gather3A_1286 = vector.shape_cast %broadcast_in_dim3A_1285 : vector<16x1xi32> to vector<16xi32>
        %gather3A_1287 = tpu.dynamic_gather %add3A_1232[%gather3A_1286] in [0] : vector<16xf32>, vector<16xi32> -> vector<16xf32>
        %add3A_1288 = arith.addf %add3A_1232, %gather3A_1287 : vector<16xf32>
        %xor3A_1289 = arith.constant 1 : i32
        %xor3A_1290 = vector.broadcast %xor3A_1289 : i32 to vector<16xi32>
        %xor3A_1291 = arith.xori %iota3A, %xor3A_1290 : vector<16xi32>
        %broadcast_in_dim3A_1292 = vector.shape_cast %xor3A_1291 : vector<16xi32> to vector<16x1xi32>
        %gather3A_1293 = vector.shape_cast %broadcast_in_dim3A_1292 : vector<16x1xi32> to vector<16xi32>
        %gather3A_1294 = tpu.dynamic_gather %add3A_1239[%gather3A_1293] in [0] : vector<16xf32>, vector<16xi32> -> vector<16xf32>
        %add3A_1295 = arith.addf %add3A_1239, %gather3A_1294 : vector<16xf32>
        %xor3A_1296 = arith.constant 1 : i32
        %xor3A_1297 = vector.broadcast %xor3A_1296 : i32 to vector<16xi32>
        %xor3A_1298 = arith.xori %iota3A, %xor3A_1297 : vector<16xi32>
        %broadcast_in_dim3A_1299 = vector.shape_cast %xor3A_1298 : vector<16xi32> to vector<16x1xi32>
        %gather3A_1300 = vector.shape_cast %broadcast_in_dim3A_1299 : vector<16x1xi32> to vector<16xi32>
        %gather3A_1301 = tpu.dynamic_gather %add3A_1246[%gather3A_1300] in [0] : vector<16xf32>, vector<16xi32> -> vector<16xf32>
        %add3A_1302 = arith.addf %add3A_1246, %gather3A_1301 : vector<16xf32>
        %xor3A_1303 = arith.constant 1 : i32
        %xor3A_1304 = vector.broadcast %xor3A_1303 : i32 to vector<16xi32>
        %xor3A_1305 = arith.xori %iota3A, %xor3A_1304 : vector<16xi32>
        %broadcast_in_dim3A_1306 = vector.shape_cast %xor3A_1305 : vector<16xi32> to vector<16x1xi32>
        %gather3A_1307 = vector.shape_cast %broadcast_in_dim3A_1306 : vector<16x1xi32> to vector<16xi32>
        %gather3A_1308 = tpu.dynamic_gather %add3A_1253[%gather3A_1307] in [0] : vector<16xf32>, vector<16xi32> -> vector<16xf32>
        %add3A_1309 = arith.addf %add3A_1253, %gather3A_1308 : vector<16xf32>
        %xor3A_1310 = arith.constant 1 : i32
        %xor3A_1311 = vector.broadcast %xor3A_1310 : i32 to vector<16xi32>
        %xor3A_1312 = arith.xori %iota3A, %xor3A_1311 : vector<16xi32>
        %broadcast_in_dim3A_1313 = vector.shape_cast %xor3A_1312 : vector<16xi32> to vector<16x1xi32>
        %gather3A_1314 = vector.shape_cast %broadcast_in_dim3A_1313 : vector<16x1xi32> to vector<16xi32>
        %gather3A_1315 = tpu.dynamic_gather %add3A_1260[%gather3A_1314] in [0] : vector<16xf32>, vector<16xi32> -> vector<16xf32>
        %add3A_1316 = arith.addf %add3A_1260, %gather3A_1315 : vector<16xf32>
        %xor3A_1317 = arith.constant 1 : i32
        %xor3A_1318 = vector.broadcast %xor3A_1317 : i32 to vector<16xi32>
        %xor3A_1319 = arith.xori %iota3A, %xor3A_1318 : vector<16xi32>
        %broadcast_in_dim3A_1320 = vector.shape_cast %xor3A_1319 : vector<16xi32> to vector<16x1xi32>
        %gather3A_1321 = vector.shape_cast %broadcast_in_dim3A_1320 : vector<16x1xi32> to vector<16xi32>
        %gather3A_1322 = tpu.dynamic_gather %add3A_1267[%gather3A_1321] in [0] : vector<16xf32>, vector<16xi32> -> vector<16xf32>
        %add3A_1323 = arith.addf %add3A_1267, %gather3A_1322 : vector<16xf32>
        %xor3A_1324 = arith.constant 1 : i32
        %xor3A_1325 = vector.broadcast %xor3A_1324 : i32 to vector<16xi32>
        %xor3A_1326 = arith.xori %iota3A, %xor3A_1325 : vector<16xi32>
        %broadcast_in_dim3A_1327 = vector.shape_cast %xor3A_1326 : vector<16xi32> to vector<16x1xi32>
        %gather3A_1328 = vector.shape_cast %broadcast_in_dim3A_1327 : vector<16x1xi32> to vector<16xi32>
        %gather3A_1329 = tpu.dynamic_gather %add3A_1274[%gather3A_1328] in [0] : vector<16xf32>, vector<16xi32> -> vector<16xf32>
        %add3A_1330 = arith.addf %add3A_1274, %gather3A_1329 : vector<16xf32>
        %mul3A_1331 = vector.broadcast %scan3A_121 : f32 to vector<16xf32>
        %mul3A_1332 = arith.mulf %add3A_1281, %mul3A_1331 : vector<16xf32>
        %exp3A = math.exp %mul3A_1332 : vector<16xf32>
        %mul3A_1333 = vector.broadcast %scan3A_121 : f32 to vector<16xf32>
        %mul3A_1334 = arith.mulf %add3A_1288, %mul3A_1333 : vector<16xf32>
        %exp3A_1335 = math.exp %mul3A_1334 : vector<16xf32>
        %mul3A_1336 = vector.broadcast %scan3A_121 : f32 to vector<16xf32>
        %mul3A_1337 = arith.mulf %add3A_1295, %mul3A_1336 : vector<16xf32>
        %exp3A_1338 = math.exp %mul3A_1337 : vector<16xf32>
        %mul3A_1339 = vector.broadcast %scan3A_121 : f32 to vector<16xf32>
        %mul3A_1340 = arith.mulf %add3A_1302, %mul3A_1339 : vector<16xf32>
        %exp3A_1341 = math.exp %mul3A_1340 : vector<16xf32>
        %mul3A_1342 = vector.broadcast %scan3A_121 : f32 to vector<16xf32>
        %mul3A_1343 = arith.mulf %add3A_1309, %mul3A_1342 : vector<16xf32>
        %exp3A_1344 = math.exp %mul3A_1343 : vector<16xf32>
        %mul3A_1345 = vector.broadcast %scan3A_121 : f32 to vector<16xf32>
        %mul3A_1346 = arith.mulf %add3A_1316, %mul3A_1345 : vector<16xf32>
        %exp3A_1347 = math.exp %mul3A_1346 : vector<16xf32>
        %mul3A_1348 = vector.broadcast %scan3A_121 : f32 to vector<16xf32>
        %mul3A_1349 = arith.mulf %add3A_1323, %mul3A_1348 : vector<16xf32>
        %exp3A_1350 = math.exp %mul3A_1349 : vector<16xf32>
        %mul3A_1351 = vector.broadcast %scan3A_121 : f32 to vector<16xf32>
        %mul3A_1352 = arith.mulf %add3A_1330, %mul3A_1351 : vector<16xf32>
        %exp3A_1353 = math.exp %mul3A_1352 : vector<16xf32>
        %add3A_1354 = arith.constant 80 : i32
        %add3A_1355 = arith.addi %mul3A_138, %add3A_1354 : i32
        %add3A_1356 = arith.addi %add3A_1355, %add3A_187 : i32
        %get3A_1357 = arith.index_cast %add3A_1356 : i32 to index
        %get3A_1358 = arith.constant 0 : index
        %get3A_1359 = tpu.vector_load %arg11[%get3A_1357, %get3A_1358] {strides = array<i32>} : memref<240x128xf32, #tpu.memory_space<vmem>>, vector<1x16xf32>,
        %get3A_1360 = vector.shape_cast %get3A_1359 : vector<1x16xf32> to vector<16xf32>
        %mul3A_1361 = arith.mulf %get3A_1360, %exp3A : vector<16xf32>
        %swap3A_1362 = arith.index_cast %add3A_187 : i32 to index
        %swap3A_1363 = arith.constant 0 : index
        %swap3A_1364 = tpu.vector_load %arg12[%swap3A_1362, %swap3A_1363] {strides = array<i32>} : memref<40x128xf32, #tpu.memory_space<vmem>>, vector<1x16xf32>,
        %swap3A_1365 = vector.shape_cast %swap3A_1364 : vector<1x16xf32> to vector<16xf32>
        %swap3A_1366 = vector.shape_cast %mul3A_1361 : vector<16xf32> to vector<1x16xf32>
        tpu.vector_store %arg12[%swap3A_1362, %swap3A_1363], %swap3A_1366 {strides = array<i32>} : memref<40x128xf32, #tpu.memory_space<vmem>>, vector<1x16xf32>,
        %add3A_1367 = arith.constant 80 : i32
        %add3A_1368 = arith.addi %mul3A_138, %add3A_1367 : i32
        %add3A_1369 = arith.addi %add3A_1368, %add3A_191 : i32
        %get3A_1370 = arith.index_cast %add3A_1369 : i32 to index
        %get3A_1371 = arith.constant 0 : index
        %get3A_1372 = tpu.vector_load %arg11[%get3A_1370, %get3A_1371] {strides = array<i32>} : memref<240x128xf32, #tpu.memory_space<vmem>>, vector<1x16xf32>,
        %get3A_1373 = vector.shape_cast %get3A_1372 : vector<1x16xf32> to vector<16xf32>
        %mul3A_1374 = arith.mulf %get3A_1373, %exp3A_1335 : vector<16xf32>
        %swap3A_1375 = arith.index_cast %add3A_191 : i32 to index
        %swap3A_1376 = arith.constant 0 : index
        %swap3A_1377 = tpu.vector_load %arg12[%swap3A_1375, %swap3A_1376] {strides = array<i32>} : memref<40x128xf32, #tpu.memory_space<vmem>>, vector<1x16xf32>,
        %swap3A_1378 = vector.shape_cast %swap3A_1377 : vector<1x16xf32> to vector<16xf32>
        %swap3A_1379 = vector.shape_cast %mul3A_1374 : vector<16xf32> to vector<1x16xf32>
        tpu.vector_store %arg12[%swap3A_1375, %swap3A_1376], %swap3A_1379 {strides = array<i32>} : memref<40x128xf32, #tpu.memory_space<vmem>>, vector<1x16xf32>,
        %add3A_1380 = arith.constant 80 : i32
        %add3A_1381 = arith.addi %mul3A_138, %add3A_1380 : i32
        %add3A_1382 = arith.addi %add3A_1381, %add3A_195 : i32
        %get3A_1383 = arith.index_cast %add3A_1382 : i32 to index
        %get3A_1384 = arith.constant 0 : index
        %get3A_1385 = tpu.vector_load %arg11[%get3A_1383, %get3A_1384] {strides = array<i32>} : memref<240x128xf32, #tpu.memory_space<vmem>>, vector<1x16xf32>,
        %get3A_1386 = vector.shape_cast %get3A_1385 : vector<1x16xf32> to vector<16xf32>
        %mul3A_1387 = arith.mulf %get3A_1386, %exp3A_1338 : vector<16xf32>
        %swap3A_1388 = arith.index_cast %add3A_195 : i32 to index
        %swap3A_1389 = arith.constant 0 : index
        %swap3A_1390 = tpu.vector_load %arg12[%swap3A_1388, %swap3A_1389] {strides = array<i32>} : memref<40x128xf32, #tpu.memory_space<vmem>>, vector<1x16xf32>,
        %swap3A_1391 = vector.shape_cast %swap3A_1390 : vector<1x16xf32> to vector<16xf32>
        %swap3A_1392 = vector.shape_cast %mul3A_1387 : vector<16xf32> to vector<1x16xf32>
        tpu.vector_store %arg12[%swap3A_1388, %swap3A_1389], %swap3A_1392 {strides = array<i32>} : memref<40x128xf32, #tpu.memory_space<vmem>>, vector<1x16xf32>,
        %add3A_1393 = arith.constant 80 : i32
        %add3A_1394 = arith.addi %mul3A_138, %add3A_1393 : i32
        %add3A_1395 = arith.addi %add3A_1394, %add3A_199 : i32
        %get3A_1396 = arith.index_cast %add3A_1395 : i32 to index
        %get3A_1397 = arith.constant 0 : index
        %get3A_1398 = tpu.vector_load %arg11[%get3A_1396, %get3A_1397] {strides = array<i32>} : memref<240x128xf32, #tpu.memory_space<vmem>>, vector<1x16xf32>,
        %get3A_1399 = vector.shape_cast %get3A_1398 : vector<1x16xf32> to vector<16xf32>
        %mul3A_1400 = arith.mulf %get3A_1399, %exp3A_1341 : vector<16xf32>
        %swap3A_1401 = arith.index_cast %add3A_199 : i32 to index
        %swap3A_1402 = arith.constant 0 : index
        %swap3A_1403 = tpu.vector_load %arg12[%swap3A_1401, %swap3A_1402] {strides = array<i32>} : memref<40x128xf32, #tpu.memory_space<vmem>>, vector<1x16xf32>,
        %swap3A_1404 = vector.shape_cast %swap3A_1403 : vector<1x16xf32> to vector<16xf32>
        %swap3A_1405 = vector.shape_cast %mul3A_1400 : vector<16xf32> to vector<1x16xf32>
        tpu.vector_store %arg12[%swap3A_1401, %swap3A_1402], %swap3A_1405 {strides = array<i32>} : memref<40x128xf32, #tpu.memory_space<vmem>>, vector<1x16xf32>,
        %add3A_1406 = arith.constant 80 : i32
        %add3A_1407 = arith.addi %mul3A_138, %add3A_1406 : i32
        %add3A_1408 = arith.addi %add3A_1407, %add3A_203 : i32
        %get3A_1409 = arith.index_cast %add3A_1408 : i32 to index
        %get3A_1410 = arith.constant 0 : index
        %get3A_1411 = tpu.vector_load %arg11[%get3A_1409, %get3A_1410] {strides = array<i32>} : memref<240x128xf32, #tpu.memory_space<vmem>>, vector<1x16xf32>,
        %get3A_1412 = vector.shape_cast %get3A_1411 : vector<1x16xf32> to vector<16xf32>
        %mul3A_1413 = arith.mulf %get3A_1412, %exp3A_1344 : vector<16xf32>
        %swap3A_1414 = arith.index_cast %add3A_203 : i32 to index
        %swap3A_1415 = arith.constant 0 : index
        %swap3A_1416 = tpu.vector_load %arg12[%swap3A_1414, %swap3A_1415] {strides = array<i32>} : memref<40x128xf32, #tpu.memory_space<vmem>>, vector<1x16xf32>,
        %swap3A_1417 = vector.shape_cast %swap3A_1416 : vector<1x16xf32> to vector<16xf32>
        %swap3A_1418 = vector.shape_cast %mul3A_1413 : vector<16xf32> to vector<1x16xf32>
        tpu.vector_store %arg12[%swap3A_1414, %swap3A_1415], %swap3A_1418 {strides = array<i32>} : memref<40x128xf32, #tpu.memory_space<vmem>>, vector<1x16xf32>,
        %add3A_1419 = arith.constant 80 : i32
        %add3A_1420 = arith.addi %mul3A_138, %add3A_1419 : i32
        %add3A_1421 = arith.addi %add3A_1420, %add3A_207 : i32
        %get3A_1422 = arith.index_cast %add3A_1421 : i32 to index
        %get3A_1423 = arith.constant 0 : index
        %get3A_1424 = tpu.vector_load %arg11[%get3A_1422, %get3A_1423] {strides = array<i32>} : memref<240x128xf32, #tpu.memory_space<vmem>>, vector<1x16xf32>,
        %get3A_1425 = vector.shape_cast %get3A_1424 : vector<1x16xf32> to vector<16xf32>
        %mul3A_1426 = arith.mulf %get3A_1425, %exp3A_1347 : vector<16xf32>
        %swap3A_1427 = arith.index_cast %add3A_207 : i32 to index
        %swap3A_1428 = arith.constant 0 : index
        %swap3A_1429 = tpu.vector_load %arg12[%swap3A_1427, %swap3A_1428] {strides = array<i32>} : memref<40x128xf32, #tpu.memory_space<vmem>>, vector<1x16xf32>,
        %swap3A_1430 = vector.shape_cast %swap3A_1429 : vector<1x16xf32> to vector<16xf32>
        %swap3A_1431 = vector.shape_cast %mul3A_1426 : vector<16xf32> to vector<1x16xf32>
        tpu.vector_store %arg12[%swap3A_1427, %swap3A_1428], %swap3A_1431 {strides = array<i32>} : memref<40x128xf32, #tpu.memory_space<vmem>>, vector<1x16xf32>,
        %add3A_1432 = arith.constant 80 : i32
        %add3A_1433 = arith.addi %mul3A_138, %add3A_1432 : i32
        %add3A_1434 = arith.addi %add3A_1433, %add3A_211 : i32
        %get3A_1435 = arith.index_cast %add3A_1434 : i32 to index
        %get3A_1436 = arith.constant 0 : index
        %get3A_1437 = tpu.vector_load %arg11[%get3A_1435, %get3A_1436] {strides = array<i32>} : memref<240x128xf32, #tpu.memory_space<vmem>>, vector<1x16xf32>,
        %get3A_1438 = vector.shape_cast %get3A_1437 : vector<1x16xf32> to vector<16xf32>
        %mul3A_1439 = arith.mulf %get3A_1438, %exp3A_1350 : vector<16xf32>
        %swap3A_1440 = arith.index_cast %add3A_211 : i32 to index
        %swap3A_1441 = arith.constant 0 : index
        %swap3A_1442 = tpu.vector_load %arg12[%swap3A_1440, %swap3A_1441] {strides = array<i32>} : memref<40x128xf32, #tpu.memory_space<vmem>>, vector<1x16xf32>,
        %swap3A_1443 = vector.shape_cast %swap3A_1442 : vector<1x16xf32> to vector<16xf32>
        %swap3A_1444 = vector.shape_cast %mul3A_1439 : vector<16xf32> to vector<1x16xf32>
        tpu.vector_store %arg12[%swap3A_1440, %swap3A_1441], %swap3A_1444 {strides = array<i32>} : memref<40x128xf32, #tpu.memory_space<vmem>>, vector<1x16xf32>,
        %add3A_1445 = arith.constant 80 : i32
        %add3A_1446 = arith.addi %mul3A_138, %add3A_1445 : i32
        %add3A_1447 = arith.addi %add3A_1446, %add3A_215 : i32
        %get3A_1448 = arith.index_cast %add3A_1447 : i32 to index
        %get3A_1449 = arith.constant 0 : index
        %get3A_1450 = tpu.vector_load %arg11[%get3A_1448, %get3A_1449] {strides = array<i32>} : memref<240x128xf32, #tpu.memory_space<vmem>>, vector<1x16xf32>,
        %get3A_1451 = vector.shape_cast %get3A_1450 : vector<1x16xf32> to vector<16xf32>
        %mul3A_1452 = arith.mulf %get3A_1451, %exp3A_1353 : vector<16xf32>
        %swap3A_1453 = arith.index_cast %add3A_215 : i32 to index
        %swap3A_1454 = arith.constant 0 : index
        %swap3A_1455 = tpu.vector_load %arg12[%swap3A_1453, %swap3A_1454] {strides = array<i32>} : memref<40x128xf32, #tpu.memory_space<vmem>>, vector<1x16xf32>,
        %swap3A_1456 = vector.shape_cast %swap3A_1455 : vector<1x16xf32> to vector<16xf32>
        %swap3A_1457 = vector.shape_cast %mul3A_1452 : vector<16xf32> to vector<1x16xf32>
        tpu.vector_store %arg12[%swap3A_1453, %swap3A_1454], %swap3A_1457 {strides = array<i32>} : memref<40x128xf32, #tpu.memory_space<vmem>>, vector<1x16xf32>,
        %add3A_1458 = arith.constant 80 : i32
        %add3A_1459 = arith.addi %mul3A_138, %add3A_1458 : i32
        %add3A_1460 = arith.addi %add3A_1459, %add3A_187 : i32
        %get3A_1461 = arith.index_cast %add3A_1460 : i32 to index
        %get3A_1462 = arith.constant 16 : index
        %get3A_1463 = tpu.vector_load %arg11[%get3A_1461, %get3A_1462] {strides = array<i32>} : memref<240x128xf32, #tpu.memory_space<vmem>>, vector<1x16xf32>,
        %get3A_1464 = vector.shape_cast %get3A_1463 : vector<1x16xf32> to vector<16xf32>
        %mul3A_1465 = arith.mulf %get3A_1464, %exp3A : vector<16xf32>
        %swap3A_1466 = arith.index_cast %add3A_187 : i32 to index
        %swap3A_1467 = arith.constant 16 : index
        %swap3A_1468 = tpu.vector_load %arg12[%swap3A_1466, %swap3A_1467] {strides = array<i32>} : memref<40x128xf32, #tpu.memory_space<vmem>>, vector<1x16xf32>,
        %swap3A_1469 = vector.shape_cast %swap3A_1468 : vector<1x16xf32> to vector<16xf32>
        %swap3A_1470 = vector.shape_cast %mul3A_1465 : vector<16xf32> to vector<1x16xf32>
        tpu.vector_store %arg12[%swap3A_1466, %swap3A_1467], %swap3A_1470 {strides = array<i32>} : memref<40x128xf32, #tpu.memory_space<vmem>>, vector<1x16xf32>,
        %add3A_1471 = arith.constant 80 : i32
        %add3A_1472 = arith.addi %mul3A_138, %add3A_1471 : i32
        %add3A_1473 = arith.addi %add3A_1472, %add3A_191 : i32
        %get3A_1474 = arith.index_cast %add3A_1473 : i32 to index
        %get3A_1475 = arith.constant 16 : index
        %get3A_1476 = tpu.vector_load %arg11[%get3A_1474, %get3A_1475] {strides = array<i32>} : memref<240x128xf32, #tpu.memory_space<vmem>>, vector<1x16xf32>,
        %get3A_1477 = vector.shape_cast %get3A_1476 : vector<1x16xf32> to vector<16xf32>
        %mul3A_1478 = arith.mulf %get3A_1477, %exp3A_1335 : vector<16xf32>
        %swap3A_1479 = arith.index_cast %add3A_191 : i32 to index
        %swap3A_1480 = arith.constant 16 : index
        %swap3A_1481 = tpu.vector_load %arg12[%swap3A_1479, %swap3A_1480] {strides = array<i32>} : memref<40x128xf32, #tpu.memory_space<vmem>>, vector<1x16xf32>,
        %swap3A_1482 = vector.shape_cast %swap3A_1481 : vector<1x16xf32> to vector<16xf32>
        %swap3A_1483 = vector.shape_cast %mul3A_1478 : vector<16xf32> to vector<1x16xf32>
        tpu.vector_store %arg12[%swap3A_1479, %swap3A_1480], %swap3A_1483 {strides = array<i32>} : memref<40x128xf32, #tpu.memory_space<vmem>>, vector<1x16xf32>,
        %add3A_1484 = arith.constant 80 : i32
        %add3A_1485 = arith.addi %mul3A_138, %add3A_1484 : i32
        %add3A_1486 = arith.addi %add3A_1485, %add3A_195 : i32
        %get3A_1487 = arith.index_cast %add3A_1486 : i32 to index
        %get3A_1488 = arith.constant 16 : index
        %get3A_1489 = tpu.vector_load %arg11[%get3A_1487, %get3A_1488] {strides = array<i32>} : memref<240x128xf32, #tpu.memory_space<vmem>>, vector<1x16xf32>,
        %get3A_1490 = vector.shape_cast %get3A_1489 : vector<1x16xf32> to vector<16xf32>
        %mul3A_1491 = arith.mulf %get3A_1490, %exp3A_1338 : vector<16xf32>
        %swap3A_1492 = arith.index_cast %add3A_195 : i32 to index
        %swap3A_1493 = arith.constant 16 : index
        %swap3A_1494 = tpu.vector_load %arg12[%swap3A_1492, %swap3A_1493] {strides = array<i32>} : memref<40x128xf32, #tpu.memory_space<vmem>>, vector<1x16xf32>,
        %swap3A_1495 = vector.shape_cast %swap3A_1494 : vector<1x16xf32> to vector<16xf32>
        %swap3A_1496 = vector.shape_cast %mul3A_1491 : vector<16xf32> to vector<1x16xf32>
        tpu.vector_store %arg12[%swap3A_1492, %swap3A_1493], %swap3A_1496 {strides = array<i32>} : memref<40x128xf32, #tpu.memory_space<vmem>>, vector<1x16xf32>,
        %add3A_1497 = arith.constant 80 : i32
        %add3A_1498 = arith.addi %mul3A_138, %add3A_1497 : i32
        %add3A_1499 = arith.addi %add3A_1498, %add3A_199 : i32
        %get3A_1500 = arith.index_cast %add3A_1499 : i32 to index
        %get3A_1501 = arith.constant 16 : index
        %get3A_1502 = tpu.vector_load %arg11[%get3A_1500, %get3A_1501] {strides = array<i32>} : memref<240x128xf32, #tpu.memory_space<vmem>>, vector<1x16xf32>,
        %get3A_1503 = vector.shape_cast %get3A_1502 : vector<1x16xf32> to vector<16xf32>
        %mul3A_1504 = arith.mulf %get3A_1503, %exp3A_1341 : vector<16xf32>
        %swap3A_1505 = arith.index_cast %add3A_199 : i32 to index
        %swap3A_1506 = arith.constant 16 : index
        %swap3A_1507 = tpu.vector_load %arg12[%swap3A_1505, %swap3A_1506] {strides = array<i32>} : memref<40x128xf32, #tpu.memory_space<vmem>>, vector<1x16xf32>,
        %swap3A_1508 = vector.shape_cast %swap3A_1507 : vector<1x16xf32> to vector<16xf32>
        %swap3A_1509 = vector.shape_cast %mul3A_1504 : vector<16xf32> to vector<1x16xf32>
        tpu.vector_store %arg12[%swap3A_1505, %swap3A_1506], %swap3A_1509 {strides = array<i32>} : memref<40x128xf32, #tpu.memory_space<vmem>>, vector<1x16xf32>,
        %add3A_1510 = arith.constant 80 : i32
        %add3A_1511 = arith.addi %mul3A_138, %add3A_1510 : i32
        %add3A_1512 = arith.addi %add3A_1511, %add3A_203 : i32
        %get3A_1513 = arith.index_cast %add3A_1512 : i32 to index
        %get3A_1514 = arith.constant 16 : index
        %get3A_1515 = tpu.vector_load %arg11[%get3A_1513, %get3A_1514] {strides = array<i32>} : memref<240x128xf32, #tpu.memory_space<vmem>>, vector<1x16xf32>,
        %get3A_1516 = vector.shape_cast %get3A_1515 : vector<1x16xf32> to vector<16xf32>
        %mul3A_1517 = arith.mulf %get3A_1516, %exp3A_1344 : vector<16xf32>
        %swap3A_1518 = arith.index_cast %add3A_203 : i32 to index
        %swap3A_1519 = arith.constant 16 : index
        %swap3A_1520 = tpu.vector_load %arg12[%swap3A_1518, %swap3A_1519] {strides = array<i32>} : memref<40x128xf32, #tpu.memory_space<vmem>>, vector<1x16xf32>,
        %swap3A_1521 = vector.shape_cast %swap3A_1520 : vector<1x16xf32> to vector<16xf32>
        %swap3A_1522 = vector.shape_cast %mul3A_1517 : vector<16xf32> to vector<1x16xf32>
        tpu.vector_store %arg12[%swap3A_1518, %swap3A_1519], %swap3A_1522 {strides = array<i32>} : memref<40x128xf32, #tpu.memory_space<vmem>>, vector<1x16xf32>,
        %add3A_1523 = arith.constant 80 : i32
        %add3A_1524 = arith.addi %mul3A_138, %add3A_1523 : i32
        %add3A_1525 = arith.addi %add3A_1524, %add3A_207 : i32
        %get3A_1526 = arith.index_cast %add3A_1525 : i32 to index
        %get3A_1527 = arith.constant 16 : index
        %get3A_1528 = tpu.vector_load %arg11[%get3A_1526, %get3A_1527] {strides = array<i32>} : memref<240x128xf32, #tpu.memory_space<vmem>>, vector<1x16xf32>,
        %get3A_1529 = vector.shape_cast %get3A_1528 : vector<1x16xf32> to vector<16xf32>
        %mul3A_1530 = arith.mulf %get3A_1529, %exp3A_1347 : vector<16xf32>
        %swap3A_1531 = arith.index_cast %add3A_207 : i32 to index
        %swap3A_1532 = arith.constant 16 : index
        %swap3A_1533 = tpu.vector_load %arg12[%swap3A_1531, %swap3A_1532] {strides = array<i32>} : memref<40x128xf32, #tpu.memory_space<vmem>>, vector<1x16xf32>,
        %swap3A_1534 = vector.shape_cast %swap3A_1533 : vector<1x16xf32> to vector<16xf32>
        %swap3A_1535 = vector.shape_cast %mul3A_1530 : vector<16xf32> to vector<1x16xf32>
        tpu.vector_store %arg12[%swap3A_1531, %swap3A_1532], %swap3A_1535 {strides = array<i32>} : memref<40x128xf32, #tpu.memory_space<vmem>>, vector<1x16xf32>,
        %add3A_1536 = arith.constant 80 : i32
        %add3A_1537 = arith.addi %mul3A_138, %add3A_1536 : i32
        %add3A_1538 = arith.addi %add3A_1537, %add3A_211 : i32
        %get3A_1539 = arith.index_cast %add3A_1538 : i32 to index
        %get3A_1540 = arith.constant 16 : index
        %get3A_1541 = tpu.vector_load %arg11[%get3A_1539, %get3A_1540] {strides = array<i32>} : memref<240x128xf32, #tpu.memory_space<vmem>>, vector<1x16xf32>,
        %get3A_1542 = vector.shape_cast %get3A_1541 : vector<1x16xf32> to vector<16xf32>
        %mul3A_1543 = arith.mulf %get3A_1542, %exp3A_1350 : vector<16xf32>
        %swap3A_1544 = arith.index_cast %add3A_211 : i32 to index
        %swap3A_1545 = arith.constant 16 : index
        %swap3A_1546 = tpu.vector_load %arg12[%swap3A_1544, %swap3A_1545] {strides = array<i32>} : memref<40x128xf32, #tpu.memory_space<vmem>>, vector<1x16xf32>,
        %swap3A_1547 = vector.shape_cast %swap3A_1546 : vector<1x16xf32> to vector<16xf32>
        %swap3A_1548 = vector.shape_cast %mul3A_1543 : vector<16xf32> to vector<1x16xf32>
        tpu.vector_store %arg12[%swap3A_1544, %swap3A_1545], %swap3A_1548 {strides = array<i32>} : memref<40x128xf32, #tpu.memory_space<vmem>>, vector<1x16xf32>,
        %add3A_1549 = arith.constant 80 : i32
        %add3A_1550 = arith.addi %mul3A_138, %add3A_1549 : i32
        %add3A_1551 = arith.addi %add3A_1550, %add3A_215 : i32
        %get3A_1552 = arith.index_cast %add3A_1551 : i32 to index
        %get3A_1553 = arith.constant 16 : index
        %get3A_1554 = tpu.vector_load %arg11[%get3A_1552, %get3A_1553] {strides = array<i32>} : memref<240x128xf32, #tpu.memory_space<vmem>>, vector<1x16xf32>,
        %get3A_1555 = vector.shape_cast %get3A_1554 : vector<1x16xf32> to vector<16xf32>
        %mul3A_1556 = arith.mulf %get3A_1555, %exp3A_1353 : vector<16xf32>
        %swap3A_1557 = arith.index_cast %add3A_215 : i32 to index
        %swap3A_1558 = arith.constant 16 : index
        %swap3A_1559 = tpu.vector_load %arg12[%swap3A_1557, %swap3A_1558] {strides = array<i32>} : memref<40x128xf32, #tpu.memory_space<vmem>>, vector<1x16xf32>,
        %swap3A_1560 = vector.shape_cast %swap3A_1559 : vector<1x16xf32> to vector<16xf32>
        %swap3A_1561 = vector.shape_cast %mul3A_1556 : vector<16xf32> to vector<1x16xf32>
        tpu.vector_store %arg12[%swap3A_1557, %swap3A_1558], %swap3A_1561 {strides = array<i32>} : memref<40x128xf32, #tpu.memory_space<vmem>>, vector<1x16xf32>,
        %add3A_1562 = arith.constant 80 : i32
        %add3A_1563 = arith.addi %mul3A_138, %add3A_1562 : i32
        %add3A_1564 = arith.addi %add3A_1563, %add3A_187 : i32
        %get3A_1565 = arith.index_cast %add3A_1564 : i32 to index
        %get3A_1566 = arith.constant 32 : index
        %get3A_1567 = tpu.vector_load %arg11[%get3A_1565, %get3A_1566] {strides = array<i32>} : memref<240x128xf32, #tpu.memory_space<vmem>>, vector<1x16xf32>,
        %get3A_1568 = vector.shape_cast %get3A_1567 : vector<1x16xf32> to vector<16xf32>
        %mul3A_1569 = arith.mulf %get3A_1568, %exp3A : vector<16xf32>
        %swap3A_1570 = arith.index_cast %add3A_187 : i32 to index
        %swap3A_1571 = arith.constant 32 : index
        %swap3A_1572 = tpu.vector_load %arg12[%swap3A_1570, %swap3A_1571] {strides = array<i32>} : memref<40x128xf32, #tpu.memory_space<vmem>>, vector<1x16xf32>,
        %swap3A_1573 = vector.shape_cast %swap3A_1572 : vector<1x16xf32> to vector<16xf32>
        %swap3A_1574 = vector.shape_cast %mul3A_1569 : vector<16xf32> to vector<1x16xf32>
        tpu.vector_store %arg12[%swap3A_1570, %swap3A_1571], %swap3A_1574 {strides = array<i32>} : memref<40x128xf32, #tpu.memory_space<vmem>>, vector<1x16xf32>,
        %add3A_1575 = arith.constant 80 : i32
        %add3A_1576 = arith.addi %mul3A_138, %add3A_1575 : i32
        %add3A_1577 = arith.addi %add3A_1576, %add3A_191 : i32
        %get3A_1578 = arith.index_cast %add3A_1577 : i32 to index
        %get3A_1579 = arith.constant 32 : index
        %get3A_1580 = tpu.vector_load %arg11[%get3A_1578, %get3A_1579] {strides = array<i32>} : memref<240x128xf32, #tpu.memory_space<vmem>>, vector<1x16xf32>,
        %get3A_1581 = vector.shape_cast %get3A_1580 : vector<1x16xf32> to vector<16xf32>
        %mul3A_1582 = arith.mulf %get3A_1581, %exp3A_1335 : vector<16xf32>
        %swap3A_1583 = arith.index_cast %add3A_191 : i32 to index
        %swap3A_1584 = arith.constant 32 : index
        %swap3A_1585 = tpu.vector_load %arg12[%swap3A_1583, %swap3A_1584] {strides = array<i32>} : memref<40x128xf32, #tpu.memory_space<vmem>>, vector<1x16xf32>,
        %swap3A_1586 = vector.shape_cast %swap3A_1585 : vector<1x16xf32> to vector<16xf32>
        %swap3A_1587 = vector.shape_cast %mul3A_1582 : vector<16xf32> to vector<1x16xf32>
        tpu.vector_store %arg12[%swap3A_1583, %swap3A_1584], %swap3A_1587 {strides = array<i32>} : memref<40x128xf32, #tpu.memory_space<vmem>>, vector<1x16xf32>,
        %add3A_1588 = arith.constant 80 : i32
        %add3A_1589 = arith.addi %mul3A_138, %add3A_1588 : i32
        %add3A_1590 = arith.addi %add3A_1589, %add3A_195 : i32
        %get3A_1591 = arith.index_cast %add3A_1590 : i32 to index
        %get3A_1592 = arith.constant 32 : index
        %get3A_1593 = tpu.vector_load %arg11[%get3A_1591, %get3A_1592] {strides = array<i32>} : memref<240x128xf32, #tpu.memory_space<vmem>>, vector<1x16xf32>,
        %get3A_1594 = vector.shape_cast %get3A_1593 : vector<1x16xf32> to vector<16xf32>
        %mul3A_1595 = arith.mulf %get3A_1594, %exp3A_1338 : vector<16xf32>
        %swap3A_1596 = arith.index_cast %add3A_195 : i32 to index
        %swap3A_1597 = arith.constant 32 : index
        %swap3A_1598 = tpu.vector_load %arg12[%swap3A_1596, %swap3A_1597] {strides = array<i32>} : memref<40x128xf32, #tpu.memory_space<vmem>>, vector<1x16xf32>,
        %swap3A_1599 = vector.shape_cast %swap3A_1598 : vector<1x16xf32> to vector<16xf32>
        %swap3A_1600 = vector.shape_cast %mul3A_1595 : vector<16xf32> to vector<1x16xf32>
        tpu.vector_store %arg12[%swap3A_1596, %swap3A_1597], %swap3A_1600 {strides = array<i32>} : memref<40x128xf32, #tpu.memory_space<vmem>>, vector<1x16xf32>,
        %add3A_1601 = arith.constant 80 : i32
        %add3A_1602 = arith.addi %mul3A_138, %add3A_1601 : i32
        %add3A_1603 = arith.addi %add3A_1602, %add3A_199 : i32
        %get3A_1604 = arith.index_cast %add3A_1603 : i32 to index
        %get3A_1605 = arith.constant 32 : index
        %get3A_1606 = tpu.vector_load %arg11[%get3A_1604, %get3A_1605] {strides = array<i32>} : memref<240x128xf32, #tpu.memory_space<vmem>>, vector<1x16xf32>,
        %get3A_1607 = vector.shape_cast %get3A_1606 : vector<1x16xf32> to vector<16xf32>
        %mul3A_1608 = arith.mulf %get3A_1607, %exp3A_1341 : vector<16xf32>
        %swap3A_1609 = arith.index_cast %add3A_199 : i32 to index
        %swap3A_1610 = arith.constant 32 : index
        %swap3A_1611 = tpu.vector_load %arg12[%swap3A_1609, %swap3A_1610] {strides = array<i32>} : memref<40x128xf32, #tpu.memory_space<vmem>>, vector<1x16xf32>,
        %swap3A_1612 = vector.shape_cast %swap3A_1611 : vector<1x16xf32> to vector<16xf32>
        %swap3A_1613 = vector.shape_cast %mul3A_1608 : vector<16xf32> to vector<1x16xf32>
        tpu.vector_store %arg12[%swap3A_1609, %swap3A_1610], %swap3A_1613 {strides = array<i32>} : memref<40x128xf32, #tpu.memory_space<vmem>>, vector<1x16xf32>,
        %add3A_1614 = arith.constant 80 : i32
        %add3A_1615 = arith.addi %mul3A_138, %add3A_1614 : i32
        %add3A_1616 = arith.addi %add3A_1615, %add3A_203 : i32
        %get3A_1617 = arith.index_cast %add3A_1616 : i32 to index
        %get3A_1618 = arith.constant 32 : index
        %get3A_1619 = tpu.vector_load %arg11[%get3A_1617, %get3A_1618] {strides = array<i32>} : memref<240x128xf32, #tpu.memory_space<vmem>>, vector<1x16xf32>,
        %get3A_1620 = vector.shape_cast %get3A_1619 : vector<1x16xf32> to vector<16xf32>
        %mul3A_1621 = arith.mulf %get3A_1620, %exp3A_1344 : vector<16xf32>
        %swap3A_1622 = arith.index_cast %add3A_203 : i32 to index
        %swap3A_1623 = arith.constant 32 : index
        %swap3A_1624 = tpu.vector_load %arg12[%swap3A_1622, %swap3A_1623] {strides = array<i32>} : memref<40x128xf32, #tpu.memory_space<vmem>>, vector<1x16xf32>,
        %swap3A_1625 = vector.shape_cast %swap3A_1624 : vector<1x16xf32> to vector<16xf32>
        %swap3A_1626 = vector.shape_cast %mul3A_1621 : vector<16xf32> to vector<1x16xf32>
        tpu.vector_store %arg12[%swap3A_1622, %swap3A_1623], %swap3A_1626 {strides = array<i32>} : memref<40x128xf32, #tpu.memory_space<vmem>>, vector<1x16xf32>,
        %add3A_1627 = arith.constant 80 : i32
        %add3A_1628 = arith.addi %mul3A_138, %add3A_1627 : i32
        %add3A_1629 = arith.addi %add3A_1628, %add3A_207 : i32
        %get3A_1630 = arith.index_cast %add3A_1629 : i32 to index
        %get3A_1631 = arith.constant 32 : index
        %get3A_1632 = tpu.vector_load %arg11[%get3A_1630, %get3A_1631] {strides = array<i32>} : memref<240x128xf32, #tpu.memory_space<vmem>>, vector<1x16xf32>,
        %get3A_1633 = vector.shape_cast %get3A_1632 : vector<1x16xf32> to vector<16xf32>
        %mul3A_1634 = arith.mulf %get3A_1633, %exp3A_1347 : vector<16xf32>
        %swap3A_1635 = arith.index_cast %add3A_207 : i32 to index
        %swap3A_1636 = arith.constant 32 : index
        %swap3A_1637 = tpu.vector_load %arg12[%swap3A_1635, %swap3A_1636] {strides = array<i32>} : memref<40x128xf32, #tpu.memory_space<vmem>>, vector<1x16xf32>,
        %swap3A_1638 = vector.shape_cast %swap3A_1637 : vector<1x16xf32> to vector<16xf32>
        %swap3A_1639 = vector.shape_cast %mul3A_1634 : vector<16xf32> to vector<1x16xf32>
        tpu.vector_store %arg12[%swap3A_1635, %swap3A_1636], %swap3A_1639 {strides = array<i32>} : memref<40x128xf32, #tpu.memory_space<vmem>>, vector<1x16xf32>,
        %add3A_1640 = arith.constant 80 : i32
        %add3A_1641 = arith.addi %mul3A_138, %add3A_1640 : i32
        %add3A_1642 = arith.addi %add3A_1641, %add3A_211 : i32
        %get3A_1643 = arith.index_cast %add3A_1642 : i32 to index
        %get3A_1644 = arith.constant 32 : index
        %get3A_1645 = tpu.vector_load %arg11[%get3A_1643, %get3A_1644] {strides = array<i32>} : memref<240x128xf32, #tpu.memory_space<vmem>>, vector<1x16xf32>,
        %get3A_1646 = vector.shape_cast %get3A_1645 : vector<1x16xf32> to vector<16xf32>
        %mul3A_1647 = arith.mulf %get3A_1646, %exp3A_1350 : vector<16xf32>
        %swap3A_1648 = arith.index_cast %add3A_211 : i32 to index
        %swap3A_1649 = arith.constant 32 : index
        %swap3A_1650 = tpu.vector_load %arg12[%swap3A_1648, %swap3A_1649] {strides = array<i32>} : memref<40x128xf32, #tpu.memory_space<vmem>>, vector<1x16xf32>,
        %swap3A_1651 = vector.shape_cast %swap3A_1650 : vector<1x16xf32> to vector<16xf32>
        %swap3A_1652 = vector.shape_cast %mul3A_1647 : vector<16xf32> to vector<1x16xf32>
        tpu.vector_store %arg12[%swap3A_1648, %swap3A_1649], %swap3A_1652 {strides = array<i32>} : memref<40x128xf32, #tpu.memory_space<vmem>>, vector<1x16xf32>,
        %add3A_1653 = arith.constant 80 : i32
        %add3A_1654 = arith.addi %mul3A_138, %add3A_1653 : i32
        %add3A_1655 = arith.addi %add3A_1654, %add3A_215 : i32
        %get3A_1656 = arith.index_cast %add3A_1655 : i32 to index
        %get3A_1657 = arith.constant 32 : index
        %get3A_1658 = tpu.vector_load %arg11[%get3A_1656, %get3A_1657] {strides = array<i32>} : memref<240x128xf32, #tpu.memory_space<vmem>>, vector<1x16xf32>,
        %get3A_1659 = vector.shape_cast %get3A_1658 : vector<1x16xf32> to vector<16xf32>
        %mul3A_1660 = arith.mulf %get3A_1659, %exp3A_1353 : vector<16xf32>
        %swap3A_1661 = arith.index_cast %add3A_215 : i32 to index
        %swap3A_1662 = arith.constant 32 : index
        %swap3A_1663 = tpu.vector_load %arg12[%swap3A_1661, %swap3A_1662] {strides = array<i32>} : memref<40x128xf32, #tpu.memory_space<vmem>>, vector<1x16xf32>,
        %swap3A_1664 = vector.shape_cast %swap3A_1663 : vector<1x16xf32> to vector<16xf32>
        %swap3A_1665 = vector.shape_cast %mul3A_1660 : vector<16xf32> to vector<1x16xf32>
        tpu.vector_store %arg12[%swap3A_1661, %swap3A_1662], %swap3A_1665 {strides = array<i32>} : memref<40x128xf32, #tpu.memory_space<vmem>>, vector<1x16xf32>,
        %add3A_1666 = arith.constant 80 : i32
        %add3A_1667 = arith.addi %mul3A_138, %add3A_1666 : i32
        %add3A_1668 = arith.addi %add3A_1667, %add3A_187 : i32
        %get3A_1669 = arith.index_cast %add3A_1668 : i32 to index
        %get3A_1670 = arith.constant 48 : index
        %get3A_1671 = tpu.vector_load %arg11[%get3A_1669, %get3A_1670] {strides = array<i32>} : memref<240x128xf32, #tpu.memory_space<vmem>>, vector<1x16xf32>,
        %get3A_1672 = vector.shape_cast %get3A_1671 : vector<1x16xf32> to vector<16xf32>
        %mul3A_1673 = arith.mulf %get3A_1672, %exp3A : vector<16xf32>
        %swap3A_1674 = arith.index_cast %add3A_187 : i32 to index
        %swap3A_1675 = arith.constant 48 : index
        %swap3A_1676 = tpu.vector_load %arg12[%swap3A_1674, %swap3A_1675] {strides = array<i32>} : memref<40x128xf32, #tpu.memory_space<vmem>>, vector<1x16xf32>,
        %swap3A_1677 = vector.shape_cast %swap3A_1676 : vector<1x16xf32> to vector<16xf32>
        %swap3A_1678 = vector.shape_cast %mul3A_1673 : vector<16xf32> to vector<1x16xf32>
        tpu.vector_store %arg12[%swap3A_1674, %swap3A_1675], %swap3A_1678 {strides = array<i32>} : memref<40x128xf32, #tpu.memory_space<vmem>>, vector<1x16xf32>,
        %add3A_1679 = arith.constant 80 : i32
        %add3A_1680 = arith.addi %mul3A_138, %add3A_1679 : i32
        %add3A_1681 = arith.addi %add3A_1680, %add3A_191 : i32
        %get3A_1682 = arith.index_cast %add3A_1681 : i32 to index
        %get3A_1683 = arith.constant 48 : index
        %get3A_1684 = tpu.vector_load %arg11[%get3A_1682, %get3A_1683] {strides = array<i32>} : memref<240x128xf32, #tpu.memory_space<vmem>>, vector<1x16xf32>,
        %get3A_1685 = vector.shape_cast %get3A_1684 : vector<1x16xf32> to vector<16xf32>
        %mul3A_1686 = arith.mulf %get3A_1685, %exp3A_1335 : vector<16xf32>
        %swap3A_1687 = arith.index_cast %add3A_191 : i32 to index
        %swap3A_1688 = arith.constant 48 : index
        %swap3A_1689 = tpu.vector_load %arg12[%swap3A_1687, %swap3A_1688] {strides = array<i32>} : memref<40x128xf32, #tpu.memory_space<vmem>>, vector<1x16xf32>,
        %swap3A_1690 = vector.shape_cast %swap3A_1689 : vector<1x16xf32> to vector<16xf32>
        %swap3A_1691 = vector.shape_cast %mul3A_1686 : vector<16xf32> to vector<1x16xf32>
        tpu.vector_store %arg12[%swap3A_1687, %swap3A_1688], %swap3A_1691 {strides = array<i32>} : memref<40x128xf32, #tpu.memory_space<vmem>>, vector<1x16xf32>,
        %add3A_1692 = arith.constant 80 : i32
        %add3A_1693 = arith.addi %mul3A_138, %add3A_1692 : i32
        %add3A_1694 = arith.addi %add3A_1693, %add3A_195 : i32
        %get3A_1695 = arith.index_cast %add3A_1694 : i32 to index
        %get3A_1696 = arith.constant 48 : index
        %get3A_1697 = tpu.vector_load %arg11[%get3A_1695, %get3A_1696] {strides = array<i32>} : memref<240x128xf32, #tpu.memory_space<vmem>>, vector<1x16xf32>,
        %get3A_1698 = vector.shape_cast %get3A_1697 : vector<1x16xf32> to vector<16xf32>
        %mul3A_1699 = arith.mulf %get3A_1698, %exp3A_1338 : vector<16xf32>
        %swap3A_1700 = arith.index_cast %add3A_195 : i32 to index
        %swap3A_1701 = arith.constant 48 : index
        %swap3A_1702 = tpu.vector_load %arg12[%swap3A_1700, %swap3A_1701] {strides = array<i32>} : memref<40x128xf32, #tpu.memory_space<vmem>>, vector<1x16xf32>,
        %swap3A_1703 = vector.shape_cast %swap3A_1702 : vector<1x16xf32> to vector<16xf32>
        %swap3A_1704 = vector.shape_cast %mul3A_1699 : vector<16xf32> to vector<1x16xf32>
        tpu.vector_store %arg12[%swap3A_1700, %swap3A_1701], %swap3A_1704 {strides = array<i32>} : memref<40x128xf32, #tpu.memory_space<vmem>>, vector<1x16xf32>,
        %add3A_1705 = arith.constant 80 : i32
        %add3A_1706 = arith.addi %mul3A_138, %add3A_1705 : i32
        %add3A_1707 = arith.addi %add3A_1706, %add3A_199 : i32
        %get3A_1708 = arith.index_cast %add3A_1707 : i32 to index
        %get3A_1709 = arith.constant 48 : index
        %get3A_1710 = tpu.vector_load %arg11[%get3A_1708, %get3A_1709] {strides = array<i32>} : memref<240x128xf32, #tpu.memory_space<vmem>>, vector<1x16xf32>,
        %get3A_1711 = vector.shape_cast %get3A_1710 : vector<1x16xf32> to vector<16xf32>
        %mul3A_1712 = arith.mulf %get3A_1711, %exp3A_1341 : vector<16xf32>
        %swap3A_1713 = arith.index_cast %add3A_199 : i32 to index
        %swap3A_1714 = arith.constant 48 : index
        %swap3A_1715 = tpu.vector_load %arg12[%swap3A_1713, %swap3A_1714] {strides = array<i32>} : memref<40x128xf32, #tpu.memory_space<vmem>>, vector<1x16xf32>,
        %swap3A_1716 = vector.shape_cast %swap3A_1715 : vector<1x16xf32> to vector<16xf32>
        %swap3A_1717 = vector.shape_cast %mul3A_1712 : vector<16xf32> to vector<1x16xf32>
        tpu.vector_store %arg12[%swap3A_1713, %swap3A_1714], %swap3A_1717 {strides = array<i32>} : memref<40x128xf32, #tpu.memory_space<vmem>>, vector<1x16xf32>,
        %add3A_1718 = arith.constant 80 : i32
        %add3A_1719 = arith.addi %mul3A_138, %add3A_1718 : i32
        %add3A_1720 = arith.addi %add3A_1719, %add3A_203 : i32
        %get3A_1721 = arith.index_cast %add3A_1720 : i32 to index
        %get3A_1722 = arith.constant 48 : index
        %get3A_1723 = tpu.vector_load %arg11[%get3A_1721, %get3A_1722] {strides = array<i32>} : memref<240x128xf32, #tpu.memory_space<vmem>>, vector<1x16xf32>,
        %get3A_1724 = vector.shape_cast %get3A_1723 : vector<1x16xf32> to vector<16xf32>
        %mul3A_1725 = arith.mulf %get3A_1724, %exp3A_1344 : vector<16xf32>
        %swap3A_1726 = arith.index_cast %add3A_203 : i32 to index
        %swap3A_1727 = arith.constant 48 : index
        %swap3A_1728 = tpu.vector_load %arg12[%swap3A_1726, %swap3A_1727] {strides = array<i32>} : memref<40x128xf32, #tpu.memory_space<vmem>>, vector<1x16xf32>,
        %swap3A_1729 = vector.shape_cast %swap3A_1728 : vector<1x16xf32> to vector<16xf32>
        %swap3A_1730 = vector.shape_cast %mul3A_1725 : vector<16xf32> to vector<1x16xf32>
        tpu.vector_store %arg12[%swap3A_1726, %swap3A_1727], %swap3A_1730 {strides = array<i32>} : memref<40x128xf32, #tpu.memory_space<vmem>>, vector<1x16xf32>,
        %add3A_1731 = arith.constant 80 : i32
        %add3A_1732 = arith.addi %mul3A_138, %add3A_1731 : i32
        %add3A_1733 = arith.addi %add3A_1732, %add3A_207 : i32
        %get3A_1734 = arith.index_cast %add3A_1733 : i32 to index
        %get3A_1735 = arith.constant 48 : index
        %get3A_1736 = tpu.vector_load %arg11[%get3A_1734, %get3A_1735] {strides = array<i32>} : memref<240x128xf32, #tpu.memory_space<vmem>>, vector<1x16xf32>,
        %get3A_1737 = vector.shape_cast %get3A_1736 : vector<1x16xf32> to vector<16xf32>
        %mul3A_1738 = arith.mulf %get3A_1737, %exp3A_1347 : vector<16xf32>
        %swap3A_1739 = arith.index_cast %add3A_207 : i32 to index
        %swap3A_1740 = arith.constant 48 : index
        %swap3A_1741 = tpu.vector_load %arg12[%swap3A_1739, %swap3A_1740] {strides = array<i32>} : memref<40x128xf32, #tpu.memory_space<vmem>>, vector<1x16xf32>,
        %swap3A_1742 = vector.shape_cast %swap3A_1741 : vector<1x16xf32> to vector<16xf32>
        %swap3A_1743 = vector.shape_cast %mul3A_1738 : vector<16xf32> to vector<1x16xf32>
        tpu.vector_store %arg12[%swap3A_1739, %swap3A_1740], %swap3A_1743 {strides = array<i32>} : memref<40x128xf32, #tpu.memory_space<vmem>>, vector<1x16xf32>,
        %add3A_1744 = arith.constant 80 : i32
        %add3A_1745 = arith.addi %mul3A_138, %add3A_1744 : i32
        %add3A_1746 = arith.addi %add3A_1745, %add3A_211 : i32
        %get3A_1747 = arith.index_cast %add3A_1746 : i32 to index
        %get3A_1748 = arith.constant 48 : index
        %get3A_1749 = tpu.vector_load %arg11[%get3A_1747, %get3A_1748] {strides = array<i32>} : memref<240x128xf32, #tpu.memory_space<vmem>>, vector<1x16xf32>,
        %get3A_1750 = vector.shape_cast %get3A_1749 : vector<1x16xf32> to vector<16xf32>
        %mul3A_1751 = arith.mulf %get3A_1750, %exp3A_1350 : vector<16xf32>
        %swap3A_1752 = arith.index_cast %add3A_211 : i32 to index
        %swap3A_1753 = arith.constant 48 : index
        %swap3A_1754 = tpu.vector_load %arg12[%swap3A_1752, %swap3A_1753] {strides = array<i32>} : memref<40x128xf32, #tpu.memory_space<vmem>>, vector<1x16xf32>,
        %swap3A_1755 = vector.shape_cast %swap3A_1754 : vector<1x16xf32> to vector<16xf32>
        %swap3A_1756 = vector.shape_cast %mul3A_1751 : vector<16xf32> to vector<1x16xf32>
        tpu.vector_store %arg12[%swap3A_1752, %swap3A_1753], %swap3A_1756 {strides = array<i32>} : memref<40x128xf32, #tpu.memory_space<vmem>>, vector<1x16xf32>,
        %add3A_1757 = arith.constant 80 : i32
        %add3A_1758 = arith.addi %mul3A_138, %add3A_1757 : i32
        %add3A_1759 = arith.addi %add3A_1758, %add3A_215 : i32
        %get3A_1760 = arith.index_cast %add3A_1759 : i32 to index
        %get3A_1761 = arith.constant 48 : index
        %get3A_1762 = tpu.vector_load %arg11[%get3A_1760, %get3A_1761] {strides = array<i32>} : memref<240x128xf32, #tpu.memory_space<vmem>>, vector<1x16xf32>,
        %get3A_1763 = vector.shape_cast %get3A_1762 : vector<1x16xf32> to vector<16xf32>
        %mul3A_1764 = arith.mulf %get3A_1763, %exp3A_1353 : vector<16xf32>
        %swap3A_1765 = arith.index_cast %add3A_215 : i32 to index
        %swap3A_1766 = arith.constant 48 : index
        %swap3A_1767 = tpu.vector_load %arg12[%swap3A_1765, %swap3A_1766] {strides = array<i32>} : memref<40x128xf32, #tpu.memory_space<vmem>>, vector<1x16xf32>,
        %swap3A_1768 = vector.shape_cast %swap3A_1767 : vector<1x16xf32> to vector<16xf32>
        %swap3A_1769 = vector.shape_cast %mul3A_1764 : vector<16xf32> to vector<1x16xf32>
        tpu.vector_store %arg12[%swap3A_1765, %swap3A_1766], %swap3A_1769 {strides = array<i32>} : memref<40x128xf32, #tpu.memory_space<vmem>>, vector<1x16xf32>,
        %add3A_1770 = arith.constant 80 : i32
        %add3A_1771 = arith.addi %mul3A_138, %add3A_1770 : i32
        %add3A_1772 = arith.addi %add3A_1771, %add3A_187 : i32
        %get3A_1773 = arith.index_cast %add3A_1772 : i32 to index
        %get3A_1774 = arith.constant 64 : index
        %get3A_1775 = tpu.vector_load %arg11[%get3A_1773, %get3A_1774] {strides = array<i32>} : memref<240x128xf32, #tpu.memory_space<vmem>>, vector<1x16xf32>,
        %get3A_1776 = vector.shape_cast %get3A_1775 : vector<1x16xf32> to vector<16xf32>
        %mul3A_1777 = arith.mulf %get3A_1776, %exp3A : vector<16xf32>
        %swap3A_1778 = arith.index_cast %add3A_187 : i32 to index
        %swap3A_1779 = arith.constant 64 : index
        %swap3A_1780 = tpu.vector_load %arg12[%swap3A_1778, %swap3A_1779] {strides = array<i32>} : memref<40x128xf32, #tpu.memory_space<vmem>>, vector<1x16xf32>,
        %swap3A_1781 = vector.shape_cast %swap3A_1780 : vector<1x16xf32> to vector<16xf32>
        %swap3A_1782 = vector.shape_cast %mul3A_1777 : vector<16xf32> to vector<1x16xf32>
        tpu.vector_store %arg12[%swap3A_1778, %swap3A_1779], %swap3A_1782 {strides = array<i32>} : memref<40x128xf32, #tpu.memory_space<vmem>>, vector<1x16xf32>,
        %add3A_1783 = arith.constant 80 : i32
        %add3A_1784 = arith.addi %mul3A_138, %add3A_1783 : i32
        %add3A_1785 = arith.addi %add3A_1784, %add3A_191 : i32
        %get3A_1786 = arith.index_cast %add3A_1785 : i32 to index
        %get3A_1787 = arith.constant 64 : index
        %get3A_1788 = tpu.vector_load %arg11[%get3A_1786, %get3A_1787] {strides = array<i32>} : memref<240x128xf32, #tpu.memory_space<vmem>>, vector<1x16xf32>,
        %get3A_1789 = vector.shape_cast %get3A_1788 : vector<1x16xf32> to vector<16xf32>
        %mul3A_1790 = arith.mulf %get3A_1789, %exp3A_1335 : vector<16xf32>
        %swap3A_1791 = arith.index_cast %add3A_191 : i32 to index
        %swap3A_1792 = arith.constant 64 : index
        %swap3A_1793 = tpu.vector_load %arg12[%swap3A_1791, %swap3A_1792] {strides = array<i32>} : memref<40x128xf32, #tpu.memory_space<vmem>>, vector<1x16xf32>,
        %swap3A_1794 = vector.shape_cast %swap3A_1793 : vector<1x16xf32> to vector<16xf32>
        %swap3A_1795 = vector.shape_cast %mul3A_1790 : vector<16xf32> to vector<1x16xf32>
        tpu.vector_store %arg12[%swap3A_1791, %swap3A_1792], %swap3A_1795 {strides = array<i32>} : memref<40x128xf32, #tpu.memory_space<vmem>>, vector<1x16xf32>,
        %add3A_1796 = arith.constant 80 : i32
        %add3A_1797 = arith.addi %mul3A_138, %add3A_1796 : i32
        %add3A_1798 = arith.addi %add3A_1797, %add3A_195 : i32
        %get3A_1799 = arith.index_cast %add3A_1798 : i32 to index
        %get3A_1800 = arith.constant 64 : index
        %get3A_1801 = tpu.vector_load %arg11[%get3A_1799, %get3A_1800] {strides = array<i32>} : memref<240x128xf32, #tpu.memory_space<vmem>>, vector<1x16xf32>,
        %get3A_1802 = vector.shape_cast %get3A_1801 : vector<1x16xf32> to vector<16xf32>
        %mul3A_1803 = arith.mulf %get3A_1802, %exp3A_1338 : vector<16xf32>
        %swap3A_1804 = arith.index_cast %add3A_195 : i32 to index
        %swap3A_1805 = arith.constant 64 : index
        %swap3A_1806 = tpu.vector_load %arg12[%swap3A_1804, %swap3A_1805] {strides = array<i32>} : memref<40x128xf32, #tpu.memory_space<vmem>>, vector<1x16xf32>,
        %swap3A_1807 = vector.shape_cast %swap3A_1806 : vector<1x16xf32> to vector<16xf32>
        %swap3A_1808 = vector.shape_cast %mul3A_1803 : vector<16xf32> to vector<1x16xf32>
        tpu.vector_store %arg12[%swap3A_1804, %swap3A_1805], %swap3A_1808 {strides = array<i32>} : memref<40x128xf32, #tpu.memory_space<vmem>>, vector<1x16xf32>,
        %add3A_1809 = arith.constant 80 : i32
        %add3A_1810 = arith.addi %mul3A_138, %add3A_1809 : i32
        %add3A_1811 = arith.addi %add3A_1810, %add3A_199 : i32
        %get3A_1812 = arith.index_cast %add3A_1811 : i32 to index
        %get3A_1813 = arith.constant 64 : index
        %get3A_1814 = tpu.vector_load %arg11[%get3A_1812, %get3A_1813] {strides = array<i32>} : memref<240x128xf32, #tpu.memory_space<vmem>>, vector<1x16xf32>,
        %get3A_1815 = vector.shape_cast %get3A_1814 : vector<1x16xf32> to vector<16xf32>
        %mul3A_1816 = arith.mulf %get3A_1815, %exp3A_1341 : vector<16xf32>
        %swap3A_1817 = arith.index_cast %add3A_199 : i32 to index
        %swap3A_1818 = arith.constant 64 : index
        %swap3A_1819 = tpu.vector_load %arg12[%swap3A_1817, %swap3A_1818] {strides = array<i32>} : memref<40x128xf32, #tpu.memory_space<vmem>>, vector<1x16xf32>,
        %swap3A_1820 = vector.shape_cast %swap3A_1819 : vector<1x16xf32> to vector<16xf32>
        %swap3A_1821 = vector.shape_cast %mul3A_1816 : vector<16xf32> to vector<1x16xf32>
        tpu.vector_store %arg12[%swap3A_1817, %swap3A_1818], %swap3A_1821 {strides = array<i32>} : memref<40x128xf32, #tpu.memory_space<vmem>>, vector<1x16xf32>,
        %add3A_1822 = arith.constant 80 : i32
        %add3A_1823 = arith.addi %mul3A_138, %add3A_1822 : i32
        %add3A_1824 = arith.addi %add3A_1823, %add3A_203 : i32
        %get3A_1825 = arith.index_cast %add3A_1824 : i32 to index
        %get3A_1826 = arith.constant 64 : index
        %get3A_1827 = tpu.vector_load %arg11[%get3A_1825, %get3A_1826] {strides = array<i32>} : memref<240x128xf32, #tpu.memory_space<vmem>>, vector<1x16xf32>,
        %get3A_1828 = vector.shape_cast %get3A_1827 : vector<1x16xf32> to vector<16xf32>
        %mul3A_1829 = arith.mulf %get3A_1828, %exp3A_1344 : vector<16xf32>
        %swap3A_1830 = arith.index_cast %add3A_203 : i32 to index
        %swap3A_1831 = arith.constant 64 : index
        %swap3A_1832 = tpu.vector_load %arg12[%swap3A_1830, %swap3A_1831] {strides = array<i32>} : memref<40x128xf32, #tpu.memory_space<vmem>>, vector<1x16xf32>,
        %swap3A_1833 = vector.shape_cast %swap3A_1832 : vector<1x16xf32> to vector<16xf32>
        %swap3A_1834 = vector.shape_cast %mul3A_1829 : vector<16xf32> to vector<1x16xf32>
        tpu.vector_store %arg12[%swap3A_1830, %swap3A_1831], %swap3A_1834 {strides = array<i32>} : memref<40x128xf32, #tpu.memory_space<vmem>>, vector<1x16xf32>,
        %add3A_1835 = arith.constant 80 : i32
        %add3A_1836 = arith.addi %mul3A_138, %add3A_1835 : i32
        %add3A_1837 = arith.addi %add3A_1836, %add3A_207 : i32
        %get3A_1838 = arith.index_cast %add3A_1837 : i32 to index
        %get3A_1839 = arith.constant 64 : index
        %get3A_1840 = tpu.vector_load %arg11[%get3A_1838, %get3A_1839] {strides = array<i32>} : memref<240x128xf32, #tpu.memory_space<vmem>>, vector<1x16xf32>,
        %get3A_1841 = vector.shape_cast %get3A_1840 : vector<1x16xf32> to vector<16xf32>
        %mul3A_1842 = arith.mulf %get3A_1841, %exp3A_1347 : vector<16xf32>
        %swap3A_1843 = arith.index_cast %add3A_207 : i32 to index
        %swap3A_1844 = arith.constant 64 : index
        %swap3A_1845 = tpu.vector_load %arg12[%swap3A_1843, %swap3A_1844] {strides = array<i32>} : memref<40x128xf32, #tpu.memory_space<vmem>>, vector<1x16xf32>,
        %swap3A_1846 = vector.shape_cast %swap3A_1845 : vector<1x16xf32> to vector<16xf32>
        %swap3A_1847 = vector.shape_cast %mul3A_1842 : vector<16xf32> to vector<1x16xf32>
        tpu.vector_store %arg12[%swap3A_1843, %swap3A_1844], %swap3A_1847 {strides = array<i32>} : memref<40x128xf32, #tpu.memory_space<vmem>>, vector<1x16xf32>,
        %add3A_1848 = arith.constant 80 : i32
        %add3A_1849 = arith.addi %mul3A_138, %add3A_1848 : i32
        %add3A_1850 = arith.addi %add3A_1849, %add3A_211 : i32
        %get3A_1851 = arith.index_cast %add3A_1850 : i32 to index
        %get3A_1852 = arith.constant 64 : index
        %get3A_1853 = tpu.vector_load %arg11[%get3A_1851, %get3A_1852] {strides = array<i32>} : memref<240x128xf32, #tpu.memory_space<vmem>>, vector<1x16xf32>,
        %get3A_1854 = vector.shape_cast %get3A_1853 : vector<1x16xf32> to vector<16xf32>
        %mul3A_1855 = arith.mulf %get3A_1854, %exp3A_1350 : vector<16xf32>
        %swap3A_1856 = arith.index_cast %add3A_211 : i32 to index
        %swap3A_1857 = arith.constant 64 : index
        %swap3A_1858 = tpu.vector_load %arg12[%swap3A_1856, %swap3A_1857] {strides = array<i32>} : memref<40x128xf32, #tpu.memory_space<vmem>>, vector<1x16xf32>,
        %swap3A_1859 = vector.shape_cast %swap3A_1858 : vector<1x16xf32> to vector<16xf32>
        %swap3A_1860 = vector.shape_cast %mul3A_1855 : vector<16xf32> to vector<1x16xf32>
        tpu.vector_store %arg12[%swap3A_1856, %swap3A_1857], %swap3A_1860 {strides = array<i32>} : memref<40x128xf32, #tpu.memory_space<vmem>>, vector<1x16xf32>,
        %add3A_1861 = arith.constant 80 : i32
        %add3A_1862 = arith.addi %mul3A_138, %add3A_1861 : i32
        %add3A_1863 = arith.addi %add3A_1862, %add3A_215 : i32
        %get3A_1864 = arith.index_cast %add3A_1863 : i32 to index
        %get3A_1865 = arith.constant 64 : index
        %get3A_1866 = tpu.vector_load %arg11[%get3A_1864, %get3A_1865] {strides = array<i32>} : memref<240x128xf32, #tpu.memory_space<vmem>>, vector<1x16xf32>,
        %get3A_1867 = vector.shape_cast %get3A_1866 : vector<1x16xf32> to vector<16xf32>
        %mul3A_1868 = arith.mulf %get3A_1867, %exp3A_1353 : vector<16xf32>
        %swap3A_1869 = arith.index_cast %add3A_215 : i32 to index
        %swap3A_1870 = arith.constant 64 : index
        %swap3A_1871 = tpu.vector_load %arg12[%swap3A_1869, %swap3A_1870] {strides = array<i32>} : memref<40x128xf32, #tpu.memory_space<vmem>>, vector<1x16xf32>,
        %swap3A_1872 = vector.shape_cast %swap3A_1871 : vector<1x16xf32> to vector<16xf32>
        %swap3A_1873 = vector.shape_cast %mul3A_1868 : vector<16xf32> to vector<1x16xf32>
        tpu.vector_store %arg12[%swap3A_1869, %swap3A_1870], %swap3A_1873 {strides = array<i32>} : memref<40x128xf32, #tpu.memory_space<vmem>>, vector<1x16xf32>,
        %add3A_1874 = arith.constant 80 : i32
        %add3A_1875 = arith.addi %mul3A_138, %add3A_1874 : i32
        %add3A_1876 = arith.addi %add3A_1875, %add3A_187 : i32
        %get3A_1877 = arith.index_cast %add3A_1876 : i32 to index
        %get3A_1878 = arith.constant 80 : index
        %get3A_1879 = tpu.vector_load %arg11[%get3A_1877, %get3A_1878] {strides = array<i32>} : memref<240x128xf32, #tpu.memory_space<vmem>>, vector<1x16xf32>,
        %get3A_1880 = vector.shape_cast %get3A_1879 : vector<1x16xf32> to vector<16xf32>
        %mul3A_1881 = arith.mulf %get3A_1880, %exp3A : vector<16xf32>
        %swap3A_1882 = arith.index_cast %add3A_187 : i32 to index
        %swap3A_1883 = arith.constant 80 : index
        %swap3A_1884 = tpu.vector_load %arg12[%swap3A_1882, %swap3A_1883] {strides = array<i32>} : memref<40x128xf32, #tpu.memory_space<vmem>>, vector<1x16xf32>,
        %swap3A_1885 = vector.shape_cast %swap3A_1884 : vector<1x16xf32> to vector<16xf32>
        %swap3A_1886 = vector.shape_cast %mul3A_1881 : vector<16xf32> to vector<1x16xf32>
        tpu.vector_store %arg12[%swap3A_1882, %swap3A_1883], %swap3A_1886 {strides = array<i32>} : memref<40x128xf32, #tpu.memory_space<vmem>>, vector<1x16xf32>,
        %add3A_1887 = arith.constant 80 : i32
        %add3A_1888 = arith.addi %mul3A_138, %add3A_1887 : i32
        %add3A_1889 = arith.addi %add3A_1888, %add3A_191 : i32
        %get3A_1890 = arith.index_cast %add3A_1889 : i32 to index
        %get3A_1891 = arith.constant 80 : index
        %get3A_1892 = tpu.vector_load %arg11[%get3A_1890, %get3A_1891] {strides = array<i32>} : memref<240x128xf32, #tpu.memory_space<vmem>>, vector<1x16xf32>,
        %get3A_1893 = vector.shape_cast %get3A_1892 : vector<1x16xf32> to vector<16xf32>
        %mul3A_1894 = arith.mulf %get3A_1893, %exp3A_1335 : vector<16xf32>
        %swap3A_1895 = arith.index_cast %add3A_191 : i32 to index
        %swap3A_1896 = arith.constant 80 : index
        %swap3A_1897 = tpu.vector_load %arg12[%swap3A_1895, %swap3A_1896] {strides = array<i32>} : memref<40x128xf32, #tpu.memory_space<vmem>>, vector<1x16xf32>,
        %swap3A_1898 = vector.shape_cast %swap3A_1897 : vector<1x16xf32> to vector<16xf32>
        %swap3A_1899 = vector.shape_cast %mul3A_1894 : vector<16xf32> to vector<1x16xf32>
        tpu.vector_store %arg12[%swap3A_1895, %swap3A_1896], %swap3A_1899 {strides = array<i32>} : memref<40x128xf32, #tpu.memory_space<vmem>>, vector<1x16xf32>,
        %add3A_1900 = arith.constant 80 : i32
        %add3A_1901 = arith.addi %mul3A_138, %add3A_1900 : i32
        %add3A_1902 = arith.addi %add3A_1901, %add3A_195 : i32
        %get3A_1903 = arith.index_cast %add3A_1902 : i32 to index
        %get3A_1904 = arith.constant 80 : index
        %get3A_1905 = tpu.vector_load %arg11[%get3A_1903, %get3A_1904] {strides = array<i32>} : memref<240x128xf32, #tpu.memory_space<vmem>>, vector<1x16xf32>,
        %get3A_1906 = vector.shape_cast %get3A_1905 : vector<1x16xf32> to vector<16xf32>
        %mul3A_1907 = arith.mulf %get3A_1906, %exp3A_1338 : vector<16xf32>
        %swap3A_1908 = arith.index_cast %add3A_195 : i32 to index
        %swap3A_1909 = arith.constant 80 : index
        %swap3A_1910 = tpu.vector_load %arg12[%swap3A_1908, %swap3A_1909] {strides = array<i32>} : memref<40x128xf32, #tpu.memory_space<vmem>>, vector<1x16xf32>,
        %swap3A_1911 = vector.shape_cast %swap3A_1910 : vector<1x16xf32> to vector<16xf32>
        %swap3A_1912 = vector.shape_cast %mul3A_1907 : vector<16xf32> to vector<1x16xf32>
        tpu.vector_store %arg12[%swap3A_1908, %swap3A_1909], %swap3A_1912 {strides = array<i32>} : memref<40x128xf32, #tpu.memory_space<vmem>>, vector<1x16xf32>,
        %add3A_1913 = arith.constant 80 : i32
        %add3A_1914 = arith.addi %mul3A_138, %add3A_1913 : i32
        %add3A_1915 = arith.addi %add3A_1914, %add3A_199 : i32
        %get3A_1916 = arith.index_cast %add3A_1915 : i32 to index
        %get3A_1917 = arith.constant 80 : index
        %get3A_1918 = tpu.vector_load %arg11[%get3A_1916, %get3A_1917] {strides = array<i32>} : memref<240x128xf32, #tpu.memory_space<vmem>>, vector<1x16xf32>,
        %get3A_1919 = vector.shape_cast %get3A_1918 : vector<1x16xf32> to vector<16xf32>
        %mul3A_1920 = arith.mulf %get3A_1919, %exp3A_1341 : vector<16xf32>
        %swap3A_1921 = arith.index_cast %add3A_199 : i32 to index
        %swap3A_1922 = arith.constant 80 : index
        %swap3A_1923 = tpu.vector_load %arg12[%swap3A_1921, %swap3A_1922] {strides = array<i32>} : memref<40x128xf32, #tpu.memory_space<vmem>>, vector<1x16xf32>,
        %swap3A_1924 = vector.shape_cast %swap3A_1923 : vector<1x16xf32> to vector<16xf32>
        %swap3A_1925 = vector.shape_cast %mul3A_1920 : vector<16xf32> to vector<1x16xf32>
        tpu.vector_store %arg12[%swap3A_1921, %swap3A_1922], %swap3A_1925 {strides = array<i32>} : memref<40x128xf32, #tpu.memory_space<vmem>>, vector<1x16xf32>,
        %add3A_1926 = arith.constant 80 : i32
        %add3A_1927 = arith.addi %mul3A_138, %add3A_1926 : i32
        %add3A_1928 = arith.addi %add3A_1927, %add3A_203 : i32
        %get3A_1929 = arith.index_cast %add3A_1928 : i32 to index
        %get3A_1930 = arith.constant 80 : index
        %get3A_1931 = tpu.vector_load %arg11[%get3A_1929, %get3A_1930] {strides = array<i32>} : memref<240x128xf32, #tpu.memory_space<vmem>>, vector<1x16xf32>,
        %get3A_1932 = vector.shape_cast %get3A_1931 : vector<1x16xf32> to vector<16xf32>
        %mul3A_1933 = arith.mulf %get3A_1932, %exp3A_1344 : vector<16xf32>
        %swap3A_1934 = arith.index_cast %add3A_203 : i32 to index
        %swap3A_1935 = arith.constant 80 : index
        %swap3A_1936 = tpu.vector_load %arg12[%swap3A_1934, %swap3A_1935] {strides = array<i32>} : memref<40x128xf32, #tpu.memory_space<vmem>>, vector<1x16xf32>,
        %swap3A_1937 = vector.shape_cast %swap3A_1936 : vector<1x16xf32> to vector<16xf32>
        %swap3A_1938 = vector.shape_cast %mul3A_1933 : vector<16xf32> to vector<1x16xf32>
        tpu.vector_store %arg12[%swap3A_1934, %swap3A_1935], %swap3A_1938 {strides = array<i32>} : memref<40x128xf32, #tpu.memory_space<vmem>>, vector<1x16xf32>,
        %add3A_1939 = arith.constant 80 : i32
        %add3A_1940 = arith.addi %mul3A_138, %add3A_1939 : i32
        %add3A_1941 = arith.addi %add3A_1940, %add3A_207 : i32
        %get3A_1942 = arith.index_cast %add3A_1941 : i32 to index
        %get3A_1943 = arith.constant 80 : index
        %get3A_1944 = tpu.vector_load %arg11[%get3A_1942, %get3A_1943] {strides = array<i32>} : memref<240x128xf32, #tpu.memory_space<vmem>>, vector<1x16xf32>,
        %get3A_1945 = vector.shape_cast %get3A_1944 : vector<1x16xf32> to vector<16xf32>
        %mul3A_1946 = arith.mulf %get3A_1945, %exp3A_1347 : vector<16xf32>
        %swap3A_1947 = arith.index_cast %add3A_207 : i32 to index
        %swap3A_1948 = arith.constant 80 : index
        %swap3A_1949 = tpu.vector_load %arg12[%swap3A_1947, %swap3A_1948] {strides = array<i32>} : memref<40x128xf32, #tpu.memory_space<vmem>>, vector<1x16xf32>,
        %swap3A_1950 = vector.shape_cast %swap3A_1949 : vector<1x16xf32> to vector<16xf32>
        %swap3A_1951 = vector.shape_cast %mul3A_1946 : vector<16xf32> to vector<1x16xf32>
        tpu.vector_store %arg12[%swap3A_1947, %swap3A_1948], %swap3A_1951 {strides = array<i32>} : memref<40x128xf32, #tpu.memory_space<vmem>>, vector<1x16xf32>,
        %add3A_1952 = arith.constant 80 : i32
        %add3A_1953 = arith.addi %mul3A_138, %add3A_1952 : i32
        %add3A_1954 = arith.addi %add3A_1953, %add3A_211 : i32
        %get3A_1955 = arith.index_cast %add3A_1954 : i32 to index
        %get3A_1956 = arith.constant 80 : index
        %get3A_1957 = tpu.vector_load %arg11[%get3A_1955, %get3A_1956] {strides = array<i32>} : memref<240x128xf32, #tpu.memory_space<vmem>>, vector<1x16xf32>,
        %get3A_1958 = vector.shape_cast %get3A_1957 : vector<1x16xf32> to vector<16xf32>
        %mul3A_1959 = arith.mulf %get3A_1958, %exp3A_1350 : vector<16xf32>
        %swap3A_1960 = arith.index_cast %add3A_211 : i32 to index
        %swap3A_1961 = arith.constant 80 : index
        %swap3A_1962 = tpu.vector_load %arg12[%swap3A_1960, %swap3A_1961] {strides = array<i32>} : memref<40x128xf32, #tpu.memory_space<vmem>>, vector<1x16xf32>,
        %swap3A_1963 = vector.shape_cast %swap3A_1962 : vector<1x16xf32> to vector<16xf32>
        %swap3A_1964 = vector.shape_cast %mul3A_1959 : vector<16xf32> to vector<1x16xf32>
        tpu.vector_store %arg12[%swap3A_1960, %swap3A_1961], %swap3A_1964 {strides = array<i32>} : memref<40x128xf32, #tpu.memory_space<vmem>>, vector<1x16xf32>,
        %add3A_1965 = arith.constant 80 : i32
        %add3A_1966 = arith.addi %mul3A_138, %add3A_1965 : i32
        %add3A_1967 = arith.addi %add3A_1966, %add3A_215 : i32
        %get3A_1968 = arith.index_cast %add3A_1967 : i32 to index
        %get3A_1969 = arith.constant 80 : index
        %get3A_1970 = tpu.vector_load %arg11[%get3A_1968, %get3A_1969] {strides = array<i32>} : memref<240x128xf32, #tpu.memory_space<vmem>>, vector<1x16xf32>,
        %get3A_1971 = vector.shape_cast %get3A_1970 : vector<1x16xf32> to vector<16xf32>
        %mul3A_1972 = arith.mulf %get3A_1971, %exp3A_1353 : vector<16xf32>
        %swap3A_1973 = arith.index_cast %add3A_215 : i32 to index
        %swap3A_1974 = arith.constant 80 : index
        %swap3A_1975 = tpu.vector_load %arg12[%swap3A_1973, %swap3A_1974] {strides = array<i32>} : memref<40x128xf32, #tpu.memory_space<vmem>>, vector<1x16xf32>,
        %swap3A_1976 = vector.shape_cast %swap3A_1975 : vector<1x16xf32> to vector<16xf32>
        %swap3A_1977 = vector.shape_cast %mul3A_1972 : vector<16xf32> to vector<1x16xf32>
        tpu.vector_store %arg12[%swap3A_1973, %swap3A_1974], %swap3A_1977 {strides = array<i32>} : memref<40x128xf32, #tpu.memory_space<vmem>>, vector<1x16xf32>,
        %add3A_1978 = arith.constant 80 : i32
        %add3A_1979 = arith.addi %mul3A_138, %add3A_1978 : i32
        %add3A_1980 = arith.addi %add3A_1979, %add3A_187 : i32
        %get3A_1981 = arith.index_cast %add3A_1980 : i32 to index
        %get3A_1982 = arith.constant 96 : index
        %get3A_1983 = tpu.vector_load %arg11[%get3A_1981, %get3A_1982] {strides = array<i32>} : memref<240x128xf32, #tpu.memory_space<vmem>>, vector<1x16xf32>,
        %get3A_1984 = vector.shape_cast %get3A_1983 : vector<1x16xf32> to vector<16xf32>
        %mul3A_1985 = arith.mulf %get3A_1984, %exp3A : vector<16xf32>
        %swap3A_1986 = arith.index_cast %add3A_187 : i32 to index
        %swap3A_1987 = arith.constant 96 : index
        %swap3A_1988 = tpu.vector_load %arg12[%swap3A_1986, %swap3A_1987] {strides = array<i32>} : memref<40x128xf32, #tpu.memory_space<vmem>>, vector<1x16xf32>,
        %swap3A_1989 = vector.shape_cast %swap3A_1988 : vector<1x16xf32> to vector<16xf32>
        %swap3A_1990 = vector.shape_cast %mul3A_1985 : vector<16xf32> to vector<1x16xf32>
        tpu.vector_store %arg12[%swap3A_1986, %swap3A_1987], %swap3A_1990 {strides = array<i32>} : memref<40x128xf32, #tpu.memory_space<vmem>>, vector<1x16xf32>,
        %add3A_1991 = arith.constant 80 : i32
        %add3A_1992 = arith.addi %mul3A_138, %add3A_1991 : i32
        %add3A_1993 = arith.addi %add3A_1992, %add3A_191 : i32
        %get3A_1994 = arith.index_cast %add3A_1993 : i32 to index
        %get3A_1995 = arith.constant 96 : index
        %get3A_1996 = tpu.vector_load %arg11[%get3A_1994, %get3A_1995] {strides = array<i32>} : memref<240x128xf32, #tpu.memory_space<vmem>>, vector<1x16xf32>,
        %get3A_1997 = vector.shape_cast %get3A_1996 : vector<1x16xf32> to vector<16xf32>
        %mul3A_1998 = arith.mulf %get3A_1997, %exp3A_1335 : vector<16xf32>
        %swap3A_1999 = arith.index_cast %add3A_191 : i32 to index
        %swap3A_2000 = arith.constant 96 : index
        %swap3A_2001 = tpu.vector_load %arg12[%swap3A_1999, %swap3A_2000] {strides = array<i32>} : memref<40x128xf32, #tpu.memory_space<vmem>>, vector<1x16xf32>,
        %swap3A_2002 = vector.shape_cast %swap3A_2001 : vector<1x16xf32> to vector<16xf32>
        %swap3A_2003 = vector.shape_cast %mul3A_1998 : vector<16xf32> to vector<1x16xf32>
        tpu.vector_store %arg12[%swap3A_1999, %swap3A_2000], %swap3A_2003 {strides = array<i32>} : memref<40x128xf32, #tpu.memory_space<vmem>>, vector<1x16xf32>,
        %add3A_2004 = arith.constant 80 : i32
        %add3A_2005 = arith.addi %mul3A_138, %add3A_2004 : i32
        %add3A_2006 = arith.addi %add3A_2005, %add3A_195 : i32
        %get3A_2007 = arith.index_cast %add3A_2006 : i32 to index
        %get3A_2008 = arith.constant 96 : index
        %get3A_2009 = tpu.vector_load %arg11[%get3A_2007, %get3A_2008] {strides = array<i32>} : memref<240x128xf32, #tpu.memory_space<vmem>>, vector<1x16xf32>,
        %get3A_2010 = vector.shape_cast %get3A_2009 : vector<1x16xf32> to vector<16xf32>
        %mul3A_2011 = arith.mulf %get3A_2010, %exp3A_1338 : vector<16xf32>
        %swap3A_2012 = arith.index_cast %add3A_195 : i32 to index
        %swap3A_2013 = arith.constant 96 : index
        %swap3A_2014 = tpu.vector_load %arg12[%swap3A_2012, %swap3A_2013] {strides = array<i32>} : memref<40x128xf32, #tpu.memory_space<vmem>>, vector<1x16xf32>,
        %swap3A_2015 = vector.shape_cast %swap3A_2014 : vector<1x16xf32> to vector<16xf32>
        %swap3A_2016 = vector.shape_cast %mul3A_2011 : vector<16xf32> to vector<1x16xf32>
        tpu.vector_store %arg12[%swap3A_2012, %swap3A_2013], %swap3A_2016 {strides = array<i32>} : memref<40x128xf32, #tpu.memory_space<vmem>>, vector<1x16xf32>,
        %add3A_2017 = arith.constant 80 : i32
        %add3A_2018 = arith.addi %mul3A_138, %add3A_2017 : i32
        %add3A_2019 = arith.addi %add3A_2018, %add3A_199 : i32
        %get3A_2020 = arith.index_cast %add3A_2019 : i32 to index
        %get3A_2021 = arith.constant 96 : index
        %get3A_2022 = tpu.vector_load %arg11[%get3A_2020, %get3A_2021] {strides = array<i32>} : memref<240x128xf32, #tpu.memory_space<vmem>>, vector<1x16xf32>,
        %get3A_2023 = vector.shape_cast %get3A_2022 : vector<1x16xf32> to vector<16xf32>
        %mul3A_2024 = arith.mulf %get3A_2023, %exp3A_1341 : vector<16xf32>
        %swap3A_2025 = arith.index_cast %add3A_199 : i32 to index
        %swap3A_2026 = arith.constant 96 : index
        %swap3A_2027 = tpu.vector_load %arg12[%swap3A_2025, %swap3A_2026] {strides = array<i32>} : memref<40x128xf32, #tpu.memory_space<vmem>>, vector<1x16xf32>,
        %swap3A_2028 = vector.shape_cast %swap3A_2027 : vector<1x16xf32> to vector<16xf32>
        %swap3A_2029 = vector.shape_cast %mul3A_2024 : vector<16xf32> to vector<1x16xf32>
        tpu.vector_store %arg12[%swap3A_2025, %swap3A_2026], %swap3A_2029 {strides = array<i32>} : memref<40x128xf32, #tpu.memory_space<vmem>>, vector<1x16xf32>,
        %add3A_2030 = arith.constant 80 : i32
        %add3A_2031 = arith.addi %mul3A_138, %add3A_2030 : i32
        %add3A_2032 = arith.addi %add3A_2031, %add3A_203 : i32
        %get3A_2033 = arith.index_cast %add3A_2032 : i32 to index
        %get3A_2034 = arith.constant 96 : index
        %get3A_2035 = tpu.vector_load %arg11[%get3A_2033, %get3A_2034] {strides = array<i32>} : memref<240x128xf32, #tpu.memory_space<vmem>>, vector<1x16xf32>,
        %get3A_2036 = vector.shape_cast %get3A_2035 : vector<1x16xf32> to vector<16xf32>
        %mul3A_2037 = arith.mulf %get3A_2036, %exp3A_1344 : vector<16xf32>
        %swap3A_2038 = arith.index_cast %add3A_203 : i32 to index
        %swap3A_2039 = arith.constant 96 : index
        %swap3A_2040 = tpu.vector_load %arg12[%swap3A_2038, %swap3A_2039] {strides = array<i32>} : memref<40x128xf32, #tpu.memory_space<vmem>>, vector<1x16xf32>,
        %swap3A_2041 = vector.shape_cast %swap3A_2040 : vector<1x16xf32> to vector<16xf32>
        %swap3A_2042 = vector.shape_cast %mul3A_2037 : vector<16xf32> to vector<1x16xf32>
        tpu.vector_store %arg12[%swap3A_2038, %swap3A_2039], %swap3A_2042 {strides = array<i32>} : memref<40x128xf32, #tpu.memory_space<vmem>>, vector<1x16xf32>,
        %add3A_2043 = arith.constant 80 : i32
        %add3A_2044 = arith.addi %mul3A_138, %add3A_2043 : i32
        %add3A_2045 = arith.addi %add3A_2044, %add3A_207 : i32
        %get3A_2046 = arith.index_cast %add3A_2045 : i32 to index
        %get3A_2047 = arith.constant 96 : index
        %get3A_2048 = tpu.vector_load %arg11[%get3A_2046, %get3A_2047] {strides = array<i32>} : memref<240x128xf32, #tpu.memory_space<vmem>>, vector<1x16xf32>,
        %get3A_2049 = vector.shape_cast %get3A_2048 : vector<1x16xf32> to vector<16xf32>
        %mul3A_2050 = arith.mulf %get3A_2049, %exp3A_1347 : vector<16xf32>
        %swap3A_2051 = arith.index_cast %add3A_207 : i32 to index
        %swap3A_2052 = arith.constant 96 : index
        %swap3A_2053 = tpu.vector_load %arg12[%swap3A_2051, %swap3A_2052] {strides = array<i32>} : memref<40x128xf32, #tpu.memory_space<vmem>>, vector<1x16xf32>,
        %swap3A_2054 = vector.shape_cast %swap3A_2053 : vector<1x16xf32> to vector<16xf32>
        %swap3A_2055 = vector.shape_cast %mul3A_2050 : vector<16xf32> to vector<1x16xf32>
        tpu.vector_store %arg12[%swap3A_2051, %swap3A_2052], %swap3A_2055 {strides = array<i32>} : memref<40x128xf32, #tpu.memory_space<vmem>>, vector<1x16xf32>,
        %add3A_2056 = arith.constant 80 : i32
        %add3A_2057 = arith.addi %mul3A_138, %add3A_2056 : i32
        %add3A_2058 = arith.addi %add3A_2057, %add3A_211 : i32
        %get3A_2059 = arith.index_cast %add3A_2058 : i32 to index
        %get3A_2060 = arith.constant 96 : index
        %get3A_2061 = tpu.vector_load %arg11[%get3A_2059, %get3A_2060] {strides = array<i32>} : memref<240x128xf32, #tpu.memory_space<vmem>>, vector<1x16xf32>,
        %get3A_2062 = vector.shape_cast %get3A_2061 : vector<1x16xf32> to vector<16xf32>
        %mul3A_2063 = arith.mulf %get3A_2062, %exp3A_1350 : vector<16xf32>
        %swap3A_2064 = arith.index_cast %add3A_211 : i32 to index
        %swap3A_2065 = arith.constant 96 : index
        %swap3A_2066 = tpu.vector_load %arg12[%swap3A_2064, %swap3A_2065] {strides = array<i32>} : memref<40x128xf32, #tpu.memory_space<vmem>>, vector<1x16xf32>,
        %swap3A_2067 = vector.shape_cast %swap3A_2066 : vector<1x16xf32> to vector<16xf32>
        %swap3A_2068 = vector.shape_cast %mul3A_2063 : vector<16xf32> to vector<1x16xf32>
        tpu.vector_store %arg12[%swap3A_2064, %swap3A_2065], %swap3A_2068 {strides = array<i32>} : memref<40x128xf32, #tpu.memory_space<vmem>>, vector<1x16xf32>,
        %add3A_2069 = arith.constant 80 : i32
        %add3A_2070 = arith.addi %mul3A_138, %add3A_2069 : i32
        %add3A_2071 = arith.addi %add3A_2070, %add3A_215 : i32
        %get3A_2072 = arith.index_cast %add3A_2071 : i32 to index
        %get3A_2073 = arith.constant 96 : index
        %get3A_2074 = tpu.vector_load %arg11[%get3A_2072, %get3A_2073] {strides = array<i32>} : memref<240x128xf32, #tpu.memory_space<vmem>>, vector<1x16xf32>,
        %get3A_2075 = vector.shape_cast %get3A_2074 : vector<1x16xf32> to vector<16xf32>
        %mul3A_2076 = arith.mulf %get3A_2075, %exp3A_1353 : vector<16xf32>
        %swap3A_2077 = arith.index_cast %add3A_215 : i32 to index
        %swap3A_2078 = arith.constant 96 : index
        %swap3A_2079 = tpu.vector_load %arg12[%swap3A_2077, %swap3A_2078] {strides = array<i32>} : memref<40x128xf32, #tpu.memory_space<vmem>>, vector<1x16xf32>,
        %swap3A_2080 = vector.shape_cast %swap3A_2079 : vector<1x16xf32> to vector<16xf32>
        %swap3A_2081 = vector.shape_cast %mul3A_2076 : vector<16xf32> to vector<1x16xf32>
        tpu.vector_store %arg12[%swap3A_2077, %swap3A_2078], %swap3A_2081 {strides = array<i32>} : memref<40x128xf32, #tpu.memory_space<vmem>>, vector<1x16xf32>,
        %add3A_2082 = arith.constant 80 : i32
        %add3A_2083 = arith.addi %mul3A_138, %add3A_2082 : i32
        %add3A_2084 = arith.addi %add3A_2083, %add3A_187 : i32
        %get3A_2085 = arith.index_cast %add3A_2084 : i32 to index
        %get3A_2086 = arith.constant 112 : index
        %get3A_2087 = tpu.vector_load %arg11[%get3A_2085, %get3A_2086] {strides = array<i32>} : memref<240x128xf32, #tpu.memory_space<vmem>>, vector<1x16xf32>,
        %get3A_2088 = vector.shape_cast %get3A_2087 : vector<1x16xf32> to vector<16xf32>
        %mul3A_2089 = arith.mulf %get3A_2088, %exp3A : vector<16xf32>
        %swap3A_2090 = arith.index_cast %add3A_187 : i32 to index
        %swap3A_2091 = arith.constant 112 : index
        %swap3A_2092 = tpu.vector_load %arg12[%swap3A_2090, %swap3A_2091] {strides = array<i32>} : memref<40x128xf32, #tpu.memory_space<vmem>>, vector<1x16xf32>,
        %swap3A_2093 = vector.shape_cast %swap3A_2092 : vector<1x16xf32> to vector<16xf32>
        %swap3A_2094 = vector.shape_cast %mul3A_2089 : vector<16xf32> to vector<1x16xf32>
        tpu.vector_store %arg12[%swap3A_2090, %swap3A_2091], %swap3A_2094 {strides = array<i32>} : memref<40x128xf32, #tpu.memory_space<vmem>>, vector<1x16xf32>,
        %add3A_2095 = arith.constant 80 : i32
        %add3A_2096 = arith.addi %mul3A_138, %add3A_2095 : i32
        %add3A_2097 = arith.addi %add3A_2096, %add3A_191 : i32
        %get3A_2098 = arith.index_cast %add3A_2097 : i32 to index
        %get3A_2099 = arith.constant 112 : index
        %get3A_2100 = tpu.vector_load %arg11[%get3A_2098, %get3A_2099] {strides = array<i32>} : memref<240x128xf32, #tpu.memory_space<vmem>>, vector<1x16xf32>,
        %get3A_2101 = vector.shape_cast %get3A_2100 : vector<1x16xf32> to vector<16xf32>
        %mul3A_2102 = arith.mulf %get3A_2101, %exp3A_1335 : vector<16xf32>
        %swap3A_2103 = arith.index_cast %add3A_191 : i32 to index
        %swap3A_2104 = arith.constant 112 : index
        %swap3A_2105 = tpu.vector_load %arg12[%swap3A_2103, %swap3A_2104] {strides = array<i32>} : memref<40x128xf32, #tpu.memory_space<vmem>>, vector<1x16xf32>,
        %swap3A_2106 = vector.shape_cast %swap3A_2105 : vector<1x16xf32> to vector<16xf32>
        %swap3A_2107 = vector.shape_cast %mul3A_2102 : vector<16xf32> to vector<1x16xf32>
        tpu.vector_store %arg12[%swap3A_2103, %swap3A_2104], %swap3A_2107 {strides = array<i32>} : memref<40x128xf32, #tpu.memory_space<vmem>>, vector<1x16xf32>,
        %add3A_2108 = arith.constant 80 : i32
        %add3A_2109 = arith.addi %mul3A_138, %add3A_2108 : i32
        %add3A_2110 = arith.addi %add3A_2109, %add3A_195 : i32
        %get3A_2111 = arith.index_cast %add3A_2110 : i32 to index
        %get3A_2112 = arith.constant 112 : index
        %get3A_2113 = tpu.vector_load %arg11[%get3A_2111, %get3A_2112] {strides = array<i32>} : memref<240x128xf32, #tpu.memory_space<vmem>>, vector<1x16xf32>,
        %get3A_2114 = vector.shape_cast %get3A_2113 : vector<1x16xf32> to vector<16xf32>
        %mul3A_2115 = arith.mulf %get3A_2114, %exp3A_1338 : vector<16xf32>
        %swap3A_2116 = arith.index_cast %add3A_195 : i32 to index
        %swap3A_2117 = arith.constant 112 : index
        %swap3A_2118 = tpu.vector_load %arg12[%swap3A_2116, %swap3A_2117] {strides = array<i32>} : memref<40x128xf32, #tpu.memory_space<vmem>>, vector<1x16xf32>,
        %swap3A_2119 = vector.shape_cast %swap3A_2118 : vector<1x16xf32> to vector<16xf32>
        %swap3A_2120 = vector.shape_cast %mul3A_2115 : vector<16xf32> to vector<1x16xf32>
        tpu.vector_store %arg12[%swap3A_2116, %swap3A_2117], %swap3A_2120 {strides = array<i32>} : memref<40x128xf32, #tpu.memory_space<vmem>>, vector<1x16xf32>,
        %add3A_2121 = arith.constant 80 : i32
        %add3A_2122 = arith.addi %mul3A_138, %add3A_2121 : i32
        %add3A_2123 = arith.addi %add3A_2122, %add3A_199 : i32
        %get3A_2124 = arith.index_cast %add3A_2123 : i32 to index
        %get3A_2125 = arith.constant 112 : index
        %get3A_2126 = tpu.vector_load %arg11[%get3A_2124, %get3A_2125] {strides = array<i32>} : memref<240x128xf32, #tpu.memory_space<vmem>>, vector<1x16xf32>,
        %get3A_2127 = vector.shape_cast %get3A_2126 : vector<1x16xf32> to vector<16xf32>
        %mul3A_2128 = arith.mulf %get3A_2127, %exp3A_1341 : vector<16xf32>
        %swap3A_2129 = arith.index_cast %add3A_199 : i32 to index
        %swap3A_2130 = arith.constant 112 : index
        %swap3A_2131 = tpu.vector_load %arg12[%swap3A_2129, %swap3A_2130] {strides = array<i32>} : memref<40x128xf32, #tpu.memory_space<vmem>>, vector<1x16xf32>,
        %swap3A_2132 = vector.shape_cast %swap3A_2131 : vector<1x16xf32> to vector<16xf32>
        %swap3A_2133 = vector.shape_cast %mul3A_2128 : vector<16xf32> to vector<1x16xf32>
        tpu.vector_store %arg12[%swap3A_2129, %swap3A_2130], %swap3A_2133 {strides = array<i32>} : memref<40x128xf32, #tpu.memory_space<vmem>>, vector<1x16xf32>,
        %add3A_2134 = arith.constant 80 : i32
        %add3A_2135 = arith.addi %mul3A_138, %add3A_2134 : i32
        %add3A_2136 = arith.addi %add3A_2135, %add3A_203 : i32
        %get3A_2137 = arith.index_cast %add3A_2136 : i32 to index
        %get3A_2138 = arith.constant 112 : index
        %get3A_2139 = tpu.vector_load %arg11[%get3A_2137, %get3A_2138] {strides = array<i32>} : memref<240x128xf32, #tpu.memory_space<vmem>>, vector<1x16xf32>,
        %get3A_2140 = vector.shape_cast %get3A_2139 : vector<1x16xf32> to vector<16xf32>
        %mul3A_2141 = arith.mulf %get3A_2140, %exp3A_1344 : vector<16xf32>
        %swap3A_2142 = arith.index_cast %add3A_203 : i32 to index
        %swap3A_2143 = arith.constant 112 : index
        %swap3A_2144 = tpu.vector_load %arg12[%swap3A_2142, %swap3A_2143] {strides = array<i32>} : memref<40x128xf32, #tpu.memory_space<vmem>>, vector<1x16xf32>,
        %swap3A_2145 = vector.shape_cast %swap3A_2144 : vector<1x16xf32> to vector<16xf32>
        %swap3A_2146 = vector.shape_cast %mul3A_2141 : vector<16xf32> to vector<1x16xf32>
        tpu.vector_store %arg12[%swap3A_2142, %swap3A_2143], %swap3A_2146 {strides = array<i32>} : memref<40x128xf32, #tpu.memory_space<vmem>>, vector<1x16xf32>,
        %add3A_2147 = arith.constant 80 : i32
        %add3A_2148 = arith.addi %mul3A_138, %add3A_2147 : i32
        %add3A_2149 = arith.addi %add3A_2148, %add3A_207 : i32
        %get3A_2150 = arith.index_cast %add3A_2149 : i32 to index
        %get3A_2151 = arith.constant 112 : index
        %get3A_2152 = tpu.vector_load %arg11[%get3A_2150, %get3A_2151] {strides = array<i32>} : memref<240x128xf32, #tpu.memory_space<vmem>>, vector<1x16xf32>,
        %get3A_2153 = vector.shape_cast %get3A_2152 : vector<1x16xf32> to vector<16xf32>
        %mul3A_2154 = arith.mulf %get3A_2153, %exp3A_1347 : vector<16xf32>
        %swap3A_2155 = arith.index_cast %add3A_207 : i32 to index
        %swap3A_2156 = arith.constant 112 : index
        %swap3A_2157 = tpu.vector_load %arg12[%swap3A_2155, %swap3A_2156] {strides = array<i32>} : memref<40x128xf32, #tpu.memory_space<vmem>>, vector<1x16xf32>,
        %swap3A_2158 = vector.shape_cast %swap3A_2157 : vector<1x16xf32> to vector<16xf32>
        %swap3A_2159 = vector.shape_cast %mul3A_2154 : vector<16xf32> to vector<1x16xf32>
        tpu.vector_store %arg12[%swap3A_2155, %swap3A_2156], %swap3A_2159 {strides = array<i32>} : memref<40x128xf32, #tpu.memory_space<vmem>>, vector<1x16xf32>,
        %add3A_2160 = arith.constant 80 : i32
        %add3A_2161 = arith.addi %mul3A_138, %add3A_2160 : i32
        %add3A_2162 = arith.addi %add3A_2161, %add3A_211 : i32
        %get3A_2163 = arith.index_cast %add3A_2162 : i32 to index
        %get3A_2164 = arith.constant 112 : index
        %get3A_2165 = tpu.vector_load %arg11[%get3A_2163, %get3A_2164] {strides = array<i32>} : memref<240x128xf32, #tpu.memory_space<vmem>>, vector<1x16xf32>,
        %get3A_2166 = vector.shape_cast %get3A_2165 : vector<1x16xf32> to vector<16xf32>
        %mul3A_2167 = arith.mulf %get3A_2166, %exp3A_1350 : vector<16xf32>
        %swap3A_2168 = arith.index_cast %add3A_211 : i32 to index
        %swap3A_2169 = arith.constant 112 : index
        %swap3A_2170 = tpu.vector_load %arg12[%swap3A_2168, %swap3A_2169] {strides = array<i32>} : memref<40x128xf32, #tpu.memory_space<vmem>>, vector<1x16xf32>,
        %swap3A_2171 = vector.shape_cast %swap3A_2170 : vector<1x16xf32> to vector<16xf32>
        %swap3A_2172 = vector.shape_cast %mul3A_2167 : vector<16xf32> to vector<1x16xf32>
        tpu.vector_store %arg12[%swap3A_2168, %swap3A_2169], %swap3A_2172 {strides = array<i32>} : memref<40x128xf32, #tpu.memory_space<vmem>>, vector<1x16xf32>,
        %add3A_2173 = arith.constant 80 : i32
        %add3A_2174 = arith.addi %mul3A_138, %add3A_2173 : i32
        %add3A_2175 = arith.addi %add3A_2174, %add3A_215 : i32
        %get3A_2176 = arith.index_cast %add3A_2175 : i32 to index
        %get3A_2177 = arith.constant 112 : index
        %get3A_2178 = tpu.vector_load %arg11[%get3A_2176, %get3A_2177] {strides = array<i32>} : memref<240x128xf32, #tpu.memory_space<vmem>>, vector<1x16xf32>,
        %get3A_2179 = vector.shape_cast %get3A_2178 : vector<1x16xf32> to vector<16xf32>
        %mul3A_2180 = arith.mulf %get3A_2179, %exp3A_1353 : vector<16xf32>
        %swap3A_2181 = arith.index_cast %add3A_215 : i32 to index
        %swap3A_2182 = arith.constant 112 : index
        %swap3A_2183 = tpu.vector_load %arg12[%swap3A_2181, %swap3A_2182] {strides = array<i32>} : memref<40x128xf32, #tpu.memory_space<vmem>>, vector<1x16xf32>,
        %swap3A_2184 = vector.shape_cast %swap3A_2183 : vector<1x16xf32> to vector<16xf32>
        %swap3A_2185 = vector.shape_cast %mul3A_2180 : vector<16xf32> to vector<1x16xf32>
        tpu.vector_store %arg12[%swap3A_2181, %swap3A_2182], %swap3A_2185 {strides = array<i32>} : memref<40x128xf32, #tpu.memory_space<vmem>>, vector<1x16xf32>,
        %slice3A = vector.extract_strided_slice %get3A_220 {offsets = [0], sizes = [1], strides = [1]} : vector<16xi32> to vector<1xi32>
        %squeeze3A = vector.extract %slice3A[0] : i32 from vector<1xi32>
        %shift_right_arithmetic3A = arith.constant 7 : i32
        %shift_right_arithmetic3A_2186 = arith.shrsi %squeeze3A, %shift_right_arithmetic3A : i32
        %and3A = arith.constant 127 : i32
        %and3A_2187 = arith.andi %squeeze3A, %and3A : i32
        %shift_right_arithmetic3A_2188 = arith.constant 4 : i32
        %shift_right_arithmetic3A_2189 = arith.shrsi %and3A_2187, %shift_right_arithmetic3A_2188 : i32
        %mul3A_2190 = arith.constant 16 : i32
        %mul3A_2191 = arith.muli %shift_right_arithmetic3A_2189, %mul3A_2190 : i32
        %and3A_2192 = arith.constant 15 : i32
        %and3A_2193 = arith.andi %and3A_2187, %and3A_2192 : i32
        %eq3A = vector.broadcast %and3A_2193 : i32 to vector<16xi32>
        %eq3A_2194 = arith.cmpi eq, %iota3A, %eq3A : vector<16xi32>
        %jit3A = arith.constant 1.000000e+00 : f32
        %jit3A_2195 = arith.constant 0.000000e+00 : f32
        %broadcast_in_dim3A_2196 = vector.broadcast %jit3A : f32 to vector<16xf32>
        %broadcast_in_dim3A_2197 = vector.broadcast %jit3A_2195 : f32 to vector<16xf32>
        %select_n3A = arith.select %eq3A_2194, %broadcast_in_dim3A_2196, %broadcast_in_dim3A_2197 : vector<16xi1>, vector<16xf32>
        %get3A_2198 = arith.index_cast %shift_right_arithmetic3A_2186 : i32 to index
        %get3A_2199 = arith.index_cast %mul3A_2191 : i32 to index
        %get3A_2200 = tpu.vector_load %arg13[%get3A_2198, %get3A_2199] {strides = array<i32>} : memref<80x128xf32, #tpu.memory_space<vmem>>, vector<1x16xf32>,
        %get3A_2201 = vector.shape_cast %get3A_2200 : vector<1x16xf32> to vector<16xf32>
        %mul3A_2202 = arith.mulf %exp3A, %select_n3A : vector<16xf32>
        %add3A_2203 = arith.addf %get3A_2201, %mul3A_2202 : vector<16xf32>
        %swap3A_2204 = arith.index_cast %shift_right_arithmetic3A_2186 : i32 to index
        %swap3A_2205 = arith.index_cast %mul3A_2191 : i32 to index
        %swap3A_2206 = tpu.vector_load %arg13[%swap3A_2204, %swap3A_2205] {strides = array<i32>} : memref<80x128xf32, #tpu.memory_space<vmem>>, vector<1x16xf32>,
        %swap3A_2207 = vector.shape_cast %swap3A_2206 : vector<1x16xf32> to vector<16xf32>
        %swap3A_2208 = vector.shape_cast %add3A_2203 : vector<16xf32> to vector<1x16xf32>
        tpu.vector_store %arg13[%swap3A_2204, %swap3A_2205], %swap3A_2208 {strides = array<i32>} : memref<80x128xf32, #tpu.memory_space<vmem>>, vector<1x16xf32>,
        %slice3A_2209 = vector.extract_strided_slice %get3A_220 {offsets = [1], sizes = [1], strides = [1]} : vector<16xi32> to vector<1xi32>
        %squeeze3A_2210 = vector.extract %slice3A_2209[0] : i32 from vector<1xi32>
        %shift_right_arithmetic3A_2211 = arith.constant 7 : i32
        %shift_right_arithmetic3A_2212 = arith.shrsi %squeeze3A_2210, %shift_right_arithmetic3A_2211 : i32
        %and3A_2213 = arith.constant 127 : i32
        %and3A_2214 = arith.andi %squeeze3A_2210, %and3A_2213 : i32
        %shift_right_arithmetic3A_2215 = arith.constant 4 : i32
        %shift_right_arithmetic3A_2216 = arith.shrsi %and3A_2214, %shift_right_arithmetic3A_2215 : i32
        %mul3A_2217 = arith.constant 16 : i32
        %mul3A_2218 = arith.muli %shift_right_arithmetic3A_2216, %mul3A_2217 : i32
        %and3A_2219 = arith.constant 15 : i32
        %and3A_2220 = arith.andi %and3A_2214, %and3A_2219 : i32
        %eq3A_2221 = vector.broadcast %and3A_2220 : i32 to vector<16xi32>
        %eq3A_2222 = arith.cmpi eq, %iota3A, %eq3A_2221 : vector<16xi32>
        %jit3A_2223 = arith.constant 1.000000e+00 : f32
        %jit3A_2224 = arith.constant 0.000000e+00 : f32
        %broadcast_in_dim3A_2225 = vector.broadcast %jit3A_2223 : f32 to vector<16xf32>
        %broadcast_in_dim3A_2226 = vector.broadcast %jit3A_2224 : f32 to vector<16xf32>
        %select_n3A_2227 = arith.select %eq3A_2222, %broadcast_in_dim3A_2225, %broadcast_in_dim3A_2226 : vector<16xi1>, vector<16xf32>
        %get3A_2228 = arith.index_cast %shift_right_arithmetic3A_2212 : i32 to index
        %get3A_2229 = arith.index_cast %mul3A_2218 : i32 to index
        %get3A_2230 = tpu.vector_load %arg13[%get3A_2228, %get3A_2229] {strides = array<i32>} : memref<80x128xf32, #tpu.memory_space<vmem>>, vector<1x16xf32>,
        %get3A_2231 = vector.shape_cast %get3A_2230 : vector<1x16xf32> to vector<16xf32>
        %mul3A_2232 = arith.mulf %exp3A_1335, %select_n3A_2227 : vector<16xf32>
        %add3A_2233 = arith.addf %get3A_2231, %mul3A_2232 : vector<16xf32>
        %swap3A_2234 = arith.index_cast %shift_right_arithmetic3A_2212 : i32 to index
        %swap3A_2235 = arith.index_cast %mul3A_2218 : i32 to index
        %swap3A_2236 = tpu.vector_load %arg13[%swap3A_2234, %swap3A_2235] {strides = array<i32>} : memref<80x128xf32, #tpu.memory_space<vmem>>, vector<1x16xf32>,
        %swap3A_2237 = vector.shape_cast %swap3A_2236 : vector<1x16xf32> to vector<16xf32>
        %swap3A_2238 = vector.shape_cast %add3A_2233 : vector<16xf32> to vector<1x16xf32>
        tpu.vector_store %arg13[%swap3A_2234, %swap3A_2235], %swap3A_2238 {strides = array<i32>} : memref<80x128xf32, #tpu.memory_space<vmem>>, vector<1x16xf32>,
        %slice3A_2239 = vector.extract_strided_slice %get3A_220 {offsets = [2], sizes = [1], strides = [1]} : vector<16xi32> to vector<1xi32>
        %squeeze3A_2240 = vector.extract %slice3A_2239[0] : i32 from vector<1xi32>
        %shift_right_arithmetic3A_2241 = arith.constant 7 : i32
        %shift_right_arithmetic3A_2242 = arith.shrsi %squeeze3A_2240, %shift_right_arithmetic3A_2241 : i32
        %and3A_2243 = arith.constant 127 : i32
        %and3A_2244 = arith.andi %squeeze3A_2240, %and3A_2243 : i32
        %shift_right_arithmetic3A_2245 = arith.constant 4 : i32
        %shift_right_arithmetic3A_2246 = arith.shrsi %and3A_2244, %shift_right_arithmetic3A_2245 : i32
        %mul3A_2247 = arith.constant 16 : i32
        %mul3A_2248 = arith.muli %shift_right_arithmetic3A_2246, %mul3A_2247 : i32
        %and3A_2249 = arith.constant 15 : i32
        %and3A_2250 = arith.andi %and3A_2244, %and3A_2249 : i32
        %eq3A_2251 = vector.broadcast %and3A_2250 : i32 to vector<16xi32>
        %eq3A_2252 = arith.cmpi eq, %iota3A, %eq3A_2251 : vector<16xi32>
        %jit3A_2253 = arith.constant 1.000000e+00 : f32
        %jit3A_2254 = arith.constant 0.000000e+00 : f32
        %broadcast_in_dim3A_2255 = vector.broadcast %jit3A_2253 : f32 to vector<16xf32>
        %broadcast_in_dim3A_2256 = vector.broadcast %jit3A_2254 : f32 to vector<16xf32>
        %select_n3A_2257 = arith.select %eq3A_2252, %broadcast_in_dim3A_2255, %broadcast_in_dim3A_2256 : vector<16xi1>, vector<16xf32>
        %get3A_2258 = arith.index_cast %shift_right_arithmetic3A_2242 : i32 to index
        %get3A_2259 = arith.index_cast %mul3A_2248 : i32 to index
        %get3A_2260 = tpu.vector_load %arg13[%get3A_2258, %get3A_2259] {strides = array<i32>} : memref<80x128xf32, #tpu.memory_space<vmem>>, vector<1x16xf32>,
        %get3A_2261 = vector.shape_cast %get3A_2260 : vector<1x16xf32> to vector<16xf32>
        %mul3A_2262 = arith.mulf %exp3A_1338, %select_n3A_2257 : vector<16xf32>
        %add3A_2263 = arith.addf %get3A_2261, %mul3A_2262 : vector<16xf32>
        %swap3A_2264 = arith.index_cast %shift_right_arithmetic3A_2242 : i32 to index
        %swap3A_2265 = arith.index_cast %mul3A_2248 : i32 to index
        %swap3A_2266 = tpu.vector_load %arg13[%swap3A_2264, %swap3A_2265] {strides = array<i32>} : memref<80x128xf32, #tpu.memory_space<vmem>>, vector<1x16xf32>,
        %swap3A_2267 = vector.shape_cast %swap3A_2266 : vector<1x16xf32> to vector<16xf32>
        %swap3A_2268 = vector.shape_cast %add3A_2263 : vector<16xf32> to vector<1x16xf32>
        tpu.vector_store %arg13[%swap3A_2264, %swap3A_2265], %swap3A_2268 {strides = array<i32>} : memref<80x128xf32, #tpu.memory_space<vmem>>, vector<1x16xf32>,
        %slice3A_2269 = vector.extract_strided_slice %get3A_220 {offsets = [3], sizes = [1], strides = [1]} : vector<16xi32> to vector<1xi32>
        %squeeze3A_2270 = vector.extract %slice3A_2269[0] : i32 from vector<1xi32>
        %shift_right_arithmetic3A_2271 = arith.constant 7 : i32
        %shift_right_arithmetic3A_2272 = arith.shrsi %squeeze3A_2270, %shift_right_arithmetic3A_2271 : i32
        %and3A_2273 = arith.constant 127 : i32
        %and3A_2274 = arith.andi %squeeze3A_2270, %and3A_2273 : i32
        %shift_right_arithmetic3A_2275 = arith.constant 4 : i32
        %shift_right_arithmetic3A_2276 = arith.shrsi %and3A_2274, %shift_right_arithmetic3A_2275 : i32
        %mul3A_2277 = arith.constant 16 : i32
        %mul3A_2278 = arith.muli %shift_right_arithmetic3A_2276, %mul3A_2277 : i32
        %and3A_2279 = arith.constant 15 : i32
        %and3A_2280 = arith.andi %and3A_2274, %and3A_2279 : i32
        %eq3A_2281 = vector.broadcast %and3A_2280 : i32 to vector<16xi32>
        %eq3A_2282 = arith.cmpi eq, %iota3A, %eq3A_2281 : vector<16xi32>
        %jit3A_2283 = arith.constant 1.000000e+00 : f32
        %jit3A_2284 = arith.constant 0.000000e+00 : f32
        %broadcast_in_dim3A_2285 = vector.broadcast %jit3A_2283 : f32 to vector<16xf32>
        %broadcast_in_dim3A_2286 = vector.broadcast %jit3A_2284 : f32 to vector<16xf32>
        %select_n3A_2287 = arith.select %eq3A_2282, %broadcast_in_dim3A_2285, %broadcast_in_dim3A_2286 : vector<16xi1>, vector<16xf32>
        %get3A_2288 = arith.index_cast %shift_right_arithmetic3A_2272 : i32 to index
        %get3A_2289 = arith.index_cast %mul3A_2278 : i32 to index
        %get3A_2290 = tpu.vector_load %arg13[%get3A_2288, %get3A_2289] {strides = array<i32>} : memref<80x128xf32, #tpu.memory_space<vmem>>, vector<1x16xf32>,
        %get3A_2291 = vector.shape_cast %get3A_2290 : vector<1x16xf32> to vector<16xf32>
        %mul3A_2292 = arith.mulf %exp3A_1341, %select_n3A_2287 : vector<16xf32>
        %add3A_2293 = arith.addf %get3A_2291, %mul3A_2292 : vector<16xf32>
        %swap3A_2294 = arith.index_cast %shift_right_arithmetic3A_2272 : i32 to index
        %swap3A_2295 = arith.index_cast %mul3A_2278 : i32 to index
        %swap3A_2296 = tpu.vector_load %arg13[%swap3A_2294, %swap3A_2295] {strides = array<i32>} : memref<80x128xf32, #tpu.memory_space<vmem>>, vector<1x16xf32>,
        %swap3A_2297 = vector.shape_cast %swap3A_2296 : vector<1x16xf32> to vector<16xf32>
        %swap3A_2298 = vector.shape_cast %add3A_2293 : vector<16xf32> to vector<1x16xf32>
        tpu.vector_store %arg13[%swap3A_2294, %swap3A_2295], %swap3A_2298 {strides = array<i32>} : memref<80x128xf32, #tpu.memory_space<vmem>>, vector<1x16xf32>,
        %slice3A_2299 = vector.extract_strided_slice %get3A_220 {offsets = [4], sizes = [1], strides = [1]} : vector<16xi32> to vector<1xi32>
        %squeeze3A_2300 = vector.extract %slice3A_2299[0] : i32 from vector<1xi32>
        %shift_right_arithmetic3A_2301 = arith.constant 7 : i32
        %shift_right_arithmetic3A_2302 = arith.shrsi %squeeze3A_2300, %shift_right_arithmetic3A_2301 : i32
        %and3A_2303 = arith.constant 127 : i32
        %and3A_2304 = arith.andi %squeeze3A_2300, %and3A_2303 : i32
        %shift_right_arithmetic3A_2305 = arith.constant 4 : i32
        %shift_right_arithmetic3A_2306 = arith.shrsi %and3A_2304, %shift_right_arithmetic3A_2305 : i32
        %mul3A_2307 = arith.constant 16 : i32
        %mul3A_2308 = arith.muli %shift_right_arithmetic3A_2306, %mul3A_2307 : i32
        %and3A_2309 = arith.constant 15 : i32
        %and3A_2310 = arith.andi %and3A_2304, %and3A_2309 : i32
        %eq3A_2311 = vector.broadcast %and3A_2310 : i32 to vector<16xi32>
        %eq3A_2312 = arith.cmpi eq, %iota3A, %eq3A_2311 : vector<16xi32>
        %jit3A_2313 = arith.constant 1.000000e+00 : f32
        %jit3A_2314 = arith.constant 0.000000e+00 : f32
        %broadcast_in_dim3A_2315 = vector.broadcast %jit3A_2313 : f32 to vector<16xf32>
        %broadcast_in_dim3A_2316 = vector.broadcast %jit3A_2314 : f32 to vector<16xf32>
        %select_n3A_2317 = arith.select %eq3A_2312, %broadcast_in_dim3A_2315, %broadcast_in_dim3A_2316 : vector<16xi1>, vector<16xf32>
        %get3A_2318 = arith.index_cast %shift_right_arithmetic3A_2302 : i32 to index
        %get3A_2319 = arith.index_cast %mul3A_2308 : i32 to index
        %get3A_2320 = tpu.vector_load %arg13[%get3A_2318, %get3A_2319] {strides = array<i32>} : memref<80x128xf32, #tpu.memory_space<vmem>>, vector<1x16xf32>,
        %get3A_2321 = vector.shape_cast %get3A_2320 : vector<1x16xf32> to vector<16xf32>
        %mul3A_2322 = arith.mulf %exp3A_1344, %select_n3A_2317 : vector<16xf32>
        %add3A_2323 = arith.addf %get3A_2321, %mul3A_2322 : vector<16xf32>
        %swap3A_2324 = arith.index_cast %shift_right_arithmetic3A_2302 : i32 to index
        %swap3A_2325 = arith.index_cast %mul3A_2308 : i32 to index
        %swap3A_2326 = tpu.vector_load %arg13[%swap3A_2324, %swap3A_2325] {strides = array<i32>} : memref<80x128xf32, #tpu.memory_space<vmem>>, vector<1x16xf32>,
        %swap3A_2327 = vector.shape_cast %swap3A_2326 : vector<1x16xf32> to vector<16xf32>
        %swap3A_2328 = vector.shape_cast %add3A_2323 : vector<16xf32> to vector<1x16xf32>
        tpu.vector_store %arg13[%swap3A_2324, %swap3A_2325], %swap3A_2328 {strides = array<i32>} : memref<80x128xf32, #tpu.memory_space<vmem>>, vector<1x16xf32>,
        %slice3A_2329 = vector.extract_strided_slice %get3A_220 {offsets = [5], sizes = [1], strides = [1]} : vector<16xi32> to vector<1xi32>
        %squeeze3A_2330 = vector.extract %slice3A_2329[0] : i32 from vector<1xi32>
        %shift_right_arithmetic3A_2331 = arith.constant 7 : i32
        %shift_right_arithmetic3A_2332 = arith.shrsi %squeeze3A_2330, %shift_right_arithmetic3A_2331 : i32
        %and3A_2333 = arith.constant 127 : i32
        %and3A_2334 = arith.andi %squeeze3A_2330, %and3A_2333 : i32
        %shift_right_arithmetic3A_2335 = arith.constant 4 : i32
        %shift_right_arithmetic3A_2336 = arith.shrsi %and3A_2334, %shift_right_arithmetic3A_2335 : i32
        %mul3A_2337 = arith.constant 16 : i32
        %mul3A_2338 = arith.muli %shift_right_arithmetic3A_2336, %mul3A_2337 : i32
        %and3A_2339 = arith.constant 15 : i32
        %and3A_2340 = arith.andi %and3A_2334, %and3A_2339 : i32
        %eq3A_2341 = vector.broadcast %and3A_2340 : i32 to vector<16xi32>
        %eq3A_2342 = arith.cmpi eq, %iota3A, %eq3A_2341 : vector<16xi32>
        %jit3A_2343 = arith.constant 1.000000e+00 : f32
        %jit3A_2344 = arith.constant 0.000000e+00 : f32
        %broadcast_in_dim3A_2345 = vector.broadcast %jit3A_2343 : f32 to vector<16xf32>
        %broadcast_in_dim3A_2346 = vector.broadcast %jit3A_2344 : f32 to vector<16xf32>
        %select_n3A_2347 = arith.select %eq3A_2342, %broadcast_in_dim3A_2345, %broadcast_in_dim3A_2346 : vector<16xi1>, vector<16xf32>
        %get3A_2348 = arith.index_cast %shift_right_arithmetic3A_2332 : i32 to index
        %get3A_2349 = arith.index_cast %mul3A_2338 : i32 to index
        %get3A_2350 = tpu.vector_load %arg13[%get3A_2348, %get3A_2349] {strides = array<i32>} : memref<80x128xf32, #tpu.memory_space<vmem>>, vector<1x16xf32>,
        %get3A_2351 = vector.shape_cast %get3A_2350 : vector<1x16xf32> to vector<16xf32>
        %mul3A_2352 = arith.mulf %exp3A_1347, %select_n3A_2347 : vector<16xf32>
        %add3A_2353 = arith.addf %get3A_2351, %mul3A_2352 : vector<16xf32>
        %swap3A_2354 = arith.index_cast %shift_right_arithmetic3A_2332 : i32 to index
        %swap3A_2355 = arith.index_cast %mul3A_2338 : i32 to index
        %swap3A_2356 = tpu.vector_load %arg13[%swap3A_2354, %swap3A_2355] {strides = array<i32>} : memref<80x128xf32, #tpu.memory_space<vmem>>, vector<1x16xf32>,
        %swap3A_2357 = vector.shape_cast %swap3A_2356 : vector<1x16xf32> to vector<16xf32>
        %swap3A_2358 = vector.shape_cast %add3A_2353 : vector<16xf32> to vector<1x16xf32>
        tpu.vector_store %arg13[%swap3A_2354, %swap3A_2355], %swap3A_2358 {strides = array<i32>} : memref<80x128xf32, #tpu.memory_space<vmem>>, vector<1x16xf32>,
        %slice3A_2359 = vector.extract_strided_slice %get3A_220 {offsets = [6], sizes = [1], strides = [1]} : vector<16xi32> to vector<1xi32>
        %squeeze3A_2360 = vector.extract %slice3A_2359[0] : i32 from vector<1xi32>
        %shift_right_arithmetic3A_2361 = arith.constant 7 : i32
        %shift_right_arithmetic3A_2362 = arith.shrsi %squeeze3A_2360, %shift_right_arithmetic3A_2361 : i32
        %and3A_2363 = arith.constant 127 : i32
        %and3A_2364 = arith.andi %squeeze3A_2360, %and3A_2363 : i32
        %shift_right_arithmetic3A_2365 = arith.constant 4 : i32
        %shift_right_arithmetic3A_2366 = arith.shrsi %and3A_2364, %shift_right_arithmetic3A_2365 : i32
        %mul3A_2367 = arith.constant 16 : i32
        %mul3A_2368 = arith.muli %shift_right_arithmetic3A_2366, %mul3A_2367 : i32
        %and3A_2369 = arith.constant 15 : i32
        %and3A_2370 = arith.andi %and3A_2364, %and3A_2369 : i32
        %eq3A_2371 = vector.broadcast %and3A_2370 : i32 to vector<16xi32>
        %eq3A_2372 = arith.cmpi eq, %iota3A, %eq3A_2371 : vector<16xi32>
        %jit3A_2373 = arith.constant 1.000000e+00 : f32
        %jit3A_2374 = arith.constant 0.000000e+00 : f32
        %broadcast_in_dim3A_2375 = vector.broadcast %jit3A_2373 : f32 to vector<16xf32>
        %broadcast_in_dim3A_2376 = vector.broadcast %jit3A_2374 : f32 to vector<16xf32>
        %select_n3A_2377 = arith.select %eq3A_2372, %broadcast_in_dim3A_2375, %broadcast_in_dim3A_2376 : vector<16xi1>, vector<16xf32>
        %get3A_2378 = arith.index_cast %shift_right_arithmetic3A_2362 : i32 to index
        %get3A_2379 = arith.index_cast %mul3A_2368 : i32 to index
        %get3A_2380 = tpu.vector_load %arg13[%get3A_2378, %get3A_2379] {strides = array<i32>} : memref<80x128xf32, #tpu.memory_space<vmem>>, vector<1x16xf32>,
        %get3A_2381 = vector.shape_cast %get3A_2380 : vector<1x16xf32> to vector<16xf32>
        %mul3A_2382 = arith.mulf %exp3A_1350, %select_n3A_2377 : vector<16xf32>
        %add3A_2383 = arith.addf %get3A_2381, %mul3A_2382 : vector<16xf32>
        %swap3A_2384 = arith.index_cast %shift_right_arithmetic3A_2362 : i32 to index
        %swap3A_2385 = arith.index_cast %mul3A_2368 : i32 to index
        %swap3A_2386 = tpu.vector_load %arg13[%swap3A_2384, %swap3A_2385] {strides = array<i32>} : memref<80x128xf32, #tpu.memory_space<vmem>>, vector<1x16xf32>,
        %swap3A_2387 = vector.shape_cast %swap3A_2386 : vector<1x16xf32> to vector<16xf32>
        %swap3A_2388 = vector.shape_cast %add3A_2383 : vector<16xf32> to vector<1x16xf32>
        tpu.vector_store %arg13[%swap3A_2384, %swap3A_2385], %swap3A_2388 {strides = array<i32>} : memref<80x128xf32, #tpu.memory_space<vmem>>, vector<1x16xf32>,
        %slice3A_2389 = vector.extract_strided_slice %get3A_220 {offsets = [7], sizes = [1], strides = [1]} : vector<16xi32> to vector<1xi32>
        %squeeze3A_2390 = vector.extract %slice3A_2389[0] : i32 from vector<1xi32>
        %shift_right_arithmetic3A_2391 = arith.constant 7 : i32
        %shift_right_arithmetic3A_2392 = arith.shrsi %squeeze3A_2390, %shift_right_arithmetic3A_2391 : i32
        %and3A_2393 = arith.constant 127 : i32
        %and3A_2394 = arith.andi %squeeze3A_2390, %and3A_2393 : i32
        %shift_right_arithmetic3A_2395 = arith.constant 4 : i32
        %shift_right_arithmetic3A_2396 = arith.shrsi %and3A_2394, %shift_right_arithmetic3A_2395 : i32
        %mul3A_2397 = arith.constant 16 : i32
        %mul3A_2398 = arith.muli %shift_right_arithmetic3A_2396, %mul3A_2397 : i32
        %and3A_2399 = arith.constant 15 : i32
        %and3A_2400 = arith.andi %and3A_2394, %and3A_2399 : i32
        %eq3A_2401 = vector.broadcast %and3A_2400 : i32 to vector<16xi32>
        %eq3A_2402 = arith.cmpi eq, %iota3A, %eq3A_2401 : vector<16xi32>
        %jit3A_2403 = arith.constant 1.000000e+00 : f32
        %jit3A_2404 = arith.constant 0.000000e+00 : f32
        %broadcast_in_dim3A_2405 = vector.broadcast %jit3A_2403 : f32 to vector<16xf32>
        %broadcast_in_dim3A_2406 = vector.broadcast %jit3A_2404 : f32 to vector<16xf32>
        %select_n3A_2407 = arith.select %eq3A_2402, %broadcast_in_dim3A_2405, %broadcast_in_dim3A_2406 : vector<16xi1>, vector<16xf32>
        %get3A_2408 = arith.index_cast %shift_right_arithmetic3A_2392 : i32 to index
        %get3A_2409 = arith.index_cast %mul3A_2398 : i32 to index
        %get3A_2410 = tpu.vector_load %arg13[%get3A_2408, %get3A_2409] {strides = array<i32>} : memref<80x128xf32, #tpu.memory_space<vmem>>, vector<1x16xf32>,
        %get3A_2411 = vector.shape_cast %get3A_2410 : vector<1x16xf32> to vector<16xf32>
        %mul3A_2412 = arith.mulf %exp3A_1353, %select_n3A_2407 : vector<16xf32>
        %add3A_2413 = arith.addf %get3A_2411, %mul3A_2412 : vector<16xf32>
        %swap3A_2414 = arith.index_cast %shift_right_arithmetic3A_2392 : i32 to index
        %swap3A_2415 = arith.index_cast %mul3A_2398 : i32 to index
        %swap3A_2416 = tpu.vector_load %arg13[%swap3A_2414, %swap3A_2415] {strides = array<i32>} : memref<80x128xf32, #tpu.memory_space<vmem>>, vector<1x16xf32>,
        %swap3A_2417 = vector.shape_cast %swap3A_2416 : vector<1x16xf32> to vector<16xf32>
        %swap3A_2418 = vector.shape_cast %add3A_2413 : vector<16xf32> to vector<1x16xf32>
        tpu.vector_store %arg13[%swap3A_2414, %swap3A_2415], %swap3A_2418 {strides = array<i32>} : memref<80x128xf32, #tpu.memory_space<vmem>>, vector<1x16xf32>,
      }
      %scan3A_177 = arith.constant 5 : i32
      "tpu.region"() ({
        %run_scoped3A = tpu.sem_alloc : memref<!tpu.dma_semaphore, #tpu.memory_space<semaphore_mem>>
        %dma_start3A_183 = arith.constant 0 : i32
        %dma_start3A_184 = tpu.memref_slice %arg10[%rem3A_136, %dma_start3A_183] : memref<2x40xi32, #tpu.memory_space<vmem>> -> memref<1x40xi32, #tpu.memory_space<vmem>>
        %dma_start3A_185 = tpu.memref_squeeze %dma_start3A_184 : memref<1x40xi32, #tpu.memory_space<vmem>> -> memref<40xi32, #tpu.memory_space<vmem>>
        %dma_start3A_186 = arith.constant 0 : i32
        %dma_start3A_187 = arith.constant 0 : i32
        %dma_start3A_188 = tpu.memref_slice %arg15[%dma_start3A_186, %dma_start3A_187] : memref<10240x128xf32, #tpu.memory_space<vmem_shared>> -> memref<10240x128xf32, #tpu.memory_space<vmem_shared>>
        tpu.enqueue_indirect_dma source(%arg12 : memref<40x128xf32, #tpu.memory_space<vmem>>) target(%dma_start3A_188 : memref<10240x128xf32, #tpu.memory_space<vmem_shared>>) offsets(%dma_start3A_185 : memref<40xi32, #tpu.memory_space<vmem>>) semaphore(%run_scoped3A : memref<!tpu.dma_semaphore, #tpu.memory_space<semaphore_mem>>) {add = true}
        %dma_wait3A_189 = arith.constant 0 : i32
        %dma_wait3A_190 = tpu.memref_slice %arg10[%rem3A_136, %dma_wait3A_189] : memref<2x40xi32, #tpu.memory_space<vmem>> -> memref<1x40xi32, #tpu.memory_space<vmem>>
        %dma_wait3A_191 = tpu.memref_squeeze %dma_wait3A_190 : memref<1x40xi32, #tpu.memory_space<vmem>> -> memref<40xi32, #tpu.memory_space<vmem>>
        %dma_wait3A_192 = arith.constant 0 : i32
        %dma_wait3A_193 = arith.constant 0 : i32
        %dma_wait3A_194 = tpu.memref_slice %arg15[%dma_wait3A_192, %dma_wait3A_193] : memref<10240x128xf32, #tpu.memory_space<vmem_shared>> -> memref<10240x128xf32, #tpu.memory_space<vmem_shared>>
        tpu.wait_indirect_dma semaphore(%run_scoped3A : memref<!tpu.dma_semaphore, #tpu.memory_space<semaphore_mem>>) src(%arg12 : memref<40x128xf32, #tpu.memory_space<vmem>>) dst(%dma_wait3A_194 : memref<10240x128xf32, #tpu.memory_space<vmem_shared>>)
        tpu.yield
      }) : () -> ()
      %lt3A_178 = arith.constant 248 : i32
      %lt3A_179 = arith.cmpi slt, %scan3A_134, %lt3A_178 : i32
      %convert_element_type3A_180 = arith.extui %lt3A_179 : i1 to i32
      %cond3A_181 = arith.constant 0 : i32
      %cond3A_182 = arith.cmpi ne, %convert_element_type3A_180, %cond3A_181 : i32
      scf.if %cond3A_182 {
        %add3A_183 = arith.constant 2 : i32
        %add3A_184 = arith.addi %scan3A_134, %add3A_183 : i32
        %mul3A_185 = arith.constant 40 : i32
        %mul3A_186 = arith.muli %add3A_184, %mul3A_185 : i32
        %add3A_187 = arith.addi %mul3A_3, %mul3A_186 : i32
        %rem3A_188 = arith.constant 2 : i32
        %rem3A_189 = arith.remsi %add3A_184, %rem3A_188 : i32
        %dma_start3A_190 = arith.constant 0 : i32
        %dma_start3A_191 = tpu.memref_slice %arg8[%rem3A_189, %dma_start3A_190] : memref<2x40xi32, #tpu.memory_space<vmem>> -> memref<1x40xi32, #tpu.memory_space<vmem>>
        %dma_start3A_192 = tpu.memref_squeeze %dma_start3A_191 : memref<1x40xi32, #tpu.memory_space<vmem>> -> memref<40xi32, #tpu.memory_space<vmem>>
        %dma_start3A_193 = tpu.memref_slice %arg5[%add3A_187] : memref<320000xi32, #tpu.memory_space<hbm>> -> memref<40xi32, #tpu.memory_space<hbm>>
        %dma_start3A_194 = arith.constant 0 : i32
        %dma_start3A_195 = tpu.memref_slice %arg8[%rem3A_189, %dma_start3A_194] : memref<2x40xi32, #tpu.memory_space<vmem>> -> memref<1x40xi32, #tpu.memory_space<vmem>>
        %dma_start3A_196 = tpu.memref_squeeze %dma_start3A_195 : memref<1x40xi32, #tpu.memory_space<vmem>> -> memref<40xi32, #tpu.memory_space<vmem>>
        %dma_start3A_197 = tpu.memref_slice %arg5[%add3A_187] : memref<320000xi32, #tpu.memory_space<hbm>> -> memref<40xi32, #tpu.memory_space<hbm>>
        tpu.enqueue_dma source(%dma_start3A_197 : memref<40xi32, #tpu.memory_space<hbm>>) target(%dma_start3A_196 : memref<40xi32, #tpu.memory_space<vmem>>) target_semaphore(%arg17 : memref<!tpu.dma_semaphore, #tpu.memory_space<semaphore_mem>>)
        %dma_start3A_198 = arith.constant 0 : i32
        %dma_start3A_199 = tpu.memref_slice %arg9[%rem3A_189, %dma_start3A_198] : memref<2x56xi32, #tpu.memory_space<vmem>> -> memref<1x40xi32, #tpu.memory_space<vmem>>
        %dma_start3A_200 = tpu.memref_squeeze %dma_start3A_199 : memref<1x40xi32, #tpu.memory_space<vmem>> -> memref<40xi32, #tpu.memory_space<vmem>>
        %dma_start3A_201 = tpu.memref_slice %arg6[%add3A_187] : memref<320000xi32, #tpu.memory_space<hbm>> -> memref<40xi32, #tpu.memory_space<hbm>>
        %dma_start3A_202 = arith.constant 0 : i32
        %dma_start3A_203 = tpu.memref_slice %arg9[%rem3A_189, %dma_start3A_202] : memref<2x56xi32, #tpu.memory_space<vmem>> -> memref<1x40xi32, #tpu.memory_space<vmem>>
        %dma_start3A_204 = tpu.memref_squeeze %dma_start3A_203 : memref<1x40xi32, #tpu.memory_space<vmem>> -> memref<40xi32, #tpu.memory_space<vmem>>
        %dma_start3A_205 = tpu.memref_slice %arg6[%add3A_187] : memref<320000xi32, #tpu.memory_space<hbm>> -> memref<40xi32, #tpu.memory_space<hbm>>
        tpu.enqueue_dma source(%dma_start3A_205 : memref<40xi32, #tpu.memory_space<hbm>>) target(%dma_start3A_204 : memref<40xi32, #tpu.memory_space<vmem>>) target_semaphore(%arg17 : memref<!tpu.dma_semaphore, #tpu.memory_space<semaphore_mem>>)
        %dma_start3A_206 = arith.constant 0 : i32
        %dma_start3A_207 = tpu.memref_slice %arg10[%rem3A_189, %dma_start3A_206] : memref<2x40xi32, #tpu.memory_space<vmem>> -> memref<1x40xi32, #tpu.memory_space<vmem>>
        %dma_start3A_208 = tpu.memref_squeeze %dma_start3A_207 : memref<1x40xi32, #tpu.memory_space<vmem>> -> memref<40xi32, #tpu.memory_space<vmem>>
        %dma_start3A_209 = tpu.memref_slice %arg6[%add3A_187] : memref<320000xi32, #tpu.memory_space<hbm>> -> memref<40xi32, #tpu.memory_space<hbm>>
        %dma_start3A_210 = arith.constant 0 : i32
        %dma_start3A_211 = tpu.memref_slice %arg10[%rem3A_189, %dma_start3A_210] : memref<2x40xi32, #tpu.memory_space<vmem>> -> memref<1x40xi32, #tpu.memory_space<vmem>>
        %dma_start3A_212 = tpu.memref_squeeze %dma_start3A_211 : memref<1x40xi32, #tpu.memory_space<vmem>> -> memref<40xi32, #tpu.memory_space<vmem>>
        %dma_start3A_213 = tpu.memref_slice %arg6[%add3A_187] : memref<320000xi32, #tpu.memory_space<hbm>> -> memref<40xi32, #tpu.memory_space<hbm>>
        tpu.enqueue_dma source(%dma_start3A_213 : memref<40xi32, #tpu.memory_space<hbm>>) target(%dma_start3A_212 : memref<40xi32, #tpu.memory_space<vmem>>) target_semaphore(%arg17 : memref<!tpu.dma_semaphore, #tpu.memory_space<semaphore_mem>>)
      } else {
      }
    }
    %scan3A_126 = arith.constant 250 : i32
    "tpu.region"() ({
      %run_scoped3A = tpu.sem_alloc : memref<!tpu.dma_semaphore, #tpu.memory_space<semaphore_mem>>
      %dma_start3A_134 = arith.constant 0 : i32
      %dma_start3A_135 = arith.constant 0 : i32
      %dma_start3A_136 = tpu.memref_slice %arg15[%dma_start3A_134, %dma_start3A_135] : memref<10240x128xf32, #tpu.memory_space<vmem_shared>> -> memref<10240x128xf32, #tpu.memory_space<vmem_shared>>
      tpu.enqueue_indirect_dma source(%arg13 : memref<80x128xf32, #tpu.memory_space<vmem>>) target(%dma_start3A_136 : memref<10240x128xf32, #tpu.memory_space<vmem_shared>>) offsets(%arg14 : memref<80xi32, #tpu.memory_space<vmem>>) semaphore(%run_scoped3A : memref<!tpu.dma_semaphore, #tpu.memory_space<semaphore_mem>>) {add = true}
      %dma_wait3A = arith.constant 0 : i32
      %dma_wait3A_137 = arith.constant 0 : i32
      %dma_wait3A_138 = tpu.memref_slice %arg15[%dma_wait3A, %dma_wait3A_137] : memref<10240x128xf32, #tpu.memory_space<vmem_shared>> -> memref<10240x128xf32, #tpu.memory_space<vmem_shared>>
      tpu.wait_indirect_dma semaphore(%run_scoped3A : memref<!tpu.dma_semaphore, #tpu.memory_space<semaphore_mem>>) src(%arg13 : memref<80x128xf32, #tpu.memory_space<vmem>>) dst(%dma_wait3A_138 : memref<10240x128xf32, #tpu.memory_space<vmem_shared>>)
      tpu.yield
    }) : () -> ()
    %barrier3A_127 = arith.constant 0 : index
    tpu.barrier barrier_id(%barrier3A_127)
    %scan3A_128 = arith.constant 0 : i32
    %scan3A_129 = arith.constant 0 : i32
    %scan3A_130 = arith.constant 5 : i32
    %scan3A_131 = arith.addi %scan3A_129, %scan3A_130 : i32
    %scan3A_132 = arith.constant 1 : i32
    scf.for %scan3A_134 = %scan3A_129 to %scan3A_131 step %scan3A_132  : i32 {
      %mul3A_135 = arith.constant 640 : i32
      %mul3A_136 = arith.muli %arg1, %mul3A_135 : i32
      %mul3A_137 = arith.constant 128 : i32
      %mul3A_138 = arith.muli %scan3A_134, %mul3A_137 : i32
      %add3A_139 = arith.addi %mul3A_136, %mul3A_138 : i32
      "tpu.region"() ({
        %run_scoped3A = tpu.sem_alloc : memref<!tpu.dma_semaphore, #tpu.memory_space<semaphore_mem>>
        %dma_start3A_140 = arith.constant 0 : i32
        %dma_start3A_141 = arith.constant 0 : i32
        %dma_start3A_142 = tpu.memref_slice %arg11[%dma_start3A_140, %dma_start3A_141] : memref<240x128xf32, #tpu.memory_space<vmem>> -> memref<128x128xf32, #tpu.memory_space<vmem>>
        %dma_start3A_143 = arith.constant 0 : i32
        %dma_start3A_144 = tpu.memref_slice %arg15[%add3A_139, %dma_start3A_143] : memref<10240x128xf32, #tpu.memory_space<vmem_shared>> -> memref<128x128xf32, #tpu.memory_space<vmem_shared>>
        %dma_start3A_145 = arith.constant 0 : i32
        %dma_start3A_146 = arith.constant 0 : i32
        %dma_start3A_147 = tpu.memref_slice %arg11[%dma_start3A_145, %dma_start3A_146] : memref<240x128xf32, #tpu.memory_space<vmem>> -> memref<128x128xf32, #tpu.memory_space<vmem>>
        %dma_start3A_148 = arith.constant 0 : i32
        %dma_start3A_149 = tpu.memref_slice %arg15[%add3A_139, %dma_start3A_148] : memref<10240x128xf32, #tpu.memory_space<vmem_shared>> -> memref<128x128xf32, #tpu.memory_space<vmem_shared>>
        tpu.enqueue_dma source(%dma_start3A_149 : memref<128x128xf32, #tpu.memory_space<vmem_shared>>) target(%dma_start3A_147 : memref<128x128xf32, #tpu.memory_space<vmem>>) target_semaphore(%run_scoped3A : memref<!tpu.dma_semaphore, #tpu.memory_space<semaphore_mem>>)
        %dma_wait3A = arith.constant 0 : i32
        %dma_wait3A_150 = arith.constant 0 : i32
        %dma_wait3A_151 = tpu.memref_slice %arg11[%dma_wait3A, %dma_wait3A_150] : memref<240x128xf32, #tpu.memory_space<vmem>> -> memref<128x128xf32, #tpu.memory_space<vmem>>
        %dma_wait3A_152 = arith.constant 0 : i32
        %dma_wait3A_153 = tpu.memref_slice %arg15[%add3A_139, %dma_wait3A_152] : memref<10240x128xf32, #tpu.memory_space<vmem_shared>> -> memref<128x128xf32, #tpu.memory_space<vmem_shared>>
        %dma_wait3A_154 = arith.constant 0 : i32
        %dma_wait3A_155 = arith.constant 0 : i32
        %dma_wait3A_156 = tpu.memref_slice %arg11[%dma_wait3A_154, %dma_wait3A_155] : memref<240x128xf32, #tpu.memory_space<vmem>> -> memref<128x128xf32, #tpu.memory_space<vmem>>
        %dma_wait3A_157 = arith.constant 0 : i32
        %dma_wait3A_158 = tpu.memref_slice %arg15[%add3A_139, %dma_wait3A_157] : memref<10240x128xf32, #tpu.memory_space<vmem_shared>> -> memref<128x128xf32, #tpu.memory_space<vmem_shared>>
        tpu.wait_dma2 semaphore(%run_scoped3A : memref<!tpu.dma_semaphore, #tpu.memory_space<semaphore_mem>>) src(%dma_wait3A_158 : memref<128x128xf32, #tpu.memory_space<vmem_shared>>) dst(%dma_wait3A_156 : memref<128x128xf32, #tpu.memory_space<vmem>>)
        tpu.yield
      }) : () -> ()
      "tpu.region"() ({
        %run_scoped3A = tpu.sem_alloc : memref<!tpu.dma_semaphore, #tpu.memory_space<semaphore_mem>>
        %dma_start3A_140 = arith.constant 0 : i32
        %dma_start3A_141 = arith.constant 0 : i32
        %dma_start3A_142 = tpu.memref_slice %arg11[%dma_start3A_140, %dma_start3A_141] : memref<240x128xf32, #tpu.memory_space<vmem>> -> memref<128x128xf32, #tpu.memory_space<vmem>>
        %dma_start3A_143 = arith.constant 0 : i32
        %dma_start3A_144 = tpu.memref_slice %arg7[%arg0, %add3A_139, %dma_start3A_143] : memref<2x10240x128xf32, #tpu.memory_space<hbm>> -> memref<1x128x128xf32, #tpu.memory_space<hbm>>
        %dma_start3A_145 = tpu.memref_squeeze %dma_start3A_144 : memref<1x128x128xf32, #tpu.memory_space<hbm>> -> memref<128x128xf32, #tpu.memory_space<hbm>>
        %dma_start3A_146 = arith.constant 0 : i32
        %dma_start3A_147 = tpu.memref_slice %arg7[%arg0, %add3A_139, %dma_start3A_146] : memref<2x10240x128xf32, #tpu.memory_space<hbm>> -> memref<1x128x128xf32, #tpu.memory_space<hbm>>
        %dma_start3A_148 = tpu.memref_squeeze %dma_start3A_147 : memref<1x128x128xf32, #tpu.memory_space<hbm>> -> memref<128x128xf32, #tpu.memory_space<hbm>>
        %dma_start3A_149 = arith.constant 0 : i32
        %dma_start3A_150 = arith.constant 0 : i32
        %dma_start3A_151 = tpu.memref_slice %arg11[%dma_start3A_149, %dma_start3A_150] : memref<240x128xf32, #tpu.memory_space<vmem>> -> memref<128x128xf32, #tpu.memory_space<vmem>>
        tpu.enqueue_dma source(%dma_start3A_151 : memref<128x128xf32, #tpu.memory_space<vmem>>) target(%dma_start3A_148 : memref<128x128xf32, #tpu.memory_space<hbm>>) target_semaphore(%run_scoped3A : memref<!tpu.dma_semaphore, #tpu.memory_space<semaphore_mem>>)
        %dma_wait3A = arith.constant 0 : i32
        %dma_wait3A_152 = arith.constant 0 : i32
        %dma_wait3A_153 = tpu.memref_slice %arg11[%dma_wait3A, %dma_wait3A_152] : memref<240x128xf32, #tpu.memory_space<vmem>> -> memref<128x128xf32, #tpu.memory_space<vmem>>
        %dma_wait3A_154 = arith.constant 0 : i32
        %dma_wait3A_155 = tpu.memref_slice %arg7[%arg0, %add3A_139, %dma_wait3A_154] : memref<2x10240x128xf32, #tpu.memory_space<hbm>> -> memref<1x128x128xf32, #tpu.memory_space<hbm>>
        %dma_wait3A_156 = tpu.memref_squeeze %dma_wait3A_155 : memref<1x128x128xf32, #tpu.memory_space<hbm>> -> memref<128x128xf32, #tpu.memory_space<hbm>>
        %dma_wait3A_157 = arith.constant 0 : i32
        %dma_wait3A_158 = tpu.memref_slice %arg7[%arg0, %add3A_139, %dma_wait3A_157] : memref<2x10240x128xf32, #tpu.memory_space<hbm>> -> memref<1x128x128xf32, #tpu.memory_space<hbm>>
        %dma_wait3A_159 = tpu.memref_squeeze %dma_wait3A_158 : memref<1x128x128xf32, #tpu.memory_space<hbm>> -> memref<128x128xf32, #tpu.memory_space<hbm>>
        %dma_wait3A_160 = arith.constant 0 : i32
        %dma_wait3A_161 = arith.constant 0 : i32
        %dma_wait3A_162 = tpu.memref_slice %arg11[%dma_wait3A_160, %dma_wait3A_161] : memref<240x128xf32, #tpu.memory_space<vmem>> -> memref<128x128xf32, #tpu.memory_space<vmem>>
        tpu.wait_dma2 semaphore(%run_scoped3A : memref<!tpu.dma_semaphore, #tpu.memory_space<semaphore_mem>>) src(%dma_wait3A_162 : memref<128x128xf32, #tpu.memory_space<vmem>>) dst(%dma_wait3A_159 : memref<128x128xf32, #tpu.memory_space<hbm>>)
        tpu.yield
      }) : () -> ()
    }
    %scan3A_133 = arith.constant 5 : i32
    return
  }
}

module attributes {stable_mosaic.version = 14 : i64} {
  func.func @_qkv_body(%arg0: i32, %arg1: memref<2000x128xf32, #tpu.memory_space<vmem>>, %arg2: memref<128x128xf32, #tpu.memory_space<vmem>>, %arg3: memref<128x128xf32, #tpu.memory_space<vmem>>, %arg4: memref<128x128xf32, #tpu.memory_space<vmem>>, %arg5: memref<1x128xf32, #tpu.memory_space<vmem>>, %arg6: memref<1x128xf32, #tpu.memory_space<vmem>>, %arg7: memref<1x128xf32, #tpu.memory_space<vmem>>, %arg8: memref<2000x128xf32, #tpu.memory_space<vmem>>, %arg9: memref<2000x128xf32, #tpu.memory_space<vmem>>, %arg10: memref<2000x128xf32, #tpu.memory_space<vmem>>) attributes {dimension_semantics = [#tpu.dimension_semantics<arbitrary>], iteration_bounds = array<i64: 5>, scalar_prefetch = 0 : i64, scratch_operands = 0 : i64, tpu.core_type = #tpu.core_type<tc>, window_params = [{transform_indices = @transform_0, window_bounds = array<i64: 2000, 128>}, {pipeline_mode = #tpu.pipeline_mode<synchronous>, transform_indices = @transform_1, window_bounds = array<i64: 128, 128>}, {pipeline_mode = #tpu.pipeline_mode<synchronous>, transform_indices = @transform_2, window_bounds = array<i64: 128, 128>}, {pipeline_mode = #tpu.pipeline_mode<synchronous>, transform_indices = @transform_3, window_bounds = array<i64: 128, 128>}, {pipeline_mode = #tpu.pipeline_mode<synchronous>, transform_indices = @transform_4, window_bounds = array<i64: 1, 128>}, {pipeline_mode = #tpu.pipeline_mode<synchronous>, transform_indices = @transform_5, window_bounds = array<i64: 1, 128>}, {pipeline_mode = #tpu.pipeline_mode<synchronous>, transform_indices = @transform_6, window_bounds = array<i64: 1, 128>}, {transform_indices = @transform_7, window_bounds = array<i64: 2000, 128>}, {transform_indices = @transform_8, window_bounds = array<i64: 2000, 128>}, {transform_indices = @transform_9, window_bounds = array<i64: 2000, 128>}]} {
    %get3A = arith.constant 0 : index
    %get3A_0 = arith.constant 0 : index
    %get3A_1 = vector.load %arg1[%get3A, %get3A_0] : memref<2000x128xf32, #tpu.memory_space<vmem>>, vector<2000x128xf32>
    %get3A_2 = arith.constant 0 : index
    %get3A_3 = arith.constant 0 : index
    %get3A_4 = vector.load %arg2[%get3A_2, %get3A_3] : memref<128x128xf32, #tpu.memory_space<vmem>>, vector<128x128xf32>
    %dot_general3A = arith.constant dense<0.000000e+00> : vector<2000x128xf32>
    %dot_general3A_5 = tpu.matmul %get3A_1, %get3A_4, %dot_general3A {dimension_numbers = #tpu.dot_dimension_numbers<[1], [1], [0], [0], [0, 0, 1, 0], [], []>, precision = #tpu.contract_precision<fp32>, transpose_lhs_hint = false} : vector<2000x128xf32>, vector<128x128xf32>, vector<2000x128xf32> -> vector<2000x128xf32>
    %get3A_6 = arith.constant 0 : index
    %get3A_7 = arith.constant 0 : index
    %get3A_8 = vector.load %arg5[%get3A_6, %get3A_7] : memref<1x128xf32, #tpu.memory_space<vmem>>, vector<1x128xf32>
    %add3A = vector.broadcast %get3A_8 : vector<1x128xf32> to vector<2000x128xf32>
    %add3A_9 = arith.addf %dot_general3A_5, %add3A : vector<2000x128xf32>
    %swap3A = arith.constant 0 : index
    %swap3A_10 = arith.constant 0 : index
    %swap3A_11 = vector.load %arg8[%swap3A, %swap3A_10] : memref<2000x128xf32, #tpu.memory_space<vmem>>, vector<2000x128xf32>
    tpu.vector_store %arg8[%swap3A, %swap3A_10], %add3A_9 {strides = array<i32>} : memref<2000x128xf32, #tpu.memory_space<vmem>>, vector<2000x128xf32>,
    %get3A_12 = arith.constant 0 : index
    %get3A_13 = arith.constant 0 : index
    %get3A_14 = vector.load %arg3[%get3A_12, %get3A_13] : memref<128x128xf32, #tpu.memory_space<vmem>>, vector<128x128xf32>
    %dot_general3A_15 = arith.constant dense<0.000000e+00> : vector<2000x128xf32>
    %dot_general3A_16 = tpu.matmul %get3A_1, %get3A_14, %dot_general3A_15 {dimension_numbers = #tpu.dot_dimension_numbers<[1], [1], [0], [0], [0, 0, 1, 0], [], []>, precision = #tpu.contract_precision<fp32>, transpose_lhs_hint = false} : vector<2000x128xf32>, vector<128x128xf32>, vector<2000x128xf32> -> vector<2000x128xf32>
    %get3A_17 = arith.constant 0 : index
    %get3A_18 = arith.constant 0 : index
    %get3A_19 = vector.load %arg6[%get3A_17, %get3A_18] : memref<1x128xf32, #tpu.memory_space<vmem>>, vector<1x128xf32>
    %add3A_20 = vector.broadcast %get3A_19 : vector<1x128xf32> to vector<2000x128xf32>
    %add3A_21 = arith.addf %dot_general3A_16, %add3A_20 : vector<2000x128xf32>
    %swap3A_22 = arith.constant 0 : index
    %swap3A_23 = arith.constant 0 : index
    %swap3A_24 = vector.load %arg9[%swap3A_22, %swap3A_23] : memref<2000x128xf32, #tpu.memory_space<vmem>>, vector<2000x128xf32>
    tpu.vector_store %arg9[%swap3A_22, %swap3A_23], %add3A_21 {strides = array<i32>} : memref<2000x128xf32, #tpu.memory_space<vmem>>, vector<2000x128xf32>,
    %get3A_25 = arith.constant 0 : index
    %get3A_26 = arith.constant 0 : index
    %get3A_27 = vector.load %arg4[%get3A_25, %get3A_26] : memref<128x128xf32, #tpu.memory_space<vmem>>, vector<128x128xf32>
    %dot_general3A_28 = arith.constant dense<0.000000e+00> : vector<2000x128xf32>
    %dot_general3A_29 = tpu.matmul %get3A_1, %get3A_27, %dot_general3A_28 {dimension_numbers = #tpu.dot_dimension_numbers<[1], [1], [0], [0], [0, 0, 1, 0], [], []>, precision = #tpu.contract_precision<fp32>, transpose_lhs_hint = false} : vector<2000x128xf32>, vector<128x128xf32>, vector<2000x128xf32> -> vector<2000x128xf32>
    %get3A_30 = arith.constant 0 : index
    %get3A_31 = arith.constant 0 : index
    %get3A_32 = vector.load %arg7[%get3A_30, %get3A_31] : memref<1x128xf32, #tpu.memory_space<vmem>>, vector<1x128xf32>
    %add3A_33 = vector.broadcast %get3A_32 : vector<1x128xf32> to vector<2000x128xf32>
    %add3A_34 = arith.addf %dot_general3A_29, %add3A_33 : vector<2000x128xf32>
    %swap3A_35 = arith.constant 0 : index
    %swap3A_36 = arith.constant 0 : index
    %swap3A_37 = vector.load %arg10[%swap3A_35, %swap3A_36] : memref<2000x128xf32, #tpu.memory_space<vmem>>, vector<2000x128xf32>
    tpu.vector_store %arg10[%swap3A_35, %swap3A_36], %add3A_34 {strides = array<i32>} : memref<2000x128xf32, #tpu.memory_space<vmem>>, vector<2000x128xf32>,
    return
  }
  func.func @transform_0(%arg0: i32) -> (i32, i32) {
    %c0_i32 = arith.constant 0 : i32
    %c0_i32_0 = arith.constant 0 : i32
    return %arg0, %c0_i32 : i32, i32
  }
  func.func @transform_1(%arg0: i32) -> (i32, i32) {
    %c0_i32 = arith.constant 0 : i32
    %c0_i32_0 = arith.constant 0 : i32
    %c0_i32_1 = arith.constant 0 : i32
    return %c0_i32, %c0_i32_0 : i32, i32
  }
  func.func @transform_2(%arg0: i32) -> (i32, i32) {
    %c0_i32 = arith.constant 0 : i32
    %c0_i32_0 = arith.constant 0 : i32
    %c0_i32_1 = arith.constant 0 : i32
    return %c0_i32, %c0_i32_0 : i32, i32
  }
  func.func @transform_3(%arg0: i32) -> (i32, i32) {
    %c0_i32 = arith.constant 0 : i32
    %c0_i32_0 = arith.constant 0 : i32
    %c0_i32_1 = arith.constant 0 : i32
    return %c0_i32, %c0_i32_0 : i32, i32
  }
  func.func @transform_4(%arg0: i32) -> (i32, i32) {
    %c0_i32 = arith.constant 0 : i32
    %c0_i32_0 = arith.constant 0 : i32
    %c0_i32_1 = arith.constant 0 : i32
    return %c0_i32, %c0_i32_0 : i32, i32
  }
  func.func @transform_5(%arg0: i32) -> (i32, i32) {
    %c0_i32 = arith.constant 0 : i32
    %c0_i32_0 = arith.constant 0 : i32
    %c0_i32_1 = arith.constant 0 : i32
    return %c0_i32, %c0_i32_0 : i32, i32
  }
  func.func @transform_6(%arg0: i32) -> (i32, i32) {
    %c0_i32 = arith.constant 0 : i32
    %c0_i32_0 = arith.constant 0 : i32
    %c0_i32_1 = arith.constant 0 : i32
    return %c0_i32, %c0_i32_0 : i32, i32
  }
  func.func @transform_7(%arg0: i32) -> (i32, i32) {
    %c0_i32 = arith.constant 0 : i32
    %c0_i32_0 = arith.constant 0 : i32
    return %arg0, %c0_i32 : i32, i32
  }
  func.func @transform_8(%arg0: i32) -> (i32, i32) {
    %c0_i32 = arith.constant 0 : i32
    %c0_i32_0 = arith.constant 0 : i32
    return %arg0, %c0_i32 : i32, i32
  }
  func.func @transform_9(%arg0: i32) -> (i32, i32) {
    %c0_i32 = arith.constant 0 : i32
    %c0_i32_0 = arith.constant 0 : i32
    return %arg0, %c0_i32 : i32, i32
  }
}

module attributes {stable_mosaic.version = 14 : i64} {
  func.func @_out_body(%arg0: i32, %arg1: memref<1264x128xf32, #tpu.memory_space<vmem>>, %arg2: memref<1264x128xf32, #tpu.memory_space<vmem>>, %arg3: memref<1264x1xf32, #tpu.memory_space<vmem>>, %arg4: memref<1264x1xf32, #tpu.memory_space<vmem>>, %arg5: memref<128x128xf32, #tpu.memory_space<vmem>>, %arg6: memref<1x128xf32, #tpu.memory_space<vmem>>, %arg7: memref<1264x128xf32, #tpu.memory_space<vmem>>) attributes {dimension_semantics = [#tpu.dimension_semantics<arbitrary>], iteration_bounds = array<i64: 8>, scalar_prefetch = 0 : i64, scratch_operands = 0 : i64, tpu.core_type = #tpu.core_type<tc>, window_params = [{transform_indices = @transform_0, window_bounds = array<i64: 1264, 128>}, {transform_indices = @transform_1, window_bounds = array<i64: 1264, 128>}, {transform_indices = @transform_2, window_bounds = array<i64: 1264, 1>}, {transform_indices = @transform_3, window_bounds = array<i64: 1264, 1>}, {pipeline_mode = #tpu.pipeline_mode<synchronous>, transform_indices = @transform_4, window_bounds = array<i64: 128, 128>}, {pipeline_mode = #tpu.pipeline_mode<synchronous>, transform_indices = @transform_5, window_bounds = array<i64: 1, 128>}, {transform_indices = @transform_6, window_bounds = array<i64: 1264, 128>}]} {
    %get3A = arith.constant 0 : index
    %get3A_0 = arith.constant 0 : index
    %get3A_1 = vector.load %arg1[%get3A, %get3A_0] : memref<1264x128xf32, #tpu.memory_space<vmem>>, vector<1264x128xf32>
    %get3A_2 = arith.constant 0 : index
    %get3A_3 = arith.constant 0 : index
    %get3A_4 = vector.load %arg2[%get3A_2, %get3A_3] : memref<1264x128xf32, #tpu.memory_space<vmem>>, vector<1264x128xf32>
    %add3A = arith.addf %get3A_1, %get3A_4 : vector<1264x128xf32>
    %get3A_5 = arith.constant 0 : index
    %get3A_6 = arith.constant 0 : index
    %get3A_7 = vector.load %arg3[%get3A_5, %get3A_6] : memref<1264x1xf32, #tpu.memory_space<vmem>>, vector<1264x1xf32>
    %get3A_8 = arith.constant 0 : index
    %get3A_9 = arith.constant 0 : index
    %get3A_10 = vector.load %arg4[%get3A_8, %get3A_9] : memref<1264x1xf32, #tpu.memory_space<vmem>>, vector<1264x1xf32>
    %add3A_11 = arith.addf %get3A_7, %get3A_10 : vector<1264x1xf32>
    %add3A_12 = arith.constant 1.000000e-16 : f32
    %add3A_13 = vector.broadcast %add3A_12 : f32 to vector<1264x1xf32>
    %add3A_14 = arith.addf %add3A_11, %add3A_13 : vector<1264x1xf32>
    %div3A = vector.broadcast %add3A_14 : vector<1264x1xf32> to vector<1264x128xf32>
    %div3A_15 = arith.divf %add3A, %div3A : vector<1264x128xf32>
    %get3A_16 = arith.constant 0 : index
    %get3A_17 = arith.constant 0 : index
    %get3A_18 = vector.load %arg5[%get3A_16, %get3A_17] : memref<128x128xf32, #tpu.memory_space<vmem>>, vector<128x128xf32>
    %dot_general3A = arith.constant dense<0.000000e+00> : vector<1264x128xf32>
    %dot_general3A_19 = tpu.matmul %div3A_15, %get3A_18, %dot_general3A {dimension_numbers = #tpu.dot_dimension_numbers<[1], [1], [0], [0], [0, 0, 1, 0], [], []>, precision = #tpu.contract_precision<fp32>, transpose_lhs_hint = false} : vector<1264x128xf32>, vector<128x128xf32>, vector<1264x128xf32> -> vector<1264x128xf32>
    %get3A_20 = arith.constant 0 : index
    %get3A_21 = arith.constant 0 : index
    %get3A_22 = vector.load %arg6[%get3A_20, %get3A_21] : memref<1x128xf32, #tpu.memory_space<vmem>>, vector<1x128xf32>
    %add3A_23 = vector.broadcast %get3A_22 : vector<1x128xf32> to vector<1264x128xf32>
    %add3A_24 = arith.addf %dot_general3A_19, %add3A_23 : vector<1264x128xf32>
    %swap3A = arith.constant 0 : index
    %swap3A_25 = arith.constant 0 : index
    %swap3A_26 = vector.load %arg7[%swap3A, %swap3A_25] : memref<1264x128xf32, #tpu.memory_space<vmem>>, vector<1264x128xf32>
    tpu.vector_store %arg7[%swap3A, %swap3A_25], %add3A_24 {strides = array<i32>} : memref<1264x128xf32, #tpu.memory_space<vmem>>, vector<1264x128xf32>,
    return
  }
  func.func @transform_0(%arg0: i32) -> (i32, i32) {
    %c0_i32 = arith.constant 0 : i32
    %c0_i32_0 = arith.constant 0 : i32
    return %arg0, %c0_i32 : i32, i32
  }
  func.func @transform_1(%arg0: i32) -> (i32, i32) {
    %c0_i32 = arith.constant 0 : i32
    %c0_i32_0 = arith.constant 0 : i32
    return %arg0, %c0_i32 : i32, i32
  }
  func.func @transform_2(%arg0: i32) -> (i32, i32) {
    %c0_i32 = arith.constant 0 : i32
    %c0_i32_0 = arith.constant 0 : i32
    return %arg0, %c0_i32 : i32, i32
  }
  func.func @transform_3(%arg0: i32) -> (i32, i32) {
    %c0_i32 = arith.constant 0 : i32
    %c0_i32_0 = arith.constant 0 : i32
    return %arg0, %c0_i32 : i32, i32
  }
  func.func @transform_4(%arg0: i32) -> (i32, i32) {
    %c0_i32 = arith.constant 0 : i32
    %c0_i32_0 = arith.constant 0 : i32
    %c0_i32_1 = arith.constant 0 : i32
    return %c0_i32, %c0_i32_0 : i32, i32
  }
  func.func @transform_5(%arg0: i32) -> (i32, i32) {
    %c0_i32 = arith.constant 0 : i32
    %c0_i32_0 = arith.constant 0 : i32
    %c0_i32_1 = arith.constant 0 : i32
    return %c0_i32, %c0_i32_0 : i32, i32
  }
  func.func @transform_6(%arg0: i32) -> (i32, i32) {
    %c0_i32 = arith.constant 0 : i32
    %c0_i32_0 = arith.constant 0 : i32
    return %arg0, %c0_i32 : i32, i32
  }
}

</mosaic_0001>

<sc_bundles>
// kernel: kernel.5.cloned.1.call-start
scs
__scs_entry_jumppad:
0x0: {  	(pc) =	sbr.rel $0x88, $3  }
0x1: {  	(tag) =	ssettag $0x0;
	lr =	simm.s32 $0x1  }
0x2: {  	[smem:$0x3F97] =	sst lr;
	_ =	strace $0xD0000000  }
0x3: {  	_ = 	snop  }
0x4: {  	_ = 	snop  }
0x5: {  	_ = 	snop  }
0x6: {  	_ = 	snop  }
0x7: {  	_ = 	snop  }
__scs_overlays_trampoline_lowered:
0x8: {  	[smem:$0x3FA6] =	sst s0  }
0x9: {  	[smem:$0x3FA7] =	sst s1  }
0xa: {  	[smem:$0x3FA8] =	sst s2  }
0xb: {  	[smem:$0x3FA9] =	sst s3  }
0xc: {  	[smem:$0x3FAA] =	sst s4  }
0xd: {  	[smem:$0x3FAB] =	sst s5  }
0xe: {  	[smem:$0x3FAC] =	sst s6  }
0xf: {  	[smem:$0x3FAD] =	sst s7  }
0x10: {  	[smem:$0x3FAE] =	sst s8  }
0x11: {  	[smem:$0x3FAF] =	sst s9;
	s0 =	simm.s32 @!p0 $0x0  }
0x12: {  	s1 =	sld [smem:$0x3F95];
	s0 =	simm.s32 @p0 $0x1  }
0x13: {  	[smem:$0x3FB0] =	sst s0;
	s0 =	simm.s32 @!p1 $0x0  }
0x14: {  	s2 =	sld [smem:$0x3F94];
	s0 =	simm.s32 @p1 $0x1  }
0x15: {  	[smem:$0x3FB1] =	sst s0;
	s0 =	simm.s32 @!p2 $0x0  }
0x16: {  	s3 =	sld [smem:$0x3FDB];
	s0 =	simm.s32 @p2 $0x1  }
0x17: {  	s4 =	simm.s32 $0x1BF5;
	[smem:$0x3FB3] =	sst s0  }
0x18: {  	s0 =	sld [smem:$0x3F96];
	_ =	swait.ge [sflag:s4], $0x0  }
0x19: {  	s7 =	sld [smem:$0x3F97]  }
0x1a: {  	s8 =	sadd.s32 $0xFFFFE003, lr  }
0x1b: {  	s9 =	sadd.s32 $0xFFFFFEF7, lr;
	s5 =	simm.s32 $0xFFFFFFFF;
	p2 =	slt.u32 s8, $0xFFFFF086  }
0x1c: {  	p1 =	slt.u32 s9, $0xF7A;
	s5 =	simm.s32 @!p2 $0x0  }
0x1d: {  	s5 =	simm.s32 @p1 $0x1;
	p0 =	seq.s32 s7, s2  }
0x1e: {  	s7 =	smul.u32 @!p0 $0xF7A, s2;
	p2 =	seq.s32 @!p0 s5, $0x0  }
0x1f: {  	s9 =	smul.u32 $0xF7A, s1;
	s8 =	simm.s32 @!p0 $0x1BF5;
	p2 =	por !p2, p0  }
0x20: {  	[sflag:s8] =	ssyncset.s32 @!p0 $0xFFFFF086;
	s6 =	sadd.s32 @!p0 s3, s7;
	s7 =	simm.s32 @!p0 $0x108  }
0x21: {  	s3 =	sadd.s32 s3, s9;
	s6 =	sadd.s32 @!p0 $0x88, s6;
	s7 =	simm.s32 @p2 $0x1082  }
0x22: {  	[simem:s7], [sflag:s8] =	dma.local @!p0 [hbm:s6], $0xF7A  }
0x23: {  	s9 =	sor.u32 $0xD0000000, s2;
	s6 =	simm.s32 $0x108;
	_ =	swait.ge @!p0 [sflag:s8], $0x0  }
0x24: {  	s3 =	sadd.s32 $0x88, s3;
	s6 =	simm.s32 @!p1 $0x1082;
	[sflag:s4] =	ssyncset.s32 $0xFFFFF086  }
0x25: {  	[simem:s6], [sflag:s4] =	dma.local [hbm:s3], $0xF7A  }
0x26: {  	[smem:$0x3F97] =	sst s1;
	(tag) =	ssettag s2;
	_ =	strace s9  }
0x27: {  	s1 =	sld [smem:$0x3FA7]  }
0x28: {  	s2 =	sld [smem:$0x3FA8]  }
0x29: {  	s4 =	sld [smem:$0x3FAA]  }
0x2a: {  	p0 =	seq.s32 s5, $0x0;
	s5 =	sld [smem:$0x3FAB]  }
0x2b: {  	s6 =	sld [smem:$0x3FAC]  }
0x2c: {  	s7 =	sld [smem:$0x3FAD]  }
0x2d: {  	s3 =	simm.s32 $0x108;
	s8 =	sld [smem:$0x3FAE]  }
0x2e: {  	s3 =	simm.s32 @!p0 $0x1082;
	s9 =	sld [smem:$0x3FAF]  }
0x2f: {  	lr =	sadd.s32 s0, s3;
	s0 =	sld [smem:$0x3FA6]  }
0x30: {  	s3 =	sld [smem:$0x3FA9]  }
0x31: {  	[smem:$0x3FB2] =	sst s10  }
0x32: {  	s10 =	sld [smem:$0x3FB0];
	_ =	sdelay $0x3  }
0x33: {  	p0 =	seq.s32 s10, $0x1;
	s10 =	sld [smem:$0x3FB2];
	_ =	sdelay $0x3  }
0x34: {  	[smem:$0x3FB2] =	sst s10  }
0x35: {  	s10 =	sld [smem:$0x3FB1];
	_ =	sdelay $0x3  }
0x36: {  	p1 =	seq.s32 s10, $0x1;
	s10 =	sld [smem:$0x3FB2];
	_ =	sdelay $0x3  }
0x37: {  	[smem:$0x3FB2] =	sst s10  }
0x38: {  	s10 =	sld [smem:$0x3FB3]  }
0x39: {  	_ = 	snop;
	(pc) =	sbr.ind lr, $3  }
0x3a: {  	_ = 	snop  }
0x3b: {  	_ = 	snop  }
0x3c: {  	p2 =	seq.s32 s10, $0x1;
	s10 =	sld [smem:$0x3FB2]  }
0x3d: {  	_ =	shalt  }
0x3e: {  	_ =	shalt  }
0x3f: {  	_ =	shalt  }
0x40: {  	_ =	shalt  }
0x41: {  	_ =	shalt  }
0x42: {  	_ =	shalt  }
0x43: {  	_ =	shalt  }
0x44: {  	_ =	shalt  }
0x45: {  	_ =	shalt  }
0x46: {  	_ =	shalt  }
0x47: {  	_ =	shalt  }
0x48: {  	_ =	shalt  }
0x49: {  	_ =	shalt  }
0x4a: {  	_ =	shalt  }
0x4b: {  	_ =	shalt  }
0x4c: {  	_ =	shalt  }
0x4d: {  	_ =	shalt  }
0x4e: {  	_ =	shalt  }
0x4f: {  	_ =	shalt  }
0x50: {  	_ =	shalt  }
0x51: {  	_ =	shalt  }
0x52: {  	_ =	shalt  }
0x53: {  	_ =	shalt  }
0x54: {  	_ =	shalt  }
0x55: {  	_ =	shalt  }
0x56: {  	_ =	shalt  }
0x57: {  	_ =	shalt  }
0x58: {  	_ =	shalt  }
0x59: {  	_ =	shalt  }
0x5a: {  	_ =	shalt  }
0x5b: {  	_ =	shalt  }
0x5c: {  	_ =	shalt  }
0x5d: {  	_ =	shalt  }
0x5e: {  	_ =	shalt  }
0x5f: {  	_ =	shalt  }
0x60: {  	_ =	shalt  }
0x61: {  	_ =	shalt  }
0x62: {  	_ =	shalt  }
0x63: {  	_ =	shalt  }
0x64: {  	_ =	shalt  }
0x65: {  	_ =	shalt  }
0x66: {  	_ =	shalt  }
0x67: {  	_ =	shalt  }
0x68: {  	_ =	shalt  }
0x69: {  	_ =	shalt  }
0x6a: {  	_ =	shalt  }
0x6b: {  	_ =	shalt  }
0x6c: {  	_ =	shalt  }
0x6d: {  	_ =	shalt  }
0x6e: {  	_ =	shalt  }
0x6f: {  	_ =	shalt  }
0x70: {  	_ =	shalt  }
0x71: {  	_ =	shalt  }
0x72: {  	_ =	shalt  }
0x73: {  	_ =	shalt  }
0x74: {  	_ =	shalt  }
0x75: {  	_ =	shalt  }
0x76: {  	_ =	shalt  }
0x77: {  	_ =	shalt  }
0x78: {  	_ =	shalt  }
0x79: {  	_ =	shalt  }
0x7a: {  	_ =	shalt  }
0x7b: {  	_ =	shalt  }
0x7c: {  	_ =	shalt  }
0x7d: {  	_ =	shalt  }
0x7e: {  	_ =	shalt  }
0x7f: {  	_ =	shalt  }
0x80: {  	_ =	shalt  }
0x81: {  	_ =	shalt  }
0x82: {  	_ =	shalt  }
0x83: {  	_ =	shalt  }
0x84: {  	_ =	shalt  }
0x85: {  	_ =	shalt  }
0x86: {  	_ =	shalt  }
0x87: {  	_ =	shalt  }
.Lfunc_end0:
.L_simem_size_0:
called_computation_lowered:
.L_overlay_start_0:
0x88: {  	s2 =	sld [smem:$0x3FD9]  }
0x89: {  	s3 =	sld [smem:$0x3FFE];
	_ =	sdelay $0x1  }
0x8a: {  	s1 =	srdreg.scid  }
0x8b: {  	s0 =	sand.u32 $0x1, s1  }
0x8c: {  	s17 =	sshll.u32 s0, $0xA;
	s2 =	sadd.s32 s3, s2  }
0x8d: {  	s2 =	sadd.s32 s2, s17  }
0x8e: {  	[smem:$0x3FBE] =	sst s2  }
0x8f: {  	_ = 	snop  }
0x90: {  	s2 =	sld [smem:$0x3FD0];
	(tm) =	ssettm $0x1  }
0x91: {  	s18 =	sld [smem:$0x3FFB];
	_ =	sdelay $0x3  }
0x92: {  	_ =	strace s18  }
0x93: {  	s3 =	sld [smem:$0x3FFC];
	_ =	sdelay $0x3  }
0x94: {  	_ =	strace s3  }
0x95: {  	s3 =	sld [smem:$0x3FFD];
	_ =	sdelay $0x3  }
0x96: {  	_ =	strace s3  }
0x97: {  	_ =	strace $0x8FFFFFFF  }
0x98: {  	s19 =	sld [smem:$0x3FDB];
	_ =	sdelay $0x1  }
0x99: {  	s4 =	simm.s32 $_scs_section_size  }
0x9a: {  	s5 =	simm.s32 $_size__tile_overlayer_lowered;
	s6 =	simm.s32 $_tile_overlayer_lowered  }
0x9b: {  	s22 =	simm.s32 $0x1BFF;
	s21 =	sshll.u32 s6, $0x1;
	s3 =	sadd.s32 s4, s19  }
0x9c: {  	s7 =	simm.s32 $0x0;
	s20 =	sshll.u32 s5, $0x1;
	s5 =	sadd.s32 s21, s3  }
0x9d: {  	[timem:s7], [sflag:s22] =	dma.local [hbm:s5], s20  }
0x9e: {  	_ =	swait.ge [sflag:s22], s20  }
0x9f: {  	s4 =	ssub.s32 $0x0, s20;
	[sflag:s22] =	ssyncset.done $0x0  }
0xa0: {  	[sflag:s22] =	ssyncadd.s32 s4;
	_ =	sdelay $0x1  }
0xa1: {  	s23 =	simm.s32 $0x1B8B  }
0xa2: {  	_ =	swait.ge [sflag:s23], $0x1  }
0xa3: {  	[sflag:s23] =	ssyncset.done $0x0  }
0xa4: {  	s25 =	simm.s32 $0x1B8E;
	s24 =	sld [smem:$0x3FFE];
	[sflag:s23] =	ssyncadd.s32 $0xFFFFFFFF  }
0xa5: {  	s26 =	simm.s32 $execute0_lowered;
	[smem:$0x3FD2] =	sst s25  }
0xa6: {  	s5 =	sshll.u32 s26, $0x1;
	_ =	strace $0x80000046;
	[dreg:$0x1] =	wrdreg $0xFFFFFFFF  }
0xa7: {  	s28 =	simm.s32 $_size_execute0_lowered;
	s3 =	sadd.s32 s3, s5;
	[dreg:$0x0] =	wrdreg $0x0  }
0xa8: {  	s5 =	sshll.u32 s28, $0x1;
	[dreg:$0x2] =	wrdreg s3  }
0xa9: {  	[dreg:$0x3] =	wrdreg s5  }
0xaa: {  	[dreg:$0x4] =	wrdreg $0xC0  }
0xab: {  	_ =	task [dreg:s7], $0x5FFFF  }
0xac: {  	[dreg:$0x1] =	wrdreg $0xFFFFFFFF  }
0xad: {  	[dreg:$0x0] =	wrdreg $0x60  }
0xae: {  	[dreg:$0x2] =	wrdreg s2  }
0xaf: {  	[dreg:$0x3] =	wrdreg s24  }
0xb0: {  	[dreg:$0x4] =	wrdreg $0xB7800  }
0xb1: {  	[dreg:$0x5] =	wrdreg $0x9  }
0xb2: {  	_ =	task.clear_ibuf [dreg:s7], $0x6FFFF;
	_ =	strace $0x90000046  }
0xb3: {  	s29 =	simm.s32 $0x9;
	_ =	strace $0x80000048  }
0xb4: {  	_ =	swait.ge [sflag:s29], $0x1  }
0xb5: {  	[sflag:s29] =	ssyncadd.s32 $0xFFFFFFFF  }
0xb6: {  	_ =	strace $0x90000048  }
0xb7: {  	_ =	sfence  }
0xb8: {  	s30 =	sld [smem:$0x0];
	_ =	sdelay $0x2  }
0xb9: {  	s31 =	sshll.u32 s1, $0xD;
	s1 =	sshrl.u32 s1, $0x2  }
0xba: {  	s3 =	sand.u32 $0x4000, s31;
	s1 =	sadd.s32 s1, s30  }
0xbb: {  	s0 =	sor.u32 s3, s0;
	s1 =	sshll.u32 s1, $0x11  }
0xbc: {  	s0 =	sor.u32 s1, s0  }
0xbd: {  	s0 =	sadd.s32 $0x8F2B, s0  }
0xbe: {  	[sflag:s0] =	ssyncadd.remote.s32 $0x1  }
0xbf: {  	_ =	sfence.sel $0xFFFF  }
0xc0: {  	[dreg:$0x0] =	wrdreg $0xFFFFFFFF;
	(pc) =	sbr.abs _section_cstart, $3  }
0xc1: {  	[dreg:$0x1] =	wrdreg $0xFFFFFFFF  }
0xc2: {  	_ =	task.clear_ibuf [dreg:s7], $0x2FFFF;
	_ =	strace $0x9FFFFFFF  }
0xc3: {  	(tm) =	ssettm $0x7FFFFFFF  }
tec
execute0_lowered:
.L_overlay_start_1:
0x0: {  	(tag) =	ssettag $0x1  }
0x1: {  	s0 =	rddreg [dreg:$0x1]  }
0x2: {  	s13 =	rddreg [dreg:$0x2];
	s1 =	simm.s32 $0x0  }
0x3: {  	s23 =	srdreg.scid;
	s10 =	stileid.u32;
	s31 =	simm.s32 $0x3  }
0x4: {  	[smem:$0x7FF] =	sst s1;
	s5 =	sadd.s32 $0x15A00, s0;
	s6 =	sadd.s32 $0x3CC00, s0  }
0x5: {  	s7 =	sadd.s32 $0xBC00, s0;
	s1 =	sand.u32 $0x1, s23;
	s2 =	sshll.u32 s10, $0x1  }
0x6: {  	s3 =	smul.u32 $0x50000, s10;
	s8 =	sadd.s32 $0x1E00, s0;
	s0 =	sadd.s32 $0x63E00, s0  }
0x7: {  	s10 =	smul.u32 $0x14000, s10;
	_ =	strace $0x80000047;
	s4 =	ssub.s32 $0x2, s1  }
0x8: {  	s2 =	sor.u32 s1, s2;
	s1 =	smul.u32 $0x140000, s1;
	s9 =	sshrl.u32 s4, $0x1  }
0x9: {  	s2 =	smul.u32 $0x2710, s2;
	s3 =	sshrl.u32 s3, $0x2;
	s28 =	sadd.s32 $0x4000, s10  }
0xa: {  	s17 =	sadd.s32 $0x8000, s10;
	s19 =	sadd.s32 $0xC000, s10;
	s23 =	sadd.s32 s28, s13  }
0xb: {  	s4 =	ssub.s32 s4, s9;
	s15 =	sadd.s32 s3, s13;
	[dreg:$0x10] =	wrdreg s23  }
0xc: {  	s29 =	sadd.s32 s1, s10;
	s21 =	sadd.s32 $0x4000, s15;
	[dreg:$0x4] =	wrdreg s15  }
0xd: {  	s30 =	sadd.s32 s1, s28;
	s22 =	smax.u32 s4, $0x1;
	[dreg:$0xe] =	wrdreg s21  }
0xe: {  	s24 =	sshrl.u32 s2, $0x3;
	s28 =	sadd.s32 $0x8000, s15;
	[dreg:$0xf] =	wrdreg s22  }
0xf: {  	s12 =	sshrl.u32 s30, $0x3;
	s30 =	sadd.s32 $0x10000, s15;
	[dreg:$0x14] =	wrdreg s28  }
0x10: {  	v1 =	vimm.s32 $0xFEDCBA98;
	s18 =	sadd.s32 s1, s17;
	s11 =	sadd.s32 s7, s24;
	[dreg:$0x16] =	wrdreg s30  }
0x11: {  	v5 =	vimm.s32 $0x76543210;
	v7 =	vimm.s32 $0x32107654;
	s10 =	sadd.s32 $0x10000, s10;
	s3 =	sadd.s32 s8, s24;
	[dreg:$0x5] =	wrdreg s11  }
0x12: {  	v0 =	vlaneseq.u32;
	v8 =	vimm.s32 $0xDCFE98BA;
	v9 =	vimm.s32 $0x54761032;
	s25 =	sadd.s32 $0x28, s2;
	s16 =	sadd.s32 s0, s12;
	[dreg:$0x6] =	wrdreg s3  }
0x13: {  	v10 =	vimm.s32 $0xEFCDAB89;
	v11 =	vimm.s32 $0x67452301;
	v4 =	vunpack.c.l.s4.s8 v1;
	s14 =	sadd.s32 $0x50, s2;
	s24 =	sadd.s32 s17, s13;
	[dreg:$0xa] =	wrdreg s16  }
0x14: {  	v1 =	vor.u32 $0x2780, v0;
	v5 =	vunpack.c.l.s4.s8 v5;
	v7 =	vunpack.c.l.s4.s8 v7;
	s9 =	sshrl.u32 s25, $0x3;
	s25 =	sadd.s32 s19, s13;
	[dreg:$0x11] =	wrdreg s24  }
0x15: {  	v8 =	vunpack.c.l.s4.s8 v8;
	v9 =	vunpack.c.l.s4.s8 v9;
	v10 =	vunpack.c.l.s4.s8 v10;
	s12 =	sadd.s32 s1, s19;
	s26 =	sadd.s32 s7, s9;
	[dreg:$0x12] =	wrdreg s25  }
0x16: {  	v11 =	vunpack.c.l.s4.s8 v11;
	v6 =	vunpack.c.0.s8.s32 v4;
	v4 =	vimm.s32 $0xBA98FEDC;
	s1 =	sadd.s32 s1, s10;
	s9 =	sadd.s32 s8, s9;
	[dreg:$0x7] =	wrdreg s26  }
0x17: {  	[tilespmem:$0x1FFB0] =	vst v1;
	v1 =	vor.u32 $0x2790, v0;
	v7 =	vunpack.c.0.s8.s32 v7;
	v4 =	vunpack.c.l.s4.s8 v4;
	s20 =	sshrl.u32 s12, $0x3;
	[dreg:$0x8] =	wrdreg s9;
	s26 =	sadd.s32 s10, s13  }
0x18: {  	v8 =	vunpack.c.0.s8.s32 v8;
	v9 =	vunpack.c.0.s8.s32 v9;
	v10 =	vunpack.c.0.s8.s32 v10;
	s9 =	sshrl.u32 s29, $0x3;
	s29 =	sadd.s32 $0xC000, s15;
	[dreg:$0x13] =	wrdreg s26  }
0x19: {  	[tilespmem:$0x1FFC0] =	vst v1;
	v11 =	vunpack.c.0.s8.s32 v11;
	v1 =	vor.u32 $0x27A0, v0;
	v4 =	vunpack.c.0.s8.s32 v4;
	s2 =	sadd.s32 s0, s9;
	s9 =	sshrl.u32 s18, $0x3;
	[dreg:$0x15] =	wrdreg s29  }
0x1a: {  	v63 =	vunpack.c.0.s8.s32 v5;
	[tilespmem:$0x1FFD0] =	vst v1;
	v1 =	vor.u32 $0x27B0, v0;
	v9 =	vcombine.low v9, v8;
	s1 =	sshrl.u32 s1, $0x3;
	[dreg:$0x9] =	wrdreg s2;
	s9 =	sadd.s32 s0, s9  }
0x1b: {  	v13 =	vand.u32 $0xF, v6;
	v10 =	vcombine.low v11, v10;
	s3 =	simm.s32 $0x300;
	v12 =	vcombine.low v7, v4;
	[dreg:$0xb] =	wrdreg s9;
	s9 =	sadd.s32 s0, s20  }
0x1c: {  	v3 =	vimm.f32 $0.0e+00;
	v0 =	vor.u32 $0x27C0, v0;
	[tilespmem:$0x1FFE0] =	vst v1;
	v49 =	vcombine.low v13, v63;
	s10 =	simm.s32 $0x1;
	s0 =	sadd.s32 s0, s1;
	[dreg:$0xc] =	wrdreg s9  }
0x1d: {  	[tilespmem:$0x1FFF0] =	vst v0;
	v53 =	vand.u32 $0xF, v9;
	v34 =	vand.u32 $0xF, v10;
	v50 =	vand.u32 $0xF, v12;
	s2 =	simm.s32 $0x0;
	[dreg:$0xd] =	wrdreg s0;
	s0 =	simm.s32 $0x28  }
.LBB2_1:
0x1e: {  	[dreg:$0x17] =	wrdreg s2;
	s1 =	simm.s32 $0x0;
	s2 =	simm.s32 $0x200  }
.LBB2_2:
0x1f: {  	p0 =	sne.s32 s2, $0x9E00;
	[tilespmem:s1+$0x8F70] =	vst v3  }
0x20: {  	[tilespmem:s1+$0x8F00] =	vst v3  }
0x21: {  	[tilespmem:s1+$0x8F10] =	vst v3  }
.Ltmp0:
0x22: {  	[tilespmem:s1+$0x8F20] =	vst v3;
	(pc) =	sbr.rel @p0 .LBB2_2-.Ltmp0, $4  }
0x23: {  	[tilespmem:s1+$0x8F30] =	vst v3  }
0x24: {  	[tilespmem:s1+$0x8F40] =	vst v3  }
0x25: {  	[tilespmem:s1+$0x8F50] =	vst v3  }
0x26: {  	[tilespmem:s1+$0x8F60] =	vst v3;
	s1 =	sshra.s32 s2, $0x2;
	s2 =	sadd.s32 $0x200, s2  }
0x27: {  	[tilespmem:s1+$0x8F70] =	vst v3  }
0x28: {  	[tilespmem:s1+$0x8F00] =	vst v3  }
0x29: {  	[tilespmem:s1+$0x8F10] =	vst v3  }
0x2a: {  	[tilespmem:s1+$0x8F20] =	vst v3;
	v0 =	vld [tilespmem:$0x1FFB0]  }
0x2b: {  	[tilespmem:s1+$0x8F30] =	vst v3  }
0x2c: {  	[tilespmem:s1+$0x8F40] =	vst v3  }
0x2d: {  	[tilespmem:s1+$0x8F50] =	vst v3  }
0x2e: {  	[tilespmem:s1+$0x8F60] =	vst v3  }
0x2f: {  	[tilespmem:$0xB700] =	vst v0;
	v0 =	vld [tilespmem:$0x1FFC0];
	_ =	sdelay $0x4  }
0x30: {  	[tilespmem:$0xB710] =	vst v0;
	v0 =	vld [tilespmem:$0x1FFD0];
	_ =	sdelay $0x4  }
0x31: {  	[tilespmem:$0xB720] =	vst v0;
	v0 =	vld [tilespmem:$0x1FFE0];
	_ =	sdelay $0x4  }
0x32: {  	[tilespmem:$0xB730] =	vst v0;
	v0 =	vld [tilespmem:$0x1FFF0];
	_ =	sdelay $0x4  }
0x33: {  	s1 =	simm.s32 $0x0;
	s2 =	simm.s32 $0x200;
	[tilespmem:$0xB740] =	vst v0  }
.LBB2_4:
0x34: {  	p0 =	sne.s32 s2, $0xFE00;
	[tilespmem:s1+$0x370] =	vst v3  }
0x35: {  	[tilespmem:s1+$0x300] =	vst v3  }
0x36: {  	[tilespmem:s1+$0x310] =	vst v3  }
.Ltmp1:
0x37: {  	[tilespmem:s1+$0x320] =	vst v3;
	(pc) =	sbr.rel @p0 .LBB2_4-.Ltmp1, $4  }
0x38: {  	[tilespmem:s1+$0x330] =	vst v3  }
0x39: {  	[tilespmem:s1+$0x340] =	vst v3  }
0x3a: {  	[tilespmem:s1+$0x350] =	vst v3  }
0x3b: {  	[tilespmem:s1+$0x360] =	vst v3;
	s1 =	sshra.s32 s2, $0x2;
	s2 =	sadd.s32 $0x200, s2  }
0x3c: {  	[tilespmem:s1+$0x370] =	vst v3  }
0x3d: {  	[tilespmem:s1+$0x300] =	vst v3  }
0x3e: {  	[tilespmem:s1+$0x310] =	vst v3  }
0x3f: {  	[tilespmem:s1+$0x320] =	vst v3  }
0x40: {  	[tilespmem:s1+$0x330] =	vst v3  }
0x41: {  	[tilespmem:s1+$0x340] =	vst v3  }
0x42: {  	[tilespmem:s1+$0x350] =	vst v3  }
0x43: {  	[tilespmem:s1+$0x360] =	vst v3  }
0x44: {  	[spmem:s15] =	stream.linear.scatter [tilespmem:s3], [sflag:$0x3], $0x4000, $0x38;
	[tilespmem:$0x1F780] =	vst v63  }
0x45: {  	_ =	swait.ge [sflag:s31], $0x4000  }
0x46: {  	[sflag:s31] =	ssyncset.done $0x0  }
0x47: {  	s15 =	rddreg [dreg:$0xe];
	[sflag:s31] =	ssyncadd.s32 $0xFFFFC000  }
0x48: {  	[spmem:s15] =	stream.linear.scatter [tilespmem:s3], [sflag:$0x3], $0x4000, $0x38;
	[tilespmem:$0x1F780] =	vst v63  }
0x49: {  	_ =	swait.ge [sflag:s31], $0x4000  }
0x4a: {  	[sflag:s31] =	ssyncset.done $0x0  }
0x4b: {  	s16 =	rddreg [dreg:$0x14];
	[sflag:s31] =	ssyncadd.s32 $0xFFFFC000  }
0x4c: {  	[spmem:s16] =	stream.linear.scatter [tilespmem:s3], [sflag:$0x3], $0x4000, $0x38;
	[tilespmem:$0x1F780] =	vst v63  }
0x4d: {  	_ =	swait.ge [sflag:s31], $0x4000  }
0x4e: {  	[sflag:s31] =	ssyncset.done $0x0  }
0x4f: {  	s17 =	rddreg [dreg:$0x15];
	[sflag:s31] =	ssyncadd.s32 $0xFFFFC000  }
0x50: {  	[spmem:s17] =	stream.linear.scatter [tilespmem:s3], [sflag:$0x3], $0x4000, $0x38;
	[tilespmem:$0x1F780] =	vst v63  }
0x51: {  	_ =	swait.ge [sflag:s31], $0x4000  }
0x52: {  	[sflag:s31] =	ssyncset.done $0x0  }
0x53: {  	s18 =	rddreg [dreg:$0x16];
	[sflag:s31] =	ssyncadd.s32 $0xFFFFC000  }
0x54: {  	[spmem:s18] =	stream.linear.scatter [tilespmem:s3], [sflag:$0x3], $0x4000, $0x38;
	[tilespmem:$0x1F780] =	vst v63  }
0x55: {  	_ =	swait.ge [sflag:s31], $0x4000  }
0x56: {  	[sflag:s31] =	ssyncset.done $0x0  }
0x57: {  	[sflag:s31] =	ssyncadd.s32 $0xFFFFC000  }
0x58: {  	[bflag:$0x0] =	sbarrier.arrive $0xFFFF  }
0x59: {  	s16 =	simm.s32 $0x0;
	s19 =	rddreg [dreg:$0x5]  }
0x5a: {  	[tilespmem:s16], [sflag:$0x3] =	stream.linear.gather [hbm4b:s19+s16], $0x28, $0x38;
	[tilespmem:$0x1F780] =	vst v63  }
0x5b: {  	_ =	swait.ge [sflag:s31], $0x28  }
0x5c: {  	[sflag:s31] =	ssyncset.done $0x0  }
0x5d: {  	s2 =	simm.s32 $0x100;
	s20 =	rddreg [dreg:$0x6];
	[sflag:s31] =	ssyncadd.s32 $0xFFFFFFD8  }
0x5e: {  	[tilespmem:s2], [sflag:$0x3] =	stream.linear.gather [hbm4b:s20+s16], $0x28, $0x38;
	[tilespmem:$0x1F780] =	vst v63  }
0x5f: {  	_ =	swait.ge [sflag:s31], $0x28  }
0x60: {  	[sflag:s31] =	ssyncset.done $0x0  }
0x61: {  	s21 =	simm.s32 $0x200;
	[sflag:s31] =	ssyncadd.s32 $0xFFFFFFD8  }
0x62: {  	[tilespmem:s21], [sflag:$0x3] =	stream.linear.gather [hbm4b:s20+s16], $0x28, $0x38;
	[tilespmem:$0x1F780] =	vst v63  }
0x63: {  	_ =	swait.ge [sflag:s31], $0x28  }
0x64: {  	[sflag:s31] =	ssyncset.done $0x0  }
0x65: {  	[sflag:s31] =	ssyncadd.s32 $0xFFFFFFD8  }
0x66: {  	s22 =	rddreg [dreg:$0x0]  }
0x67: {  	[tilespmem:s3], [sflag:$0x1] =	stream.indirect.gather [hbm4b:s22+s0], $0x80, s21, s0, $0xb8;
	[tilespmem:$0x1F780] =	vst v63  }
0x68: {  	s23 =	simm.s32 $0x1700  }
0x69: {  	[tilespmem:s23], [sflag:$0x1] =	stream.indirect.gather [hbm4b:s5+s0], $0x80, s16, s0, $0xb8;
	[tilespmem:$0x1F780] =	vst v63  }
0x6a: {  	s24 =	simm.s32 $0x2B00  }
0x6b: {  	[tilespmem:s24], [sflag:$0x1] =	stream.indirect.gather [hbm4b:s6+s0], $0x80, s16, s0, $0xb8;
	[tilespmem:$0x1F780] =	vst v63  }
0x6c: {  	s26 =	simm.s32 $0x80;
	s25 =	rddreg [dreg:$0x7]  }
0x6d: {  	[tilespmem:s26], [sflag:$0x2] =	stream.linear.gather [hbm4b:s25+s16], $0x28, $0x38;
	[tilespmem:$0x1F780] =	vst v63  }
0x6e: {  	s29 =	simm.s32 $0x180;
	s28 =	rddreg [dreg:$0x8]  }
0x6f: {  	[tilespmem:s29], [sflag:$0x2] =	stream.linear.gather [hbm4b:s28+s16], $0x28, $0x38;
	[tilespmem:$0x1F780] =	vst v63  }
0x70: {  	s30 =	simm.s32 $0x280  }
0x71: {  	[tilespmem:s30], [sflag:$0x2] =	stream.linear.gather [hbm4b:s28+s16], $0x28, $0x38;
	[tilespmem:$0x1F780] =	vst v63  }
.LBB2_6:
0x72: {  	p0 =	seq.s32 s16, $0xF9  }
0x73: {  	s1 =	simm.s32 @!p0 $0x2  }
0x74: {  	_ =	swait.ge @!p0 [sflag:s1], $0x28  }
0x75: {  	[sflag:s1] =	ssyncset.done @!p0 $0x0  }
0x76: {  	[sflag:s1] =	ssyncadd.s32 @!p0 $0xFFFFFFD8  }
0x77: {  	_ =	swait.ge @!p0 [sflag:s1], $0x28  }
0x78: {  	s2 =	sand.u32 $0x1, s16;
	[sflag:s1] =	ssyncset.done @!p0 $0x0  }
0x79: {  	s3 =	sxor.u32 @!p0 $0x1, s2;
	[sflag:s1] =	ssyncadd.s32 @!p0 $0xFFFFFFD8  }
0x7a: {  	s4 =	smul.u32 @!p0 $0xF000, s3;
	_ =	swait.ge @!p0 [sflag:s1], $0x28  }
0x7b: {  	s11 =	simm.s32 @!p0 $0x28;
	[sflag:s1] =	ssyncset.done @!p0 $0x0  }
0x7c: {  	s3 =	sshll.u32 @!p0 s3, $0x7;
	s4 =	sshrl.u32 @!p0 s4, $0x2;
	[sflag:s1] =	ssyncadd.s32 @!p0 $0xFFFFFFD8  }
0x7d: {  	s9 =	sor.u32 @!p0 $0x200, s3;
	s1 =	sor.u32 @!p0 $0x300, s4;
	s12 =	rddreg [dreg:$0x0]  }
0x7e: {  	[tilespmem:s1], [sflag:$0x1] =	stream.indirect.gather @!p0 [hbm4b:s12+s11], $0x80, s9, s11, $0xb8;
	[tilespmem:$0x1F780] =	vst v63  }
0x7f: {  	s1 =	sadd.s32 @!p0 $0x1700, s4  }
0x80: {  	[tilespmem:s1], [sflag:$0x1] =	stream.indirect.gather @!p0 [hbm4b:s5+s11], $0x80, s3, s11, $0xb8;
	[tilespmem:$0x1F780] =	vst v63  }
0x81: {  	s1 =	sadd.s32 @!p0 $0x2B00, s4  }
0x82: {  	[tilespmem:s1], [sflag:$0x1] =	stream.indirect.gather @!p0 [hbm4b:s6+s11], $0x80, s3, s11, $0xb8;
	[tilespmem:$0x1F780] =	vst v63  }
0x83: {  	_ =	swait.ge [sflag:s10], $0x1400  }
0x84: {  	[sflag:s10] =	ssyncset.done $0x0  }
0x85: {  	[sflag:s10] =	ssyncadd.s32 $0xFFFFEC00  }
0x86: {  	_ =	swait.ge [sflag:s10], $0x1400  }
0x87: {  	s30 =	sshll.u32 s2, $0x9;
	[sflag:s10] =	ssyncset.done $0x0  }
0x88: {  	s18 =	sshrl.u32 s30, $0x2;
	[sflag:s10] =	ssyncadd.s32 $0xFFFFEC00  }
0x89: {  	s17 =	smul.u32 $0x78, s2;
	s1 =	sor.u32 $0x100, s18;
	_ =	swait.ge [sflag:s10], $0x1400  }
0x8a: {  	s21 =	simm.s32 $0x0;
	v0 =	vmov s1;
	[sflag:s10] =	ssyncset.done $0x0  }
0x8b: {  	s19 =	sadd.s32 $0x28, s17;
	s20 =	sadd.s32 $0x50, s17;
	[tilespmem:$0x1FFA0] =	vst v0;
	[sflag:s10] =	ssyncadd.s32 $0xFFFFEC00  }
.LBB2_7:
0x8c: {  	v0 =	vld [tilespmem:$0x1FFA0];
	_ =	sdelay $0x6  }
0x8d: {  	s11 =	sshll.u32 s21, $0x3  }
0x8e: {  	v0 =	vld.idx.msk [tilespmem:v0+s11+$0x0 ss:$0x1], $0xffff  }
0x8f: {  	s26 =	sor.u32 $0x1, s11  }
0x90: {  	s1 =	sadd.s32 s17, s11;
	s12 =	sadd.s32 s17, s26  }
0x91: {  	s1 =	sshll.u32 s1, $0x7;
	s15 =	sshll.u32 s12, $0x7  }
0x92: {  	s3 =	sand.u32 $0x3FFFFF80, s1;
	s1 =	sand.u32 $0x3FFFFF80, s15  }
0x93: {  	[tilespmem:$0x1FF90] =	vst v0;
	v0 =	vld [tilespmem:s1+$0x300];
	_ =	sdelay $0x1  }
0x94: {  	s2 =	sadd.s32 s19, s11;
	s24 =	sadd.s32 s19, s26  }
0x95: {  	s9 =	sshll.u32 s2, $0x7;
	s2 =	sshll.u32 s24, $0x7  }
0x96: {  	s2 =	sand.u32 $0x3FFFFF80, s2  }
0x97: {  	[tilespmem:$0x1FE30] =	vst v0;
	v0 =	vld [tilespmem:s2+$0x300]  }
0x98: {  	s25 =	sor.u32 $0x2, s11  }
0x99: {  	s4 =	sadd.s32 s17, s25  }
0x9a: {  	s4 =	sshll.u32 s4, $0x7  }
0x9b: {  	s4 =	sand.u32 $0x3FFFFF80, s4  }
0x9c: {  	[tilespmem:$0x1FE40] =	vst v0;
	v0 =	vld [tilespmem:s4+$0x300];
	_ =	sdelay $0x1  }
0x9d: {  	s13 =	sand.u32 $0x3FFFFF80, s9;
	s9 =	sadd.s32 s19, s25;
	v33 =	vld [tilespmem:s3+$0x300]  }
0x9e: {  	v27 =	vld [tilespmem:s13+$0x300];
	s9 =	sshll.u32 s9, $0x7  }
0x9f: {  	v32 =	vld [tilespmem:s3+$0x310];
	s15 =	sand.u32 $0x3FFFFF80, s9  }
0xa0: {  	[tilespmem:$0x1FE50] =	vst v0;
	v0 =	vld [tilespmem:s15+$0x300]  }
0xa1: {  	s23 =	sor.u32 $0x3, s11;
	v35 =	vld [tilespmem:s13+$0x310]  }
0xa2: {  	s12 =	sadd.s32 s17, s23;
	v36 =	vld [tilespmem:s3+$0x320]  }
0xa3: {  	s28 =	sshll.u32 s12, $0x7;
	v37 =	vld [tilespmem:s13+$0x320]  }
0xa4: {  	v38 =	vld [tilespmem:s3+$0x330];
	s30 =	sand.u32 $0x3FFFFF80, s28  }
0xa5: {  	[tilespmem:$0x1FE60] =	vst v0;
	v0 =	vld [tilespmem:s30+$0x300]  }
0xa6: {  	s22 =	sor.u32 $0x4, s11;
	v39 =	vld [tilespmem:s13+$0x330]  }
0xa7: {  	s24 =	sadd.s32 s17, s22;
	v40 =	vld [tilespmem:s3+$0x340]  }
0xa8: {  	v41 =	vld [tilespmem:s13+$0x340];
	s28 =	sshll.u32 s24, $0x7  }
0xa9: {  	v42 =	vld [tilespmem:s3+$0x350];
	s9 =	sand.u32 $0x3FFFFF80, s28  }
0xaa: {  	[tilespmem:$0x1FE70] =	vst v0;
	v0 =	vld [tilespmem:s9+$0x300]  }
0xab: {  	v43 =	vld [tilespmem:s13+$0x350]  }
0xac: {  	v44 =	vld [tilespmem:s3+$0x360]  }
0xad: {  	v45 =	vld [tilespmem:s3+$0x370]  }
0xae: {  	v46 =	vld [tilespmem:s13+$0x360]  }
0xaf: {  	[tilespmem:$0x1FE80] =	vst v0;
	v0 =	vld [tilespmem:s30+$0x320]  }
0xb0: {  	v47 =	vld [tilespmem:s13+$0x370]  }
0xb1: {  	s29 =	sadd.s32 s19, s23;
	v51 =	vld [tilespmem:s1+$0x310]  }
0xb2: {  	s12 =	sshll.u32 s29, $0x7;
	v52 =	vld [tilespmem:s2+$0x310]  }
0xb3: {  	s12 =	sand.u32 $0x3FFFFF80, s12;
	v21 =	vld [tilespmem:s4+$0x310]  }
0xb4: {  	[tilespmem:$0x1FE90] =	vst v0;
	v0 =	vld [tilespmem:s12+$0x320]  }
0xb5: {  	v57 =	vld [tilespmem:s1+$0x320]  }
0xb6: {  	v58 =	vld [tilespmem:s2+$0x320]  }
0xb7: {  	v59 =	vld [tilespmem:s4+$0x320]  }
0xb8: {  	v61 =	vld [tilespmem:s1+$0x330]  }
0xb9: {  	[tilespmem:$0x1FEA0] =	vst v0;
	v0 =	vld [tilespmem:s30+$0x330]  }
0xba: {  	v62 =	vld [tilespmem:s2+$0x330]  }
0xbb: {  	v63 =	vld [tilespmem:s4+$0x330]  }
0xbc: {  	v14 =	vld [tilespmem:s1+$0x340]  }
0xbd: {  	v13 =	vld [tilespmem:s2+$0x340]  }
0xbe: {  	[tilespmem:$0x1FEC0] =	vst v0;
	v0 =	vld [tilespmem:s12+$0x330]  }
0xbf: {  	v26 =	vld [tilespmem:s4+$0x340]  }
0xc0: {  	v16 =	vld [tilespmem:s1+$0x350]  }
0xc1: {  	v15 =	vld [tilespmem:s2+$0x350]  }
0xc2: {  	v29 =	vld [tilespmem:s4+$0x350]  }
0xc3: {  	[tilespmem:$0x1FED0] =	vst v0;
	v0 =	vld [tilespmem:s30+$0x340]  }
0xc4: {  	v18 =	vld [tilespmem:s1+$0x360]  }
0xc5: {  	v17 =	vld [tilespmem:s2+$0x360]  }
0xc6: {  	v20 =	vld [tilespmem:s1+$0x370]  }
0xc7: {  	v19 =	vld [tilespmem:s2+$0x370]  }
0xc8: {  	[tilespmem:$0x1FF00] =	vst v0;
	v0 =	vld [tilespmem:s12+$0x340]  }
0xc9: {  	v31 =	vld [tilespmem:s12+$0x300]  }
0xca: {  	v54 =	vld [tilespmem:s15+$0x310]  }
0xcb: {  	v55 =	vld [tilespmem:s30+$0x310]  }
0xcc: {  	v56 =	vld [tilespmem:s12+$0x310]  }
0xcd: {  	[tilespmem:$0x1FF10] =	vst v0;
	v0 =	vld [tilespmem:s30+$0x350]  }
0xce: {  	v60 =	vld [tilespmem:s15+$0x320]  }
0xcf: {  	v24 =	vld [tilespmem:s15+$0x330]  }
0xd0: {  	v25 =	vld [tilespmem:s15+$0x340]  }
0xd1: {  	v28 =	vld [tilespmem:s15+$0x350]  }
0xd2: {  	[tilespmem:$0x1FF20] =	vst v0;
	v0 =	vld [tilespmem:s12+$0x350]  }
0xd3: {  	s28 =	sadd.s32 s19, s22;
	v30 =	vld [tilespmem:s15+$0x360]  }
0xd4: {  	s29 =	sshll.u32 s28, $0x7;
	v5 =	vld [tilespmem:s9+$0x310]  }
0xd5: {  	v12 =	vld [tilespmem:s9+$0x320];
	s29 =	sand.u32 $0x3FFFFF80, s29  }
0xd6: {  	v48 =	vld [tilespmem:s29+$0x300]  }
0xd7: {  	s24 =	sor.u32 $0x5, s11;
	[tilespmem:$0x1FF30] =	vst v0;
	v0 =	vld [tilespmem:s4+$0x360]  }
0xd8: {  	s28 =	sadd.s32 s17, s24;
	v4 =	vld [tilespmem:s29+$0x310]  }
0xd9: {  	s3 =	sshll.u32 s28, $0x7;
	v32 =	vmul.f32 v35, v32;
	v35 =	vld [tilespmem:s29+$0x320]  }
0xda: {  	s3 =	sand.u32 $0x3FFFFF80, s3;
	v42 =	vmul.f32 v43, v42;
	v43 =	vld [tilespmem:s29+$0x330]  }
0xdb: {  	v23 =	vmov v49;
	v49 =	vld [tilespmem:s3+$0x300]  }
0xdc: {  	[tilespmem:$0x1FEB0] =	vst v0;
	v0 =	vld [tilespmem:s30+$0x360]  }
0xdd: {  	s28 =	sadd.s32 s19, s24;
	v27 =	vmul.f32 v27, v33;
	v7 =	vld [tilespmem:s3+$0x310]  }
0xde: {  	s13 =	sshll.u32 s28, $0x7;
	v33 =	vld [tilespmem:s3+$0x320]  }
0xdf: {  	s13 =	sand.u32 $0x3FFFFF80, s13;
	v51 =	vmul.f32 v52, v51;
	v52 =	vld [tilespmem:s9+$0x330];
	v27 =	vadd.f32 v32, v27;
	v32 =	vmul.f32 v37, v36  }
0xe0: {  	v22 =	vmov v50;
	v50 =	vld [tilespmem:s13+$0x300]  }
0xe1: {  	v27 =	vadd.f32 v32, v27;
	v32 =	vmul.f32 v39, v38;
	[tilespmem:$0x1FF40] =	vst v0;
	v0 =	vld [tilespmem:s12+$0x360]  }
0xe2: {  	v6 =	vld [tilespmem:s13+$0x310]  }
0xe3: {  	v36 =	vld [tilespmem:s13+$0x320];
	v27 =	vadd.f32 v32, v27;
	v32 =	vmul.f32 v41, v40  }
0xe4: {  	s28 =	sor.u32 $0x6, s11;
	v41 =	vld [tilespmem:$0x1FE30]  }
0xe5: {  	v57 =	vmul.f32 v58, v57;
	v27 =	vadd.f32 v32, v27;
	s2 =	sadd.s32 s17, s28;
	v58 =	vld [tilespmem:$0x1FE70]  }
0xe6: {  	s1 =	sshll.u32 s2, $0x7;
	[tilespmem:$0x1FF50] =	vst v0;
	v0 =	vld [tilespmem:s4+$0x370]  }
0xe7: {  	v27 =	vadd.f32 v42, v27;
	v42 =	vmul.f32 v46, v44;
	v44 =	vld [tilespmem:s13+$0x330];
	s2 =	sand.u32 $0x3FFFFF80, s1  }
0xe8: {  	v1 =	vld [tilespmem:s2+$0x300]  }
0xe9: {  	v9 =	vld [tilespmem:s2+$0x310]  }
0xea: {  	v31 =	vmul.f32 v31, v58;
	v58 =	vld [tilespmem:$0x1FE80]  }
0xeb: {  	v45 =	vmul.f32 v47, v45;
	v27 =	vadd.f32 v42, v27;
	[tilespmem:$0x1FEE0] =	vst v0;
	v0 =	vld [tilespmem:s15+$0x370]  }
0xec: {  	v37 =	vld [tilespmem:s2+$0x320]  }
0xed: {  	v61 =	vmul.f32 v62, v61;
	v5 =	vmul.f32 v4, v5;
	v62 =	vadd.f32 v45, v27;
	v45 =	vld [tilespmem:s3+$0x340]  }
0xee: {  	v4 =	vmul.f32 v60, v59;
	v6 =	vmul.f32 v6, v7;
	v32 =	vld [tilespmem:$0x1FE50]  }
0xef: {  	v46 =	vmul.f32 v48, v58;
	v48 =	vmul.f32 v50, v49;
	v60 =	vld [tilespmem:$0x1FE90]  }
0xf0: {  	[tilespmem:$0x1FEF0] =	vst v0;
	v0 =	vld [tilespmem:s30+$0x370]  }
0xf1: {  	v6 =	vadd.f32 v6, v48;
	v48 =	vld [tilespmem:s3+$0x370];
	s15 =	sadd.s32 s19, s28  }
0xf2: {  	v59 =	vmul.f32 v25, v26;
	v26 =	vld [tilespmem:$0x1FEC0];
	s30 =	sshll.u32 s15, $0x7  }
0xf3: {  	v25 =	vld [tilespmem:$0x1FEB0];
	s4 =	sshllo.u32 s21, $0x3;
	s30 =	sand.u32 $0x3FFFFF80, s30  }
0xf4: {  	s15 =	sadd.s32 s17, s4;
	v8 =	vld [tilespmem:s30+$0x310]  }
0xf5: {  	[tilespmem:$0x1FF60] =	vst v0;
	v0 =	vld [tilespmem:s12+$0x370];
	s12 =	sshll.u32 s15, $0x7  }
0xf6: {  	v38 =	vld [tilespmem:s30+$0x320];
	s1 =	sand.u32 $0x3FFFFF80, s12  }
0xf7: {  	v3 =	vld [tilespmem:s1+$0x300]  }
0xf8: {  	v11 =	vld [tilespmem:s1+$0x310]  }
0xf9: {  	s15 =	sadd.s32 s19, s4;
	v39 =	vld [tilespmem:s1+$0x320]  }
0xfa: {  	s12 =	sshll.u32 s15, $0x7;
	v42 =	vld [tilespmem:s1+$0x330]  }
0xfb: {  	s15 =	sand.u32 $0x3FFFFF80, s12;
	v8 =	vmul.f32 v8, v9;
	v9 =	vmul.f32 v30, v25;
	v30 =	vld [tilespmem:$0x1FEF0]  }
0xfc: {  	v2 =	vld [tilespmem:s15+$0x300]  }
0xfd: {  	v10 =	vld [tilespmem:s15+$0x310]  }
0xfe: {  	[tilespmem:$0x1FF70] =	vst v0;
	v0 =	vld [tilespmem:s30+$0x300]  }
0xff: {  	v40 =	vld [tilespmem:s15+$0x320]  }
0x100: {  	v27 =	vld [tilespmem:s15+$0x330]  }
0x101: {  	[tilespmem:$0x1FF80] =	vst v39;
	v39 =	vld [tilespmem:$0x1FE40];
	v3 =	vmul.f32 v2, v3  }
0x102: {  	v2 =	vmul.f32 v56, v55;
	v10 =	vmul.f32 v10, v11;
	v11 =	vld [tilespmem:s9+$0x350]  }
0x103: {  	v56 =	vmul.f32 v19, v20;
	v20 =	vld [tilespmem:s3+$0x350];
	v47 =	vmul.f32 v0, v1  }
0x104: {  	v0 =	vmul.f32 v54, v21;
	v21 =	vmul.f32 v15, v16;
	v15 =	vld [tilespmem:s29+$0x340]  }
0x105: {  	v54 =	vmul.f32 v17, v18;
	v17 =	vld [tilespmem:s29+$0x350]  }
0x106: {  	v16 =	vld [tilespmem:s13+$0x340]  }
0x107: {  	v41 =	vmul.f32 v39, v41;
	v39 =	vld [tilespmem:$0x1FE60]  }
0x108: {  	v2 =	vadd.f32 v2, v31;
	v31 =	vld [tilespmem:s30+$0x340]  }
0x109: {  	v41 =	vadd.f32 v51, v41;
	v51 =	vld [tilespmem:s3+$0x330]  }
0x10a: {  	v11 =	vmul.f32 v17, v11;
	v17 =	vld [tilespmem:s1+$0x360]  }
0x10b: {  	v49 =	vadd.f32 v57, v41;
	v57 =	vld [tilespmem:s2+$0x330]  }
0x10c: {  	v41 =	vld [tilespmem:s30+$0x330];
	v32 =	vmul.f32 v39, v32  }
0x10d: {  	v13 =	vmul.f32 v13, v14;
	v39 =	vperm.xlane v62, v23;
	v1 =	vadd.f32 v61, v49;
	v61 =	vld [tilespmem:$0x1FEA0]  }
0x10e: {  	v0 =	vadd.f32 v0, v32;
	v32 =	vld [tilespmem:s9+$0x340]  }
0x10f: {  	v14 =	vadd.f32 v39, v62;
	v62 =	vmul.f32 v28, v29;
	v28 =	vld [tilespmem:$0x1FED0];
	v1 =	vadd.f32 v13, v1  }
0x110: {  	v55 =	vmul.f32 v24, v63;
	v29 =	vld [tilespmem:$0x1FEE0];
	v0 =	vadd.f32 v4, v0  }
0x111: {  	v4 =	vld [tilespmem:s2+$0x340];
	v1 =	vadd.f32 v21, v1  }
0x112: {  	v50 =	vmov v22;
	v58 =	vperm.xlane v14, v22;
	v22 =	vld [tilespmem:s2+$0x350];
	v7 =	vadd.f32 v55, v0  }
0x113: {  	v21 =	vmul.f32 v36, v33;
	v36 =	vld [tilespmem:$0x1FF10];
	v1 =	vadd.f32 v54, v1  }
0x114: {  	v0 =	vld [tilespmem:s1+$0x340];
	v7 =	vadd.f32 v59, v7  }
0x115: {  	v18 =	vmul.f32 v61, v60;
	v55 =	vld [tilespmem:$0x1FF50];
	v13 =	vadd.f32 v56, v1  }
0x116: {  	v14 =	vadd.f32 v58, v14;
	v58 =	vld [tilespmem:$0x1FF60];
	v7 =	vadd.f32 v62, v7  }
0x117: {  	v19 =	vmul.f32 v28, v26;
	v54 =	vld [tilespmem:$0x1FF40];
	v2 =	vadd.f32 v18, v2;
	v63 =	vperm.xlane v13, v23  }
0x118: {  	v28 =	vld [tilespmem:s3+$0x360];
	v24 =	vperm.xlane v14, v53;
	v7 =	vadd.f32 v9, v7;
	v9 =	vmul.f32 v30, v29  }
0x119: {  	v19 =	vadd.f32 v19, v2;
	v2 =	vld [tilespmem:$0x1FF00];
	v13 =	vadd.f32 v63, v13  }
0x11a: {  	v14 =	vadd.f32 v24, v14;
	v7 =	vadd.f32 v9, v7;
	v9 =	vmul.f32 v38, v37;
	v37 =	vld [tilespmem:$0x1FF20]  }
0x11b: {  	v33 =	vadd.f32 v5, v46;
	v38 =	vld [tilespmem:$0x1FF30];
	v5 =	vperm.xlane v13, v50  }
0x11c: {  	v12 =	vmul.f32 v35, v12;
	v6 =	vadd.f32 v21, v6;
	v21 =	vld [tilespmem:s15+$0x360];
	v35 =	vperm.xlane v14, v34  }
0x11d: {  	v18 =	vld [tilespmem:s13+$0x350];
	v13 =	vadd.f32 v5, v13  }
0x11e: {  	v49 =	vmovc v23;
	v59 =	vld [tilespmem:$0x1FF70];
	v56 =	vmul.f32 v43, v52;
	v14 =	vadd.f32 v35, v14;
	v26 =	vmul.f32 v36, v2  }
0x11f: {  	v12 =	vadd.f32 v12, v33;
	v1 =	vld [tilespmem:s15+$0x340];
	v39 =	vperm.xlane v7, v49;
	v46 =	vperm.xlane v13, v53  }
0x120: {  	v52 =	vld [tilespmem:s13+$0x370];
	v14 =	vmul.f32 $8.838834610e-02, v14;
	v19 =	vadd.f32 v26, v19;
	v25 =	vmul.f32 v38, v37  }
0x121: {  	v15 =	vmul.f32 v15, v32;
	v24 =	vld [tilespmem:s30+$0x350];
	v7 =	vadd.f32 v39, v7;
	v13 =	vadd.f32 v46, v13  }
0x122: {  	v23 =	vld [tilespmem:s29+$0x360];
	v14 =	vmul.f32 $1.442695020e+00, v14;
	v19 =	vadd.f32 v25, v19;
	v25 =	vmul.f32 v55, v54  }
0x123: {  	v12 =	vadd.f32 v56, v12;
	v63 =	vld [tilespmem:$0x1FF80];
	v60 =	vperm.xlane v7, v50;
	v61 =	vperm.xlane v13, v34  }
0x124: {  	v33 =	vmul.f32 v59, v58;
	v26 =	vld [tilespmem:s9+$0x360];
	(erf) = vpow2.f32 v14;
	v19 =	vadd.f32 v25, v19  }
0x125: {  	v62 =	vld [tilespmem:s9+$0x370];
	v7 =	vadd.f32 v60, v7;
	v13 =	vadd.f32 v61, v13  }
0x126: {  	s12 =	sadd.s32 s20, s11;
	v16 =	vmul.f32 v16, v45;
	v12 =	vadd.f32 v15, v12;
	v37 =	vld [tilespmem:s29+$0x370];
	v19 =	vadd.f32 v33, v19  }
0x127: {  	v29 =	vld [tilespmem:s13+$0x360];
	s9 =	sshll.u32 s12, $0x7;
	v39 =	vperm.xlane v7, v53;
	v13 =	vmul.f32 $8.838834610e-02, v13  }
0x128: {  	v58 =	vld [tilespmem:s30+$0x370];
	v11 =	vadd.f32 v11, v12;
	v32 =	vmul.f32 v40, v63;
	s29 =	sand.u32 $0x3FFFFF80, s9;
	v38 =	vperm.xlane v19, v49  }
0x129: {  	v43 =	vld [tilespmem:s29+$0x300];
	v40 =	vmul.f32 v23, v26;
	v7 =	vadd.f32 v39, v7;
	v13 =	vmul.f32 $1.442695020e+00, v13  }
0x12a: {  	v4 =	vmul.f32 v31, v4;
	v59 =	vld [tilespmem:s1+$0x370];
	v46 =	vmul.f32 v44, v51;
	v14 =	vadd.f32 v38, v19  }
0x12b: {  	v2 =	vld [tilespmem:s1+$0x350];
	v11 =	vadd.f32 v40, v11;
	v51 =	vmul.f32 v37, v62;
	v56 =	vperm.xlane v7, v34  }
0x12c: {  	v36 =	vld [tilespmem:s30+$0x360];
	v54 =	vperm.xlane v14, v50;
	(erf) = vpow2.f32 v13  }
0x12d: {  	v30 =	vmul.f32 v41, v57;
	v5 =	vld [tilespmem:s15+$0x350];
	v6 =	vadd.f32 v46, v6;
	v11 =	vadd.f32 v51, v11;
	v13 =	vpop (erf)  }
0x12e: {  	s13 =	sshll.u32 s21, $0xA;
	s30 =	sadd.s32 s20, s26;
	v55 =	vld [tilespmem:s2+$0x370];
	v7 =	vadd.f32 v56, v7;
	v14 =	vadd.f32 v54, v14;
	v19 =	vmul.f32 v43, v13  }
0x12f: {  	s11 =	sand.u32 $0x3FFFFC00, s13;
	s3 =	sshll.u32 s30, $0x7;
	v60 =	vmul.f32 v18, v20;
	v25 =	vld [tilespmem:s2+$0x360];
	v6 =	vadd.f32 v16, v6;
	v62 =	vperm.xlane v11, v49  }
0x130: {  	v8 =	vadd.f32 v8, v47;
	s13 =	sand.u32 $0x3FFFFF80, s3;
	v61 =	vld [tilespmem:s15+$0x370];
	v7 =	vmul.f32 $8.838834610e-02, v7;
	v63 =	vperm.xlane v14, v53;
	[tilespmem:s11+$0x7B00] =	vst v19  }
0x131: {  	v29 =	vmul.f32 v29, v28;
	v6 =	vadd.f32 v60, v6;
	v11 =	vadd.f32 v62, v11;
	v19 =	vld [tilespmem:s13+$0x300]  }
0x132: {  	v8 =	vadd.f32 v9, v8;
	v7 =	vmul.f32 $1.442695020e+00, v7;
	v9 =	vadd.f32 v63, v14  }
0x133: {  	v35 =	vmul.f32 v52, v48;
	v6 =	vadd.f32 v29, v6;
	v37 =	vperm.xlane v11, v50  }
0x134: {  	(erf) = vpow2.f32 v7;
	v38 =	vperm.xlane v9, v34  }
0x135: {  	v48 =	vmul.f32 v27, v42;
	v8 =	vadd.f32 v30, v8;
	v6 =	vadd.f32 v35, v6;
	v39 =	vpop (erf)  }
0x136: {  	s12 =	sadd.s32 s20, s25;
	s9 =	sshll.u32 s26, $0x7;
	v40 =	vadd.f32 v37, v11;
	v7 =	vadd.f32 v38, v9;
	v41 =	vmul.f32 v19, v39  }
0x137: {  	v4 =	vadd.f32 v4, v8;
	s26 =	sand.u32 $0x3FFFFC80, s9;
	s15 =	sshll.u32 s12, $0x7;
	v44 =	vperm.xlane v6, v49;
	v43 =	vmul.f32 v24, v22  }
0x138: {  	v3 =	vadd.f32 v10, v3;
	s9 =	sand.u32 $0x3FFFFF80, s15;
	v45 =	vperm.xlane v40, v53;
	v7 =	vmul.f32 $8.838834610e-02, v7;
	[tilespmem:s26+$0x7B00] =	vst v41  }
0x139: {  	v46 =	vmul.f32 v36, v25;
	v6 =	vadd.f32 v44, v6;
	v4 =	vadd.f32 v43, v4;
	v47 =	vld [tilespmem:s9+$0x300]  }
0x13a: {  	v3 =	vadd.f32 v32, v3;
	v9 =	vadd.f32 v45, v40;
	v7 =	vmul.f32 $1.442695020e+00, v7  }
0x13b: {  	v51 =	vmul.f32 v58, v55;
	v52 =	vperm.xlane v6, v50;
	v4 =	vadd.f32 v46, v4  }
0x13c: {  	v54 =	vperm.xlane v9, v34;
	(erf) = vpow2.f32 v7  }
0x13d: {  	v0 =	vmul.f32 v1, v0;
	v3 =	vadd.f32 v48, v3;
	v1 =	vadd.f32 v51, v4;
	v55 =	vpop (erf)  }
0x13e: {  	s30 =	sadd.s32 s20, s23;
	s25 =	sshll.u32 s25, $0x7;
	v4 =	vadd.f32 v52, v6;
	v56 =	vadd.f32 v54, v9;
	v57 =	vmul.f32 v47, v55  }
0x13f: {  	s3 =	sshll.u32 s30, $0x7;
	s25 =	sand.u32 $0x3FFFFD00, s25;
	v2 =	vmul.f32 v5, v2;
	v0 =	vadd.f32 v0, v3;
	v3 =	vperm.xlane v1, v49  }
0x140: {  	s3 =	sand.u32 $0x3FFFFF80, s3;
	v5 =	vperm.xlane v4, v53;
	v6 =	vmul.f32 $8.838834610e-02, v56;
	[tilespmem:s25+$0x7B00] =	vst v57  }
0x141: {  	v0 =	vadd.f32 v2, v0;
	v2 =	vmul.f32 v21, v17;
	v1 =	vadd.f32 v3, v1;
	v3 =	vld [tilespmem:s3+$0x300]  }
0x142: {  	v4 =	vadd.f32 v5, v4;
	v5 =	vmul.f32 $1.442695020e+00, v6  }
0x143: {  	v0 =	vadd.f32 v2, v0;
	v2 =	vmul.f32 v61, v59;
	v58 =	vperm.xlane v1, v50  }
0x144: {  	(erf) = vpow2.f32 v5;
	v5 =	vperm.xlane v4, v34  }
0x145: {  	v0 =	vadd.f32 v2, v0;
	v59 =	vpop (erf)  }
0x146: {  	s12 =	sshll.u32 s23, $0x7;
	s15 =	sadd.s32 s20, s22;
	v1 =	vadd.f32 v58, v1;
	v2 =	vadd.f32 v5, v4;
	v3 =	vmul.f32 v3, v59  }
0x147: {  	s23 =	sand.u32 $0x3FFFFD80, s12;
	s30 =	sshll.u32 s15, $0x7;
	v4 =	vperm.xlane v0, v49  }
0x148: {  	s15 =	sand.u32 $0x3FFFFF80, s30;
	v5 =	vperm.xlane v1, v53;
	v2 =	vmul.f32 $8.838834610e-02, v2;
	[tilespmem:s23+$0x7B00] =	vst v3  }
0x149: {  	v0 =	vadd.f32 v4, v0;
	v3 =	vld [tilespmem:s15+$0x300]  }
0x14a: {  	v1 =	vadd.f32 v5, v1;
	v2 =	vmul.f32 $1.442695020e+00, v2  }
0x14b: {  	v4 =	vperm.xlane v0, v50  }
0x14c: {  	v5 =	vperm.xlane v1, v34;
	(erf) = vpow2.f32 v2  }
0x14d: {  	v60 =	vpop (erf)  }
0x14e: {  	s2 =	sshll.u32 s22, $0x7;
	s12 =	sadd.s32 s20, s24;
	v0 =	vadd.f32 v4, v0;
	v1 =	vadd.f32 v5, v1;
	v2 =	vmul.f32 v3, v60  }
0x14f: {  	s22 =	sand.u32 $0x3FFFFE00, s2;
	s30 =	sshll.u32 s12, $0x7  }
0x150: {  	s30 =	sand.u32 $0x3FFFFF80, s30;
	v1 =	vmul.f32 $8.838834610e-02, v1;
	v3 =	vperm.xlane v0, v53;
	[tilespmem:s22+$0x7B00] =	vst v2  }
0x151: {  	v2 =	vld [tilespmem:s30+$0x300]  }
0x152: {  	v1 =	vmul.f32 $1.442695020e+00, v1;
	v0 =	vadd.f32 v3, v0;
	_ =	sdelay $0x1  }
0x153: {  	(erf) = vpow2.f32 v1;
	v3 =	vperm.xlane v0, v34  }
0x154: {  	v61 =	vpop (erf)  }
0x155: {  	s2 =	sshll.u32 s24, $0x7;
	s12 =	sadd.s32 s20, s28;
	v0 =	vadd.f32 v3, v0;
	v1 =	vmul.f32 v2, v61  }
0x156: {  	s1 =	sand.u32 $0x3FFFFE80, s2;
	s2 =	sshll.u32 s12, $0x7  }
0x157: {  	s2 =	sand.u32 $0x3FFFFF80, s2;
	v0 =	vmul.f32 $8.838834610e-02, v0;
	[tilespmem:s1+$0x7B00] =	vst v1  }
0x158: {  	v1 =	vld [tilespmem:s2+$0x300]  }
0x159: {  	v0 =	vmul.f32 $1.442695020e+00, v0;
	_ =	sdelay $0x1  }
0x15a: {  	(erf) = vpow2.f32 v0  }
0x15b: {  	v62 =	vpop (erf)  }
0x15c: {  	s24 =	sshll.u32 s28, $0x7;
	s28 =	sadd.s32 s20, s4;
	v0 =	vmul.f32 v1, v62  }
0x15d: {  	s24 =	sand.u32 $0x3FFFFF00, s24;
	s28 =	sshll.u32 s28, $0x7  }
0x15e: {  	s28 =	sand.u32 $0x3FFFFF80, s28;
	[tilespmem:s24+$0x7B00] =	vst v0  }
0x15f: {  	v0 =	vld [tilespmem:s28+$0x300];
	_ =	sdelay $0x3  }
0x160: {  	v63 =	vpop (erf)  }
0x161: {  	s4 =	sshll.u32 s4, $0x7;
	v0 =	vmul.f32 v0, v63  }
0x162: {  	s4 =	sand.u32 $0x3FFFFF80, s4  }
0x163: {  	[tilespmem:s4+$0x7B00] =	vst v0  }
0x164: {  	v0 =	vld [tilespmem:s29+$0x310];
	_ =	sdelay $0x4  }
0x165: {  	v0 =	vmul.f32 v0, v13;
	_ =	sdelay $0x1  }
0x166: {  	[tilespmem:s11+$0x7B10] =	vst v0  }
0x167: {  	v0 =	vld [tilespmem:s13+$0x310];
	_ =	sdelay $0x4  }
0x168: {  	v0 =	vmul.f32 v0, v39;
	_ =	sdelay $0x1  }
0x169: {  	[tilespmem:s26+$0x7B10] =	vst v0  }
0x16a: {  	v0 =	vld [tilespmem:s9+$0x310];
	_ =	sdelay $0x4  }
0x16b: {  	v0 =	vmul.f32 v0, v55;
	_ =	sdelay $0x1  }
0x16c: {  	[tilespmem:s25+$0x7B10] =	vst v0  }
0x16d: {  	v0 =	vld [tilespmem:s3+$0x310];
	_ =	sdelay $0x4  }
0x16e: {  	v0 =	vmul.f32 v0, v59;
	_ =	sdelay $0x1  }
0x16f: {  	[tilespmem:s23+$0x7B10] =	vst v0  }
0x170: {  	v0 =	vld [tilespmem:s15+$0x310];
	_ =	sdelay $0x4  }
0x171: {  	v0 =	vmul.f32 v0, v60;
	_ =	sdelay $0x1  }
0x172: {  	[tilespmem:s22+$0x7B10] =	vst v0  }
0x173: {  	v0 =	vld [tilespmem:s30+$0x310];
	_ =	sdelay $0x4  }
0x174: {  	v0 =	vmul.f32 v0, v61;
	_ =	sdelay $0x1  }
0x175: {  	[tilespmem:s1+$0x7B10] =	vst v0  }
0x176: {  	v0 =	vld [tilespmem:s2+$0x310];
	_ =	sdelay $0x4  }
0x177: {  	v0 =	vmul.f32 v0, v62;
	_ =	sdelay $0x1  }
0x178: {  	[tilespmem:s24+$0x7B10] =	vst v0  }
0x179: {  	v0 =	vld [tilespmem:s28+$0x310];
	_ =	sdelay $0x4  }
0x17a: {  	v0 =	vmul.f32 v0, v63;
	_ =	sdelay $0x1  }
0x17b: {  	[tilespmem:s4+$0x7B10] =	vst v0  }
0x17c: {  	v0 =	vld [tilespmem:s29+$0x320];
	_ =	sdelay $0x4  }
0x17d: {  	v0 =	vmul.f32 v0, v13;
	_ =	sdelay $0x1  }
0x17e: {  	[tilespmem:s11+$0x7B20] =	vst v0  }
0x17f: {  	v0 =	vld [tilespmem:s13+$0x320];
	_ =	sdelay $0x4  }
0x180: {  	v0 =	vmul.f32 v0, v39;
	_ =	sdelay $0x1  }
0x181: {  	[tilespmem:s26+$0x7B20] =	vst v0  }
0x182: {  	v0 =	vld [tilespmem:s9+$0x320];
	_ =	sdelay $0x4  }
0x183: {  	v0 =	vmul.f32 v0, v55;
	_ =	sdelay $0x1  }
0x184: {  	[tilespmem:s25+$0x7B20] =	vst v0  }
0x185: {  	v0 =	vld [tilespmem:s3+$0x320];
	_ =	sdelay $0x4  }
0x186: {  	v0 =	vmul.f32 v0, v59;
	_ =	sdelay $0x1  }
0x187: {  	[tilespmem:s23+$0x7B20] =	vst v0  }
0x188: {  	v0 =	vld [tilespmem:s15+$0x320];
	_ =	sdelay $0x4  }
0x189: {  	v0 =	vmul.f32 v0, v60;
	_ =	sdelay $0x1  }
0x18a: {  	[tilespmem:s22+$0x7B20] =	vst v0  }
0x18b: {  	v0 =	vld [tilespmem:s30+$0x320];
	_ =	sdelay $0x4  }
0x18c: {  	v0 =	vmul.f32 v0, v61;
	_ =	sdelay $0x1  }
0x18d: {  	[tilespmem:s1+$0x7B20] =	vst v0  }
0x18e: {  	v0 =	vld [tilespmem:s2+$0x320];
	_ =	sdelay $0x4  }
0x18f: {  	v0 =	vmul.f32 v0, v62;
	_ =	sdelay $0x1  }
0x190: {  	[tilespmem:s24+$0x7B20] =	vst v0  }
0x191: {  	v0 =	vld [tilespmem:s28+$0x320];
	_ =	sdelay $0x4  }
0x192: {  	v0 =	vmul.f32 v0, v63;
	_ =	sdelay $0x1  }
0x193: {  	[tilespmem:s4+$0x7B20] =	vst v0  }
0x194: {  	v0 =	vld [tilespmem:s29+$0x330];
	_ =	sdelay $0x4  }
0x195: {  	v0 =	vmul.f32 v0, v13;
	_ =	sdelay $0x1  }
0x196: {  	[tilespmem:s11+$0x7B30] =	vst v0  }
0x197: {  	v0 =	vld [tilespmem:s13+$0x330];
	_ =	sdelay $0x4  }
0x198: {  	v0 =	vmul.f32 v0, v39;
	_ =	sdelay $0x1  }
0x199: {  	[tilespmem:s26+$0x7B30] =	vst v0  }
0x19a: {  	v0 =	vld [tilespmem:s9+$0x330];
	_ =	sdelay $0x4  }
0x19b: {  	v0 =	vmul.f32 v0, v55;
	_ =	sdelay $0x1  }
0x19c: {  	[tilespmem:s25+$0x7B30] =	vst v0  }
0x19d: {  	v0 =	vld [tilespmem:s3+$0x330];
	_ =	sdelay $0x4  }
0x19e: {  	v0 =	vmul.f32 v0, v59;
	_ =	sdelay $0x1  }
0x19f: {  	[tilespmem:s23+$0x7B30] =	vst v0  }
0x1a0: {  	v0 =	vld [tilespmem:s15+$0x330];
	_ =	sdelay $0x4  }
0x1a1: {  	v0 =	vmul.f32 v0, v60;
	_ =	sdelay $0x1  }
0x1a2: {  	[tilespmem:s22+$0x7B30] =	vst v0  }
0x1a3: {  	v0 =	vld [tilespmem:s30+$0x330];
	_ =	sdelay $0x4  }
0x1a4: {  	v0 =	vmul.f32 v0, v61;
	_ =	sdelay $0x1  }
0x1a5: {  	[tilespmem:s1+$0x7B30] =	vst v0  }
0x1a6: {  	v0 =	vld [tilespmem:s2+$0x330];
	_ =	sdelay $0x4  }
0x1a7: {  	v0 =	vmul.f32 v0, v62;
	_ =	sdelay $0x1  }
0x1a8: {  	[tilespmem:s24+$0x7B30] =	vst v0  }
0x1a9: {  	v0 =	vld [tilespmem:s28+$0x330];
	_ =	sdelay $0x4  }
0x1aa: {  	v0 =	vmul.f32 v0, v63;
	_ =	sdelay $0x1  }
0x1ab: {  	[tilespmem:s4+$0x7B30] =	vst v0  }
0x1ac: {  	v0 =	vld [tilespmem:s29+$0x340];
	_ =	sdelay $0x4  }
0x1ad: {  	v0 =	vmul.f32 v0, v13;
	_ =	sdelay $0x1  }
0x1ae: {  	[tilespmem:s11+$0x7B40] =	vst v0  }
0x1af: {  	v0 =	vld [tilespmem:s13+$0x340];
	_ =	sdelay $0x4  }
0x1b0: {  	v0 =	vmul.f32 v0, v39;
	_ =	sdelay $0x1  }
0x1b1: {  	[tilespmem:s26+$0x7B40] =	vst v0  }
0x1b2: {  	v0 =	vld [tilespmem:s9+$0x340];
	_ =	sdelay $0x4  }
0x1b3: {  	v0 =	vmul.f32 v0, v55;
	_ =	sdelay $0x1  }
0x1b4: {  	[tilespmem:s25+$0x7B40] =	vst v0  }
0x1b5: {  	v0 =	vld [tilespmem:s3+$0x340];
	_ =	sdelay $0x4  }
0x1b6: {  	v0 =	vmul.f32 v0, v59;
	_ =	sdelay $0x1  }
0x1b7: {  	[tilespmem:s23+$0x7B40] =	vst v0  }
0x1b8: {  	v0 =	vld [tilespmem:s15+$0x340];
	_ =	sdelay $0x4  }
0x1b9: {  	v0 =	vmul.f32 v0, v60;
	_ =	sdelay $0x1  }
0x1ba: {  	[tilespmem:s22+$0x7B40] =	vst v0  }
0x1bb: {  	v0 =	vld [tilespmem:s30+$0x340];
	_ =	sdelay $0x4  }
0x1bc: {  	v0 =	vmul.f32 v0, v61;
	_ =	sdelay $0x1  }
0x1bd: {  	[tilespmem:s1+$0x7B40] =	vst v0  }
0x1be: {  	v0 =	vld [tilespmem:s2+$0x340];
	_ =	sdelay $0x4  }
0x1bf: {  	v0 =	vmul.f32 v0, v62;
	_ =	sdelay $0x1  }
0x1c0: {  	[tilespmem:s24+$0x7B40] =	vst v0  }
0x1c1: {  	v0 =	vld [tilespmem:s28+$0x340];
	_ =	sdelay $0x4  }
0x1c2: {  	v0 =	vmul.f32 v0, v63;
	_ =	sdelay $0x1  }
0x1c3: {  	[tilespmem:s4+$0x7B40] =	vst v0  }
0x1c4: {  	v0 =	vld [tilespmem:s29+$0x350];
	_ =	sdelay $0x4  }
0x1c5: {  	v0 =	vmul.f32 v0, v13;
	_ =	sdelay $0x1  }
0x1c6: {  	[tilespmem:s11+$0x7B50] =	vst v0  }
0x1c7: {  	v0 =	vld [tilespmem:s13+$0x350];
	_ =	sdelay $0x4  }
0x1c8: {  	v0 =	vmul.f32 v0, v39;
	_ =	sdelay $0x1  }
0x1c9: {  	[tilespmem:s26+$0x7B50] =	vst v0  }
0x1ca: {  	v0 =	vld [tilespmem:s9+$0x350];
	_ =	sdelay $0x4  }
0x1cb: {  	v0 =	vmul.f32 v0, v55;
	_ =	sdelay $0x1  }
0x1cc: {  	[tilespmem:s25+$0x7B50] =	vst v0  }
0x1cd: {  	v0 =	vld [tilespmem:s3+$0x350];
	_ =	sdelay $0x4  }
0x1ce: {  	v0 =	vmul.f32 v0, v59;
	_ =	sdelay $0x1  }
0x1cf: {  	[tilespmem:s23+$0x7B50] =	vst v0  }
0x1d0: {  	v0 =	vld [tilespmem:s15+$0x350];
	_ =	sdelay $0x4  }
0x1d1: {  	v0 =	vmul.f32 v0, v60;
	_ =	sdelay $0x1  }
0x1d2: {  	[tilespmem:s22+$0x7B50] =	vst v0  }
0x1d3: {  	v0 =	vld [tilespmem:s30+$0x350];
	_ =	sdelay $0x4  }
0x1d4: {  	v0 =	vmul.f32 v0, v61;
	_ =	sdelay $0x1  }
0x1d5: {  	[tilespmem:s1+$0x7B50] =	vst v0  }
0x1d6: {  	v0 =	vld [tilespmem:s2+$0x350];
	_ =	sdelay $0x4  }
0x1d7: {  	v0 =	vmul.f32 v0, v62;
	_ =	sdelay $0x1  }
0x1d8: {  	[tilespmem:s24+$0x7B50] =	vst v0  }
0x1d9: {  	v0 =	vld [tilespmem:s28+$0x350];
	_ =	sdelay $0x4  }
0x1da: {  	v0 =	vmul.f32 v0, v63;
	_ =	sdelay $0x1  }
0x1db: {  	[tilespmem:s4+$0x7B50] =	vst v0  }
0x1dc: {  	v0 =	vld [tilespmem:s29+$0x360];
	_ =	sdelay $0x4  }
0x1dd: {  	v0 =	vmul.f32 v0, v13;
	_ =	sdelay $0x1  }
0x1de: {  	[tilespmem:s11+$0x7B60] =	vst v0  }
0x1df: {  	v0 =	vld [tilespmem:s13+$0x360];
	_ =	sdelay $0x4  }
0x1e0: {  	v0 =	vmul.f32 v0, v39;
	_ =	sdelay $0x1  }
0x1e1: {  	[tilespmem:s26+$0x7B60] =	vst v0  }
0x1e2: {  	v0 =	vld [tilespmem:s9+$0x360];
	_ =	sdelay $0x4  }
0x1e3: {  	v0 =	vmul.f32 v0, v55;
	_ =	sdelay $0x1  }
0x1e4: {  	[tilespmem:s25+$0x7B60] =	vst v0  }
0x1e5: {  	v0 =	vld [tilespmem:s3+$0x360];
	_ =	sdelay $0x4  }
0x1e6: {  	v0 =	vmul.f32 v0, v59;
	_ =	sdelay $0x1  }
0x1e7: {  	[tilespmem:s23+$0x7B60] =	vst v0  }
0x1e8: {  	v0 =	vld [tilespmem:s15+$0x360];
	_ =	sdelay $0x4  }
0x1e9: {  	v0 =	vmul.f32 v0, v60;
	_ =	sdelay $0x1  }
0x1ea: {  	[tilespmem:s22+$0x7B60] =	vst v0  }
0x1eb: {  	v0 =	vld [tilespmem:s30+$0x360];
	_ =	sdelay $0x4  }
0x1ec: {  	v0 =	vmul.f32 v0, v61;
	_ =	sdelay $0x1  }
0x1ed: {  	[tilespmem:s1+$0x7B60] =	vst v0  }
0x1ee: {  	v0 =	vld [tilespmem:s2+$0x360];
	_ =	sdelay $0x4  }
0x1ef: {  	v0 =	vmul.f32 v0, v62;
	_ =	sdelay $0x1  }
0x1f0: {  	[tilespmem:s24+$0x7B60] =	vst v0  }
0x1f1: {  	v0 =	vld [tilespmem:s28+$0x360];
	_ =	sdelay $0x4  }
0x1f2: {  	v0 =	vmul.f32 v0, v63;
	_ =	sdelay $0x1  }
0x1f3: {  	[tilespmem:s4+$0x7B60] =	vst v0  }
0x1f4: {  	v0 =	vld [tilespmem:s29+$0x370];
	_ =	sdelay $0x4  }
0x1f5: {  	v0 =	vmul.f32 v0, v13;
	_ =	sdelay $0x1  }
0x1f6: {  	[tilespmem:s11+$0x7B70] =	vst v0  }
0x1f7: {  	v0 =	vld [tilespmem:s13+$0x370];
	_ =	sdelay $0x4  }
0x1f8: {  	v0 =	vmul.f32 v0, v39;
	_ =	sdelay $0x1  }
0x1f9: {  	[tilespmem:s26+$0x7B70] =	vst v0  }
0x1fa: {  	v0 =	vld [tilespmem:s9+$0x370];
	_ =	sdelay $0x4  }
0x1fb: {  	v0 =	vmul.f32 v0, v55;
	_ =	sdelay $0x1  }
0x1fc: {  	[tilespmem:s25+$0x7B70] =	vst v0  }
0x1fd: {  	v0 =	vld [tilespmem:s3+$0x370];
	_ =	sdelay $0x4  }
0x1fe: {  	v0 =	vmul.f32 v0, v59;
	_ =	sdelay $0x1  }
0x1ff: {  	[tilespmem:s23+$0x7B70] =	vst v0  }
0x200: {  	v0 =	vld [tilespmem:s15+$0x370];
	_ =	sdelay $0x4  }
0x201: {  	v0 =	vmul.f32 v0, v60;
	_ =	sdelay $0x1  }
0x202: {  	[tilespmem:s22+$0x7B70] =	vst v0  }
0x203: {  	v0 =	vld [tilespmem:s30+$0x370];
	_ =	sdelay $0x1  }
0x204: {  	v4 =	vld [tilespmem:$0x1FF90];
	_ =	sdelay $0x2  }
0x205: {  	v0 =	vmul.f32 v0, v61;
	_ =	sdelay $0x1  }
0x206: {  	(v2sf) =	vpush v4, $0x0;
	[tilespmem:s1+$0x7B70] =	vst v0  }
0x207: {  	v0 =	vld [tilespmem:s2+$0x370];
	_ =	sdelay $0x4  }
0x208: {  	v0 =	vmul.f32 v0, v62;
	_ =	sdelay $0x1  }
0x209: {  	(v2sf) =	vpush v4, $0x1;
	[tilespmem:s24+$0x7B70] =	vst v0  }
0x20a: {  	v0 =	vld [tilespmem:s28+$0x370];
	_ =	sdelay $0x4  }
0x20b: {  	v0 =	vmul.f32 v0, v63  }
0x20c: {  	s2 =	spop (v2sf)  }
0x20d: {  	(v2sf) =	vpush v4, $0x2;
	s3 =	sand.u32 $0xF, s2;
	s1 =	sand.u32 $0xFFFFFFF0, s2;
	[tilespmem:s4+$0x7B70] =	vst v0  }
0x20e: {  	v2 =	vlaneseq.u32;
	v0 =	vmov s3;
	v1 =	vld [tilespmem:s1+$0x8F00]  }
0x20f: {  	v3 =	vimm.f32 $0.0e+00;
	vm0 =	veq.s32 v0, v2  }
0x210: {  	v0 =	vsel vm0, $0x3F800000, v3  }
0x211: {  	v0 =	vmul.f32 v13, v0;
	_ =	sdelay $0x1  }
0x212: {  	v0 =	vadd.f32 v1, v0  }
0x213: {  	s4 =	spop (v2sf)  }
0x214: {  	(v2sf) =	vpush v4, $0x3;
	s9 =	sand.u32 $0xF, s4;
	s2 =	sand.u32 $0xFFFFFFF0, s4;
	[tilespmem:s1+$0x8F00] =	vst v0  }
0x215: {  	v0 =	vmov s9;
	v1 =	vld [tilespmem:s2+$0x8F00]  }
0x216: {  	vm9 =	veq.s32 v0, v2  }
0x217: {  	v0 =	vsel vm9, $0x3F800000, v3  }
0x218: {  	v0 =	vmul.f32 v39, v0;
	_ =	sdelay $0x1  }
0x219: {  	v0 =	vadd.f32 v1, v0  }
0x21a: {  	s11 =	spop (v2sf)  }
0x21b: {  	(v2sf) =	vpush v4, $0x4;
	s12 =	sand.u32 $0xF, s11;
	s1 =	sand.u32 $0xFFFFFFF0, s11;
	[tilespmem:s2+$0x8F00] =	vst v0  }
0x21c: {  	v0 =	vmov s12;
	v1 =	vld [tilespmem:s1+$0x8F00]  }
0x21d: {  	vm10 =	veq.s32 v0, v2  }
0x21e: {  	v0 =	vsel vm10, $0x3F800000, v3  }
0x21f: {  	v0 =	vmul.f32 v55, v0;
	_ =	sdelay $0x1  }
0x220: {  	v0 =	vadd.f32 v1, v0  }
0x221: {  	s13 =	spop (v2sf)  }
0x222: {  	(v2sf) =	vpush v4, $0x5;
	s15 =	sand.u32 $0xF, s13;
	s2 =	sand.u32 $0xFFFFFFF0, s13;
	[tilespmem:s1+$0x8F00] =	vst v0  }
0x223: {  	v0 =	vmov s15;
	v1 =	vld [tilespmem:s2+$0x8F00]  }
0x224: {  	vm11 =	veq.s32 v0, v2  }
0x225: {  	v0 =	vsel vm11, $0x3F800000, v3  }
0x226: {  	v0 =	vmul.f32 v59, v0;
	_ =	sdelay $0x1  }
0x227: {  	v0 =	vadd.f32 v1, v0  }
0x228: {  	s22 =	spop (v2sf)  }
0x229: {  	(v2sf) =	vpush v4, $0x6;
	s23 =	sand.u32 $0xF, s22;
	s1 =	sand.u32 $0xFFFFFFF0, s22;
	[tilespmem:s2+$0x8F00] =	vst v0  }
0x22a: {  	v0 =	vmov s23;
	v1 =	vld [tilespmem:s1+$0x8F00]  }
0x22b: {  	vm12 =	veq.s32 v0, v2  }
0x22c: {  	v0 =	vsel vm12, $0x3F800000, v3  }
0x22d: {  	v0 =	vmul.f32 v60, v0;
	_ =	sdelay $0x1  }
0x22e: {  	v0 =	vadd.f32 v1, v0  }
0x22f: {  	s24 =	spop (v2sf)  }
0x230: {  	(v2sf) =	vpush v4, $0x7;
	s25 =	sand.u32 $0xF, s24;
	s2 =	sand.u32 $0xFFFFFFF0, s24;
	[tilespmem:s1+$0x8F00] =	vst v0  }
0x231: {  	v0 =	vmov s25;
	v1 =	vld [tilespmem:s2+$0x8F00]  }
0x232: {  	vm13 =	veq.s32 v0, v2  }
0x233: {  	v0 =	vsel vm13, $0x3F800000, v3  }
0x234: {  	v0 =	vmul.f32 v61, v0;
	_ =	sdelay $0x1  }
0x235: {  	v0 =	vadd.f32 v1, v0  }
0x236: {  	s26 =	spop (v2sf)  }
0x237: {  	s28 =	sand.u32 $0xF, s26;
	s1 =	sand.u32 $0xFFFFFFF0, s26;
	[tilespmem:s2+$0x8F00] =	vst v0  }
0x238: {  	v0 =	vmov s28;
	v1 =	vld [tilespmem:s1+$0x8F00]  }
0x239: {  	vm14 =	veq.s32 v0, v2  }
0x23a: {  	v0 =	vsel vm14, $0x3F800000, v3  }
0x23b: {  	v0 =	vmul.f32 v62, v0;
	_ =	sdelay $0x1  }
0x23c: {  	v0 =	vadd.f32 v1, v0  }
0x23d: {  	s29 =	spop (v2sf)  }
0x23e: {  	s30 =	sand.u32 $0xF, s29;
	s2 =	sand.u32 $0xFFFFFFF0, s29;
	[tilespmem:s1+$0x8F00] =	vst v0  }
0x23f: {  	v0 =	vmov s30;
	v1 =	vld [tilespmem:s2+$0x8F00]  }
0x240: {  	vm15 =	veq.s32 v0, v2  }
0x241: {  	p0 =	sne.s32 s21, $0x4;
	v0 =	vsel vm15, $0x3F800000, v3  }
.Ltmp2:
0x242: {  	v0 =	vmul.f32 v63, v0;
	(pc) =	sbr.rel @p0 .LBB2_7-.Ltmp2, $3  }
0x243: {  	_ = 	snop  }
0x244: {  	v0 =	vadd.f32 v1, v0;
	_ =	sdelay $0x1  }
0x245: {  	s21 =	sadd.s32 $0x1, s21;
	[tilespmem:s2+$0x8F00] =	vst v0  }
0x246: {  	s1 =	sor.u32 $0x200, s18  }
0x247: {  	s2 =	rddreg [dreg:$0x2];
	s3 =	simm.s32 $0x7B00;
	p0 =	sgt.u32 s16, $0xF7  }
0x248: {  	[spmem:s2] =	stream.indirect.scatter.add.f32 [tilespmem:s3], [sflag:$0x3], $0x80, s1, s0, $0xb8;
	[tilespmem:$0x1F780] =	vst v63  }
0x249: {  	s1 =	smul.u32 @!p0 $0x28, s16;
	_ =	sdelay $0x1  }
0x24a: {  	s2 =	sshll.u32 @!p0 s16, $0x7;
	_ =	swait.ge [sflag:s31], $0x1400;
	s1 =	sadd.s32 @!p0 s1, s14  }
0x24b: {  	s4 =	simm.s32 @!p0 $0x0;
	[sflag:s31] =	ssyncset.done $0x0;
	s1 =	sshrl.u32 @!p0 s1, $0x3  }
0x24c: {  	s2 =	sand.u32 @!p0 $0x80, s2;
	[sflag:s31] =	ssyncadd.s32 $0xFFFFEC00;
	s3 =	sadd.s32 @!p0 s7, s1  }
0x24d: {  	[tilespmem:s2], [sflag:$0x2] =	stream.linear.gather @!p0 [hbm4b:s3+s4], $0x28, $0x38;
	[tilespmem:$0x1F780] =	vst v63  }
0x24e: {  	s1 =	sadd.s32 @!p0 s8, s1;
	s3 =	sor.u32 @!p0 $0x100, s2  }
0x24f: {  	[tilespmem:s3], [sflag:$0x2] =	stream.linear.gather @!p0 [hbm4b:s1+s4], $0x28, $0x38;
	[tilespmem:$0x1F780] =	vst v63  }
0x250: {  	s16 =	sadd.s32 $0x1, s16;
	s2 =	sor.u32 @!p0 $0x200, s2  }
0x251: {  	[tilespmem:s2], [sflag:$0x2] =	stream.linear.gather @!p0 [hbm4b:s1+s4], $0x28, $0x38;
	[tilespmem:$0x1F780] =	vst v63  }
0x252: {  	p0 =	sne.s32 s16, $0xFA  }
.Ltmp3:
0x253: {  	_ = 	snop;
	(pc) =	sbr.rel @p0 .LBB2_6-.Ltmp3, $1  }
0x254: {  	_ =	sdelay $0x3  }
0x255: {  	s1 =	rddreg [dreg:$0x2]  }
0x256: {  	s2 =	simm.s32 $0x50;
	s3 =	simm.s32 $0xB700;
	s4 =	simm.s32 $0x8F00  }
0x257: {  	[spmem:s1] =	stream.indirect.scatter.add.f32 [tilespmem:s4], [sflag:$0x3], $0x80, s3, s2, $0xb8;
	[tilespmem:$0x1F780] =	vst v63  }
0x258: {  	_ =	swait.ge [sflag:s31], $0x2800  }
0x259: {  	[sflag:s31] =	ssyncset.done $0x0  }
0x25a: {  	[sflag:s31] =	ssyncadd.s32 $0xFFFFD800  }
0x25b: {  	[bflag:$0x0] =	sbarrier.arrive $0xFFFF  }
0x25c: {  	s3 =	simm.s32 $0x300;
	s15 =	rddreg [dreg:$0x4]  }
0x25d: {  	[tilespmem:s3], [sflag:$0x3] =	stream.linear.gather [spmem:s15], $0x4000, $0x38;
	[tilespmem:$0x1F780] =	vst v63  }
0x25e: {  	_ =	swait.ge [sflag:s31], $0x4000  }
0x25f: {  	[sflag:s31] =	ssyncset.done $0x0  }
0x260: {  	s18 =	simm.s32 $0x0;
	s19 =	rddreg [dreg:$0x9];
	[sflag:s31] =	ssyncadd.s32 $0xFFFFC000  }
0x261: {  	[hbm4b:s19+s18] =	stream.linear.scatter [tilespmem:s3], [sflag:$0x3], $0x4000, $0x38;
	[tilespmem:$0x1F780] =	vst v63  }
0x262: {  	_ =	swait.ge [sflag:s31], $0x4000  }
0x263: {  	[sflag:s31] =	ssyncset.done $0x0  }
0x264: {  	s20 =	rddreg [dreg:$0x10];
	[sflag:s31] =	ssyncadd.s32 $0xFFFFC000  }
0x265: {  	[tilespmem:s3], [sflag:$0x3] =	stream.linear.gather [spmem:s20], $0x4000, $0x38;
	[tilespmem:$0x1F780] =	vst v63  }
0x266: {  	_ =	swait.ge [sflag:s31], $0x4000  }
0x267: {  	[sflag:s31] =	ssyncset.done $0x0  }
0x268: {  	s21 =	rddreg [dreg:$0xa];
	[sflag:s31] =	ssyncadd.s32 $0xFFFFC000  }
0x269: {  	[hbm4b:s21+s18] =	stream.linear.scatter [tilespmem:s3], [sflag:$0x3], $0x4000, $0x38;
	[tilespmem:$0x1F780] =	vst v63  }
0x26a: {  	_ =	swait.ge [sflag:s31], $0x4000  }
0x26b: {  	[sflag:s31] =	ssyncset.done $0x0  }
0x26c: {  	s22 =	rddreg [dreg:$0x11];
	[sflag:s31] =	ssyncadd.s32 $0xFFFFC000  }
0x26d: {  	[tilespmem:s3], [sflag:$0x3] =	stream.linear.gather [spmem:s22], $0x4000, $0x38;
	[tilespmem:$0x1F780] =	vst v63  }
0x26e: {  	_ =	swait.ge [sflag:s31], $0x4000  }
0x26f: {  	[sflag:s31] =	ssyncset.done $0x0  }
0x270: {  	s23 =	rddreg [dreg:$0xb];
	[sflag:s31] =	ssyncadd.s32 $0xFFFFC000  }
0x271: {  	[hbm4b:s23+s18] =	stream.linear.scatter [tilespmem:s3], [sflag:$0x3], $0x4000, $0x38;
	[tilespmem:$0x1F780] =	vst v63  }
0x272: {  	_ =	swait.ge [sflag:s31], $0x4000  }
0x273: {  	[sflag:s31] =	ssyncset.done $0x0  }
0x274: {  	s24 =	rddreg [dreg:$0x12];
	[sflag:s31] =	ssyncadd.s32 $0xFFFFC000  }
0x275: {  	[tilespmem:s3], [sflag:$0x3] =	stream.linear.gather [spmem:s24], $0x4000, $0x38;
	[tilespmem:$0x1F780] =	vst v63  }
0x276: {  	_ =	swait.ge [sflag:s31], $0x4000  }
0x277: {  	[sflag:s31] =	ssyncset.done $0x0  }
0x278: {  	s25 =	rddreg [dreg:$0xc];
	[sflag:s31] =	ssyncadd.s32 $0xFFFFC000  }
0x279: {  	[hbm4b:s25+s18] =	stream.linear.scatter [tilespmem:s3], [sflag:$0x3], $0x4000, $0x38;
	[tilespmem:$0x1F780] =	vst v63  }
0x27a: {  	_ =	swait.ge [sflag:s31], $0x4000  }
0x27b: {  	[sflag:s31] =	ssyncset.done $0x0  }
0x27c: {  	s26 =	rddreg [dreg:$0x13];
	[sflag:s31] =	ssyncadd.s32 $0xFFFFC000  }
0x27d: {  	[tilespmem:s3], [sflag:$0x3] =	stream.linear.gather [spmem:s26], $0x4000, $0x38;
	[tilespmem:$0x1F780] =	vst v63  }
0x27e: {  	_ =	swait.ge [sflag:s31], $0x4000  }
0x27f: {  	[sflag:s31] =	ssyncset.done $0x0  }
0x280: {  	s28 =	rddreg [dreg:$0xd];
	[sflag:s31] =	ssyncadd.s32 $0xFFFFC000  }
0x281: {  	[hbm4b:s28+s18] =	stream.linear.scatter [tilespmem:s3], [sflag:$0x3], $0x4000, $0x38;
	[tilespmem:$0x1F780] =	vst v63  }
0x282: {  	_ =	swait.ge [sflag:s31], $0x4000  }
0x283: {  	s29 =	rddreg [dreg:$0x17]  }
0x284: {  	s30 =	rddreg [dreg:$0xf];
	s2 =	sadd.s32 $0x1, s29  }
0x285: {  	p0 =	sne.s32 s2, s30  }
.Ltmp4:
0x286: {  	_ = 	snop;
	(pc) =	sbr.rel @p0 .LBB2_1-.Ltmp4, $3  }
0x287: {  	_ =	sdelay $0x1  }
0x288: {  	[sflag:s31] =	ssyncset.done $0x0  }
0x289: {  	[sflag:s31] =	ssyncadd.s32 $0xFFFFC000  }
0x28a: {  	_ =	sfence.sel $0x180000  }
0x28b: {  	[bflag:$0x0] =	sbarrier.arrive $0xFFFF  }
0x28c: {  	_ =	strace $0x90000047  }
0x28d: {  	s0 =	stileid.u32;
	[bflag:$0x2] =	sbarrier.arrive $0xFFFF  }
0x28e: {  	p0 =	sne.s32 s0, $0x0;
	s0 =	rddreg [dreg:$0x3]  }
0x28f: {  	s0 =	sadd.s32 @!p0 $0x100000, s0  }
0x290: {  	[sflag:s0] =	ssyncadd.tile.s32 @!p0 $0x1;
	_ =	shalt  }
.Lfunc_end2:
_tile_overlayer_lowered:
.L_overlay_start_2:
0x291: {  	(tag) =	ssettag $0x2  }
0x292: {  	s0 =	rddreg [dreg:$0x0];
	s2 =	stileid.u32  }
0x293: {  	s1 =	rddreg [dreg:$0x1];
	p0 =	sne.s32 s2, $0x0  }
0x294: {  	s3 =	rddreg [dreg:$0x2];
	[bflag:$0x3] =	sbarrier.arrive $0xFFFF;
	s2 =	simm.s32 @!p0 $0x1C03  }
0x295: {  	[timem:s3], [sflag:s2] =	dma.local @!p0 [hbm:s0], s1  }
0x296: {  	s0 =	simm.s32 @!p0 $0x3  }
0x297: {  	_ =	swait.ge @!p0 [sflag:s0], s1  }
0x298: {  	s1 =	ssub.s32 @!p0 $0x0, s1;
	[sflag:s0] =	ssyncset.done @!p0 $0x0  }
0x299: {  	[sflag:s0] =	ssyncadd.s32 @!p0 s1  }
0x29a: {  	[bflag:$0x3] =	sbarrier.arrive $0xFFFF  }
0x29b: {  	_ =	shalt  }

</sc_bundles>
